<compile_context>
chip_gen: v7x
topology: tpu7x:2x2x1
jax: 0.10.2.dev20260603
libtpu: 0.0.44.dev20260713+nightly
codegen_flags: <defaults>
</compile_context>

<pallas_src>
import jax
import jax.numpy as jnp
from jax import lax
from jax.experimental import pallas as pl
from jax.experimental.pallas import tpu as pltpu
from jax.experimental.pallas import tpu_sc as plsc

N_CHANNELS = 4096
N_BINS = 8192
LANES = 16
N_WORKERS = 32
SC_ROWS = 1024
TC_ROWS = N_CHANNELS - SC_ROWS
ROWS_PER_WORKER = SC_ROWS // N_WORKERS
RB = 4
N_BLOCKS = ROWS_PER_WORKER // RB
UNROLL = 8
N_CHUNKS = N_BINS // LANES
BLOCK_R = 256


def _flux_body(params_ref, elow_ref, ehigh_ref):
    norm = params_ref[0]
    alpha = params_ref[1]
    e_low = elow_ref[...]
    e_high = ehigh_ref[...]
    e_mid = 0.5 * (e_low + e_high)
    de = e_high - e_low
    return norm * jnp.exp(-alpha * jnp.log(e_mid)) * de


def _flux_kernel(params_ref, elow_ref, ehigh_ref, flux_ref):
    flux_ref[...] = _flux_body(params_ref, elow_ref, ehigh_ref)


def _compute_flux(parameters, e_low, e_high):
    out = pl.pallas_call(
        _flux_kernel,
        in_specs=[
            pl.BlockSpec(memory_space=pltpu.SMEM),
            pl.BlockSpec((1, N_BINS), lambda: (0, 0)),
            pl.BlockSpec((1, N_BINS), lambda: (0, 0)),
        ],
        out_specs=pl.BlockSpec((1, N_BINS), lambda: (0, 0)),
        out_shape=jax.ShapeDtypeStruct((1, N_BINS), jnp.float32),
    )(parameters, e_low.reshape(1, N_BINS), e_high.reshape(1, N_BINS))
    return out.reshape(N_BINS)


def _tc_mv_kernel(params_ref, elow_ref, ehigh_ref, tm_ref, out_ref):
    flux = _flux_body(params_ref, elow_ref, ehigh_ref)
    acc = jax.lax.dot_general(
        tm_ref[...], flux,
        dimension_numbers=(((1,), (1,)), ((), ())),
        preferred_element_type=jnp.float32,
    )
    out_ref[...] = jnp.maximum(acc, 1e-6)


def _tc_matvec(parameters, transfer_matrix, e_low, e_high):
    out = pl.pallas_call(
        _tc_mv_kernel,
        grid=(TC_ROWS // BLOCK_R,),
        in_specs=[
            pl.BlockSpec(memory_space=pltpu.SMEM),
            pl.BlockSpec((1, N_BINS), lambda i: (0, 0)),
            pl.BlockSpec((1, N_BINS), lambda i: (0, 0)),
            pl.BlockSpec((BLOCK_R, N_BINS), lambda i: (i, 0)),
        ],
        out_specs=pl.BlockSpec((BLOCK_R, 1), lambda i: (i, 0)),
        out_shape=jax.ShapeDtypeStruct((TC_ROWS, 1), jnp.float32),
    )(parameters, e_low.reshape(1, N_BINS), e_high.reshape(1, N_BINS),
      transfer_matrix)
    return out.reshape(TC_ROWS)


def _sc_matvec_body(tm_hbm, flux_hbm, out_hbm, flux_v, buf_v, out_v, sems):
    wid = lax.axis_index("s") * 2 + lax.axis_index("c")
    row0 = TC_ROWS + wid * ROWS_PER_WORKER
    pltpu.sync_copy(flux_hbm.at[:], flux_v)
    lane_iota = lax.iota(jnp.int32, LANES)
    zero_vec = lax.convert_element_type(lane_iota & 0, jnp.float32)

    def start_fetch(b, slot):
        return pltpu.async_copy(
            tm_hbm.at[pl.ds(row0 + b * RB, RB), :], buf_v.at[slot],
            sems.at[slot])

    copies = [None] * N_BLOCKS
    copies[0] = start_fetch(0, 0)
    res = zero_vec
    for b in range(N_BLOCKS):
        slot = b % 2
        if b + 1 < N_BLOCKS:
            copies[b + 1] = start_fetch(b + 1, 1 - slot)
        copies[b].wait()

        def chunk_body(i, accs, _slot=slot):
            base = i * (LANES * UNROLL)
            for u in range(UNROLL):
                off = base + u * LANES
                f = flux_v[pl.ds(off, LANES)]
                accs = tuple(
                    accs[r] + buf_v[_slot, r, pl.ds(off, LANES)] * f
                    for r in range(RB)
                )
            return accs

        zeros = tuple(zero_vec for _ in range(RB))
        accs = lax.fori_loop(0, N_CHUNKS // UNROLL, chunk_body, zeros)
        for r in range(RB):
            v = accs[r]
            for sh in (8, 4, 2, 1):
                v = v + _lane_shuffle(v, lane_iota ^ sh)
            pos = (b * RB + r) % LANES
            res = jnp.where(lane_iota == pos, v, res)
        if (b + 1) % (LANES // RB) == 0:
            vec = jnp.maximum(res, jnp.float32(1e-6))
            g = (b + 1) * RB - LANES
            out_v[pl.ds(g, LANES)] = vec
            res = zero_vec

    pltpu.sync_copy(out_v, out_hbm.at[pl.ds(wid * ROWS_PER_WORKER,
                                            ROWS_PER_WORKER)])


def _lane_shuffle(v, perm):
    return lax.gather(
        v, perm[:, None],
        dimension_numbers=lax.GatherDimensionNumbers(
            offset_dims=(), collapsed_slice_dims=(0,), start_index_map=(0,)),
        slice_sizes=(1,),
        mode=lax.GatherScatterMode.PROMISE_IN_BOUNDS,
    )


def _sc_matvec(transfer_matrix, flux):
    mesh = plsc.VectorSubcoreMesh(core_axis_name="c", subcore_axis_name="s")
    sc = pl.kernel(
        _sc_matvec_body,
        mesh=mesh,
        out_type=jax.ShapeDtypeStruct((SC_ROWS,), jnp.float32),
        scratch_types=[
            pltpu.VMEM((N_BINS,), jnp.float32),
            pltpu.VMEM((2, RB, N_BINS), jnp.float32),
            pltpu.VMEM((ROWS_PER_WORKER,), jnp.float32),
            pltpu.SemaphoreType.DMA((2,)),
        ],
    )
    return sc(transfer_matrix, flux)


def kernel(parameters, transfer_matrix, e_low, e_high):
    flux = _compute_flux(parameters, e_low, e_high)
    out_tc = _tc_matvec(parameters, transfer_matrix, e_low, e_high)
    out_sc = _sc_matvec(transfer_matrix, flux)
    return jnp.concatenate([out_tc, out_sc])

# --- scband reference (transcript-rebuilt; emitter-appended) ---
"""Pipeline reference for scband-count-forward-model-62045097558407 (READ-ONLY COPY).

The authoritative reference and input builder live on the scoring server;
editing this copy changes nothing except your own understanding.
"""

import jax, jax.numpy as jnp
import numpy as np

N_CHANNELS = 4096
N_BINS = 8192


def setup_inputs(seed: int = 0) -> dict:
    key = jax.random.key(seed)
    k1, k2 = jax.random.split(key)
    # spectral model parameters: [norm, photon_index]
    parameters = jax.random.uniform(k1, (2,), dtype=jnp.float32, minval=0.5, maxval=2.0)
    # instrument transfer matrix (RMF x ARF x exposure), nonnegative, mostly small entries
    transfer_matrix = (jax.random.uniform(k2, (N_CHANNELS, N_BINS), dtype=jnp.float32) ** 4) * 1e-1
    # input energy bin edges in keV (strictly positive, increasing)
    edges = jnp.linspace(0.1, 12.0, N_BINS + 1, dtype=jnp.float32)
    e_low = edges[:-1]
    e_high = edges[1:]
    return {"parameters": parameters, "transfer_matrix": transfer_matrix, "e_low": e_low, "e_high": e_high}


def _powerlaw_model(parameters, e_low, e_high):
    # integrated powerlaw photon flux per bin: norm * E_mid^(-alpha) * dE
    norm = parameters[0]
    alpha = parameters[1]
    e_mid = 0.5 * (e_low + e_high)
    de = e_high - e_low
    return norm * jnp.power(e_mid, -alpha) * de


def reference(parameters, transfer_matrix, e_low, e_high):
    # CountForwardModel.__call__: transfer_matrix @ model(parameters, *in_energies), clipped
    flux = _powerlaw_model(parameters, e_low, e_high)
    expected_counts = transfer_matrix @ flux
    return jnp.clip(expected_counts, 1e-06)

if __name__ == "__main__":
    import jax
    _d = setup_inputs()
    print(jax.jit(kernel)(*tuple(_d.values())))

</pallas_src>

<mosaic_0001>
#map = affine_map<(d0, d1) -> (0, 0)>
#map1 = affine_map<(d0, d1) -> (0)>
module attributes {stable_mosaic.version = 14 : i64} {
  func.func @_sc_matvec_body(%arg0: i32, %arg1: i32, %arg2: memref<4096x8192xf32, #tpu.memory_space<hbm>>, %arg3: memref<8192xf32, #tpu.memory_space<hbm>>, %arg4: memref<1024xf32, #tpu.memory_space<hbm>>, %arg5: memref<8192xf32, #tpu.memory_space<vmem>>, %arg6: memref<2x4x8192xf32, #tpu.memory_space<vmem>>, %arg7: memref<32xf32, #tpu.memory_space<vmem>>, %arg8: memref<2x!tpu.dma_semaphore, #tpu.memory_space<semaphore_mem>>) attributes {dimension_semantics = [#tpu.dimension_semantics<core_parallel>, #tpu.dimension_semantics<subcore_parallel>], iteration_bounds = array<i64: 2, 16>, scalar_prefetch = 0 : i64, scratch_operands = 4 : i64, tpu.core_type = #tpu.core_type<sc_vector_subcore>, window_params = [{transform_indices = #map}, {transform_indices = #map1}, {transform_indices = #map1}]} {
    %mul3A = arith.constant 2 : i32
    %mul3A_0 = arith.muli %arg1, %mul3A : i32
    %add3A = arith.addi %mul3A_0, %arg0 : i32
    %mul3A_1 = arith.constant 32 : i32
    %mul3A_2 = arith.muli %add3A, %mul3A_1 : i32
    %add3A_3 = arith.constant 3072 : i32
    %add3A_4 = arith.addi %add3A_3, %mul3A_2 : i32
    "tpu.region"() ({
      %run_scoped3A = tpu.sem_alloc : memref<!tpu.dma_semaphore, #tpu.memory_space<semaphore_mem>>
      %dma_start3A_1357 = arith.constant 0 : i32
      %dma_start3A_1358 = tpu.memref_slice %arg3[%dma_start3A_1357] : memref<8192xf32, #tpu.memory_space<hbm>> -> memref<8192xf32, #tpu.memory_space<hbm>>
      %dma_start3A_1359 = arith.constant 0 : i32
      %dma_start3A_1360 = tpu.memref_slice %arg3[%dma_start3A_1359] : memref<8192xf32, #tpu.memory_space<hbm>> -> memref<8192xf32, #tpu.memory_space<hbm>>
      tpu.enqueue_dma source(%dma_start3A_1360 : memref<8192xf32, #tpu.memory_space<hbm>>) target(%arg5 : memref<8192xf32, #tpu.memory_space<vmem>>) target_semaphore(%run_scoped3A : memref<!tpu.dma_semaphore, #tpu.memory_space<semaphore_mem>>)
      %dma_wait3A_1361 = arith.constant 0 : i32
      %dma_wait3A_1362 = tpu.memref_slice %arg3[%dma_wait3A_1361] : memref<8192xf32, #tpu.memory_space<hbm>> -> memref<8192xf32, #tpu.memory_space<hbm>>
      %dma_wait3A_1363 = arith.constant 0 : i32
      %dma_wait3A_1364 = tpu.memref_slice %arg3[%dma_wait3A_1363] : memref<8192xf32, #tpu.memory_space<hbm>> -> memref<8192xf32, #tpu.memory_space<hbm>>
      tpu.wait_dma2 semaphore(%run_scoped3A : memref<!tpu.dma_semaphore, #tpu.memory_space<semaphore_mem>>) src(%dma_wait3A_1364 : memref<8192xf32, #tpu.memory_space<hbm>>) dst(%arg5 : memref<8192xf32, #tpu.memory_space<vmem>>)
      tpu.yield
    }) : () -> ()
    %iota3A = tpu.iota {dimensions = array<i32: 0>} : vector<16xi32>
    %and3A = arith.constant 0 : i32
    %and3A_5 = vector.broadcast %and3A : i32 to vector<16xi32>
    %and3A_6 = arith.andi %iota3A, %and3A_5 : vector<16xi32>
    %convert_element_type3A = arith.sitofp %and3A_6 : vector<16xi32> to vector<16xf32>
    %add3A_7 = arith.constant 0 : i32
    %add3A_8 = arith.addi %add3A_4, %add3A_7 : i32
    %dma_start3A = arith.constant 0 : i32
    %dma_start3A_9 = arith.constant 0 : i32
    %dma_start3A_10 = arith.constant 0 : i32
    %dma_start3A_11 = arith.constant 0 : i32
    %dma_start3A_12 = tpu.memref_slice %arg6[%dma_start3A, %dma_start3A_10, %dma_start3A_11] : memref<2x4x8192xf32, #tpu.memory_space<vmem>> -> memref<1x4x8192xf32, #tpu.memory_space<vmem>>
    %dma_start3A_13 = tpu.memref_squeeze %dma_start3A_12 : memref<1x4x8192xf32, #tpu.memory_space<vmem>> -> memref<4x8192xf32, #tpu.memory_space<vmem>>
    %dma_start3A_14 = arith.constant 0 : i32
    %dma_start3A_15 = tpu.memref_slice %arg2[%add3A_8, %dma_start3A_14] : memref<4096x8192xf32, #tpu.memory_space<hbm>> -> memref<4x8192xf32, #tpu.memory_space<hbm>>
    %dma_start3A_16 = tpu.memref_slice %arg8[%dma_start3A_9] : memref<2x!tpu.dma_semaphore, #tpu.memory_space<semaphore_mem>> -> memref<1x!tpu.dma_semaphore, #tpu.memory_space<semaphore_mem>>
    %dma_start3A_17 = tpu.memref_squeeze %dma_start3A_16 : memref<1x!tpu.dma_semaphore, #tpu.memory_space<semaphore_mem>> -> memref<!tpu.dma_semaphore, #tpu.memory_space<semaphore_mem>>
    %dma_start3A_18 = arith.constant 0 : i32
    %dma_start3A_19 = arith.constant 0 : i32
    %dma_start3A_20 = tpu.memref_slice %arg6[%dma_start3A, %dma_start3A_18, %dma_start3A_19] : memref<2x4x8192xf32, #tpu.memory_space<vmem>> -> memref<1x4x8192xf32, #tpu.memory_space<vmem>>
    %dma_start3A_21 = tpu.memref_squeeze %dma_start3A_20 : memref<1x4x8192xf32, #tpu.memory_space<vmem>> -> memref<4x8192xf32, #tpu.memory_space<vmem>>
    %dma_start3A_22 = arith.constant 0 : i32
    %dma_start3A_23 = tpu.memref_slice %arg2[%add3A_8, %dma_start3A_22] : memref<4096x8192xf32, #tpu.memory_space<hbm>> -> memref<4x8192xf32, #tpu.memory_space<hbm>>
    tpu.enqueue_dma source(%dma_start3A_23 : memref<4x8192xf32, #tpu.memory_space<hbm>>) target(%dma_start3A_21 : memref<4x8192xf32, #tpu.memory_space<vmem>>) target_semaphore(%dma_start3A_17 : memref<!tpu.dma_semaphore, #tpu.memory_space<semaphore_mem>>)
    %add3A_24 = arith.constant 4 : i32
    %add3A_25 = arith.addi %add3A_4, %add3A_24 : i32
    %dma_start3A_26 = arith.constant 1 : i32
    %dma_start3A_27 = arith.constant 1 : i32
    %dma_start3A_28 = arith.constant 0 : i32
    %dma_start3A_29 = arith.constant 0 : i32
    %dma_start3A_30 = tpu.memref_slice %arg6[%dma_start3A_26, %dma_start3A_28, %dma_start3A_29] : memref<2x4x8192xf32, #tpu.memory_space<vmem>> -> memref<1x4x8192xf32, #tpu.memory_space<vmem>>
    %dma_start3A_31 = tpu.memref_squeeze %dma_start3A_30 : memref<1x4x8192xf32, #tpu.memory_space<vmem>> -> memref<4x8192xf32, #tpu.memory_space<vmem>>
    %dma_start3A_32 = arith.constant 0 : i32
    %dma_start3A_33 = tpu.memref_slice %arg2[%add3A_25, %dma_start3A_32] : memref<4096x8192xf32, #tpu.memory_space<hbm>> -> memref<4x8192xf32, #tpu.memory_space<hbm>>
    %dma_start3A_34 = tpu.memref_slice %arg8[%dma_start3A_27] : memref<2x!tpu.dma_semaphore, #tpu.memory_space<semaphore_mem>> -> memref<1x!tpu.dma_semaphore, #tpu.memory_space<semaphore_mem>>
    %dma_start3A_35 = tpu.memref_squeeze %dma_start3A_34 : memref<1x!tpu.dma_semaphore, #tpu.memory_space<semaphore_mem>> -> memref<!tpu.dma_semaphore, #tpu.memory_space<semaphore_mem>>
    %dma_start3A_36 = arith.constant 0 : i32
    %dma_start3A_37 = arith.constant 0 : i32
    %dma_start3A_38 = tpu.memref_slice %arg6[%dma_start3A_26, %dma_start3A_36, %dma_start3A_37] : memref<2x4x8192xf32, #tpu.memory_space<vmem>> -> memref<1x4x8192xf32, #tpu.memory_space<vmem>>
    %dma_start3A_39 = tpu.memref_squeeze %dma_start3A_38 : memref<1x4x8192xf32, #tpu.memory_space<vmem>> -> memref<4x8192xf32, #tpu.memory_space<vmem>>
    %dma_start3A_40 = arith.constant 0 : i32
    %dma_start3A_41 = tpu.memref_slice %arg2[%add3A_25, %dma_start3A_40] : memref<4096x8192xf32, #tpu.memory_space<hbm>> -> memref<4x8192xf32, #tpu.memory_space<hbm>>
    tpu.enqueue_dma source(%dma_start3A_41 : memref<4x8192xf32, #tpu.memory_space<hbm>>) target(%dma_start3A_39 : memref<4x8192xf32, #tpu.memory_space<vmem>>) target_semaphore(%dma_start3A_35 : memref<!tpu.dma_semaphore, #tpu.memory_space<semaphore_mem>>)
    %dma_wait3A = arith.constant 0 : i32
    %dma_wait3A_42 = arith.constant 0 : i32
    %dma_wait3A_43 = arith.constant 0 : i32
    %dma_wait3A_44 = arith.constant 0 : i32
    %dma_wait3A_45 = tpu.memref_slice %arg6[%dma_wait3A, %dma_wait3A_43, %dma_wait3A_44] : memref<2x4x8192xf32, #tpu.memory_space<vmem>> -> memref<1x4x8192xf32, #tpu.memory_space<vmem>>
    %dma_wait3A_46 = tpu.memref_squeeze %dma_wait3A_45 : memref<1x4x8192xf32, #tpu.memory_space<vmem>> -> memref<4x8192xf32, #tpu.memory_space<vmem>>
    %dma_wait3A_47 = arith.constant 0 : i32
    %dma_wait3A_48 = tpu.memref_slice %arg2[%add3A_8, %dma_wait3A_47] : memref<4096x8192xf32, #tpu.memory_space<hbm>> -> memref<4x8192xf32, #tpu.memory_space<hbm>>
    %dma_wait3A_49 = tpu.memref_slice %arg8[%dma_wait3A_42] : memref<2x!tpu.dma_semaphore, #tpu.memory_space<semaphore_mem>> -> memref<1x!tpu.dma_semaphore, #tpu.memory_space<semaphore_mem>>
    %dma_wait3A_50 = tpu.memref_squeeze %dma_wait3A_49 : memref<1x!tpu.dma_semaphore, #tpu.memory_space<semaphore_mem>> -> memref<!tpu.dma_semaphore, #tpu.memory_space<semaphore_mem>>
    %dma_wait3A_51 = arith.constant 0 : i32
    %dma_wait3A_52 = arith.constant 0 : i32
    %dma_wait3A_53 = tpu.memref_slice %arg6[%dma_wait3A, %dma_wait3A_51, %dma_wait3A_52] : memref<2x4x8192xf32, #tpu.memory_space<vmem>> -> memref<1x4x8192xf32, #tpu.memory_space<vmem>>
    %dma_wait3A_54 = tpu.memref_squeeze %dma_wait3A_53 : memref<1x4x8192xf32, #tpu.memory_space<vmem>> -> memref<4x8192xf32, #tpu.memory_space<vmem>>
    %dma_wait3A_55 = arith.constant 0 : i32
    %dma_wait3A_56 = tpu.memref_slice %arg2[%add3A_8, %dma_wait3A_55] : memref<4096x8192xf32, #tpu.memory_space<hbm>> -> memref<4x8192xf32, #tpu.memory_space<hbm>>
    tpu.wait_dma2 semaphore(%dma_wait3A_50 : memref<!tpu.dma_semaphore, #tpu.memory_space<semaphore_mem>>) src(%dma_wait3A_56 : memref<4x8192xf32, #tpu.memory_space<hbm>>) dst(%dma_wait3A_54 : memref<4x8192xf32, #tpu.memory_space<vmem>>)
    %scan3A = arith.constant 0 : i32
    %scan3A_57 = arith.constant 64 : i32
    %scan3A_58 = arith.addi %scan3A, %scan3A_57 : i32
    %scan3A_59 = arith.constant 1 : i32
    %scan3A_60:4 = scf.for %scan3A_1357 = %scan3A to %scan3A_58 step %scan3A_59 iter_args(%scan3A_1358 = %convert_element_type3A, %scan3A_1359 = %convert_element_type3A, %scan3A_1360 = %convert_element_type3A, %scan3A_1361 = %convert_element_type3A) -> (vector<16xf32>, vector<16xf32>, vector<16xf32>, vector<16xf32>)  : i32 {
      %mul3A_1362 = arith.constant 128 : i32
      %mul3A_1363 = arith.muli %scan3A_1357, %mul3A_1362 : i32
      %add3A_1364 = arith.constant 0 : i32
      %add3A_1365 = arith.addi %mul3A_1363, %add3A_1364 : i32
      %get3A = arith.index_cast %add3A_1365 : i32 to index
      %get3A_1366 = tpu.vector_load %arg5[%get3A] {strides = array<i32>} : memref<8192xf32, #tpu.memory_space<vmem>>, vector<16xf32>,
      %get3A_1367 = vector.shape_cast %get3A_1366 : vector<16xf32> to vector<16xf32>
      %get3A_1368 = arith.constant 0 : i32
      %get3A_1369 = arith.constant 0 : i32
      %get3A_1370 = arith.index_cast %get3A_1368 : i32 to index
      %get3A_1371 = arith.index_cast %get3A_1369 : i32 to index
      %get3A_1372 = arith.index_cast %add3A_1365 : i32 to index
      %get3A_1373 = tpu.vector_load %arg6[%get3A_1370, %get3A_1371, %get3A_1372] {strides = array<i32>} : memref<2x4x8192xf32, #tpu.memory_space<vmem>>, vector<1x1x16xf32>,
      %get3A_1374 = vector.shape_cast %get3A_1373 : vector<1x1x16xf32> to vector<16xf32>
      %mul3A_1375 = arith.mulf %get3A_1374, %get3A_1367 : vector<16xf32>
      %add3A_1376 = arith.addf %scan3A_1358, %mul3A_1375 : vector<16xf32>
      %get3A_1377 = arith.constant 0 : i32
      %get3A_1378 = arith.constant 1 : i32
      %get3A_1379 = arith.index_cast %get3A_1377 : i32 to index
      %get3A_1380 = arith.index_cast %get3A_1378 : i32 to index
      %get3A_1381 = arith.index_cast %add3A_1365 : i32 to index
      %get3A_1382 = tpu.vector_load %arg6[%get3A_1379, %get3A_1380, %get3A_1381] {strides = array<i32>} : memref<2x4x8192xf32, #tpu.memory_space<vmem>>, vector<1x1x16xf32>,
      %get3A_1383 = vector.shape_cast %get3A_1382 : vector<1x1x16xf32> to vector<16xf32>
      %mul3A_1384 = arith.mulf %get3A_1383, %get3A_1367 : vector<16xf32>
      %add3A_1385 = arith.addf %scan3A_1359, %mul3A_1384 : vector<16xf32>
      %get3A_1386 = arith.constant 0 : i32
      %get3A_1387 = arith.constant 2 : i32
      %get3A_1388 = arith.index_cast %get3A_1386 : i32 to index
      %get3A_1389 = arith.index_cast %get3A_1387 : i32 to index
      %get3A_1390 = arith.index_cast %add3A_1365 : i32 to index
      %get3A_1391 = tpu.vector_load %arg6[%get3A_1388, %get3A_1389, %get3A_1390] {strides = array<i32>} : memref<2x4x8192xf32, #tpu.memory_space<vmem>>, vector<1x1x16xf32>,
      %get3A_1392 = vector.shape_cast %get3A_1391 : vector<1x1x16xf32> to vector<16xf32>
      %mul3A_1393 = arith.mulf %get3A_1392, %get3A_1367 : vector<16xf32>
      %add3A_1394 = arith.addf %scan3A_1360, %mul3A_1393 : vector<16xf32>
      %get3A_1395 = arith.constant 0 : i32
      %get3A_1396 = arith.constant 3 : i32
      %get3A_1397 = arith.index_cast %get3A_1395 : i32 to index
      %get3A_1398 = arith.index_cast %get3A_1396 : i32 to index
      %get3A_1399 = arith.index_cast %add3A_1365 : i32 to index
      %get3A_1400 = tpu.vector_load %arg6[%get3A_1397, %get3A_1398, %get3A_1399] {strides = array<i32>} : memref<2x4x8192xf32, #tpu.memory_space<vmem>>, vector<1x1x16xf32>,
      %get3A_1401 = vector.shape_cast %get3A_1400 : vector<1x1x16xf32> to vector<16xf32>
      %mul3A_1402 = arith.mulf %get3A_1401, %get3A_1367 : vector<16xf32>
      %add3A_1403 = arith.addf %scan3A_1361, %mul3A_1402 : vector<16xf32>
      %add3A_1404 = arith.constant 16 : i32
      %add3A_1405 = arith.addi %mul3A_1363, %add3A_1404 : i32
      %get3A_1406 = arith.index_cast %add3A_1405 : i32 to index
      %get3A_1407 = tpu.vector_load %arg5[%get3A_1406] {strides = array<i32>} : memref<8192xf32, #tpu.memory_space<vmem>>, vector<16xf32>,
      %get3A_1408 = vector.shape_cast %get3A_1407 : vector<16xf32> to vector<16xf32>
      %get3A_1409 = arith.constant 0 : i32
      %get3A_1410 = arith.constant 0 : i32
      %get3A_1411 = arith.index_cast %get3A_1409 : i32 to index
      %get3A_1412 = arith.index_cast %get3A_1410 : i32 to index
      %get3A_1413 = arith.index_cast %add3A_1405 : i32 to index
      %get3A_1414 = tpu.vector_load %arg6[%get3A_1411, %get3A_1412, %get3A_1413] {strides = array<i32>} : memref<2x4x8192xf32, #tpu.memory_space<vmem>>, vector<1x1x16xf32>,
      %get3A_1415 = vector.shape_cast %get3A_1414 : vector<1x1x16xf32> to vector<16xf32>
      %mul3A_1416 = arith.mulf %get3A_1415, %get3A_1408 : vector<16xf32>
      %add3A_1417 = arith.addf %add3A_1376, %mul3A_1416 : vector<16xf32>
      %get3A_1418 = arith.constant 0 : i32
      %get3A_1419 = arith.constant 1 : i32
      %get3A_1420 = arith.index_cast %get3A_1418 : i32 to index
      %get3A_1421 = arith.index_cast %get3A_1419 : i32 to index
      %get3A_1422 = arith.index_cast %add3A_1405 : i32 to index
      %get3A_1423 = tpu.vector_load %arg6[%get3A_1420, %get3A_1421, %get3A_1422] {strides = array<i32>} : memref<2x4x8192xf32, #tpu.memory_space<vmem>>, vector<1x1x16xf32>,
      %get3A_1424 = vector.shape_cast %get3A_1423 : vector<1x1x16xf32> to vector<16xf32>
      %mul3A_1425 = arith.mulf %get3A_1424, %get3A_1408 : vector<16xf32>
      %add3A_1426 = arith.addf %add3A_1385, %mul3A_1425 : vector<16xf32>
      %get3A_1427 = arith.constant 0 : i32
      %get3A_1428 = arith.constant 2 : i32
      %get3A_1429 = arith.index_cast %get3A_1427 : i32 to index
      %get3A_1430 = arith.index_cast %get3A_1428 : i32 to index
      %get3A_1431 = arith.index_cast %add3A_1405 : i32 to index
      %get3A_1432 = tpu.vector_load %arg6[%get3A_1429, %get3A_1430, %get3A_1431] {strides = array<i32>} : memref<2x4x8192xf32, #tpu.memory_space<vmem>>, vector<1x1x16xf32>,
      %get3A_1433 = vector.shape_cast %get3A_1432 : vector<1x1x16xf32> to vector<16xf32>
      %mul3A_1434 = arith.mulf %get3A_1433, %get3A_1408 : vector<16xf32>
      %add3A_1435 = arith.addf %add3A_1394, %mul3A_1434 : vector<16xf32>
      %get3A_1436 = arith.constant 0 : i32
      %get3A_1437 = arith.constant 3 : i32
      %get3A_1438 = arith.index_cast %get3A_1436 : i32 to index
      %get3A_1439 = arith.index_cast %get3A_1437 : i32 to index
      %get3A_1440 = arith.index_cast %add3A_1405 : i32 to index
      %get3A_1441 = tpu.vector_load %arg6[%get3A_1438, %get3A_1439, %get3A_1440] {strides = array<i32>} : memref<2x4x8192xf32, #tpu.memory_space<vmem>>, vector<1x1x16xf32>,
      %get3A_1442 = vector.shape_cast %get3A_1441 : vector<1x1x16xf32> to vector<16xf32>
      %mul3A_1443 = arith.mulf %get3A_1442, %get3A_1408 : vector<16xf32>
      %add3A_1444 = arith.addf %add3A_1403, %mul3A_1443 : vector<16xf32>
      %add3A_1445 = arith.constant 32 : i32
      %add3A_1446 = arith.addi %mul3A_1363, %add3A_1445 : i32
      %get3A_1447 = arith.index_cast %add3A_1446 : i32 to index
      %get3A_1448 = tpu.vector_load %arg5[%get3A_1447] {strides = array<i32>} : memref<8192xf32, #tpu.memory_space<vmem>>, vector<16xf32>,
      %get3A_1449 = vector.shape_cast %get3A_1448 : vector<16xf32> to vector<16xf32>
      %get3A_1450 = arith.constant 0 : i32
      %get3A_1451 = arith.constant 0 : i32
      %get3A_1452 = arith.index_cast %get3A_1450 : i32 to index
      %get3A_1453 = arith.index_cast %get3A_1451 : i32 to index
      %get3A_1454 = arith.index_cast %add3A_1446 : i32 to index
      %get3A_1455 = tpu.vector_load %arg6[%get3A_1452, %get3A_1453, %get3A_1454] {strides = array<i32>} : memref<2x4x8192xf32, #tpu.memory_space<vmem>>, vector<1x1x16xf32>,
      %get3A_1456 = vector.shape_cast %get3A_1455 : vector<1x1x16xf32> to vector<16xf32>
      %mul3A_1457 = arith.mulf %get3A_1456, %get3A_1449 : vector<16xf32>
      %add3A_1458 = arith.addf %add3A_1417, %mul3A_1457 : vector<16xf32>
      %get3A_1459 = arith.constant 0 : i32
      %get3A_1460 = arith.constant 1 : i32
      %get3A_1461 = arith.index_cast %get3A_1459 : i32 to index
      %get3A_1462 = arith.index_cast %get3A_1460 : i32 to index
      %get3A_1463 = arith.index_cast %add3A_1446 : i32 to index
      %get3A_1464 = tpu.vector_load %arg6[%get3A_1461, %get3A_1462, %get3A_1463] {strides = array<i32>} : memref<2x4x8192xf32, #tpu.memory_space<vmem>>, vector<1x1x16xf32>,
      %get3A_1465 = vector.shape_cast %get3A_1464 : vector<1x1x16xf32> to vector<16xf32>
      %mul3A_1466 = arith.mulf %get3A_1465, %get3A_1449 : vector<16xf32>
      %add3A_1467 = arith.addf %add3A_1426, %mul3A_1466 : vector<16xf32>
      %get3A_1468 = arith.constant 0 : i32
      %get3A_1469 = arith.constant 2 : i32
      %get3A_1470 = arith.index_cast %get3A_1468 : i32 to index
      %get3A_1471 = arith.index_cast %get3A_1469 : i32 to index
      %get3A_1472 = arith.index_cast %add3A_1446 : i32 to index
      %get3A_1473 = tpu.vector_load %arg6[%get3A_1470, %get3A_1471, %get3A_1472] {strides = array<i32>} : memref<2x4x8192xf32, #tpu.memory_space<vmem>>, vector<1x1x16xf32>,
      %get3A_1474 = vector.shape_cast %get3A_1473 : vector<1x1x16xf32> to vector<16xf32>
      %mul3A_1475 = arith.mulf %get3A_1474, %get3A_1449 : vector<16xf32>
      %add3A_1476 = arith.addf %add3A_1435, %mul3A_1475 : vector<16xf32>
      %get3A_1477 = arith.constant 0 : i32
      %get3A_1478 = arith.constant 3 : i32
      %get3A_1479 = arith.index_cast %get3A_1477 : i32 to index
      %get3A_1480 = arith.index_cast %get3A_1478 : i32 to index
      %get3A_1481 = arith.index_cast %add3A_1446 : i32 to index
      %get3A_1482 = tpu.vector_load %arg6[%get3A_1479, %get3A_1480, %get3A_1481] {strides = array<i32>} : memref<2x4x8192xf32, #tpu.memory_space<vmem>>, vector<1x1x16xf32>,
      %get3A_1483 = vector.shape_cast %get3A_1482 : vector<1x1x16xf32> to vector<16xf32>
      %mul3A_1484 = arith.mulf %get3A_1483, %get3A_1449 : vector<16xf32>
      %add3A_1485 = arith.addf %add3A_1444, %mul3A_1484 : vector<16xf32>
      %add3A_1486 = arith.constant 48 : i32
      %add3A_1487 = arith.addi %mul3A_1363, %add3A_1486 : i32
      %get3A_1488 = arith.index_cast %add3A_1487 : i32 to index
      %get3A_1489 = tpu.vector_load %arg5[%get3A_1488] {strides = array<i32>} : memref<8192xf32, #tpu.memory_space<vmem>>, vector<16xf32>,
      %get3A_1490 = vector.shape_cast %get3A_1489 : vector<16xf32> to vector<16xf32>
      %get3A_1491 = arith.constant 0 : i32
      %get3A_1492 = arith.constant 0 : i32
      %get3A_1493 = arith.index_cast %get3A_1491 : i32 to index
      %get3A_1494 = arith.index_cast %get3A_1492 : i32 to index
      %get3A_1495 = arith.index_cast %add3A_1487 : i32 to index
      %get3A_1496 = tpu.vector_load %arg6[%get3A_1493, %get3A_1494, %get3A_1495] {strides = array<i32>} : memref<2x4x8192xf32, #tpu.memory_space<vmem>>, vector<1x1x16xf32>,
      %get3A_1497 = vector.shape_cast %get3A_1496 : vector<1x1x16xf32> to vector<16xf32>
      %mul3A_1498 = arith.mulf %get3A_1497, %get3A_1490 : vector<16xf32>
      %add3A_1499 = arith.addf %add3A_1458, %mul3A_1498 : vector<16xf32>
      %get3A_1500 = arith.constant 0 : i32
      %get3A_1501 = arith.constant 1 : i32
      %get3A_1502 = arith.index_cast %get3A_1500 : i32 to index
      %get3A_1503 = arith.index_cast %get3A_1501 : i32 to index
      %get3A_1504 = arith.index_cast %add3A_1487 : i32 to index
      %get3A_1505 = tpu.vector_load %arg6[%get3A_1502, %get3A_1503, %get3A_1504] {strides = array<i32>} : memref<2x4x8192xf32, #tpu.memory_space<vmem>>, vector<1x1x16xf32>,
      %get3A_1506 = vector.shape_cast %get3A_1505 : vector<1x1x16xf32> to vector<16xf32>
      %mul3A_1507 = arith.mulf %get3A_1506, %get3A_1490 : vector<16xf32>
      %add3A_1508 = arith.addf %add3A_1467, %mul3A_1507 : vector<16xf32>
      %get3A_1509 = arith.constant 0 : i32
      %get3A_1510 = arith.constant 2 : i32
      %get3A_1511 = arith.index_cast %get3A_1509 : i32 to index
      %get3A_1512 = arith.index_cast %get3A_1510 : i32 to index
      %get3A_1513 = arith.index_cast %add3A_1487 : i32 to index
      %get3A_1514 = tpu.vector_load %arg6[%get3A_1511, %get3A_1512, %get3A_1513] {strides = array<i32>} : memref<2x4x8192xf32, #tpu.memory_space<vmem>>, vector<1x1x16xf32>,
      %get3A_1515 = vector.shape_cast %get3A_1514 : vector<1x1x16xf32> to vector<16xf32>
      %mul3A_1516 = arith.mulf %get3A_1515, %get3A_1490 : vector<16xf32>
      %add3A_1517 = arith.addf %add3A_1476, %mul3A_1516 : vector<16xf32>
      %get3A_1518 = arith.constant 0 : i32
      %get3A_1519 = arith.constant 3 : i32
      %get3A_1520 = arith.index_cast %get3A_1518 : i32 to index
      %get3A_1521 = arith.index_cast %get3A_1519 : i32 to index
      %get3A_1522 = arith.index_cast %add3A_1487 : i32 to index
      %get3A_1523 = tpu.vector_load %arg6[%get3A_1520, %get3A_1521, %get3A_1522] {strides = array<i32>} : memref<2x4x8192xf32, #tpu.memory_space<vmem>>, vector<1x1x16xf32>,
      %get3A_1524 = vector.shape_cast %get3A_1523 : vector<1x1x16xf32> to vector<16xf32>
      %mul3A_1525 = arith.mulf %get3A_1524, %get3A_1490 : vector<16xf32>
      %add3A_1526 = arith.addf %add3A_1485, %mul3A_1525 : vector<16xf32>
      %add3A_1527 = arith.constant 64 : i32
      %add3A_1528 = arith.addi %mul3A_1363, %add3A_1527 : i32
      %get3A_1529 = arith.index_cast %add3A_1528 : i32 to index
      %get3A_1530 = tpu.vector_load %arg5[%get3A_1529] {strides = array<i32>} : memref<8192xf32, #tpu.memory_space<vmem>>, vector<16xf32>,
      %get3A_1531 = vector.shape_cast %get3A_1530 : vector<16xf32> to vector<16xf32>
      %get3A_1532 = arith.constant 0 : i32
      %get3A_1533 = arith.constant 0 : i32
      %get3A_1534 = arith.index_cast %get3A_1532 : i32 to index
      %get3A_1535 = arith.index_cast %get3A_1533 : i32 to index
      %get3A_1536 = arith.index_cast %add3A_1528 : i32 to index
      %get3A_1537 = tpu.vector_load %arg6[%get3A_1534, %get3A_1535, %get3A_1536] {strides = array<i32>} : memref<2x4x8192xf32, #tpu.memory_space<vmem>>, vector<1x1x16xf32>,
      %get3A_1538 = vector.shape_cast %get3A_1537 : vector<1x1x16xf32> to vector<16xf32>
      %mul3A_1539 = arith.mulf %get3A_1538, %get3A_1531 : vector<16xf32>
      %add3A_1540 = arith.addf %add3A_1499, %mul3A_1539 : vector<16xf32>
      %get3A_1541 = arith.constant 0 : i32
      %get3A_1542 = arith.constant 1 : i32
      %get3A_1543 = arith.index_cast %get3A_1541 : i32 to index
      %get3A_1544 = arith.index_cast %get3A_1542 : i32 to index
      %get3A_1545 = arith.index_cast %add3A_1528 : i32 to index
      %get3A_1546 = tpu.vector_load %arg6[%get3A_1543, %get3A_1544, %get3A_1545] {strides = array<i32>} : memref<2x4x8192xf32, #tpu.memory_space<vmem>>, vector<1x1x16xf32>,
      %get3A_1547 = vector.shape_cast %get3A_1546 : vector<1x1x16xf32> to vector<16xf32>
      %mul3A_1548 = arith.mulf %get3A_1547, %get3A_1531 : vector<16xf32>
      %add3A_1549 = arith.addf %add3A_1508, %mul3A_1548 : vector<16xf32>
      %get3A_1550 = arith.constant 0 : i32
      %get3A_1551 = arith.constant 2 : i32
      %get3A_1552 = arith.index_cast %get3A_1550 : i32 to index
      %get3A_1553 = arith.index_cast %get3A_1551 : i32 to index
      %get3A_1554 = arith.index_cast %add3A_1528 : i32 to index
      %get3A_1555 = tpu.vector_load %arg6[%get3A_1552, %get3A_1553, %get3A_1554] {strides = array<i32>} : memref<2x4x8192xf32, #tpu.memory_space<vmem>>, vector<1x1x16xf32>,
      %get3A_1556 = vector.shape_cast %get3A_1555 : vector<1x1x16xf32> to vector<16xf32>
      %mul3A_1557 = arith.mulf %get3A_1556, %get3A_1531 : vector<16xf32>
      %add3A_1558 = arith.addf %add3A_1517, %mul3A_1557 : vector<16xf32>
      %get3A_1559 = arith.constant 0 : i32
      %get3A_1560 = arith.constant 3 : i32
      %get3A_1561 = arith.index_cast %get3A_1559 : i32 to index
      %get3A_1562 = arith.index_cast %get3A_1560 : i32 to index
      %get3A_1563 = arith.index_cast %add3A_1528 : i32 to index
      %get3A_1564 = tpu.vector_load %arg6[%get3A_1561, %get3A_1562, %get3A_1563] {strides = array<i32>} : memref<2x4x8192xf32, #tpu.memory_space<vmem>>, vector<1x1x16xf32>,
      %get3A_1565 = vector.shape_cast %get3A_1564 : vector<1x1x16xf32> to vector<16xf32>
      %mul3A_1566 = arith.mulf %get3A_1565, %get3A_1531 : vector<16xf32>
      %add3A_1567 = arith.addf %add3A_1526, %mul3A_1566 : vector<16xf32>
      %add3A_1568 = arith.constant 80 : i32
      %add3A_1569 = arith.addi %mul3A_1363, %add3A_1568 : i32
      %get3A_1570 = arith.index_cast %add3A_1569 : i32 to index
      %get3A_1571 = tpu.vector_load %arg5[%get3A_1570] {strides = array<i32>} : memref<8192xf32, #tpu.memory_space<vmem>>, vector<16xf32>,
      %get3A_1572 = vector.shape_cast %get3A_1571 : vector<16xf32> to vector<16xf32>
      %get3A_1573 = arith.constant 0 : i32
      %get3A_1574 = arith.constant 0 : i32
      %get3A_1575 = arith.index_cast %get3A_1573 : i32 to index
      %get3A_1576 = arith.index_cast %get3A_1574 : i32 to index
      %get3A_1577 = arith.index_cast %add3A_1569 : i32 to index
      %get3A_1578 = tpu.vector_load %arg6[%get3A_1575, %get3A_1576, %get3A_1577] {strides = array<i32>} : memref<2x4x8192xf32, #tpu.memory_space<vmem>>, vector<1x1x16xf32>,
      %get3A_1579 = vector.shape_cast %get3A_1578 : vector<1x1x16xf32> to vector<16xf32>
      %mul3A_1580 = arith.mulf %get3A_1579, %get3A_1572 : vector<16xf32>
      %add3A_1581 = arith.addf %add3A_1540, %mul3A_1580 : vector<16xf32>
      %get3A_1582 = arith.constant 0 : i32
      %get3A_1583 = arith.constant 1 : i32
      %get3A_1584 = arith.index_cast %get3A_1582 : i32 to index
      %get3A_1585 = arith.index_cast %get3A_1583 : i32 to index
      %get3A_1586 = arith.index_cast %add3A_1569 : i32 to index
      %get3A_1587 = tpu.vector_load %arg6[%get3A_1584, %get3A_1585, %get3A_1586] {strides = array<i32>} : memref<2x4x8192xf32, #tpu.memory_space<vmem>>, vector<1x1x16xf32>,
      %get3A_1588 = vector.shape_cast %get3A_1587 : vector<1x1x16xf32> to vector<16xf32>
      %mul3A_1589 = arith.mulf %get3A_1588, %get3A_1572 : vector<16xf32>
      %add3A_1590 = arith.addf %add3A_1549, %mul3A_1589 : vector<16xf32>
      %get3A_1591 = arith.constant 0 : i32
      %get3A_1592 = arith.constant 2 : i32
      %get3A_1593 = arith.index_cast %get3A_1591 : i32 to index
      %get3A_1594 = arith.index_cast %get3A_1592 : i32 to index
      %get3A_1595 = arith.index_cast %add3A_1569 : i32 to index
      %get3A_1596 = tpu.vector_load %arg6[%get3A_1593, %get3A_1594, %get3A_1595] {strides = array<i32>} : memref<2x4x8192xf32, #tpu.memory_space<vmem>>, vector<1x1x16xf32>,
      %get3A_1597 = vector.shape_cast %get3A_1596 : vector<1x1x16xf32> to vector<16xf32>
      %mul3A_1598 = arith.mulf %get3A_1597, %get3A_1572 : vector<16xf32>
      %add3A_1599 = arith.addf %add3A_1558, %mul3A_1598 : vector<16xf32>
      %get3A_1600 = arith.constant 0 : i32
      %get3A_1601 = arith.constant 3 : i32
      %get3A_1602 = arith.index_cast %get3A_1600 : i32 to index
      %get3A_1603 = arith.index_cast %get3A_1601 : i32 to index
      %get3A_1604 = arith.index_cast %add3A_1569 : i32 to index
      %get3A_1605 = tpu.vector_load %arg6[%get3A_1602, %get3A_1603, %get3A_1604] {strides = array<i32>} : memref<2x4x8192xf32, #tpu.memory_space<vmem>>, vector<1x1x16xf32>,
      %get3A_1606 = vector.shape_cast %get3A_1605 : vector<1x1x16xf32> to vector<16xf32>
      %mul3A_1607 = arith.mulf %get3A_1606, %get3A_1572 : vector<16xf32>
      %add3A_1608 = arith.addf %add3A_1567, %mul3A_1607 : vector<16xf32>
      %add3A_1609 = arith.constant 96 : i32
      %add3A_1610 = arith.addi %mul3A_1363, %add3A_1609 : i32
      %get3A_1611 = arith.index_cast %add3A_1610 : i32 to index
      %get3A_1612 = tpu.vector_load %arg5[%get3A_1611] {strides = array<i32>} : memref<8192xf32, #tpu.memory_space<vmem>>, vector<16xf32>,
      %get3A_1613 = vector.shape_cast %get3A_1612 : vector<16xf32> to vector<16xf32>
      %get3A_1614 = arith.constant 0 : i32
      %get3A_1615 = arith.constant 0 : i32
      %get3A_1616 = arith.index_cast %get3A_1614 : i32 to index
      %get3A_1617 = arith.index_cast %get3A_1615 : i32 to index
      %get3A_1618 = arith.index_cast %add3A_1610 : i32 to index
      %get3A_1619 = tpu.vector_load %arg6[%get3A_1616, %get3A_1617, %get3A_1618] {strides = array<i32>} : memref<2x4x8192xf32, #tpu.memory_space<vmem>>, vector<1x1x16xf32>,
      %get3A_1620 = vector.shape_cast %get3A_1619 : vector<1x1x16xf32> to vector<16xf32>
      %mul3A_1621 = arith.mulf %get3A_1620, %get3A_1613 : vector<16xf32>
      %add3A_1622 = arith.addf %add3A_1581, %mul3A_1621 : vector<16xf32>
      %get3A_1623 = arith.constant 0 : i32
      %get3A_1624 = arith.constant 1 : i32
      %get3A_1625 = arith.index_cast %get3A_1623 : i32 to index
      %get3A_1626 = arith.index_cast %get3A_1624 : i32 to index
      %get3A_1627 = arith.index_cast %add3A_1610 : i32 to index
      %get3A_1628 = tpu.vector_load %arg6[%get3A_1625, %get3A_1626, %get3A_1627] {strides = array<i32>} : memref<2x4x8192xf32, #tpu.memory_space<vmem>>, vector<1x1x16xf32>,
      %get3A_1629 = vector.shape_cast %get3A_1628 : vector<1x1x16xf32> to vector<16xf32>
      %mul3A_1630 = arith.mulf %get3A_1629, %get3A_1613 : vector<16xf32>
      %add3A_1631 = arith.addf %add3A_1590, %mul3A_1630 : vector<16xf32>
      %get3A_1632 = arith.constant 0 : i32
      %get3A_1633 = arith.constant 2 : i32
      %get3A_1634 = arith.index_cast %get3A_1632 : i32 to index
      %get3A_1635 = arith.index_cast %get3A_1633 : i32 to index
      %get3A_1636 = arith.index_cast %add3A_1610 : i32 to index
      %get3A_1637 = tpu.vector_load %arg6[%get3A_1634, %get3A_1635, %get3A_1636] {strides = array<i32>} : memref<2x4x8192xf32, #tpu.memory_space<vmem>>, vector<1x1x16xf32>,
      %get3A_1638 = vector.shape_cast %get3A_1637 : vector<1x1x16xf32> to vector<16xf32>
      %mul3A_1639 = arith.mulf %get3A_1638, %get3A_1613 : vector<16xf32>
      %add3A_1640 = arith.addf %add3A_1599, %mul3A_1639 : vector<16xf32>
      %get3A_1641 = arith.constant 0 : i32
      %get3A_1642 = arith.constant 3 : i32
      %get3A_1643 = arith.index_cast %get3A_1641 : i32 to index
      %get3A_1644 = arith.index_cast %get3A_1642 : i32 to index
      %get3A_1645 = arith.index_cast %add3A_1610 : i32 to index
      %get3A_1646 = tpu.vector_load %arg6[%get3A_1643, %get3A_1644, %get3A_1645] {strides = array<i32>} : memref<2x4x8192xf32, #tpu.memory_space<vmem>>, vector<1x1x16xf32>,
      %get3A_1647 = vector.shape_cast %get3A_1646 : vector<1x1x16xf32> to vector<16xf32>
      %mul3A_1648 = arith.mulf %get3A_1647, %get3A_1613 : vector<16xf32>
      %add3A_1649 = arith.addf %add3A_1608, %mul3A_1648 : vector<16xf32>
      %add3A_1650 = arith.constant 112 : i32
      %add3A_1651 = arith.addi %mul3A_1363, %add3A_1650 : i32
      %get3A_1652 = arith.index_cast %add3A_1651 : i32 to index
      %get3A_1653 = tpu.vector_load %arg5[%get3A_1652] {strides = array<i32>} : memref<8192xf32, #tpu.memory_space<vmem>>, vector<16xf32>,
      %get3A_1654 = vector.shape_cast %get3A_1653 : vector<16xf32> to vector<16xf32>
      %get3A_1655 = arith.constant 0 : i32
      %get3A_1656 = arith.constant 0 : i32
      %get3A_1657 = arith.index_cast %get3A_1655 : i32 to index
      %get3A_1658 = arith.index_cast %get3A_1656 : i32 to index
      %get3A_1659 = arith.index_cast %add3A_1651 : i32 to index
      %get3A_1660 = tpu.vector_load %arg6[%get3A_1657, %get3A_1658, %get3A_1659] {strides = array<i32>} : memref<2x4x8192xf32, #tpu.memory_space<vmem>>, vector<1x1x16xf32>,
      %get3A_1661 = vector.shape_cast %get3A_1660 : vector<1x1x16xf32> to vector<16xf32>
      %mul3A_1662 = arith.mulf %get3A_1661, %get3A_1654 : vector<16xf32>
      %add3A_1663 = arith.addf %add3A_1622, %mul3A_1662 : vector<16xf32>
      %get3A_1664 = arith.constant 0 : i32
      %get3A_1665 = arith.constant 1 : i32
      %get3A_1666 = arith.index_cast %get3A_1664 : i32 to index
      %get3A_1667 = arith.index_cast %get3A_1665 : i32 to index
      %get3A_1668 = arith.index_cast %add3A_1651 : i32 to index
      %get3A_1669 = tpu.vector_load %arg6[%get3A_1666, %get3A_1667, %get3A_1668] {strides = array<i32>} : memref<2x4x8192xf32, #tpu.memory_space<vmem>>, vector<1x1x16xf32>,
      %get3A_1670 = vector.shape_cast %get3A_1669 : vector<1x1x16xf32> to vector<16xf32>
      %mul3A_1671 = arith.mulf %get3A_1670, %get3A_1654 : vector<16xf32>
      %add3A_1672 = arith.addf %add3A_1631, %mul3A_1671 : vector<16xf32>
      %get3A_1673 = arith.constant 0 : i32
      %get3A_1674 = arith.constant 2 : i32
      %get3A_1675 = arith.index_cast %get3A_1673 : i32 to index
      %get3A_1676 = arith.index_cast %get3A_1674 : i32 to index
      %get3A_1677 = arith.index_cast %add3A_1651 : i32 to index
      %get3A_1678 = tpu.vector_load %arg6[%get3A_1675, %get3A_1676, %get3A_1677] {strides = array<i32>} : memref<2x4x8192xf32, #tpu.memory_space<vmem>>, vector<1x1x16xf32>,
      %get3A_1679 = vector.shape_cast %get3A_1678 : vector<1x1x16xf32> to vector<16xf32>
      %mul3A_1680 = arith.mulf %get3A_1679, %get3A_1654 : vector<16xf32>
      %add3A_1681 = arith.addf %add3A_1640, %mul3A_1680 : vector<16xf32>
      %get3A_1682 = arith.constant 0 : i32
      %get3A_1683 = arith.constant 3 : i32
      %get3A_1684 = arith.index_cast %get3A_1682 : i32 to index
      %get3A_1685 = arith.index_cast %get3A_1683 : i32 to index
      %get3A_1686 = arith.index_cast %add3A_1651 : i32 to index
      %get3A_1687 = tpu.vector_load %arg6[%get3A_1684, %get3A_1685, %get3A_1686] {strides = array<i32>} : memref<2x4x8192xf32, #tpu.memory_space<vmem>>, vector<1x1x16xf32>,
      %get3A_1688 = vector.shape_cast %get3A_1687 : vector<1x1x16xf32> to vector<16xf32>
      %mul3A_1689 = arith.mulf %get3A_1688, %get3A_1654 : vector<16xf32>
      %add3A_1690 = arith.addf %add3A_1649, %mul3A_1689 : vector<16xf32>
      scf.yield %add3A_1663, %add3A_1672, %add3A_1681, %add3A_1690 : vector<16xf32>, vector<16xf32>, vector<16xf32>, vector<16xf32>
    }
    %scan3A_61 = arith.constant 64 : i32
    %xor3A = arith.constant 8 : i32
    %xor3A_62 = vector.broadcast %xor3A : i32 to vector<16xi32>
    %xor3A_63 = arith.xori %iota3A, %xor3A_62 : vector<16xi32>
    %broadcast_in_dim3A = vector.shape_cast %xor3A_63 : vector<16xi32> to vector<16x1xi32>
    %gather3A = vector.shape_cast %broadcast_in_dim3A : vector<16x1xi32> to vector<16xi32>
    %gather3A_64 = tpu.dynamic_gather %scan3A_60#0[%gather3A] in [0] : vector<16xf32>, vector<16xi32> -> vector<16xf32>
    %add3A_65 = arith.addf %scan3A_60#0, %gather3A_64 : vector<16xf32>
    %xor3A_66 = arith.constant 4 : i32
    %xor3A_67 = vector.broadcast %xor3A_66 : i32 to vector<16xi32>
    %xor3A_68 = arith.xori %iota3A, %xor3A_67 : vector<16xi32>
    %broadcast_in_dim3A_69 = vector.shape_cast %xor3A_68 : vector<16xi32> to vector<16x1xi32>
    %gather3A_70 = vector.shape_cast %broadcast_in_dim3A_69 : vector<16x1xi32> to vector<16xi32>
    %gather3A_71 = tpu.dynamic_gather %add3A_65[%gather3A_70] in [0] : vector<16xf32>, vector<16xi32> -> vector<16xf32>
    %add3A_72 = arith.addf %add3A_65, %gather3A_71 : vector<16xf32>
    %xor3A_73 = arith.constant 2 : i32
    %xor3A_74 = vector.broadcast %xor3A_73 : i32 to vector<16xi32>
    %xor3A_75 = arith.xori %iota3A, %xor3A_74 : vector<16xi32>
    %broadcast_in_dim3A_76 = vector.shape_cast %xor3A_75 : vector<16xi32> to vector<16x1xi32>
    %gather3A_77 = vector.shape_cast %broadcast_in_dim3A_76 : vector<16x1xi32> to vector<16xi32>
    %gather3A_78 = tpu.dynamic_gather %add3A_72[%gather3A_77] in [0] : vector<16xf32>, vector<16xi32> -> vector<16xf32>
    %add3A_79 = arith.addf %add3A_72, %gather3A_78 : vector<16xf32>
    %xor3A_80 = arith.constant 1 : i32
    %xor3A_81 = vector.broadcast %xor3A_80 : i32 to vector<16xi32>
    %xor3A_82 = arith.xori %iota3A, %xor3A_81 : vector<16xi32>
    %broadcast_in_dim3A_83 = vector.shape_cast %xor3A_82 : vector<16xi32> to vector<16x1xi32>
    %gather3A_84 = vector.shape_cast %broadcast_in_dim3A_83 : vector<16x1xi32> to vector<16xi32>
    %gather3A_85 = tpu.dynamic_gather %add3A_79[%gather3A_84] in [0] : vector<16xf32>, vector<16xi32> -> vector<16xf32>
    %add3A_86 = arith.addf %add3A_79, %gather3A_85 : vector<16xf32>
    %eq3A = arith.constant 0 : i32
    %eq3A_87 = vector.broadcast %eq3A : i32 to vector<16xi32>
    %eq3A_88 = arith.cmpi eq, %iota3A, %eq3A_87 : vector<16xi32>
    %select_n3A = arith.select %eq3A_88, %add3A_86, %convert_element_type3A : vector<16xi1>, vector<16xf32>
    %xor3A_89 = arith.constant 8 : i32
    %xor3A_90 = vector.broadcast %xor3A_89 : i32 to vector<16xi32>
    %xor3A_91 = arith.xori %iota3A, %xor3A_90 : vector<16xi32>
    %broadcast_in_dim3A_92 = vector.shape_cast %xor3A_91 : vector<16xi32> to vector<16x1xi32>
    %gather3A_93 = vector.shape_cast %broadcast_in_dim3A_92 : vector<16x1xi32> to vector<16xi32>
    %gather3A_94 = tpu.dynamic_gather %scan3A_60#1[%gather3A_93] in [0] : vector<16xf32>, vector<16xi32> -> vector<16xf32>
    %add3A_95 = arith.addf %scan3A_60#1, %gather3A_94 : vector<16xf32>
    %xor3A_96 = arith.constant 4 : i32
    %xor3A_97 = vector.broadcast %xor3A_96 : i32 to vector<16xi32>
    %xor3A_98 = arith.xori %iota3A, %xor3A_97 : vector<16xi32>
    %broadcast_in_dim3A_99 = vector.shape_cast %xor3A_98 : vector<16xi32> to vector<16x1xi32>
    %gather3A_100 = vector.shape_cast %broadcast_in_dim3A_99 : vector<16x1xi32> to vector<16xi32>
    %gather3A_101 = tpu.dynamic_gather %add3A_95[%gather3A_100] in [0] : vector<16xf32>, vector<16xi32> -> vector<16xf32>
    %add3A_102 = arith.addf %add3A_95, %gather3A_101 : vector<16xf32>
    %xor3A_103 = arith.constant 2 : i32
    %xor3A_104 = vector.broadcast %xor3A_103 : i32 to vector<16xi32>
    %xor3A_105 = arith.xori %iota3A, %xor3A_104 : vector<16xi32>
    %broadcast_in_dim3A_106 = vector.shape_cast %xor3A_105 : vector<16xi32> to vector<16x1xi32>
    %gather3A_107 = vector.shape_cast %broadcast_in_dim3A_106 : vector<16x1xi32> to vector<16xi32>
    %gather3A_108 = tpu.dynamic_gather %add3A_102[%gather3A_107] in [0] : vector<16xf32>, vector<16xi32> -> vector<16xf32>
    %add3A_109 = arith.addf %add3A_102, %gather3A_108 : vector<16xf32>
    %xor3A_110 = arith.constant 1 : i32
    %xor3A_111 = vector.broadcast %xor3A_110 : i32 to vector<16xi32>
    %xor3A_112 = arith.xori %iota3A, %xor3A_111 : vector<16xi32>
    %broadcast_in_dim3A_113 = vector.shape_cast %xor3A_112 : vector<16xi32> to vector<16x1xi32>
    %gather3A_114 = vector.shape_cast %broadcast_in_dim3A_113 : vector<16x1xi32> to vector<16xi32>
    %gather3A_115 = tpu.dynamic_gather %add3A_109[%gather3A_114] in [0] : vector<16xf32>, vector<16xi32> -> vector<16xf32>
    %add3A_116 = arith.addf %add3A_109, %gather3A_115 : vector<16xf32>
    %eq3A_117 = arith.constant 1 : i32
    %eq3A_118 = vector.broadcast %eq3A_117 : i32 to vector<16xi32>
    %eq3A_119 = arith.cmpi eq, %iota3A, %eq3A_118 : vector<16xi32>
    %select_n3A_120 = arith.select %eq3A_119, %add3A_116, %select_n3A : vector<16xi1>, vector<16xf32>
    %xor3A_121 = arith.constant 8 : i32
    %xor3A_122 = vector.broadcast %xor3A_121 : i32 to vector<16xi32>
    %xor3A_123 = arith.xori %iota3A, %xor3A_122 : vector<16xi32>
    %broadcast_in_dim3A_124 = vector.shape_cast %xor3A_123 : vector<16xi32> to vector<16x1xi32>
    %gather3A_125 = vector.shape_cast %broadcast_in_dim3A_124 : vector<16x1xi32> to vector<16xi32>
    %gather3A_126 = tpu.dynamic_gather %scan3A_60#2[%gather3A_125] in [0] : vector<16xf32>, vector<16xi32> -> vector<16xf32>
    %add3A_127 = arith.addf %scan3A_60#2, %gather3A_126 : vector<16xf32>
    %xor3A_128 = arith.constant 4 : i32
    %xor3A_129 = vector.broadcast %xor3A_128 : i32 to vector<16xi32>
    %xor3A_130 = arith.xori %iota3A, %xor3A_129 : vector<16xi32>
    %broadcast_in_dim3A_131 = vector.shape_cast %xor3A_130 : vector<16xi32> to vector<16x1xi32>
    %gather3A_132 = vector.shape_cast %broadcast_in_dim3A_131 : vector<16x1xi32> to vector<16xi32>
    %gather3A_133 = tpu.dynamic_gather %add3A_127[%gather3A_132] in [0] : vector<16xf32>, vector<16xi32> -> vector<16xf32>
    %add3A_134 = arith.addf %add3A_127, %gather3A_133 : vector<16xf32>
    %xor3A_135 = arith.constant 2 : i32
    %xor3A_136 = vector.broadcast %xor3A_135 : i32 to vector<16xi32>
    %xor3A_137 = arith.xori %iota3A, %xor3A_136 : vector<16xi32>
    %broadcast_in_dim3A_138 = vector.shape_cast %xor3A_137 : vector<16xi32> to vector<16x1xi32>
    %gather3A_139 = vector.shape_cast %broadcast_in_dim3A_138 : vector<16x1xi32> to vector<16xi32>
    %gather3A_140 = tpu.dynamic_gather %add3A_134[%gather3A_139] in [0] : vector<16xf32>, vector<16xi32> -> vector<16xf32>
    %add3A_141 = arith.addf %add3A_134, %gather3A_140 : vector<16xf32>
    %xor3A_142 = arith.constant 1 : i32
    %xor3A_143 = vector.broadcast %xor3A_142 : i32 to vector<16xi32>
    %xor3A_144 = arith.xori %iota3A, %xor3A_143 : vector<16xi32>
    %broadcast_in_dim3A_145 = vector.shape_cast %xor3A_144 : vector<16xi32> to vector<16x1xi32>
    %gather3A_146 = vector.shape_cast %broadcast_in_dim3A_145 : vector<16x1xi32> to vector<16xi32>
    %gather3A_147 = tpu.dynamic_gather %add3A_141[%gather3A_146] in [0] : vector<16xf32>, vector<16xi32> -> vector<16xf32>
    %add3A_148 = arith.addf %add3A_141, %gather3A_147 : vector<16xf32>
    %eq3A_149 = arith.constant 2 : i32
    %eq3A_150 = vector.broadcast %eq3A_149 : i32 to vector<16xi32>
    %eq3A_151 = arith.cmpi eq, %iota3A, %eq3A_150 : vector<16xi32>
    %select_n3A_152 = arith.select %eq3A_151, %add3A_148, %select_n3A_120 : vector<16xi1>, vector<16xf32>
    %xor3A_153 = arith.constant 8 : i32
    %xor3A_154 = vector.broadcast %xor3A_153 : i32 to vector<16xi32>
    %xor3A_155 = arith.xori %iota3A, %xor3A_154 : vector<16xi32>
    %broadcast_in_dim3A_156 = vector.shape_cast %xor3A_155 : vector<16xi32> to vector<16x1xi32>
    %gather3A_157 = vector.shape_cast %broadcast_in_dim3A_156 : vector<16x1xi32> to vector<16xi32>
    %gather3A_158 = tpu.dynamic_gather %scan3A_60#3[%gather3A_157] in [0] : vector<16xf32>, vector<16xi32> -> vector<16xf32>
    %add3A_159 = arith.addf %scan3A_60#3, %gather3A_158 : vector<16xf32>
    %xor3A_160 = arith.constant 4 : i32
    %xor3A_161 = vector.broadcast %xor3A_160 : i32 to vector<16xi32>
    %xor3A_162 = arith.xori %iota3A, %xor3A_161 : vector<16xi32>
    %broadcast_in_dim3A_163 = vector.shape_cast %xor3A_162 : vector<16xi32> to vector<16x1xi32>
    %gather3A_164 = vector.shape_cast %broadcast_in_dim3A_163 : vector<16x1xi32> to vector<16xi32>
    %gather3A_165 = tpu.dynamic_gather %add3A_159[%gather3A_164] in [0] : vector<16xf32>, vector<16xi32> -> vector<16xf32>
    %add3A_166 = arith.addf %add3A_159, %gather3A_165 : vector<16xf32>
    %xor3A_167 = arith.constant 2 : i32
    %xor3A_168 = vector.broadcast %xor3A_167 : i32 to vector<16xi32>
    %xor3A_169 = arith.xori %iota3A, %xor3A_168 : vector<16xi32>
    %broadcast_in_dim3A_170 = vector.shape_cast %xor3A_169 : vector<16xi32> to vector<16x1xi32>
    %gather3A_171 = vector.shape_cast %broadcast_in_dim3A_170 : vector<16x1xi32> to vector<16xi32>
    %gather3A_172 = tpu.dynamic_gather %add3A_166[%gather3A_171] in [0] : vector<16xf32>, vector<16xi32> -> vector<16xf32>
    %add3A_173 = arith.addf %add3A_166, %gather3A_172 : vector<16xf32>
    %xor3A_174 = arith.constant 1 : i32
    %xor3A_175 = vector.broadcast %xor3A_174 : i32 to vector<16xi32>
    %xor3A_176 = arith.xori %iota3A, %xor3A_175 : vector<16xi32>
    %broadcast_in_dim3A_177 = vector.shape_cast %xor3A_176 : vector<16xi32> to vector<16x1xi32>
    %gather3A_178 = vector.shape_cast %broadcast_in_dim3A_177 : vector<16x1xi32> to vector<16xi32>
    %gather3A_179 = tpu.dynamic_gather %add3A_173[%gather3A_178] in [0] : vector<16xf32>, vector<16xi32> -> vector<16xf32>
    %add3A_180 = arith.addf %add3A_173, %gather3A_179 : vector<16xf32>
    %eq3A_181 = arith.constant 3 : i32
    %eq3A_182 = vector.broadcast %eq3A_181 : i32 to vector<16xi32>
    %eq3A_183 = arith.cmpi eq, %iota3A, %eq3A_182 : vector<16xi32>
    %select_n3A_184 = arith.select %eq3A_183, %add3A_180, %select_n3A_152 : vector<16xi1>, vector<16xf32>
    %add3A_185 = arith.constant 8 : i32
    %add3A_186 = arith.addi %add3A_4, %add3A_185 : i32
    %dma_start3A_187 = arith.constant 0 : i32
    %dma_start3A_188 = arith.constant 0 : i32
    %dma_start3A_189 = arith.constant 0 : i32
    %dma_start3A_190 = arith.constant 0 : i32
    %dma_start3A_191 = tpu.memref_slice %arg6[%dma_start3A_187, %dma_start3A_189, %dma_start3A_190] : memref<2x4x8192xf32, #tpu.memory_space<vmem>> -> memref<1x4x8192xf32, #tpu.memory_space<vmem>>
    %dma_start3A_192 = tpu.memref_squeeze %dma_start3A_191 : memref<1x4x8192xf32, #tpu.memory_space<vmem>> -> memref<4x8192xf32, #tpu.memory_space<vmem>>
    %dma_start3A_193 = arith.constant 0 : i32
    %dma_start3A_194 = tpu.memref_slice %arg2[%add3A_186, %dma_start3A_193] : memref<4096x8192xf32, #tpu.memory_space<hbm>> -> memref<4x8192xf32, #tpu.memory_space<hbm>>
    %dma_start3A_195 = tpu.memref_slice %arg8[%dma_start3A_188] : memref<2x!tpu.dma_semaphore, #tpu.memory_space<semaphore_mem>> -> memref<1x!tpu.dma_semaphore, #tpu.memory_space<semaphore_mem>>
    %dma_start3A_196 = tpu.memref_squeeze %dma_start3A_195 : memref<1x!tpu.dma_semaphore, #tpu.memory_space<semaphore_mem>> -> memref<!tpu.dma_semaphore, #tpu.memory_space<semaphore_mem>>
    %dma_start3A_197 = arith.constant 0 : i32
    %dma_start3A_198 = arith.constant 0 : i32
    %dma_start3A_199 = tpu.memref_slice %arg6[%dma_start3A_187, %dma_start3A_197, %dma_start3A_198] : memref<2x4x8192xf32, #tpu.memory_space<vmem>> -> memref<1x4x8192xf32, #tpu.memory_space<vmem>>
    %dma_start3A_200 = tpu.memref_squeeze %dma_start3A_199 : memref<1x4x8192xf32, #tpu.memory_space<vmem>> -> memref<4x8192xf32, #tpu.memory_space<vmem>>
    %dma_start3A_201 = arith.constant 0 : i32
    %dma_start3A_202 = tpu.memref_slice %arg2[%add3A_186, %dma_start3A_201] : memref<4096x8192xf32, #tpu.memory_space<hbm>> -> memref<4x8192xf32, #tpu.memory_space<hbm>>
    tpu.enqueue_dma source(%dma_start3A_202 : memref<4x8192xf32, #tpu.memory_space<hbm>>) target(%dma_start3A_200 : memref<4x8192xf32, #tpu.memory_space<vmem>>) target_semaphore(%dma_start3A_196 : memref<!tpu.dma_semaphore, #tpu.memory_space<semaphore_mem>>)
    %dma_wait3A_203 = arith.constant 1 : i32
    %dma_wait3A_204 = arith.constant 1 : i32
    %dma_wait3A_205 = arith.constant 0 : i32
    %dma_wait3A_206 = arith.constant 0 : i32
    %dma_wait3A_207 = tpu.memref_slice %arg6[%dma_wait3A_203, %dma_wait3A_205, %dma_wait3A_206] : memref<2x4x8192xf32, #tpu.memory_space<vmem>> -> memref<1x4x8192xf32, #tpu.memory_space<vmem>>
    %dma_wait3A_208 = tpu.memref_squeeze %dma_wait3A_207 : memref<1x4x8192xf32, #tpu.memory_space<vmem>> -> memref<4x8192xf32, #tpu.memory_space<vmem>>
    %dma_wait3A_209 = arith.constant 0 : i32
    %dma_wait3A_210 = tpu.memref_slice %arg2[%add3A_25, %dma_wait3A_209] : memref<4096x8192xf32, #tpu.memory_space<hbm>> -> memref<4x8192xf32, #tpu.memory_space<hbm>>
    %dma_wait3A_211 = tpu.memref_slice %arg8[%dma_wait3A_204] : memref<2x!tpu.dma_semaphore, #tpu.memory_space<semaphore_mem>> -> memref<1x!tpu.dma_semaphore, #tpu.memory_space<semaphore_mem>>
    %dma_wait3A_212 = tpu.memref_squeeze %dma_wait3A_211 : memref<1x!tpu.dma_semaphore, #tpu.memory_space<semaphore_mem>> -> memref<!tpu.dma_semaphore, #tpu.memory_space<semaphore_mem>>
    %dma_wait3A_213 = arith.constant 0 : i32
    %dma_wait3A_214 = arith.constant 0 : i32
    %dma_wait3A_215 = tpu.memref_slice %arg6[%dma_wait3A_203, %dma_wait3A_213, %dma_wait3A_214] : memref<2x4x8192xf32, #tpu.memory_space<vmem>> -> memref<1x4x8192xf32, #tpu.memory_space<vmem>>
    %dma_wait3A_216 = tpu.memref_squeeze %dma_wait3A_215 : memref<1x4x8192xf32, #tpu.memory_space<vmem>> -> memref<4x8192xf32, #tpu.memory_space<vmem>>
    %dma_wait3A_217 = arith.constant 0 : i32
    %dma_wait3A_218 = tpu.memref_slice %arg2[%add3A_25, %dma_wait3A_217] : memref<4096x8192xf32, #tpu.memory_space<hbm>> -> memref<4x8192xf32, #tpu.memory_space<hbm>>
    tpu.wait_dma2 semaphore(%dma_wait3A_212 : memref<!tpu.dma_semaphore, #tpu.memory_space<semaphore_mem>>) src(%dma_wait3A_218 : memref<4x8192xf32, #tpu.memory_space<hbm>>) dst(%dma_wait3A_216 : memref<4x8192xf32, #tpu.memory_space<vmem>>)
    %scan3A_219 = arith.constant 0 : i32
    %scan3A_220 = arith.constant 64 : i32
    %scan3A_221 = arith.addi %scan3A_219, %scan3A_220 : i32
    %scan3A_222 = arith.constant 1 : i32
    %scan3A_223:4 = scf.for %scan3A_1357 = %scan3A_219 to %scan3A_221 step %scan3A_222 iter_args(%scan3A_1358 = %convert_element_type3A, %scan3A_1359 = %convert_element_type3A, %scan3A_1360 = %convert_element_type3A, %scan3A_1361 = %convert_element_type3A) -> (vector<16xf32>, vector<16xf32>, vector<16xf32>, vector<16xf32>)  : i32 {
      %mul3A_1362 = arith.constant 128 : i32
      %mul3A_1363 = arith.muli %scan3A_1357, %mul3A_1362 : i32
      %add3A_1364 = arith.constant 0 : i32
      %add3A_1365 = arith.addi %mul3A_1363, %add3A_1364 : i32
      %get3A = arith.index_cast %add3A_1365 : i32 to index
      %get3A_1366 = tpu.vector_load %arg5[%get3A] {strides = array<i32>} : memref<8192xf32, #tpu.memory_space<vmem>>, vector<16xf32>,
      %get3A_1367 = vector.shape_cast %get3A_1366 : vector<16xf32> to vector<16xf32>
      %get3A_1368 = arith.constant 1 : i32
      %get3A_1369 = arith.constant 0 : i32
      %get3A_1370 = arith.index_cast %get3A_1368 : i32 to index
      %get3A_1371 = arith.index_cast %get3A_1369 : i32 to index
      %get3A_1372 = arith.index_cast %add3A_1365 : i32 to index
      %get3A_1373 = tpu.vector_load %arg6[%get3A_1370, %get3A_1371, %get3A_1372] {strides = array<i32>} : memref<2x4x8192xf32, #tpu.memory_space<vmem>>, vector<1x1x16xf32>,
      %get3A_1374 = vector.shape_cast %get3A_1373 : vector<1x1x16xf32> to vector<16xf32>
      %mul3A_1375 = arith.mulf %get3A_1374, %get3A_1367 : vector<16xf32>
      %add3A_1376 = arith.addf %scan3A_1358, %mul3A_1375 : vector<16xf32>
      %get3A_1377 = arith.constant 1 : i32
      %get3A_1378 = arith.constant 1 : i32
      %get3A_1379 = arith.index_cast %get3A_1377 : i32 to index
      %get3A_1380 = arith.index_cast %get3A_1378 : i32 to index
      %get3A_1381 = arith.index_cast %add3A_1365 : i32 to index
      %get3A_1382 = tpu.vector_load %arg6[%get3A_1379, %get3A_1380, %get3A_1381] {strides = array<i32>} : memref<2x4x8192xf32, #tpu.memory_space<vmem>>, vector<1x1x16xf32>,
      %get3A_1383 = vector.shape_cast %get3A_1382 : vector<1x1x16xf32> to vector<16xf32>
      %mul3A_1384 = arith.mulf %get3A_1383, %get3A_1367 : vector<16xf32>
      %add3A_1385 = arith.addf %scan3A_1359, %mul3A_1384 : vector<16xf32>
      %get3A_1386 = arith.constant 1 : i32
      %get3A_1387 = arith.constant 2 : i32
      %get3A_1388 = arith.index_cast %get3A_1386 : i32 to index
      %get3A_1389 = arith.index_cast %get3A_1387 : i32 to index
      %get3A_1390 = arith.index_cast %add3A_1365 : i32 to index
      %get3A_1391 = tpu.vector_load %arg6[%get3A_1388, %get3A_1389, %get3A_1390] {strides = array<i32>} : memref<2x4x8192xf32, #tpu.memory_space<vmem>>, vector<1x1x16xf32>,
      %get3A_1392 = vector.shape_cast %get3A_1391 : vector<1x1x16xf32> to vector<16xf32>
      %mul3A_1393 = arith.mulf %get3A_1392, %get3A_1367 : vector<16xf32>
      %add3A_1394 = arith.addf %scan3A_1360, %mul3A_1393 : vector<16xf32>
      %get3A_1395 = arith.constant 1 : i32
      %get3A_1396 = arith.constant 3 : i32
      %get3A_1397 = arith.index_cast %get3A_1395 : i32 to index
      %get3A_1398 = arith.index_cast %get3A_1396 : i32 to index
      %get3A_1399 = arith.index_cast %add3A_1365 : i32 to index
      %get3A_1400 = tpu.vector_load %arg6[%get3A_1397, %get3A_1398, %get3A_1399] {strides = array<i32>} : memref<2x4x8192xf32, #tpu.memory_space<vmem>>, vector<1x1x16xf32>,
      %get3A_1401 = vector.shape_cast %get3A_1400 : vector<1x1x16xf32> to vector<16xf32>
      %mul3A_1402 = arith.mulf %get3A_1401, %get3A_1367 : vector<16xf32>
      %add3A_1403 = arith.addf %scan3A_1361, %mul3A_1402 : vector<16xf32>
      %add3A_1404 = arith.constant 16 : i32
      %add3A_1405 = arith.addi %mul3A_1363, %add3A_1404 : i32
      %get3A_1406 = arith.index_cast %add3A_1405 : i32 to index
      %get3A_1407 = tpu.vector_load %arg5[%get3A_1406] {strides = array<i32>} : memref<8192xf32, #tpu.memory_space<vmem>>, vector<16xf32>,
      %get3A_1408 = vector.shape_cast %get3A_1407 : vector<16xf32> to vector<16xf32>
      %get3A_1409 = arith.constant 1 : i32
      %get3A_1410 = arith.constant 0 : i32
      %get3A_1411 = arith.index_cast %get3A_1409 : i32 to index
      %get3A_1412 = arith.index_cast %get3A_1410 : i32 to index
      %get3A_1413 = arith.index_cast %add3A_1405 : i32 to index
      %get3A_1414 = tpu.vector_load %arg6[%get3A_1411, %get3A_1412, %get3A_1413] {strides = array<i32>} : memref<2x4x8192xf32, #tpu.memory_space<vmem>>, vector<1x1x16xf32>,
      %get3A_1415 = vector.shape_cast %get3A_1414 : vector<1x1x16xf32> to vector<16xf32>
      %mul3A_1416 = arith.mulf %get3A_1415, %get3A_1408 : vector<16xf32>
      %add3A_1417 = arith.addf %add3A_1376, %mul3A_1416 : vector<16xf32>
      %get3A_1418 = arith.constant 1 : i32
      %get3A_1419 = arith.constant 1 : i32
      %get3A_1420 = arith.index_cast %get3A_1418 : i32 to index
      %get3A_1421 = arith.index_cast %get3A_1419 : i32 to index
      %get3A_1422 = arith.index_cast %add3A_1405 : i32 to index
      %get3A_1423 = tpu.vector_load %arg6[%get3A_1420, %get3A_1421, %get3A_1422] {strides = array<i32>} : memref<2x4x8192xf32, #tpu.memory_space<vmem>>, vector<1x1x16xf32>,
      %get3A_1424 = vector.shape_cast %get3A_1423 : vector<1x1x16xf32> to vector<16xf32>
      %mul3A_1425 = arith.mulf %get3A_1424, %get3A_1408 : vector<16xf32>
      %add3A_1426 = arith.addf %add3A_1385, %mul3A_1425 : vector<16xf32>
      %get3A_1427 = arith.constant 1 : i32
      %get3A_1428 = arith.constant 2 : i32
      %get3A_1429 = arith.index_cast %get3A_1427 : i32 to index
      %get3A_1430 = arith.index_cast %get3A_1428 : i32 to index
      %get3A_1431 = arith.index_cast %add3A_1405 : i32 to index
      %get3A_1432 = tpu.vector_load %arg6[%get3A_1429, %get3A_1430, %get3A_1431] {strides = array<i32>} : memref<2x4x8192xf32, #tpu.memory_space<vmem>>, vector<1x1x16xf32>,
      %get3A_1433 = vector.shape_cast %get3A_1432 : vector<1x1x16xf32> to vector<16xf32>
      %mul3A_1434 = arith.mulf %get3A_1433, %get3A_1408 : vector<16xf32>
      %add3A_1435 = arith.addf %add3A_1394, %mul3A_1434 : vector<16xf32>
      %get3A_1436 = arith.constant 1 : i32
      %get3A_1437 = arith.constant 3 : i32
      %get3A_1438 = arith.index_cast %get3A_1436 : i32 to index
      %get3A_1439 = arith.index_cast %get3A_1437 : i32 to index
      %get3A_1440 = arith.index_cast %add3A_1405 : i32 to index
      %get3A_1441 = tpu.vector_load %arg6[%get3A_1438, %get3A_1439, %get3A_1440] {strides = array<i32>} : memref<2x4x8192xf32, #tpu.memory_space<vmem>>, vector<1x1x16xf32>,
      %get3A_1442 = vector.shape_cast %get3A_1441 : vector<1x1x16xf32> to vector<16xf32>
      %mul3A_1443 = arith.mulf %get3A_1442, %get3A_1408 : vector<16xf32>
      %add3A_1444 = arith.addf %add3A_1403, %mul3A_1443 : vector<16xf32>
      %add3A_1445 = arith.constant 32 : i32
      %add3A_1446 = arith.addi %mul3A_1363, %add3A_1445 : i32
      %get3A_1447 = arith.index_cast %add3A_1446 : i32 to index
      %get3A_1448 = tpu.vector_load %arg5[%get3A_1447] {strides = array<i32>} : memref<8192xf32, #tpu.memory_space<vmem>>, vector<16xf32>,
      %get3A_1449 = vector.shape_cast %get3A_1448 : vector<16xf32> to vector<16xf32>
      %get3A_1450 = arith.constant 1 : i32
      %get3A_1451 = arith.constant 0 : i32
      %get3A_1452 = arith.index_cast %get3A_1450 : i32 to index
      %get3A_1453 = arith.index_cast %get3A_1451 : i32 to index
      %get3A_1454 = arith.index_cast %add3A_1446 : i32 to index
      %get3A_1455 = tpu.vector_load %arg6[%get3A_1452, %get3A_1453, %get3A_1454] {strides = array<i32>} : memref<2x4x8192xf32, #tpu.memory_space<vmem>>, vector<1x1x16xf32>,
      %get3A_1456 = vector.shape_cast %get3A_1455 : vector<1x1x16xf32> to vector<16xf32>
      %mul3A_1457 = arith.mulf %get3A_1456, %get3A_1449 : vector<16xf32>
      %add3A_1458 = arith.addf %add3A_1417, %mul3A_1457 : vector<16xf32>
      %get3A_1459 = arith.constant 1 : i32
      %get3A_1460 = arith.constant 1 : i32
      %get3A_1461 = arith.index_cast %get3A_1459 : i32 to index
      %get3A_1462 = arith.index_cast %get3A_1460 : i32 to index
      %get3A_1463 = arith.index_cast %add3A_1446 : i32 to index
      %get3A_1464 = tpu.vector_load %arg6[%get3A_1461, %get3A_1462, %get3A_1463] {strides = array<i32>} : memref<2x4x8192xf32, #tpu.memory_space<vmem>>, vector<1x1x16xf32>,
      %get3A_1465 = vector.shape_cast %get3A_1464 : vector<1x1x16xf32> to vector<16xf32>
      %mul3A_1466 = arith.mulf %get3A_1465, %get3A_1449 : vector<16xf32>
      %add3A_1467 = arith.addf %add3A_1426, %mul3A_1466 : vector<16xf32>
      %get3A_1468 = arith.constant 1 : i32
      %get3A_1469 = arith.constant 2 : i32
      %get3A_1470 = arith.index_cast %get3A_1468 : i32 to index
      %get3A_1471 = arith.index_cast %get3A_1469 : i32 to index
      %get3A_1472 = arith.index_cast %add3A_1446 : i32 to index
      %get3A_1473 = tpu.vector_load %arg6[%get3A_1470, %get3A_1471, %get3A_1472] {strides = array<i32>} : memref<2x4x8192xf32, #tpu.memory_space<vmem>>, vector<1x1x16xf32>,
      %get3A_1474 = vector.shape_cast %get3A_1473 : vector<1x1x16xf32> to vector<16xf32>
      %mul3A_1475 = arith.mulf %get3A_1474, %get3A_1449 : vector<16xf32>
      %add3A_1476 = arith.addf %add3A_1435, %mul3A_1475 : vector<16xf32>
      %get3A_1477 = arith.constant 1 : i32
      %get3A_1478 = arith.constant 3 : i32
      %get3A_1479 = arith.index_cast %get3A_1477 : i32 to index
      %get3A_1480 = arith.index_cast %get3A_1478 : i32 to index
      %get3A_1481 = arith.index_cast %add3A_1446 : i32 to index
      %get3A_1482 = tpu.vector_load %arg6[%get3A_1479, %get3A_1480, %get3A_1481] {strides = array<i32>} : memref<2x4x8192xf32, #tpu.memory_space<vmem>>, vector<1x1x16xf32>,
      %get3A_1483 = vector.shape_cast %get3A_1482 : vector<1x1x16xf32> to vector<16xf32>
      %mul3A_1484 = arith.mulf %get3A_1483, %get3A_1449 : vector<16xf32>
      %add3A_1485 = arith.addf %add3A_1444, %mul3A_1484 : vector<16xf32>
      %add3A_1486 = arith.constant 48 : i32
      %add3A_1487 = arith.addi %mul3A_1363, %add3A_1486 : i32
      %get3A_1488 = arith.index_cast %add3A_1487 : i32 to index
      %get3A_1489 = tpu.vector_load %arg5[%get3A_1488] {strides = array<i32>} : memref<8192xf32, #tpu.memory_space<vmem>>, vector<16xf32>,
      %get3A_1490 = vector.shape_cast %get3A_1489 : vector<16xf32> to vector<16xf32>
      %get3A_1491 = arith.constant 1 : i32
      %get3A_1492 = arith.constant 0 : i32
      %get3A_1493 = arith.index_cast %get3A_1491 : i32 to index
      %get3A_1494 = arith.index_cast %get3A_1492 : i32 to index
      %get3A_1495 = arith.index_cast %add3A_1487 : i32 to index
      %get3A_1496 = tpu.vector_load %arg6[%get3A_1493, %get3A_1494, %get3A_1495] {strides = array<i32>} : memref<2x4x8192xf32, #tpu.memory_space<vmem>>, vector<1x1x16xf32>,
      %get3A_1497 = vector.shape_cast %get3A_1496 : vector<1x1x16xf32> to vector<16xf32>
      %mul3A_1498 = arith.mulf %get3A_1497, %get3A_1490 : vector<16xf32>
      %add3A_1499 = arith.addf %add3A_1458, %mul3A_1498 : vector<16xf32>
      %get3A_1500 = arith.constant 1 : i32
      %get3A_1501 = arith.constant 1 : i32
      %get3A_1502 = arith.index_cast %get3A_1500 : i32 to index
      %get3A_1503 = arith.index_cast %get3A_1501 : i32 to index
      %get3A_1504 = arith.index_cast %add3A_1487 : i32 to index
      %get3A_1505 = tpu.vector_load %arg6[%get3A_1502, %get3A_1503, %get3A_1504] {strides = array<i32>} : memref<2x4x8192xf32, #tpu.memory_space<vmem>>, vector<1x1x16xf32>,
      %get3A_1506 = vector.shape_cast %get3A_1505 : vector<1x1x16xf32> to vector<16xf32>
      %mul3A_1507 = arith.mulf %get3A_1506, %get3A_1490 : vector<16xf32>
      %add3A_1508 = arith.addf %add3A_1467, %mul3A_1507 : vector<16xf32>
      %get3A_1509 = arith.constant 1 : i32
      %get3A_1510 = arith.constant 2 : i32
      %get3A_1511 = arith.index_cast %get3A_1509 : i32 to index
      %get3A_1512 = arith.index_cast %get3A_1510 : i32 to index
      %get3A_1513 = arith.index_cast %add3A_1487 : i32 to index
      %get3A_1514 = tpu.vector_load %arg6[%get3A_1511, %get3A_1512, %get3A_1513] {strides = array<i32>} : memref<2x4x8192xf32, #tpu.memory_space<vmem>>, vector<1x1x16xf32>,
      %get3A_1515 = vector.shape_cast %get3A_1514 : vector<1x1x16xf32> to vector<16xf32>
      %mul3A_1516 = arith.mulf %get3A_1515, %get3A_1490 : vector<16xf32>
      %add3A_1517 = arith.addf %add3A_1476, %mul3A_1516 : vector<16xf32>
      %get3A_1518 = arith.constant 1 : i32
      %get3A_1519 = arith.constant 3 : i32
      %get3A_1520 = arith.index_cast %get3A_1518 : i32 to index
      %get3A_1521 = arith.index_cast %get3A_1519 : i32 to index
      %get3A_1522 = arith.index_cast %add3A_1487 : i32 to index
      %get3A_1523 = tpu.vector_load %arg6[%get3A_1520, %get3A_1521, %get3A_1522] {strides = array<i32>} : memref<2x4x8192xf32, #tpu.memory_space<vmem>>, vector<1x1x16xf32>,
      %get3A_1524 = vector.shape_cast %get3A_1523 : vector<1x1x16xf32> to vector<16xf32>
      %mul3A_1525 = arith.mulf %get3A_1524, %get3A_1490 : vector<16xf32>
      %add3A_1526 = arith.addf %add3A_1485, %mul3A_1525 : vector<16xf32>
      %add3A_1527 = arith.constant 64 : i32
      %add3A_1528 = arith.addi %mul3A_1363, %add3A_1527 : i32
      %get3A_1529 = arith.index_cast %add3A_1528 : i32 to index
      %get3A_1530 = tpu.vector_load %arg5[%get3A_1529] {strides = array<i32>} : memref<8192xf32, #tpu.memory_space<vmem>>, vector<16xf32>,
      %get3A_1531 = vector.shape_cast %get3A_1530 : vector<16xf32> to vector<16xf32>
      %get3A_1532 = arith.constant 1 : i32
      %get3A_1533 = arith.constant 0 : i32
      %get3A_1534 = arith.index_cast %get3A_1532 : i32 to index
      %get3A_1535 = arith.index_cast %get3A_1533 : i32 to index
      %get3A_1536 = arith.index_cast %add3A_1528 : i32 to index
      %get3A_1537 = tpu.vector_load %arg6[%get3A_1534, %get3A_1535, %get3A_1536] {strides = array<i32>} : memref<2x4x8192xf32, #tpu.memory_space<vmem>>, vector<1x1x16xf32>,
      %get3A_1538 = vector.shape_cast %get3A_1537 : vector<1x1x16xf32> to vector<16xf32>
      %mul3A_1539 = arith.mulf %get3A_1538, %get3A_1531 : vector<16xf32>
      %add3A_1540 = arith.addf %add3A_1499, %mul3A_1539 : vector<16xf32>
      %get3A_1541 = arith.constant 1 : i32
      %get3A_1542 = arith.constant 1 : i32
      %get3A_1543 = arith.index_cast %get3A_1541 : i32 to index
      %get3A_1544 = arith.index_cast %get3A_1542 : i32 to index
      %get3A_1545 = arith.index_cast %add3A_1528 : i32 to index
      %get3A_1546 = tpu.vector_load %arg6[%get3A_1543, %get3A_1544, %get3A_1545] {strides = array<i32>} : memref<2x4x8192xf32, #tpu.memory_space<vmem>>, vector<1x1x16xf32>,
      %get3A_1547 = vector.shape_cast %get3A_1546 : vector<1x1x16xf32> to vector<16xf32>
      %mul3A_1548 = arith.mulf %get3A_1547, %get3A_1531 : vector<16xf32>
      %add3A_1549 = arith.addf %add3A_1508, %mul3A_1548 : vector<16xf32>
      %get3A_1550 = arith.constant 1 : i32
      %get3A_1551 = arith.constant 2 : i32
      %get3A_1552 = arith.index_cast %get3A_1550 : i32 to index
      %get3A_1553 = arith.index_cast %get3A_1551 : i32 to index
      %get3A_1554 = arith.index_cast %add3A_1528 : i32 to index
      %get3A_1555 = tpu.vector_load %arg6[%get3A_1552, %get3A_1553, %get3A_1554] {strides = array<i32>} : memref<2x4x8192xf32, #tpu.memory_space<vmem>>, vector<1x1x16xf32>,
      %get3A_1556 = vector.shape_cast %get3A_1555 : vector<1x1x16xf32> to vector<16xf32>
      %mul3A_1557 = arith.mulf %get3A_1556, %get3A_1531 : vector<16xf32>
      %add3A_1558 = arith.addf %add3A_1517, %mul3A_1557 : vector<16xf32>
      %get3A_1559 = arith.constant 1 : i32
      %get3A_1560 = arith.constant 3 : i32
      %get3A_1561 = arith.index_cast %get3A_1559 : i32 to index
      %get3A_1562 = arith.index_cast %get3A_1560 : i32 to index
      %get3A_1563 = arith.index_cast %add3A_1528 : i32 to index
      %get3A_1564 = tpu.vector_load %arg6[%get3A_1561, %get3A_1562, %get3A_1563] {strides = array<i32>} : memref<2x4x8192xf32, #tpu.memory_space<vmem>>, vector<1x1x16xf32>,
      %get3A_1565 = vector.shape_cast %get3A_1564 : vector<1x1x16xf32> to vector<16xf32>
      %mul3A_1566 = arith.mulf %get3A_1565, %get3A_1531 : vector<16xf32>
      %add3A_1567 = arith.addf %add3A_1526, %mul3A_1566 : vector<16xf32>
      %add3A_1568 = arith.constant 80 : i32
      %add3A_1569 = arith.addi %mul3A_1363, %add3A_1568 : i32
      %get3A_1570 = arith.index_cast %add3A_1569 : i32 to index
      %get3A_1571 = tpu.vector_load %arg5[%get3A_1570] {strides = array<i32>} : memref<8192xf32, #tpu.memory_space<vmem>>, vector<16xf32>,
      %get3A_1572 = vector.shape_cast %get3A_1571 : vector<16xf32> to vector<16xf32>
      %get3A_1573 = arith.constant 1 : i32
      %get3A_1574 = arith.constant 0 : i32
      %get3A_1575 = arith.index_cast %get3A_1573 : i32 to index
      %get3A_1576 = arith.index_cast %get3A_1574 : i32 to index
      %get3A_1577 = arith.index_cast %add3A_1569 : i32 to index
      %get3A_1578 = tpu.vector_load %arg6[%get3A_1575, %get3A_1576, %get3A_1577] {strides = array<i32>} : memref<2x4x8192xf32, #tpu.memory_space<vmem>>, vector<1x1x16xf32>,
      %get3A_1579 = vector.shape_cast %get3A_1578 : vector<1x1x16xf32> to vector<16xf32>
      %mul3A_1580 = arith.mulf %get3A_1579, %get3A_1572 : vector<16xf32>
      %add3A_1581 = arith.addf %add3A_1540, %mul3A_1580 : vector<16xf32>
      %get3A_1582 = arith.constant 1 : i32
      %get3A_1583 = arith.constant 1 : i32
      %get3A_1584 = arith.index_cast %get3A_1582 : i32 to index
      %get3A_1585 = arith.index_cast %get3A_1583 : i32 to index
      %get3A_1586 = arith.index_cast %add3A_1569 : i32 to index
      %get3A_1587 = tpu.vector_load %arg6[%get3A_1584, %get3A_1585, %get3A_1586] {strides = array<i32>} : memref<2x4x8192xf32, #tpu.memory_space<vmem>>, vector<1x1x16xf32>,
      %get3A_1588 = vector.shape_cast %get3A_1587 : vector<1x1x16xf32> to vector<16xf32>
      %mul3A_1589 = arith.mulf %get3A_1588, %get3A_1572 : vector<16xf32>
      %add3A_1590 = arith.addf %add3A_1549, %mul3A_1589 : vector<16xf32>
      %get3A_1591 = arith.constant 1 : i32
      %get3A_1592 = arith.constant 2 : i32
      %get3A_1593 = arith.index_cast %get3A_1591 : i32 to index
      %get3A_1594 = arith.index_cast %get3A_1592 : i32 to index
      %get3A_1595 = arith.index_cast %add3A_1569 : i32 to index
      %get3A_1596 = tpu.vector_load %arg6[%get3A_1593, %get3A_1594, %get3A_1595] {strides = array<i32>} : memref<2x4x8192xf32, #tpu.memory_space<vmem>>, vector<1x1x16xf32>,
      %get3A_1597 = vector.shape_cast %get3A_1596 : vector<1x1x16xf32> to vector<16xf32>
      %mul3A_1598 = arith.mulf %get3A_1597, %get3A_1572 : vector<16xf32>
      %add3A_1599 = arith.addf %add3A_1558, %mul3A_1598 : vector<16xf32>
      %get3A_1600 = arith.constant 1 : i32
      %get3A_1601 = arith.constant 3 : i32
      %get3A_1602 = arith.index_cast %get3A_1600 : i32 to index
      %get3A_1603 = arith.index_cast %get3A_1601 : i32 to index
      %get3A_1604 = arith.index_cast %add3A_1569 : i32 to index
      %get3A_1605 = tpu.vector_load %arg6[%get3A_1602, %get3A_1603, %get3A_1604] {strides = array<i32>} : memref<2x4x8192xf32, #tpu.memory_space<vmem>>, vector<1x1x16xf32>,
      %get3A_1606 = vector.shape_cast %get3A_1605 : vector<1x1x16xf32> to vector<16xf32>
      %mul3A_1607 = arith.mulf %get3A_1606, %get3A_1572 : vector<16xf32>
      %add3A_1608 = arith.addf %add3A_1567, %mul3A_1607 : vector<16xf32>
      %add3A_1609 = arith.constant 96 : i32
      %add3A_1610 = arith.addi %mul3A_1363, %add3A_1609 : i32
      %get3A_1611 = arith.index_cast %add3A_1610 : i32 to index
      %get3A_1612 = tpu.vector_load %arg5[%get3A_1611] {strides = array<i32>} : memref<8192xf32, #tpu.memory_space<vmem>>, vector<16xf32>,
      %get3A_1613 = vector.shape_cast %get3A_1612 : vector<16xf32> to vector<16xf32>
      %get3A_1614 = arith.constant 1 : i32
      %get3A_1615 = arith.constant 0 : i32
      %get3A_1616 = arith.index_cast %get3A_1614 : i32 to index
      %get3A_1617 = arith.index_cast %get3A_1615 : i32 to index
      %get3A_1618 = arith.index_cast %add3A_1610 : i32 to index
      %get3A_1619 = tpu.vector_load %arg6[%get3A_1616, %get3A_1617, %get3A_1618] {strides = array<i32>} : memref<2x4x8192xf32, #tpu.memory_space<vmem>>, vector<1x1x16xf32>,
      %get3A_1620 = vector.shape_cast %get3A_1619 : vector<1x1x16xf32> to vector<16xf32>
      %mul3A_1621 = arith.mulf %get3A_1620, %get3A_1613 : vector<16xf32>
      %add3A_1622 = arith.addf %add3A_1581, %mul3A_1621 : vector<16xf32>
      %get3A_1623 = arith.constant 1 : i32
      %get3A_1624 = arith.constant 1 : i32
      %get3A_1625 = arith.index_cast %get3A_1623 : i32 to index
      %get3A_1626 = arith.index_cast %get3A_1624 : i32 to index
      %get3A_1627 = arith.index_cast %add3A_1610 : i32 to index
      %get3A_1628 = tpu.vector_load %arg6[%get3A_1625, %get3A_1626, %get3A_1627] {strides = array<i32>} : memref<2x4x8192xf32, #tpu.memory_space<vmem>>, vector<1x1x16xf32>,
      %get3A_1629 = vector.shape_cast %get3A_1628 : vector<1x1x16xf32> to vector<16xf32>
      %mul3A_1630 = arith.mulf %get3A_1629, %get3A_1613 : vector<16xf32>
      %add3A_1631 = arith.addf %add3A_1590, %mul3A_1630 : vector<16xf32>
      %get3A_1632 = arith.constant 1 : i32
      %get3A_1633 = arith.constant 2 : i32
      %get3A_1634 = arith.index_cast %get3A_1632 : i32 to index
      %get3A_1635 = arith.index_cast %get3A_1633 : i32 to index
      %get3A_1636 = arith.index_cast %add3A_1610 : i32 to index
      %get3A_1637 = tpu.vector_load %arg6[%get3A_1634, %get3A_1635, %get3A_1636] {strides = array<i32>} : memref<2x4x8192xf32, #tpu.memory_space<vmem>>, vector<1x1x16xf32>,
      %get3A_1638 = vector.shape_cast %get3A_1637 : vector<1x1x16xf32> to vector<16xf32>
      %mul3A_1639 = arith.mulf %get3A_1638, %get3A_1613 : vector<16xf32>
      %add3A_1640 = arith.addf %add3A_1599, %mul3A_1639 : vector<16xf32>
      %get3A_1641 = arith.constant 1 : i32
      %get3A_1642 = arith.constant 3 : i32
      %get3A_1643 = arith.index_cast %get3A_1641 : i32 to index
      %get3A_1644 = arith.index_cast %get3A_1642 : i32 to index
      %get3A_1645 = arith.index_cast %add3A_1610 : i32 to index
      %get3A_1646 = tpu.vector_load %arg6[%get3A_1643, %get3A_1644, %get3A_1645] {strides = array<i32>} : memref<2x4x8192xf32, #tpu.memory_space<vmem>>, vector<1x1x16xf32>,
      %get3A_1647 = vector.shape_cast %get3A_1646 : vector<1x1x16xf32> to vector<16xf32>
      %mul3A_1648 = arith.mulf %get3A_1647, %get3A_1613 : vector<16xf32>
      %add3A_1649 = arith.addf %add3A_1608, %mul3A_1648 : vector<16xf32>
      %add3A_1650 = arith.constant 112 : i32
      %add3A_1651 = arith.addi %mul3A_1363, %add3A_1650 : i32
      %get3A_1652 = arith.index_cast %add3A_1651 : i32 to index
      %get3A_1653 = tpu.vector_load %arg5[%get3A_1652] {strides = array<i32>} : memref<8192xf32, #tpu.memory_space<vmem>>, vector<16xf32>,
      %get3A_1654 = vector.shape_cast %get3A_1653 : vector<16xf32> to vector<16xf32>
      %get3A_1655 = arith.constant 1 : i32
      %get3A_1656 = arith.constant 0 : i32
      %get3A_1657 = arith.index_cast %get3A_1655 : i32 to index
      %get3A_1658 = arith.index_cast %get3A_1656 : i32 to index
      %get3A_1659 = arith.index_cast %add3A_1651 : i32 to index
      %get3A_1660 = tpu.vector_load %arg6[%get3A_1657, %get3A_1658, %get3A_1659] {strides = array<i32>} : memref<2x4x8192xf32, #tpu.memory_space<vmem>>, vector<1x1x16xf32>,
      %get3A_1661 = vector.shape_cast %get3A_1660 : vector<1x1x16xf32> to vector<16xf32>
      %mul3A_1662 = arith.mulf %get3A_1661, %get3A_1654 : vector<16xf32>
      %add3A_1663 = arith.addf %add3A_1622, %mul3A_1662 : vector<16xf32>
      %get3A_1664 = arith.constant 1 : i32
      %get3A_1665 = arith.constant 1 : i32
      %get3A_1666 = arith.index_cast %get3A_1664 : i32 to index
      %get3A_1667 = arith.index_cast %get3A_1665 : i32 to index
      %get3A_1668 = arith.index_cast %add3A_1651 : i32 to index
      %get3A_1669 = tpu.vector_load %arg6[%get3A_1666, %get3A_1667, %get3A_1668] {strides = array<i32>} : memref<2x4x8192xf32, #tpu.memory_space<vmem>>, vector<1x1x16xf32>,
      %get3A_1670 = vector.shape_cast %get3A_1669 : vector<1x1x16xf32> to vector<16xf32>
      %mul3A_1671 = arith.mulf %get3A_1670, %get3A_1654 : vector<16xf32>
      %add3A_1672 = arith.addf %add3A_1631, %mul3A_1671 : vector<16xf32>
      %get3A_1673 = arith.constant 1 : i32
      %get3A_1674 = arith.constant 2 : i32
      %get3A_1675 = arith.index_cast %get3A_1673 : i32 to index
      %get3A_1676 = arith.index_cast %get3A_1674 : i32 to index
      %get3A_1677 = arith.index_cast %add3A_1651 : i32 to index
      %get3A_1678 = tpu.vector_load %arg6[%get3A_1675, %get3A_1676, %get3A_1677] {strides = array<i32>} : memref<2x4x8192xf32, #tpu.memory_space<vmem>>, vector<1x1x16xf32>,
      %get3A_1679 = vector.shape_cast %get3A_1678 : vector<1x1x16xf32> to vector<16xf32>
      %mul3A_1680 = arith.mulf %get3A_1679, %get3A_1654 : vector<16xf32>
      %add3A_1681 = arith.addf %add3A_1640, %mul3A_1680 : vector<16xf32>
      %get3A_1682 = arith.constant 1 : i32
      %get3A_1683 = arith.constant 3 : i32
      %get3A_1684 = arith.index_cast %get3A_1682 : i32 to index
      %get3A_1685 = arith.index_cast %get3A_1683 : i32 to index
      %get3A_1686 = arith.index_cast %add3A_1651 : i32 to index
      %get3A_1687 = tpu.vector_load %arg6[%get3A_1684, %get3A_1685, %get3A_1686] {strides = array<i32>} : memref<2x4x8192xf32, #tpu.memory_space<vmem>>, vector<1x1x16xf32>,
      %get3A_1688 = vector.shape_cast %get3A_1687 : vector<1x1x16xf32> to vector<16xf32>
      %mul3A_1689 = arith.mulf %get3A_1688, %get3A_1654 : vector<16xf32>
      %add3A_1690 = arith.addf %add3A_1649, %mul3A_1689 : vector<16xf32>
      scf.yield %add3A_1663, %add3A_1672, %add3A_1681, %add3A_1690 : vector<16xf32>, vector<16xf32>, vector<16xf32>, vector<16xf32>
    }
    %scan3A_224 = arith.constant 64 : i32
    %xor3A_225 = arith.constant 8 : i32
    %xor3A_226 = vector.broadcast %xor3A_225 : i32 to vector<16xi32>
    %xor3A_227 = arith.xori %iota3A, %xor3A_226 : vector<16xi32>
    %broadcast_in_dim3A_228 = vector.shape_cast %xor3A_227 : vector<16xi32> to vector<16x1xi32>
    %gather3A_229 = vector.shape_cast %broadcast_in_dim3A_228 : vector<16x1xi32> to vector<16xi32>
    %gather3A_230 = tpu.dynamic_gather %scan3A_223#0[%gather3A_229] in [0] : vector<16xf32>, vector<16xi32> -> vector<16xf32>
    %add3A_231 = arith.addf %scan3A_223#0, %gather3A_230 : vector<16xf32>
    %xor3A_232 = arith.constant 4 : i32
    %xor3A_233 = vector.broadcast %xor3A_232 : i32 to vector<16xi32>
    %xor3A_234 = arith.xori %iota3A, %xor3A_233 : vector<16xi32>
    %broadcast_in_dim3A_235 = vector.shape_cast %xor3A_234 : vector<16xi32> to vector<16x1xi32>
    %gather3A_236 = vector.shape_cast %broadcast_in_dim3A_235 : vector<16x1xi32> to vector<16xi32>
    %gather3A_237 = tpu.dynamic_gather %add3A_231[%gather3A_236] in [0] : vector<16xf32>, vector<16xi32> -> vector<16xf32>
    %add3A_238 = arith.addf %add3A_231, %gather3A_237 : vector<16xf32>
    %xor3A_239 = arith.constant 2 : i32
    %xor3A_240 = vector.broadcast %xor3A_239 : i32 to vector<16xi32>
    %xor3A_241 = arith.xori %iota3A, %xor3A_240 : vector<16xi32>
    %broadcast_in_dim3A_242 = vector.shape_cast %xor3A_241 : vector<16xi32> to vector<16x1xi32>
    %gather3A_243 = vector.shape_cast %broadcast_in_dim3A_242 : vector<16x1xi32> to vector<16xi32>
    %gather3A_244 = tpu.dynamic_gather %add3A_238[%gather3A_243] in [0] : vector<16xf32>, vector<16xi32> -> vector<16xf32>
    %add3A_245 = arith.addf %add3A_238, %gather3A_244 : vector<16xf32>
    %xor3A_246 = arith.constant 1 : i32
    %xor3A_247 = vector.broadcast %xor3A_246 : i32 to vector<16xi32>
    %xor3A_248 = arith.xori %iota3A, %xor3A_247 : vector<16xi32>
    %broadcast_in_dim3A_249 = vector.shape_cast %xor3A_248 : vector<16xi32> to vector<16x1xi32>
    %gather3A_250 = vector.shape_cast %broadcast_in_dim3A_249 : vector<16x1xi32> to vector<16xi32>
    %gather3A_251 = tpu.dynamic_gather %add3A_245[%gather3A_250] in [0] : vector<16xf32>, vector<16xi32> -> vector<16xf32>
    %add3A_252 = arith.addf %add3A_245, %gather3A_251 : vector<16xf32>
    %eq3A_253 = arith.constant 4 : i32
    %eq3A_254 = vector.broadcast %eq3A_253 : i32 to vector<16xi32>
    %eq3A_255 = arith.cmpi eq, %iota3A, %eq3A_254 : vector<16xi32>
    %select_n3A_256 = arith.select %eq3A_255, %add3A_252, %select_n3A_184 : vector<16xi1>, vector<16xf32>
    %xor3A_257 = arith.constant 8 : i32
    %xor3A_258 = vector.broadcast %xor3A_257 : i32 to vector<16xi32>
    %xor3A_259 = arith.xori %iota3A, %xor3A_258 : vector<16xi32>
    %broadcast_in_dim3A_260 = vector.shape_cast %xor3A_259 : vector<16xi32> to vector<16x1xi32>
    %gather3A_261 = vector.shape_cast %broadcast_in_dim3A_260 : vector<16x1xi32> to vector<16xi32>
    %gather3A_262 = tpu.dynamic_gather %scan3A_223#1[%gather3A_261] in [0] : vector<16xf32>, vector<16xi32> -> vector<16xf32>
    %add3A_263 = arith.addf %scan3A_223#1, %gather3A_262 : vector<16xf32>
    %xor3A_264 = arith.constant 4 : i32
    %xor3A_265 = vector.broadcast %xor3A_264 : i32 to vector<16xi32>
    %xor3A_266 = arith.xori %iota3A, %xor3A_265 : vector<16xi32>
    %broadcast_in_dim3A_267 = vector.shape_cast %xor3A_266 : vector<16xi32> to vector<16x1xi32>
    %gather3A_268 = vector.shape_cast %broadcast_in_dim3A_267 : vector<16x1xi32> to vector<16xi32>
    %gather3A_269 = tpu.dynamic_gather %add3A_263[%gather3A_268] in [0] : vector<16xf32>, vector<16xi32> -> vector<16xf32>
    %add3A_270 = arith.addf %add3A_263, %gather3A_269 : vector<16xf32>
    %xor3A_271 = arith.constant 2 : i32
    %xor3A_272 = vector.broadcast %xor3A_271 : i32 to vector<16xi32>
    %xor3A_273 = arith.xori %iota3A, %xor3A_272 : vector<16xi32>
    %broadcast_in_dim3A_274 = vector.shape_cast %xor3A_273 : vector<16xi32> to vector<16x1xi32>
    %gather3A_275 = vector.shape_cast %broadcast_in_dim3A_274 : vector<16x1xi32> to vector<16xi32>
    %gather3A_276 = tpu.dynamic_gather %add3A_270[%gather3A_275] in [0] : vector<16xf32>, vector<16xi32> -> vector<16xf32>
    %add3A_277 = arith.addf %add3A_270, %gather3A_276 : vector<16xf32>
    %xor3A_278 = arith.constant 1 : i32
    %xor3A_279 = vector.broadcast %xor3A_278 : i32 to vector<16xi32>
    %xor3A_280 = arith.xori %iota3A, %xor3A_279 : vector<16xi32>
    %broadcast_in_dim3A_281 = vector.shape_cast %xor3A_280 : vector<16xi32> to vector<16x1xi32>
    %gather3A_282 = vector.shape_cast %broadcast_in_dim3A_281 : vector<16x1xi32> to vector<16xi32>
    %gather3A_283 = tpu.dynamic_gather %add3A_277[%gather3A_282] in [0] : vector<16xf32>, vector<16xi32> -> vector<16xf32>
    %add3A_284 = arith.addf %add3A_277, %gather3A_283 : vector<16xf32>
    %eq3A_285 = arith.constant 5 : i32
    %eq3A_286 = vector.broadcast %eq3A_285 : i32 to vector<16xi32>
    %eq3A_287 = arith.cmpi eq, %iota3A, %eq3A_286 : vector<16xi32>
    %select_n3A_288 = arith.select %eq3A_287, %add3A_284, %select_n3A_256 : vector<16xi1>, vector<16xf32>
    %xor3A_289 = arith.constant 8 : i32
    %xor3A_290 = vector.broadcast %xor3A_289 : i32 to vector<16xi32>
    %xor3A_291 = arith.xori %iota3A, %xor3A_290 : vector<16xi32>
    %broadcast_in_dim3A_292 = vector.shape_cast %xor3A_291 : vector<16xi32> to vector<16x1xi32>
    %gather3A_293 = vector.shape_cast %broadcast_in_dim3A_292 : vector<16x1xi32> to vector<16xi32>
    %gather3A_294 = tpu.dynamic_gather %scan3A_223#2[%gather3A_293] in [0] : vector<16xf32>, vector<16xi32> -> vector<16xf32>
    %add3A_295 = arith.addf %scan3A_223#2, %gather3A_294 : vector<16xf32>
    %xor3A_296 = arith.constant 4 : i32
    %xor3A_297 = vector.broadcast %xor3A_296 : i32 to vector<16xi32>
    %xor3A_298 = arith.xori %iota3A, %xor3A_297 : vector<16xi32>
    %broadcast_in_dim3A_299 = vector.shape_cast %xor3A_298 : vector<16xi32> to vector<16x1xi32>
    %gather3A_300 = vector.shape_cast %broadcast_in_dim3A_299 : vector<16x1xi32> to vector<16xi32>
    %gather3A_301 = tpu.dynamic_gather %add3A_295[%gather3A_300] in [0] : vector<16xf32>, vector<16xi32> -> vector<16xf32>
    %add3A_302 = arith.addf %add3A_295, %gather3A_301 : vector<16xf32>
    %xor3A_303 = arith.constant 2 : i32
    %xor3A_304 = vector.broadcast %xor3A_303 : i32 to vector<16xi32>
    %xor3A_305 = arith.xori %iota3A, %xor3A_304 : vector<16xi32>
    %broadcast_in_dim3A_306 = vector.shape_cast %xor3A_305 : vector<16xi32> to vector<16x1xi32>
    %gather3A_307 = vector.shape_cast %broadcast_in_dim3A_306 : vector<16x1xi32> to vector<16xi32>
    %gather3A_308 = tpu.dynamic_gather %add3A_302[%gather3A_307] in [0] : vector<16xf32>, vector<16xi32> -> vector<16xf32>
    %add3A_309 = arith.addf %add3A_302, %gather3A_308 : vector<16xf32>
    %xor3A_310 = arith.constant 1 : i32
    %xor3A_311 = vector.broadcast %xor3A_310 : i32 to vector<16xi32>
    %xor3A_312 = arith.xori %iota3A, %xor3A_311 : vector<16xi32>
    %broadcast_in_dim3A_313 = vector.shape_cast %xor3A_312 : vector<16xi32> to vector<16x1xi32>
    %gather3A_314 = vector.shape_cast %broadcast_in_dim3A_313 : vector<16x1xi32> to vector<16xi32>
    %gather3A_315 = tpu.dynamic_gather %add3A_309[%gather3A_314] in [0] : vector<16xf32>, vector<16xi32> -> vector<16xf32>
    %add3A_316 = arith.addf %add3A_309, %gather3A_315 : vector<16xf32>
    %eq3A_317 = arith.constant 6 : i32
    %eq3A_318 = vector.broadcast %eq3A_317 : i32 to vector<16xi32>
    %eq3A_319 = arith.cmpi eq, %iota3A, %eq3A_318 : vector<16xi32>
    %select_n3A_320 = arith.select %eq3A_319, %add3A_316, %select_n3A_288 : vector<16xi1>, vector<16xf32>
    %xor3A_321 = arith.constant 8 : i32
    %xor3A_322 = vector.broadcast %xor3A_321 : i32 to vector<16xi32>
    %xor3A_323 = arith.xori %iota3A, %xor3A_322 : vector<16xi32>
    %broadcast_in_dim3A_324 = vector.shape_cast %xor3A_323 : vector<16xi32> to vector<16x1xi32>
    %gather3A_325 = vector.shape_cast %broadcast_in_dim3A_324 : vector<16x1xi32> to vector<16xi32>
    %gather3A_326 = tpu.dynamic_gather %scan3A_223#3[%gather3A_325] in [0] : vector<16xf32>, vector<16xi32> -> vector<16xf32>
    %add3A_327 = arith.addf %scan3A_223#3, %gather3A_326 : vector<16xf32>
    %xor3A_328 = arith.constant 4 : i32
    %xor3A_329 = vector.broadcast %xor3A_328 : i32 to vector<16xi32>
    %xor3A_330 = arith.xori %iota3A, %xor3A_329 : vector<16xi32>
    %broadcast_in_dim3A_331 = vector.shape_cast %xor3A_330 : vector<16xi32> to vector<16x1xi32>
    %gather3A_332 = vector.shape_cast %broadcast_in_dim3A_331 : vector<16x1xi32> to vector<16xi32>
    %gather3A_333 = tpu.dynamic_gather %add3A_327[%gather3A_332] in [0] : vector<16xf32>, vector<16xi32> -> vector<16xf32>
    %add3A_334 = arith.addf %add3A_327, %gather3A_333 : vector<16xf32>
    %xor3A_335 = arith.constant 2 : i32
    %xor3A_336 = vector.broadcast %xor3A_335 : i32 to vector<16xi32>
    %xor3A_337 = arith.xori %iota3A, %xor3A_336 : vector<16xi32>
    %broadcast_in_dim3A_338 = vector.shape_cast %xor3A_337 : vector<16xi32> to vector<16x1xi32>
    %gather3A_339 = vector.shape_cast %broadcast_in_dim3A_338 : vector<16x1xi32> to vector<16xi32>
    %gather3A_340 = tpu.dynamic_gather %add3A_334[%gather3A_339] in [0] : vector<16xf32>, vector<16xi32> -> vector<16xf32>
    %add3A_341 = arith.addf %add3A_334, %gather3A_340 : vector<16xf32>
    %xor3A_342 = arith.constant 1 : i32
    %xor3A_343 = vector.broadcast %xor3A_342 : i32 to vector<16xi32>
    %xor3A_344 = arith.xori %iota3A, %xor3A_343 : vector<16xi32>
    %broadcast_in_dim3A_345 = vector.shape_cast %xor3A_344 : vector<16xi32> to vector<16x1xi32>
    %gather3A_346 = vector.shape_cast %broadcast_in_dim3A_345 : vector<16x1xi32> to vector<16xi32>
    %gather3A_347 = tpu.dynamic_gather %add3A_341[%gather3A_346] in [0] : vector<16xf32>, vector<16xi32> -> vector<16xf32>
    %add3A_348 = arith.addf %add3A_341, %gather3A_347 : vector<16xf32>
    %eq3A_349 = arith.constant 7 : i32
    %eq3A_350 = vector.broadcast %eq3A_349 : i32 to vector<16xi32>
    %eq3A_351 = arith.cmpi eq, %iota3A, %eq3A_350 : vector<16xi32>
    %select_n3A_352 = arith.select %eq3A_351, %add3A_348, %select_n3A_320 : vector<16xi1>, vector<16xf32>
    %add3A_353 = arith.constant 12 : i32
    %add3A_354 = arith.addi %add3A_4, %add3A_353 : i32
    %dma_start3A_355 = arith.constant 1 : i32
    %dma_start3A_356 = arith.constant 1 : i32
    %dma_start3A_357 = arith.constant 0 : i32
    %dma_start3A_358 = arith.constant 0 : i32
    %dma_start3A_359 = tpu.memref_slice %arg6[%dma_start3A_355, %dma_start3A_357, %dma_start3A_358] : memref<2x4x8192xf32, #tpu.memory_space<vmem>> -> memref<1x4x8192xf32, #tpu.memory_space<vmem>>
    %dma_start3A_360 = tpu.memref_squeeze %dma_start3A_359 : memref<1x4x8192xf32, #tpu.memory_space<vmem>> -> memref<4x8192xf32, #tpu.memory_space<vmem>>
    %dma_start3A_361 = arith.constant 0 : i32
    %dma_start3A_362 = tpu.memref_slice %arg2[%add3A_354, %dma_start3A_361] : memref<4096x8192xf32, #tpu.memory_space<hbm>> -> memref<4x8192xf32, #tpu.memory_space<hbm>>
    %dma_start3A_363 = tpu.memref_slice %arg8[%dma_start3A_356] : memref<2x!tpu.dma_semaphore, #tpu.memory_space<semaphore_mem>> -> memref<1x!tpu.dma_semaphore, #tpu.memory_space<semaphore_mem>>
    %dma_start3A_364 = tpu.memref_squeeze %dma_start3A_363 : memref<1x!tpu.dma_semaphore, #tpu.memory_space<semaphore_mem>> -> memref<!tpu.dma_semaphore, #tpu.memory_space<semaphore_mem>>
    %dma_start3A_365 = arith.constant 0 : i32
    %dma_start3A_366 = arith.constant 0 : i32
    %dma_start3A_367 = tpu.memref_slice %arg6[%dma_start3A_355, %dma_start3A_365, %dma_start3A_366] : memref<2x4x8192xf32, #tpu.memory_space<vmem>> -> memref<1x4x8192xf32, #tpu.memory_space<vmem>>
    %dma_start3A_368 = tpu.memref_squeeze %dma_start3A_367 : memref<1x4x8192xf32, #tpu.memory_space<vmem>> -> memref<4x8192xf32, #tpu.memory_space<vmem>>
    %dma_start3A_369 = arith.constant 0 : i32
    %dma_start3A_370 = tpu.memref_slice %arg2[%add3A_354, %dma_start3A_369] : memref<4096x8192xf32, #tpu.memory_space<hbm>> -> memref<4x8192xf32, #tpu.memory_space<hbm>>
    tpu.enqueue_dma source(%dma_start3A_370 : memref<4x8192xf32, #tpu.memory_space<hbm>>) target(%dma_start3A_368 : memref<4x8192xf32, #tpu.memory_space<vmem>>) target_semaphore(%dma_start3A_364 : memref<!tpu.dma_semaphore, #tpu.memory_space<semaphore_mem>>)
    %dma_wait3A_371 = arith.constant 0 : i32
    %dma_wait3A_372 = arith.constant 0 : i32
    %dma_wait3A_373 = arith.constant 0 : i32
    %dma_wait3A_374 = arith.constant 0 : i32
    %dma_wait3A_375 = tpu.memref_slice %arg6[%dma_wait3A_371, %dma_wait3A_373, %dma_wait3A_374] : memref<2x4x8192xf32, #tpu.memory_space<vmem>> -> memref<1x4x8192xf32, #tpu.memory_space<vmem>>
    %dma_wait3A_376 = tpu.memref_squeeze %dma_wait3A_375 : memref<1x4x8192xf32, #tpu.memory_space<vmem>> -> memref<4x8192xf32, #tpu.memory_space<vmem>>
    %dma_wait3A_377 = arith.constant 0 : i32
    %dma_wait3A_378 = tpu.memref_slice %arg2[%add3A_186, %dma_wait3A_377] : memref<4096x8192xf32, #tpu.memory_space<hbm>> -> memref<4x8192xf32, #tpu.memory_space<hbm>>
    %dma_wait3A_379 = tpu.memref_slice %arg8[%dma_wait3A_372] : memref<2x!tpu.dma_semaphore, #tpu.memory_space<semaphore_mem>> -> memref<1x!tpu.dma_semaphore, #tpu.memory_space<semaphore_mem>>
    %dma_wait3A_380 = tpu.memref_squeeze %dma_wait3A_379 : memref<1x!tpu.dma_semaphore, #tpu.memory_space<semaphore_mem>> -> memref<!tpu.dma_semaphore, #tpu.memory_space<semaphore_mem>>
    %dma_wait3A_381 = arith.constant 0 : i32
    %dma_wait3A_382 = arith.constant 0 : i32
    %dma_wait3A_383 = tpu.memref_slice %arg6[%dma_wait3A_371, %dma_wait3A_381, %dma_wait3A_382] : memref<2x4x8192xf32, #tpu.memory_space<vmem>> -> memref<1x4x8192xf32, #tpu.memory_space<vmem>>
    %dma_wait3A_384 = tpu.memref_squeeze %dma_wait3A_383 : memref<1x4x8192xf32, #tpu.memory_space<vmem>> -> memref<4x8192xf32, #tpu.memory_space<vmem>>
    %dma_wait3A_385 = arith.constant 0 : i32
    %dma_wait3A_386 = tpu.memref_slice %arg2[%add3A_186, %dma_wait3A_385] : memref<4096x8192xf32, #tpu.memory_space<hbm>> -> memref<4x8192xf32, #tpu.memory_space<hbm>>
    tpu.wait_dma2 semaphore(%dma_wait3A_380 : memref<!tpu.dma_semaphore, #tpu.memory_space<semaphore_mem>>) src(%dma_wait3A_386 : memref<4x8192xf32, #tpu.memory_space<hbm>>) dst(%dma_wait3A_384 : memref<4x8192xf32, #tpu.memory_space<vmem>>)
    %scan3A_387 = arith.constant 0 : i32
    %scan3A_388 = arith.constant 64 : i32
    %scan3A_389 = arith.addi %scan3A_387, %scan3A_388 : i32
    %scan3A_390 = arith.constant 1 : i32
    %scan3A_391:4 = scf.for %scan3A_1357 = %scan3A_387 to %scan3A_389 step %scan3A_390 iter_args(%scan3A_1358 = %convert_element_type3A, %scan3A_1359 = %convert_element_type3A, %scan3A_1360 = %convert_element_type3A, %scan3A_1361 = %convert_element_type3A) -> (vector<16xf32>, vector<16xf32>, vector<16xf32>, vector<16xf32>)  : i32 {
      %mul3A_1362 = arith.constant 128 : i32
      %mul3A_1363 = arith.muli %scan3A_1357, %mul3A_1362 : i32
      %add3A_1364 = arith.constant 0 : i32
      %add3A_1365 = arith.addi %mul3A_1363, %add3A_1364 : i32
      %get3A = arith.index_cast %add3A_1365 : i32 to index
      %get3A_1366 = tpu.vector_load %arg5[%get3A] {strides = array<i32>} : memref<8192xf32, #tpu.memory_space<vmem>>, vector<16xf32>,
      %get3A_1367 = vector.shape_cast %get3A_1366 : vector<16xf32> to vector<16xf32>
      %get3A_1368 = arith.constant 0 : i32
      %get3A_1369 = arith.constant 0 : i32
      %get3A_1370 = arith.index_cast %get3A_1368 : i32 to index
      %get3A_1371 = arith.index_cast %get3A_1369 : i32 to index
      %get3A_1372 = arith.index_cast %add3A_1365 : i32 to index
      %get3A_1373 = tpu.vector_load %arg6[%get3A_1370, %get3A_1371, %get3A_1372] {strides = array<i32>} : memref<2x4x8192xf32, #tpu.memory_space<vmem>>, vector<1x1x16xf32>,
      %get3A_1374 = vector.shape_cast %get3A_1373 : vector<1x1x16xf32> to vector<16xf32>
      %mul3A_1375 = arith.mulf %get3A_1374, %get3A_1367 : vector<16xf32>
      %add3A_1376 = arith.addf %scan3A_1358, %mul3A_1375 : vector<16xf32>
      %get3A_1377 = arith.constant 0 : i32
      %get3A_1378 = arith.constant 1 : i32
      %get3A_1379 = arith.index_cast %get3A_1377 : i32 to index
      %get3A_1380 = arith.index_cast %get3A_1378 : i32 to index
      %get3A_1381 = arith.index_cast %add3A_1365 : i32 to index
      %get3A_1382 = tpu.vector_load %arg6[%get3A_1379, %get3A_1380, %get3A_1381] {strides = array<i32>} : memref<2x4x8192xf32, #tpu.memory_space<vmem>>, vector<1x1x16xf32>,
      %get3A_1383 = vector.shape_cast %get3A_1382 : vector<1x1x16xf32> to vector<16xf32>
      %mul3A_1384 = arith.mulf %get3A_1383, %get3A_1367 : vector<16xf32>
      %add3A_1385 = arith.addf %scan3A_1359, %mul3A_1384 : vector<16xf32>
      %get3A_1386 = arith.constant 0 : i32
      %get3A_1387 = arith.constant 2 : i32
      %get3A_1388 = arith.index_cast %get3A_1386 : i32 to index
      %get3A_1389 = arith.index_cast %get3A_1387 : i32 to index
      %get3A_1390 = arith.index_cast %add3A_1365 : i32 to index
      %get3A_1391 = tpu.vector_load %arg6[%get3A_1388, %get3A_1389, %get3A_1390] {strides = array<i32>} : memref<2x4x8192xf32, #tpu.memory_space<vmem>>, vector<1x1x16xf32>,
      %get3A_1392 = vector.shape_cast %get3A_1391 : vector<1x1x16xf32> to vector<16xf32>
      %mul3A_1393 = arith.mulf %get3A_1392, %get3A_1367 : vector<16xf32>
      %add3A_1394 = arith.addf %scan3A_1360, %mul3A_1393 : vector<16xf32>
      %get3A_1395 = arith.constant 0 : i32
      %get3A_1396 = arith.constant 3 : i32
      %get3A_1397 = arith.index_cast %get3A_1395 : i32 to index
      %get3A_1398 = arith.index_cast %get3A_1396 : i32 to index
      %get3A_1399 = arith.index_cast %add3A_1365 : i32 to index
      %get3A_1400 = tpu.vector_load %arg6[%get3A_1397, %get3A_1398, %get3A_1399] {strides = array<i32>} : memref<2x4x8192xf32, #tpu.memory_space<vmem>>, vector<1x1x16xf32>,
      %get3A_1401 = vector.shape_cast %get3A_1400 : vector<1x1x16xf32> to vector<16xf32>
      %mul3A_1402 = arith.mulf %get3A_1401, %get3A_1367 : vector<16xf32>
      %add3A_1403 = arith.addf %scan3A_1361, %mul3A_1402 : vector<16xf32>
      %add3A_1404 = arith.constant 16 : i32
      %add3A_1405 = arith.addi %mul3A_1363, %add3A_1404 : i32
      %get3A_1406 = arith.index_cast %add3A_1405 : i32 to index
      %get3A_1407 = tpu.vector_load %arg5[%get3A_1406] {strides = array<i32>} : memref<8192xf32, #tpu.memory_space<vmem>>, vector<16xf32>,
      %get3A_1408 = vector.shape_cast %get3A_1407 : vector<16xf32> to vector<16xf32>
      %get3A_1409 = arith.constant 0 : i32
      %get3A_1410 = arith.constant 0 : i32
      %get3A_1411 = arith.index_cast %get3A_1409 : i32 to index
      %get3A_1412 = arith.index_cast %get3A_1410 : i32 to index
      %get3A_1413 = arith.index_cast %add3A_1405 : i32 to index
      %get3A_1414 = tpu.vector_load %arg6[%get3A_1411, %get3A_1412, %get3A_1413] {strides = array<i32>} : memref<2x4x8192xf32, #tpu.memory_space<vmem>>, vector<1x1x16xf32>,
      %get3A_1415 = vector.shape_cast %get3A_1414 : vector<1x1x16xf32> to vector<16xf32>
      %mul3A_1416 = arith.mulf %get3A_1415, %get3A_1408 : vector<16xf32>
      %add3A_1417 = arith.addf %add3A_1376, %mul3A_1416 : vector<16xf32>
      %get3A_1418 = arith.constant 0 : i32
      %get3A_1419 = arith.constant 1 : i32
      %get3A_1420 = arith.index_cast %get3A_1418 : i32 to index
      %get3A_1421 = arith.index_cast %get3A_1419 : i32 to index
      %get3A_1422 = arith.index_cast %add3A_1405 : i32 to index
      %get3A_1423 = tpu.vector_load %arg6[%get3A_1420, %get3A_1421, %get3A_1422] {strides = array<i32>} : memref<2x4x8192xf32, #tpu.memory_space<vmem>>, vector<1x1x16xf32>,
      %get3A_1424 = vector.shape_cast %get3A_1423 : vector<1x1x16xf32> to vector<16xf32>
      %mul3A_1425 = arith.mulf %get3A_1424, %get3A_1408 : vector<16xf32>
      %add3A_1426 = arith.addf %add3A_1385, %mul3A_1425 : vector<16xf32>
      %get3A_1427 = arith.constant 0 : i32
      %get3A_1428 = arith.constant 2 : i32
      %get3A_1429 = arith.index_cast %get3A_1427 : i32 to index
      %get3A_1430 = arith.index_cast %get3A_1428 : i32 to index
      %get3A_1431 = arith.index_cast %add3A_1405 : i32 to index
      %get3A_1432 = tpu.vector_load %arg6[%get3A_1429, %get3A_1430, %get3A_1431] {strides = array<i32>} : memref<2x4x8192xf32, #tpu.memory_space<vmem>>, vector<1x1x16xf32>,
      %get3A_1433 = vector.shape_cast %get3A_1432 : vector<1x1x16xf32> to vector<16xf32>
      %mul3A_1434 = arith.mulf %get3A_1433, %get3A_1408 : vector<16xf32>
      %add3A_1435 = arith.addf %add3A_1394, %mul3A_1434 : vector<16xf32>
      %get3A_1436 = arith.constant 0 : i32
      %get3A_1437 = arith.constant 3 : i32
      %get3A_1438 = arith.index_cast %get3A_1436 : i32 to index
      %get3A_1439 = arith.index_cast %get3A_1437 : i32 to index
      %get3A_1440 = arith.index_cast %add3A_1405 : i32 to index
      %get3A_1441 = tpu.vector_load %arg6[%get3A_1438, %get3A_1439, %get3A_1440] {strides = array<i32>} : memref<2x4x8192xf32, #tpu.memory_space<vmem>>, vector<1x1x16xf32>,
      %get3A_1442 = vector.shape_cast %get3A_1441 : vector<1x1x16xf32> to vector<16xf32>
      %mul3A_1443 = arith.mulf %get3A_1442, %get3A_1408 : vector<16xf32>
      %add3A_1444 = arith.addf %add3A_1403, %mul3A_1443 : vector<16xf32>
      %add3A_1445 = arith.constant 32 : i32
      %add3A_1446 = arith.addi %mul3A_1363, %add3A_1445 : i32
      %get3A_1447 = arith.index_cast %add3A_1446 : i32 to index
      %get3A_1448 = tpu.vector_load %arg5[%get3A_1447] {strides = array<i32>} : memref<8192xf32, #tpu.memory_space<vmem>>, vector<16xf32>,
      %get3A_1449 = vector.shape_cast %get3A_1448 : vector<16xf32> to vector<16xf32>
      %get3A_1450 = arith.constant 0 : i32
      %get3A_1451 = arith.constant 0 : i32
      %get3A_1452 = arith.index_cast %get3A_1450 : i32 to index
      %get3A_1453 = arith.index_cast %get3A_1451 : i32 to index
      %get3A_1454 = arith.index_cast %add3A_1446 : i32 to index
      %get3A_1455 = tpu.vector_load %arg6[%get3A_1452, %get3A_1453, %get3A_1454] {strides = array<i32>} : memref<2x4x8192xf32, #tpu.memory_space<vmem>>, vector<1x1x16xf32>,
      %get3A_1456 = vector.shape_cast %get3A_1455 : vector<1x1x16xf32> to vector<16xf32>
      %mul3A_1457 = arith.mulf %get3A_1456, %get3A_1449 : vector<16xf32>
      %add3A_1458 = arith.addf %add3A_1417, %mul3A_1457 : vector<16xf32>
      %get3A_1459 = arith.constant 0 : i32
      %get3A_1460 = arith.constant 1 : i32
      %get3A_1461 = arith.index_cast %get3A_1459 : i32 to index
      %get3A_1462 = arith.index_cast %get3A_1460 : i32 to index
      %get3A_1463 = arith.index_cast %add3A_1446 : i32 to index
      %get3A_1464 = tpu.vector_load %arg6[%get3A_1461, %get3A_1462, %get3A_1463] {strides = array<i32>} : memref<2x4x8192xf32, #tpu.memory_space<vmem>>, vector<1x1x16xf32>,
      %get3A_1465 = vector.shape_cast %get3A_1464 : vector<1x1x16xf32> to vector<16xf32>
      %mul3A_1466 = arith.mulf %get3A_1465, %get3A_1449 : vector<16xf32>
      %add3A_1467 = arith.addf %add3A_1426, %mul3A_1466 : vector<16xf32>
      %get3A_1468 = arith.constant 0 : i32
      %get3A_1469 = arith.constant 2 : i32
      %get3A_1470 = arith.index_cast %get3A_1468 : i32 to index
      %get3A_1471 = arith.index_cast %get3A_1469 : i32 to index
      %get3A_1472 = arith.index_cast %add3A_1446 : i32 to index
      %get3A_1473 = tpu.vector_load %arg6[%get3A_1470, %get3A_1471, %get3A_1472] {strides = array<i32>} : memref<2x4x8192xf32, #tpu.memory_space<vmem>>, vector<1x1x16xf32>,
      %get3A_1474 = vector.shape_cast %get3A_1473 : vector<1x1x16xf32> to vector<16xf32>
      %mul3A_1475 = arith.mulf %get3A_1474, %get3A_1449 : vector<16xf32>
      %add3A_1476 = arith.addf %add3A_1435, %mul3A_1475 : vector<16xf32>
      %get3A_1477 = arith.constant 0 : i32
      %get3A_1478 = arith.constant 3 : i32
      %get3A_1479 = arith.index_cast %get3A_1477 : i32 to index
      %get3A_1480 = arith.index_cast %get3A_1478 : i32 to index
      %get3A_1481 = arith.index_cast %add3A_1446 : i32 to index
      %get3A_1482 = tpu.vector_load %arg6[%get3A_1479, %get3A_1480, %get3A_1481] {strides = array<i32>} : memref<2x4x8192xf32, #tpu.memory_space<vmem>>, vector<1x1x16xf32>,
      %get3A_1483 = vector.shape_cast %get3A_1482 : vector<1x1x16xf32> to vector<16xf32>
      %mul3A_1484 = arith.mulf %get3A_1483, %get3A_1449 : vector<16xf32>
      %add3A_1485 = arith.addf %add3A_1444, %mul3A_1484 : vector<16xf32>
      %add3A_1486 = arith.constant 48 : i32
      %add3A_1487 = arith.addi %mul3A_1363, %add3A_1486 : i32
      %get3A_1488 = arith.index_cast %add3A_1487 : i32 to index
      %get3A_1489 = tpu.vector_load %arg5[%get3A_1488] {strides = array<i32>} : memref<8192xf32, #tpu.memory_space<vmem>>, vector<16xf32>,
      %get3A_1490 = vector.shape_cast %get3A_1489 : vector<16xf32> to vector<16xf32>
      %get3A_1491 = arith.constant 0 : i32
      %get3A_1492 = arith.constant 0 : i32
      %get3A_1493 = arith.index_cast %get3A_1491 : i32 to index
      %get3A_1494 = arith.index_cast %get3A_1492 : i32 to index
      %get3A_1495 = arith.index_cast %add3A_1487 : i32 to index
      %get3A_1496 = tpu.vector_load %arg6[%get3A_1493, %get3A_1494, %get3A_1495] {strides = array<i32>} : memref<2x4x8192xf32, #tpu.memory_space<vmem>>, vector<1x1x16xf32>,
      %get3A_1497 = vector.shape_cast %get3A_1496 : vector<1x1x16xf32> to vector<16xf32>
      %mul3A_1498 = arith.mulf %get3A_1497, %get3A_1490 : vector<16xf32>
      %add3A_1499 = arith.addf %add3A_1458, %mul3A_1498 : vector<16xf32>
      %get3A_1500 = arith.constant 0 : i32
      %get3A_1501 = arith.constant 1 : i32
      %get3A_1502 = arith.index_cast %get3A_1500 : i32 to index
      %get3A_1503 = arith.index_cast %get3A_1501 : i32 to index
      %get3A_1504 = arith.index_cast %add3A_1487 : i32 to index
      %get3A_1505 = tpu.vector_load %arg6[%get3A_1502, %get3A_1503, %get3A_1504] {strides = array<i32>} : memref<2x4x8192xf32, #tpu.memory_space<vmem>>, vector<1x1x16xf32>,
      %get3A_1506 = vector.shape_cast %get3A_1505 : vector<1x1x16xf32> to vector<16xf32>
      %mul3A_1507 = arith.mulf %get3A_1506, %get3A_1490 : vector<16xf32>
      %add3A_1508 = arith.addf %add3A_1467, %mul3A_1507 : vector<16xf32>
      %get3A_1509 = arith.constant 0 : i32
      %get3A_1510 = arith.constant 2 : i32
      %get3A_1511 = arith.index_cast %get3A_1509 : i32 to index
      %get3A_1512 = arith.index_cast %get3A_1510 : i32 to index
      %get3A_1513 = arith.index_cast %add3A_1487 : i32 to index
      %get3A_1514 = tpu.vector_load %arg6[%get3A_1511, %get3A_1512, %get3A_1513] {strides = array<i32>} : memref<2x4x8192xf32, #tpu.memory_space<vmem>>, vector<1x1x16xf32>,
      %get3A_1515 = vector.shape_cast %get3A_1514 : vector<1x1x16xf32> to vector<16xf32>
      %mul3A_1516 = arith.mulf %get3A_1515, %get3A_1490 : vector<16xf32>
      %add3A_1517 = arith.addf %add3A_1476, %mul3A_1516 : vector<16xf32>
      %get3A_1518 = arith.constant 0 : i32
      %get3A_1519 = arith.constant 3 : i32
      %get3A_1520 = arith.index_cast %get3A_1518 : i32 to index
      %get3A_1521 = arith.index_cast %get3A_1519 : i32 to index
      %get3A_1522 = arith.index_cast %add3A_1487 : i32 to index
      %get3A_1523 = tpu.vector_load %arg6[%get3A_1520, %get3A_1521, %get3A_1522] {strides = array<i32>} : memref<2x4x8192xf32, #tpu.memory_space<vmem>>, vector<1x1x16xf32>,
      %get3A_1524 = vector.shape_cast %get3A_1523 : vector<1x1x16xf32> to vector<16xf32>
      %mul3A_1525 = arith.mulf %get3A_1524, %get3A_1490 : vector<16xf32>
      %add3A_1526 = arith.addf %add3A_1485, %mul3A_1525 : vector<16xf32>
      %add3A_1527 = arith.constant 64 : i32
      %add3A_1528 = arith.addi %mul3A_1363, %add3A_1527 : i32
      %get3A_1529 = arith.index_cast %add3A_1528 : i32 to index
      %get3A_1530 = tpu.vector_load %arg5[%get3A_1529] {strides = array<i32>} : memref<8192xf32, #tpu.memory_space<vmem>>, vector<16xf32>,
      %get3A_1531 = vector.shape_cast %get3A_1530 : vector<16xf32> to vector<16xf32>
      %get3A_1532 = arith.constant 0 : i32
      %get3A_1533 = arith.constant 0 : i32
      %get3A_1534 = arith.index_cast %get3A_1532 : i32 to index
      %get3A_1535 = arith.index_cast %get3A_1533 : i32 to index
      %get3A_1536 = arith.index_cast %add3A_1528 : i32 to index
      %get3A_1537 = tpu.vector_load %arg6[%get3A_1534, %get3A_1535, %get3A_1536] {strides = array<i32>} : memref<2x4x8192xf32, #tpu.memory_space<vmem>>, vector<1x1x16xf32>,
      %get3A_1538 = vector.shape_cast %get3A_1537 : vector<1x1x16xf32> to vector<16xf32>
      %mul3A_1539 = arith.mulf %get3A_1538, %get3A_1531 : vector<16xf32>
      %add3A_1540 = arith.addf %add3A_1499, %mul3A_1539 : vector<16xf32>
      %get3A_1541 = arith.constant 0 : i32
      %get3A_1542 = arith.constant 1 : i32
      %get3A_1543 = arith.index_cast %get3A_1541 : i32 to index
      %get3A_1544 = arith.index_cast %get3A_1542 : i32 to index
      %get3A_1545 = arith.index_cast %add3A_1528 : i32 to index
      %get3A_1546 = tpu.vector_load %arg6[%get3A_1543, %get3A_1544, %get3A_1545] {strides = array<i32>} : memref<2x4x8192xf32, #tpu.memory_space<vmem>>, vector<1x1x16xf32>,
      %get3A_1547 = vector.shape_cast %get3A_1546 : vector<1x1x16xf32> to vector<16xf32>
      %mul3A_1548 = arith.mulf %get3A_1547, %get3A_1531 : vector<16xf32>
      %add3A_1549 = arith.addf %add3A_1508, %mul3A_1548 : vector<16xf32>
      %get3A_1550 = arith.constant 0 : i32
      %get3A_1551 = arith.constant 2 : i32
      %get3A_1552 = arith.index_cast %get3A_1550 : i32 to index
      %get3A_1553 = arith.index_cast %get3A_1551 : i32 to index
      %get3A_1554 = arith.index_cast %add3A_1528 : i32 to index
      %get3A_1555 = tpu.vector_load %arg6[%get3A_1552, %get3A_1553, %get3A_1554] {strides = array<i32>} : memref<2x4x8192xf32, #tpu.memory_space<vmem>>, vector<1x1x16xf32>,
      %get3A_1556 = vector.shape_cast %get3A_1555 : vector<1x1x16xf32> to vector<16xf32>
      %mul3A_1557 = arith.mulf %get3A_1556, %get3A_1531 : vector<16xf32>
      %add3A_1558 = arith.addf %add3A_1517, %mul3A_1557 : vector<16xf32>
      %get3A_1559 = arith.constant 0 : i32
      %get3A_1560 = arith.constant 3 : i32
      %get3A_1561 = arith.index_cast %get3A_1559 : i32 to index
      %get3A_1562 = arith.index_cast %get3A_1560 : i32 to index
      %get3A_1563 = arith.index_cast %add3A_1528 : i32 to index
      %get3A_1564 = tpu.vector_load %arg6[%get3A_1561, %get3A_1562, %get3A_1563] {strides = array<i32>} : memref<2x4x8192xf32, #tpu.memory_space<vmem>>, vector<1x1x16xf32>,
      %get3A_1565 = vector.shape_cast %get3A_1564 : vector<1x1x16xf32> to vector<16xf32>
      %mul3A_1566 = arith.mulf %get3A_1565, %get3A_1531 : vector<16xf32>
      %add3A_1567 = arith.addf %add3A_1526, %mul3A_1566 : vector<16xf32>
      %add3A_1568 = arith.constant 80 : i32
      %add3A_1569 = arith.addi %mul3A_1363, %add3A_1568 : i32
      %get3A_1570 = arith.index_cast %add3A_1569 : i32 to index
      %get3A_1571 = tpu.vector_load %arg5[%get3A_1570] {strides = array<i32>} : memref<8192xf32, #tpu.memory_space<vmem>>, vector<16xf32>,
      %get3A_1572 = vector.shape_cast %get3A_1571 : vector<16xf32> to vector<16xf32>
      %get3A_1573 = arith.constant 0 : i32
      %get3A_1574 = arith.constant 0 : i32
      %get3A_1575 = arith.index_cast %get3A_1573 : i32 to index
      %get3A_1576 = arith.index_cast %get3A_1574 : i32 to index
      %get3A_1577 = arith.index_cast %add3A_1569 : i32 to index
      %get3A_1578 = tpu.vector_load %arg6[%get3A_1575, %get3A_1576, %get3A_1577] {strides = array<i32>} : memref<2x4x8192xf32, #tpu.memory_space<vmem>>, vector<1x1x16xf32>,
      %get3A_1579 = vector.shape_cast %get3A_1578 : vector<1x1x16xf32> to vector<16xf32>
      %mul3A_1580 = arith.mulf %get3A_1579, %get3A_1572 : vector<16xf32>
      %add3A_1581 = arith.addf %add3A_1540, %mul3A_1580 : vector<16xf32>
      %get3A_1582 = arith.constant 0 : i32
      %get3A_1583 = arith.constant 1 : i32
      %get3A_1584 = arith.index_cast %get3A_1582 : i32 to index
      %get3A_1585 = arith.index_cast %get3A_1583 : i32 to index
      %get3A_1586 = arith.index_cast %add3A_1569 : i32 to index
      %get3A_1587 = tpu.vector_load %arg6[%get3A_1584, %get3A_1585, %get3A_1586] {strides = array<i32>} : memref<2x4x8192xf32, #tpu.memory_space<vmem>>, vector<1x1x16xf32>,
      %get3A_1588 = vector.shape_cast %get3A_1587 : vector<1x1x16xf32> to vector<16xf32>
      %mul3A_1589 = arith.mulf %get3A_1588, %get3A_1572 : vector<16xf32>
      %add3A_1590 = arith.addf %add3A_1549, %mul3A_1589 : vector<16xf32>
      %get3A_1591 = arith.constant 0 : i32
      %get3A_1592 = arith.constant 2 : i32
      %get3A_1593 = arith.index_cast %get3A_1591 : i32 to index
      %get3A_1594 = arith.index_cast %get3A_1592 : i32 to index
      %get3A_1595 = arith.index_cast %add3A_1569 : i32 to index
      %get3A_1596 = tpu.vector_load %arg6[%get3A_1593, %get3A_1594, %get3A_1595] {strides = array<i32>} : memref<2x4x8192xf32, #tpu.memory_space<vmem>>, vector<1x1x16xf32>,
      %get3A_1597 = vector.shape_cast %get3A_1596 : vector<1x1x16xf32> to vector<16xf32>
      %mul3A_1598 = arith.mulf %get3A_1597, %get3A_1572 : vector<16xf32>
      %add3A_1599 = arith.addf %add3A_1558, %mul3A_1598 : vector<16xf32>
      %get3A_1600 = arith.constant 0 : i32
      %get3A_1601 = arith.constant 3 : i32
      %get3A_1602 = arith.index_cast %get3A_1600 : i32 to index
      %get3A_1603 = arith.index_cast %get3A_1601 : i32 to index
      %get3A_1604 = arith.index_cast %add3A_1569 : i32 to index
      %get3A_1605 = tpu.vector_load %arg6[%get3A_1602, %get3A_1603, %get3A_1604] {strides = array<i32>} : memref<2x4x8192xf32, #tpu.memory_space<vmem>>, vector<1x1x16xf32>,
      %get3A_1606 = vector.shape_cast %get3A_1605 : vector<1x1x16xf32> to vector<16xf32>
      %mul3A_1607 = arith.mulf %get3A_1606, %get3A_1572 : vector<16xf32>
      %add3A_1608 = arith.addf %add3A_1567, %mul3A_1607 : vector<16xf32>
      %add3A_1609 = arith.constant 96 : i32
      %add3A_1610 = arith.addi %mul3A_1363, %add3A_1609 : i32
      %get3A_1611 = arith.index_cast %add3A_1610 : i32 to index
      %get3A_1612 = tpu.vector_load %arg5[%get3A_1611] {strides = array<i32>} : memref<8192xf32, #tpu.memory_space<vmem>>, vector<16xf32>,
      %get3A_1613 = vector.shape_cast %get3A_1612 : vector<16xf32> to vector<16xf32>
      %get3A_1614 = arith.constant 0 : i32
      %get3A_1615 = arith.constant 0 : i32
      %get3A_1616 = arith.index_cast %get3A_1614 : i32 to index
      %get3A_1617 = arith.index_cast %get3A_1615 : i32 to index
      %get3A_1618 = arith.index_cast %add3A_1610 : i32 to index
      %get3A_1619 = tpu.vector_load %arg6[%get3A_1616, %get3A_1617, %get3A_1618] {strides = array<i32>} : memref<2x4x8192xf32, #tpu.memory_space<vmem>>, vector<1x1x16xf32>,
      %get3A_1620 = vector.shape_cast %get3A_1619 : vector<1x1x16xf32> to vector<16xf32>
      %mul3A_1621 = arith.mulf %get3A_1620, %get3A_1613 : vector<16xf32>
      %add3A_1622 = arith.addf %add3A_1581, %mul3A_1621 : vector<16xf32>
      %get3A_1623 = arith.constant 0 : i32
      %get3A_1624 = arith.constant 1 : i32
      %get3A_1625 = arith.index_cast %get3A_1623 : i32 to index
      %get3A_1626 = arith.index_cast %get3A_1624 : i32 to index
      %get3A_1627 = arith.index_cast %add3A_1610 : i32 to index
      %get3A_1628 = tpu.vector_load %arg6[%get3A_1625, %get3A_1626, %get3A_1627] {strides = array<i32>} : memref<2x4x8192xf32, #tpu.memory_space<vmem>>, vector<1x1x16xf32>,
      %get3A_1629 = vector.shape_cast %get3A_1628 : vector<1x1x16xf32> to vector<16xf32>
      %mul3A_1630 = arith.mulf %get3A_1629, %get3A_1613 : vector<16xf32>
      %add3A_1631 = arith.addf %add3A_1590, %mul3A_1630 : vector<16xf32>
      %get3A_1632 = arith.constant 0 : i32
      %get3A_1633 = arith.constant 2 : i32
      %get3A_1634 = arith.index_cast %get3A_1632 : i32 to index
      %get3A_1635 = arith.index_cast %get3A_1633 : i32 to index
      %get3A_1636 = arith.index_cast %add3A_1610 : i32 to index
      %get3A_1637 = tpu.vector_load %arg6[%get3A_1634, %get3A_1635, %get3A_1636] {strides = array<i32>} : memref<2x4x8192xf32, #tpu.memory_space<vmem>>, vector<1x1x16xf32>,
      %get3A_1638 = vector.shape_cast %get3A_1637 : vector<1x1x16xf32> to vector<16xf32>
      %mul3A_1639 = arith.mulf %get3A_1638, %get3A_1613 : vector<16xf32>
      %add3A_1640 = arith.addf %add3A_1599, %mul3A_1639 : vector<16xf32>
      %get3A_1641 = arith.constant 0 : i32
      %get3A_1642 = arith.constant 3 : i32
      %get3A_1643 = arith.index_cast %get3A_1641 : i32 to index
      %get3A_1644 = arith.index_cast %get3A_1642 : i32 to index
      %get3A_1645 = arith.index_cast %add3A_1610 : i32 to index
      %get3A_1646 = tpu.vector_load %arg6[%get3A_1643, %get3A_1644, %get3A_1645] {strides = array<i32>} : memref<2x4x8192xf32, #tpu.memory_space<vmem>>, vector<1x1x16xf32>,
      %get3A_1647 = vector.shape_cast %get3A_1646 : vector<1x1x16xf32> to vector<16xf32>
      %mul3A_1648 = arith.mulf %get3A_1647, %get3A_1613 : vector<16xf32>
      %add3A_1649 = arith.addf %add3A_1608, %mul3A_1648 : vector<16xf32>
      %add3A_1650 = arith.constant 112 : i32
      %add3A_1651 = arith.addi %mul3A_1363, %add3A_1650 : i32
      %get3A_1652 = arith.index_cast %add3A_1651 : i32 to index
      %get3A_1653 = tpu.vector_load %arg5[%get3A_1652] {strides = array<i32>} : memref<8192xf32, #tpu.memory_space<vmem>>, vector<16xf32>,
      %get3A_1654 = vector.shape_cast %get3A_1653 : vector<16xf32> to vector<16xf32>
      %get3A_1655 = arith.constant 0 : i32
      %get3A_1656 = arith.constant 0 : i32
      %get3A_1657 = arith.index_cast %get3A_1655 : i32 to index
      %get3A_1658 = arith.index_cast %get3A_1656 : i32 to index
      %get3A_1659 = arith.index_cast %add3A_1651 : i32 to index
      %get3A_1660 = tpu.vector_load %arg6[%get3A_1657, %get3A_1658, %get3A_1659] {strides = array<i32>} : memref<2x4x8192xf32, #tpu.memory_space<vmem>>, vector<1x1x16xf32>,
      %get3A_1661 = vector.shape_cast %get3A_1660 : vector<1x1x16xf32> to vector<16xf32>
      %mul3A_1662 = arith.mulf %get3A_1661, %get3A_1654 : vector<16xf32>
      %add3A_1663 = arith.addf %add3A_1622, %mul3A_1662 : vector<16xf32>
      %get3A_1664 = arith.constant 0 : i32
      %get3A_1665 = arith.constant 1 : i32
      %get3A_1666 = arith.index_cast %get3A_1664 : i32 to index
      %get3A_1667 = arith.index_cast %get3A_1665 : i32 to index
      %get3A_1668 = arith.index_cast %add3A_1651 : i32 to index
      %get3A_1669 = tpu.vector_load %arg6[%get3A_1666, %get3A_1667, %get3A_1668] {strides = array<i32>} : memref<2x4x8192xf32, #tpu.memory_space<vmem>>, vector<1x1x16xf32>,
      %get3A_1670 = vector.shape_cast %get3A_1669 : vector<1x1x16xf32> to vector<16xf32>
      %mul3A_1671 = arith.mulf %get3A_1670, %get3A_1654 : vector<16xf32>
      %add3A_1672 = arith.addf %add3A_1631, %mul3A_1671 : vector<16xf32>
      %get3A_1673 = arith.constant 0 : i32
      %get3A_1674 = arith.constant 2 : i32
      %get3A_1675 = arith.index_cast %get3A_1673 : i32 to index
      %get3A_1676 = arith.index_cast %get3A_1674 : i32 to index
      %get3A_1677 = arith.index_cast %add3A_1651 : i32 to index
      %get3A_1678 = tpu.vector_load %arg6[%get3A_1675, %get3A_1676, %get3A_1677] {strides = array<i32>} : memref<2x4x8192xf32, #tpu.memory_space<vmem>>, vector<1x1x16xf32>,
      %get3A_1679 = vector.shape_cast %get3A_1678 : vector<1x1x16xf32> to vector<16xf32>
      %mul3A_1680 = arith.mulf %get3A_1679, %get3A_1654 : vector<16xf32>
      %add3A_1681 = arith.addf %add3A_1640, %mul3A_1680 : vector<16xf32>
      %get3A_1682 = arith.constant 0 : i32
      %get3A_1683 = arith.constant 3 : i32
      %get3A_1684 = arith.index_cast %get3A_1682 : i32 to index
      %get3A_1685 = arith.index_cast %get3A_1683 : i32 to index
      %get3A_1686 = arith.index_cast %add3A_1651 : i32 to index
      %get3A_1687 = tpu.vector_load %arg6[%get3A_1684, %get3A_1685, %get3A_1686] {strides = array<i32>} : memref<2x4x8192xf32, #tpu.memory_space<vmem>>, vector<1x1x16xf32>,
      %get3A_1688 = vector.shape_cast %get3A_1687 : vector<1x1x16xf32> to vector<16xf32>
      %mul3A_1689 = arith.mulf %get3A_1688, %get3A_1654 : vector<16xf32>
      %add3A_1690 = arith.addf %add3A_1649, %mul3A_1689 : vector<16xf32>
      scf.yield %add3A_1663, %add3A_1672, %add3A_1681, %add3A_1690 : vector<16xf32>, vector<16xf32>, vector<16xf32>, vector<16xf32>
    }
    %scan3A_392 = arith.constant 64 : i32
    %xor3A_393 = arith.constant 8 : i32
    %xor3A_394 = vector.broadcast %xor3A_393 : i32 to vector<16xi32>
    %xor3A_395 = arith.xori %iota3A, %xor3A_394 : vector<16xi32>
    %broadcast_in_dim3A_396 = vector.shape_cast %xor3A_395 : vector<16xi32> to vector<16x1xi32>
    %gather3A_397 = vector.shape_cast %broadcast_in_dim3A_396 : vector<16x1xi32> to vector<16xi32>
    %gather3A_398 = tpu.dynamic_gather %scan3A_391#0[%gather3A_397] in [0] : vector<16xf32>, vector<16xi32> -> vector<16xf32>
    %add3A_399 = arith.addf %scan3A_391#0, %gather3A_398 : vector<16xf32>
    %xor3A_400 = arith.constant 4 : i32
    %xor3A_401 = vector.broadcast %xor3A_400 : i32 to vector<16xi32>
    %xor3A_402 = arith.xori %iota3A, %xor3A_401 : vector<16xi32>
    %broadcast_in_dim3A_403 = vector.shape_cast %xor3A_402 : vector<16xi32> to vector<16x1xi32>
    %gather3A_404 = vector.shape_cast %broadcast_in_dim3A_403 : vector<16x1xi32> to vector<16xi32>
    %gather3A_405 = tpu.dynamic_gather %add3A_399[%gather3A_404] in [0] : vector<16xf32>, vector<16xi32> -> vector<16xf32>
    %add3A_406 = arith.addf %add3A_399, %gather3A_405 : vector<16xf32>
    %xor3A_407 = arith.constant 2 : i32
    %xor3A_408 = vector.broadcast %xor3A_407 : i32 to vector<16xi32>
    %xor3A_409 = arith.xori %iota3A, %xor3A_408 : vector<16xi32>
    %broadcast_in_dim3A_410 = vector.shape_cast %xor3A_409 : vector<16xi32> to vector<16x1xi32>
    %gather3A_411 = vector.shape_cast %broadcast_in_dim3A_410 : vector<16x1xi32> to vector<16xi32>
    %gather3A_412 = tpu.dynamic_gather %add3A_406[%gather3A_411] in [0] : vector<16xf32>, vector<16xi32> -> vector<16xf32>
    %add3A_413 = arith.addf %add3A_406, %gather3A_412 : vector<16xf32>
    %xor3A_414 = arith.constant 1 : i32
    %xor3A_415 = vector.broadcast %xor3A_414 : i32 to vector<16xi32>
    %xor3A_416 = arith.xori %iota3A, %xor3A_415 : vector<16xi32>
    %broadcast_in_dim3A_417 = vector.shape_cast %xor3A_416 : vector<16xi32> to vector<16x1xi32>
    %gather3A_418 = vector.shape_cast %broadcast_in_dim3A_417 : vector<16x1xi32> to vector<16xi32>
    %gather3A_419 = tpu.dynamic_gather %add3A_413[%gather3A_418] in [0] : vector<16xf32>, vector<16xi32> -> vector<16xf32>
    %add3A_420 = arith.addf %add3A_413, %gather3A_419 : vector<16xf32>
    %eq3A_421 = arith.constant 8 : i32
    %eq3A_422 = vector.broadcast %eq3A_421 : i32 to vector<16xi32>
    %eq3A_423 = arith.cmpi eq, %iota3A, %eq3A_422 : vector<16xi32>
    %select_n3A_424 = arith.select %eq3A_423, %add3A_420, %select_n3A_352 : vector<16xi1>, vector<16xf32>
    %xor3A_425 = arith.constant 8 : i32
    %xor3A_426 = vector.broadcast %xor3A_425 : i32 to vector<16xi32>
    %xor3A_427 = arith.xori %iota3A, %xor3A_426 : vector<16xi32>
    %broadcast_in_dim3A_428 = vector.shape_cast %xor3A_427 : vector<16xi32> to vector<16x1xi32>
    %gather3A_429 = vector.shape_cast %broadcast_in_dim3A_428 : vector<16x1xi32> to vector<16xi32>
    %gather3A_430 = tpu.dynamic_gather %scan3A_391#1[%gather3A_429] in [0] : vector<16xf32>, vector<16xi32> -> vector<16xf32>
    %add3A_431 = arith.addf %scan3A_391#1, %gather3A_430 : vector<16xf32>
    %xor3A_432 = arith.constant 4 : i32
    %xor3A_433 = vector.broadcast %xor3A_432 : i32 to vector<16xi32>
    %xor3A_434 = arith.xori %iota3A, %xor3A_433 : vector<16xi32>
    %broadcast_in_dim3A_435 = vector.shape_cast %xor3A_434 : vector<16xi32> to vector<16x1xi32>
    %gather3A_436 = vector.shape_cast %broadcast_in_dim3A_435 : vector<16x1xi32> to vector<16xi32>
    %gather3A_437 = tpu.dynamic_gather %add3A_431[%gather3A_436] in [0] : vector<16xf32>, vector<16xi32> -> vector<16xf32>
    %add3A_438 = arith.addf %add3A_431, %gather3A_437 : vector<16xf32>
    %xor3A_439 = arith.constant 2 : i32
    %xor3A_440 = vector.broadcast %xor3A_439 : i32 to vector<16xi32>
    %xor3A_441 = arith.xori %iota3A, %xor3A_440 : vector<16xi32>
    %broadcast_in_dim3A_442 = vector.shape_cast %xor3A_441 : vector<16xi32> to vector<16x1xi32>
    %gather3A_443 = vector.shape_cast %broadcast_in_dim3A_442 : vector<16x1xi32> to vector<16xi32>
    %gather3A_444 = tpu.dynamic_gather %add3A_438[%gather3A_443] in [0] : vector<16xf32>, vector<16xi32> -> vector<16xf32>
    %add3A_445 = arith.addf %add3A_438, %gather3A_444 : vector<16xf32>
    %xor3A_446 = arith.constant 1 : i32
    %xor3A_447 = vector.broadcast %xor3A_446 : i32 to vector<16xi32>
    %xor3A_448 = arith.xori %iota3A, %xor3A_447 : vector<16xi32>
    %broadcast_in_dim3A_449 = vector.shape_cast %xor3A_448 : vector<16xi32> to vector<16x1xi32>
    %gather3A_450 = vector.shape_cast %broadcast_in_dim3A_449 : vector<16x1xi32> to vector<16xi32>
    %gather3A_451 = tpu.dynamic_gather %add3A_445[%gather3A_450] in [0] : vector<16xf32>, vector<16xi32> -> vector<16xf32>
    %add3A_452 = arith.addf %add3A_445, %gather3A_451 : vector<16xf32>
    %eq3A_453 = arith.constant 9 : i32
    %eq3A_454 = vector.broadcast %eq3A_453 : i32 to vector<16xi32>
    %eq3A_455 = arith.cmpi eq, %iota3A, %eq3A_454 : vector<16xi32>
    %select_n3A_456 = arith.select %eq3A_455, %add3A_452, %select_n3A_424 : vector<16xi1>, vector<16xf32>
    %xor3A_457 = arith.constant 8 : i32
    %xor3A_458 = vector.broadcast %xor3A_457 : i32 to vector<16xi32>
    %xor3A_459 = arith.xori %iota3A, %xor3A_458 : vector<16xi32>
    %broadcast_in_dim3A_460 = vector.shape_cast %xor3A_459 : vector<16xi32> to vector<16x1xi32>
    %gather3A_461 = vector.shape_cast %broadcast_in_dim3A_460 : vector<16x1xi32> to vector<16xi32>
    %gather3A_462 = tpu.dynamic_gather %scan3A_391#2[%gather3A_461] in [0] : vector<16xf32>, vector<16xi32> -> vector<16xf32>
    %add3A_463 = arith.addf %scan3A_391#2, %gather3A_462 : vector<16xf32>
    %xor3A_464 = arith.constant 4 : i32
    %xor3A_465 = vector.broadcast %xor3A_464 : i32 to vector<16xi32>
    %xor3A_466 = arith.xori %iota3A, %xor3A_465 : vector<16xi32>
    %broadcast_in_dim3A_467 = vector.shape_cast %xor3A_466 : vector<16xi32> to vector<16x1xi32>
    %gather3A_468 = vector.shape_cast %broadcast_in_dim3A_467 : vector<16x1xi32> to vector<16xi32>
    %gather3A_469 = tpu.dynamic_gather %add3A_463[%gather3A_468] in [0] : vector<16xf32>, vector<16xi32> -> vector<16xf32>
    %add3A_470 = arith.addf %add3A_463, %gather3A_469 : vector<16xf32>
    %xor3A_471 = arith.constant 2 : i32
    %xor3A_472 = vector.broadcast %xor3A_471 : i32 to vector<16xi32>
    %xor3A_473 = arith.xori %iota3A, %xor3A_472 : vector<16xi32>
    %broadcast_in_dim3A_474 = vector.shape_cast %xor3A_473 : vector<16xi32> to vector<16x1xi32>
    %gather3A_475 = vector.shape_cast %broadcast_in_dim3A_474 : vector<16x1xi32> to vector<16xi32>
    %gather3A_476 = tpu.dynamic_gather %add3A_470[%gather3A_475] in [0] : vector<16xf32>, vector<16xi32> -> vector<16xf32>
    %add3A_477 = arith.addf %add3A_470, %gather3A_476 : vector<16xf32>
    %xor3A_478 = arith.constant 1 : i32
    %xor3A_479 = vector.broadcast %xor3A_478 : i32 to vector<16xi32>
    %xor3A_480 = arith.xori %iota3A, %xor3A_479 : vector<16xi32>
    %broadcast_in_dim3A_481 = vector.shape_cast %xor3A_480 : vector<16xi32> to vector<16x1xi32>
    %gather3A_482 = vector.shape_cast %broadcast_in_dim3A_481 : vector<16x1xi32> to vector<16xi32>
    %gather3A_483 = tpu.dynamic_gather %add3A_477[%gather3A_482] in [0] : vector<16xf32>, vector<16xi32> -> vector<16xf32>
    %add3A_484 = arith.addf %add3A_477, %gather3A_483 : vector<16xf32>
    %eq3A_485 = arith.constant 10 : i32
    %eq3A_486 = vector.broadcast %eq3A_485 : i32 to vector<16xi32>
    %eq3A_487 = arith.cmpi eq, %iota3A, %eq3A_486 : vector<16xi32>
    %select_n3A_488 = arith.select %eq3A_487, %add3A_484, %select_n3A_456 : vector<16xi1>, vector<16xf32>
    %xor3A_489 = arith.constant 8 : i32
    %xor3A_490 = vector.broadcast %xor3A_489 : i32 to vector<16xi32>
    %xor3A_491 = arith.xori %iota3A, %xor3A_490 : vector<16xi32>
    %broadcast_in_dim3A_492 = vector.shape_cast %xor3A_491 : vector<16xi32> to vector<16x1xi32>
    %gather3A_493 = vector.shape_cast %broadcast_in_dim3A_492 : vector<16x1xi32> to vector<16xi32>
    %gather3A_494 = tpu.dynamic_gather %scan3A_391#3[%gather3A_493] in [0] : vector<16xf32>, vector<16xi32> -> vector<16xf32>
    %add3A_495 = arith.addf %scan3A_391#3, %gather3A_494 : vector<16xf32>
    %xor3A_496 = arith.constant 4 : i32
    %xor3A_497 = vector.broadcast %xor3A_496 : i32 to vector<16xi32>
    %xor3A_498 = arith.xori %iota3A, %xor3A_497 : vector<16xi32>
    %broadcast_in_dim3A_499 = vector.shape_cast %xor3A_498 : vector<16xi32> to vector<16x1xi32>
    %gather3A_500 = vector.shape_cast %broadcast_in_dim3A_499 : vector<16x1xi32> to vector<16xi32>
    %gather3A_501 = tpu.dynamic_gather %add3A_495[%gather3A_500] in [0] : vector<16xf32>, vector<16xi32> -> vector<16xf32>
    %add3A_502 = arith.addf %add3A_495, %gather3A_501 : vector<16xf32>
    %xor3A_503 = arith.constant 2 : i32
    %xor3A_504 = vector.broadcast %xor3A_503 : i32 to vector<16xi32>
    %xor3A_505 = arith.xori %iota3A, %xor3A_504 : vector<16xi32>
    %broadcast_in_dim3A_506 = vector.shape_cast %xor3A_505 : vector<16xi32> to vector<16x1xi32>
    %gather3A_507 = vector.shape_cast %broadcast_in_dim3A_506 : vector<16x1xi32> to vector<16xi32>
    %gather3A_508 = tpu.dynamic_gather %add3A_502[%gather3A_507] in [0] : vector<16xf32>, vector<16xi32> -> vector<16xf32>
    %add3A_509 = arith.addf %add3A_502, %gather3A_508 : vector<16xf32>
    %xor3A_510 = arith.constant 1 : i32
    %xor3A_511 = vector.broadcast %xor3A_510 : i32 to vector<16xi32>
    %xor3A_512 = arith.xori %iota3A, %xor3A_511 : vector<16xi32>
    %broadcast_in_dim3A_513 = vector.shape_cast %xor3A_512 : vector<16xi32> to vector<16x1xi32>
    %gather3A_514 = vector.shape_cast %broadcast_in_dim3A_513 : vector<16x1xi32> to vector<16xi32>
    %gather3A_515 = tpu.dynamic_gather %add3A_509[%gather3A_514] in [0] : vector<16xf32>, vector<16xi32> -> vector<16xf32>
    %add3A_516 = arith.addf %add3A_509, %gather3A_515 : vector<16xf32>
    %eq3A_517 = arith.constant 11 : i32
    %eq3A_518 = vector.broadcast %eq3A_517 : i32 to vector<16xi32>
    %eq3A_519 = arith.cmpi eq, %iota3A, %eq3A_518 : vector<16xi32>
    %select_n3A_520 = arith.select %eq3A_519, %add3A_516, %select_n3A_488 : vector<16xi1>, vector<16xf32>
    %add3A_521 = arith.constant 16 : i32
    %add3A_522 = arith.addi %add3A_4, %add3A_521 : i32
    %dma_start3A_523 = arith.constant 0 : i32
    %dma_start3A_524 = arith.constant 0 : i32
    %dma_start3A_525 = arith.constant 0 : i32
    %dma_start3A_526 = arith.constant 0 : i32
    %dma_start3A_527 = tpu.memref_slice %arg6[%dma_start3A_523, %dma_start3A_525, %dma_start3A_526] : memref<2x4x8192xf32, #tpu.memory_space<vmem>> -> memref<1x4x8192xf32, #tpu.memory_space<vmem>>
    %dma_start3A_528 = tpu.memref_squeeze %dma_start3A_527 : memref<1x4x8192xf32, #tpu.memory_space<vmem>> -> memref<4x8192xf32, #tpu.memory_space<vmem>>
    %dma_start3A_529 = arith.constant 0 : i32
    %dma_start3A_530 = tpu.memref_slice %arg2[%add3A_522, %dma_start3A_529] : memref<4096x8192xf32, #tpu.memory_space<hbm>> -> memref<4x8192xf32, #tpu.memory_space<hbm>>
    %dma_start3A_531 = tpu.memref_slice %arg8[%dma_start3A_524] : memref<2x!tpu.dma_semaphore, #tpu.memory_space<semaphore_mem>> -> memref<1x!tpu.dma_semaphore, #tpu.memory_space<semaphore_mem>>
    %dma_start3A_532 = tpu.memref_squeeze %dma_start3A_531 : memref<1x!tpu.dma_semaphore, #tpu.memory_space<semaphore_mem>> -> memref<!tpu.dma_semaphore, #tpu.memory_space<semaphore_mem>>
    %dma_start3A_533 = arith.constant 0 : i32
    %dma_start3A_534 = arith.constant 0 : i32
    %dma_start3A_535 = tpu.memref_slice %arg6[%dma_start3A_523, %dma_start3A_533, %dma_start3A_534] : memref<2x4x8192xf32, #tpu.memory_space<vmem>> -> memref<1x4x8192xf32, #tpu.memory_space<vmem>>
    %dma_start3A_536 = tpu.memref_squeeze %dma_start3A_535 : memref<1x4x8192xf32, #tpu.memory_space<vmem>> -> memref<4x8192xf32, #tpu.memory_space<vmem>>
    %dma_start3A_537 = arith.constant 0 : i32
    %dma_start3A_538 = tpu.memref_slice %arg2[%add3A_522, %dma_start3A_537] : memref<4096x8192xf32, #tpu.memory_space<hbm>> -> memref<4x8192xf32, #tpu.memory_space<hbm>>
    tpu.enqueue_dma source(%dma_start3A_538 : memref<4x8192xf32, #tpu.memory_space<hbm>>) target(%dma_start3A_536 : memref<4x8192xf32, #tpu.memory_space<vmem>>) target_semaphore(%dma_start3A_532 : memref<!tpu.dma_semaphore, #tpu.memory_space<semaphore_mem>>)
    %dma_wait3A_539 = arith.constant 1 : i32
    %dma_wait3A_540 = arith.constant 1 : i32
    %dma_wait3A_541 = arith.constant 0 : i32
    %dma_wait3A_542 = arith.constant 0 : i32
    %dma_wait3A_543 = tpu.memref_slice %arg6[%dma_wait3A_539, %dma_wait3A_541, %dma_wait3A_542] : memref<2x4x8192xf32, #tpu.memory_space<vmem>> -> memref<1x4x8192xf32, #tpu.memory_space<vmem>>
    %dma_wait3A_544 = tpu.memref_squeeze %dma_wait3A_543 : memref<1x4x8192xf32, #tpu.memory_space<vmem>> -> memref<4x8192xf32, #tpu.memory_space<vmem>>
    %dma_wait3A_545 = arith.constant 0 : i32
    %dma_wait3A_546 = tpu.memref_slice %arg2[%add3A_354, %dma_wait3A_545] : memref<4096x8192xf32, #tpu.memory_space<hbm>> -> memref<4x8192xf32, #tpu.memory_space<hbm>>
    %dma_wait3A_547 = tpu.memref_slice %arg8[%dma_wait3A_540] : memref<2x!tpu.dma_semaphore, #tpu.memory_space<semaphore_mem>> -> memref<1x!tpu.dma_semaphore, #tpu.memory_space<semaphore_mem>>
    %dma_wait3A_548 = tpu.memref_squeeze %dma_wait3A_547 : memref<1x!tpu.dma_semaphore, #tpu.memory_space<semaphore_mem>> -> memref<!tpu.dma_semaphore, #tpu.memory_space<semaphore_mem>>
    %dma_wait3A_549 = arith.constant 0 : i32
    %dma_wait3A_550 = arith.constant 0 : i32
    %dma_wait3A_551 = tpu.memref_slice %arg6[%dma_wait3A_539, %dma_wait3A_549, %dma_wait3A_550] : memref<2x4x8192xf32, #tpu.memory_space<vmem>> -> memref<1x4x8192xf32, #tpu.memory_space<vmem>>
    %dma_wait3A_552 = tpu.memref_squeeze %dma_wait3A_551 : memref<1x4x8192xf32, #tpu.memory_space<vmem>> -> memref<4x8192xf32, #tpu.memory_space<vmem>>
    %dma_wait3A_553 = arith.constant 0 : i32
    %dma_wait3A_554 = tpu.memref_slice %arg2[%add3A_354, %dma_wait3A_553] : memref<4096x8192xf32, #tpu.memory_space<hbm>> -> memref<4x8192xf32, #tpu.memory_space<hbm>>
    tpu.wait_dma2 semaphore(%dma_wait3A_548 : memref<!tpu.dma_semaphore, #tpu.memory_space<semaphore_mem>>) src(%dma_wait3A_554 : memref<4x8192xf32, #tpu.memory_space<hbm>>) dst(%dma_wait3A_552 : memref<4x8192xf32, #tpu.memory_space<vmem>>)
    %scan3A_555 = arith.constant 0 : i32
    %scan3A_556 = arith.constant 64 : i32
    %scan3A_557 = arith.addi %scan3A_555, %scan3A_556 : i32
    %scan3A_558 = arith.constant 1 : i32
    %scan3A_559:4 = scf.for %scan3A_1357 = %scan3A_555 to %scan3A_557 step %scan3A_558 iter_args(%scan3A_1358 = %convert_element_type3A, %scan3A_1359 = %convert_element_type3A, %scan3A_1360 = %convert_element_type3A, %scan3A_1361 = %convert_element_type3A) -> (vector<16xf32>, vector<16xf32>, vector<16xf32>, vector<16xf32>)  : i32 {
      %mul3A_1362 = arith.constant 128 : i32
      %mul3A_1363 = arith.muli %scan3A_1357, %mul3A_1362 : i32
      %add3A_1364 = arith.constant 0 : i32
      %add3A_1365 = arith.addi %mul3A_1363, %add3A_1364 : i32
      %get3A = arith.index_cast %add3A_1365 : i32 to index
      %get3A_1366 = tpu.vector_load %arg5[%get3A] {strides = array<i32>} : memref<8192xf32, #tpu.memory_space<vmem>>, vector<16xf32>,
      %get3A_1367 = vector.shape_cast %get3A_1366 : vector<16xf32> to vector<16xf32>
      %get3A_1368 = arith.constant 1 : i32
      %get3A_1369 = arith.constant 0 : i32
      %get3A_1370 = arith.index_cast %get3A_1368 : i32 to index
      %get3A_1371 = arith.index_cast %get3A_1369 : i32 to index
      %get3A_1372 = arith.index_cast %add3A_1365 : i32 to index
      %get3A_1373 = tpu.vector_load %arg6[%get3A_1370, %get3A_1371, %get3A_1372] {strides = array<i32>} : memref<2x4x8192xf32, #tpu.memory_space<vmem>>, vector<1x1x16xf32>,
      %get3A_1374 = vector.shape_cast %get3A_1373 : vector<1x1x16xf32> to vector<16xf32>
      %mul3A_1375 = arith.mulf %get3A_1374, %get3A_1367 : vector<16xf32>
      %add3A_1376 = arith.addf %scan3A_1358, %mul3A_1375 : vector<16xf32>
      %get3A_1377 = arith.constant 1 : i32
      %get3A_1378 = arith.constant 1 : i32
      %get3A_1379 = arith.index_cast %get3A_1377 : i32 to index
      %get3A_1380 = arith.index_cast %get3A_1378 : i32 to index
      %get3A_1381 = arith.index_cast %add3A_1365 : i32 to index
      %get3A_1382 = tpu.vector_load %arg6[%get3A_1379, %get3A_1380, %get3A_1381] {strides = array<i32>} : memref<2x4x8192xf32, #tpu.memory_space<vmem>>, vector<1x1x16xf32>,
      %get3A_1383 = vector.shape_cast %get3A_1382 : vector<1x1x16xf32> to vector<16xf32>
      %mul3A_1384 = arith.mulf %get3A_1383, %get3A_1367 : vector<16xf32>
      %add3A_1385 = arith.addf %scan3A_1359, %mul3A_1384 : vector<16xf32>
      %get3A_1386 = arith.constant 1 : i32
      %get3A_1387 = arith.constant 2 : i32
      %get3A_1388 = arith.index_cast %get3A_1386 : i32 to index
      %get3A_1389 = arith.index_cast %get3A_1387 : i32 to index
      %get3A_1390 = arith.index_cast %add3A_1365 : i32 to index
      %get3A_1391 = tpu.vector_load %arg6[%get3A_1388, %get3A_1389, %get3A_1390] {strides = array<i32>} : memref<2x4x8192xf32, #tpu.memory_space<vmem>>, vector<1x1x16xf32>,
      %get3A_1392 = vector.shape_cast %get3A_1391 : vector<1x1x16xf32> to vector<16xf32>
      %mul3A_1393 = arith.mulf %get3A_1392, %get3A_1367 : vector<16xf32>
      %add3A_1394 = arith.addf %scan3A_1360, %mul3A_1393 : vector<16xf32>
      %get3A_1395 = arith.constant 1 : i32
      %get3A_1396 = arith.constant 3 : i32
      %get3A_1397 = arith.index_cast %get3A_1395 : i32 to index
      %get3A_1398 = arith.index_cast %get3A_1396 : i32 to index
      %get3A_1399 = arith.index_cast %add3A_1365 : i32 to index
      %get3A_1400 = tpu.vector_load %arg6[%get3A_1397, %get3A_1398, %get3A_1399] {strides = array<i32>} : memref<2x4x8192xf32, #tpu.memory_space<vmem>>, vector<1x1x16xf32>,
      %get3A_1401 = vector.shape_cast %get3A_1400 : vector<1x1x16xf32> to vector<16xf32>
      %mul3A_1402 = arith.mulf %get3A_1401, %get3A_1367 : vector<16xf32>
      %add3A_1403 = arith.addf %scan3A_1361, %mul3A_1402 : vector<16xf32>
      %add3A_1404 = arith.constant 16 : i32
      %add3A_1405 = arith.addi %mul3A_1363, %add3A_1404 : i32
      %get3A_1406 = arith.index_cast %add3A_1405 : i32 to index
      %get3A_1407 = tpu.vector_load %arg5[%get3A_1406] {strides = array<i32>} : memref<8192xf32, #tpu.memory_space<vmem>>, vector<16xf32>,
      %get3A_1408 = vector.shape_cast %get3A_1407 : vector<16xf32> to vector<16xf32>
      %get3A_1409 = arith.constant 1 : i32
      %get3A_1410 = arith.constant 0 : i32
      %get3A_1411 = arith.index_cast %get3A_1409 : i32 to index
      %get3A_1412 = arith.index_cast %get3A_1410 : i32 to index
      %get3A_1413 = arith.index_cast %add3A_1405 : i32 to index
      %get3A_1414 = tpu.vector_load %arg6[%get3A_1411, %get3A_1412, %get3A_1413] {strides = array<i32>} : memref<2x4x8192xf32, #tpu.memory_space<vmem>>, vector<1x1x16xf32>,
      %get3A_1415 = vector.shape_cast %get3A_1414 : vector<1x1x16xf32> to vector<16xf32>
      %mul3A_1416 = arith.mulf %get3A_1415, %get3A_1408 : vector<16xf32>
      %add3A_1417 = arith.addf %add3A_1376, %mul3A_1416 : vector<16xf32>
      %get3A_1418 = arith.constant 1 : i32
      %get3A_1419 = arith.constant 1 : i32
      %get3A_1420 = arith.index_cast %get3A_1418 : i32 to index
      %get3A_1421 = arith.index_cast %get3A_1419 : i32 to index
      %get3A_1422 = arith.index_cast %add3A_1405 : i32 to index
      %get3A_1423 = tpu.vector_load %arg6[%get3A_1420, %get3A_1421, %get3A_1422] {strides = array<i32>} : memref<2x4x8192xf32, #tpu.memory_space<vmem>>, vector<1x1x16xf32>,
      %get3A_1424 = vector.shape_cast %get3A_1423 : vector<1x1x16xf32> to vector<16xf32>
      %mul3A_1425 = arith.mulf %get3A_1424, %get3A_1408 : vector<16xf32>
      %add3A_1426 = arith.addf %add3A_1385, %mul3A_1425 : vector<16xf32>
      %get3A_1427 = arith.constant 1 : i32
      %get3A_1428 = arith.constant 2 : i32
      %get3A_1429 = arith.index_cast %get3A_1427 : i32 to index
      %get3A_1430 = arith.index_cast %get3A_1428 : i32 to index
      %get3A_1431 = arith.index_cast %add3A_1405 : i32 to index
      %get3A_1432 = tpu.vector_load %arg6[%get3A_1429, %get3A_1430, %get3A_1431] {strides = array<i32>} : memref<2x4x8192xf32, #tpu.memory_space<vmem>>, vector<1x1x16xf32>,
      %get3A_1433 = vector.shape_cast %get3A_1432 : vector<1x1x16xf32> to vector<16xf32>
      %mul3A_1434 = arith.mulf %get3A_1433, %get3A_1408 : vector<16xf32>
      %add3A_1435 = arith.addf %add3A_1394, %mul3A_1434 : vector<16xf32>
      %get3A_1436 = arith.constant 1 : i32
      %get3A_1437 = arith.constant 3 : i32
      %get3A_1438 = arith.index_cast %get3A_1436 : i32 to index
      %get3A_1439 = arith.index_cast %get3A_1437 : i32 to index
      %get3A_1440 = arith.index_cast %add3A_1405 : i32 to index
      %get3A_1441 = tpu.vector_load %arg6[%get3A_1438, %get3A_1439, %get3A_1440] {strides = array<i32>} : memref<2x4x8192xf32, #tpu.memory_space<vmem>>, vector<1x1x16xf32>,
      %get3A_1442 = vector.shape_cast %get3A_1441 : vector<1x1x16xf32> to vector<16xf32>
      %mul3A_1443 = arith.mulf %get3A_1442, %get3A_1408 : vector<16xf32>
      %add3A_1444 = arith.addf %add3A_1403, %mul3A_1443 : vector<16xf32>
      %add3A_1445 = arith.constant 32 : i32
      %add3A_1446 = arith.addi %mul3A_1363, %add3A_1445 : i32
      %get3A_1447 = arith.index_cast %add3A_1446 : i32 to index
      %get3A_1448 = tpu.vector_load %arg5[%get3A_1447] {strides = array<i32>} : memref<8192xf32, #tpu.memory_space<vmem>>, vector<16xf32>,
      %get3A_1449 = vector.shape_cast %get3A_1448 : vector<16xf32> to vector<16xf32>
      %get3A_1450 = arith.constant 1 : i32
      %get3A_1451 = arith.constant 0 : i32
      %get3A_1452 = arith.index_cast %get3A_1450 : i32 to index
      %get3A_1453 = arith.index_cast %get3A_1451 : i32 to index
      %get3A_1454 = arith.index_cast %add3A_1446 : i32 to index
      %get3A_1455 = tpu.vector_load %arg6[%get3A_1452, %get3A_1453, %get3A_1454] {strides = array<i32>} : memref<2x4x8192xf32, #tpu.memory_space<vmem>>, vector<1x1x16xf32>,
      %get3A_1456 = vector.shape_cast %get3A_1455 : vector<1x1x16xf32> to vector<16xf32>
      %mul3A_1457 = arith.mulf %get3A_1456, %get3A_1449 : vector<16xf32>
      %add3A_1458 = arith.addf %add3A_1417, %mul3A_1457 : vector<16xf32>
      %get3A_1459 = arith.constant 1 : i32
      %get3A_1460 = arith.constant 1 : i32
      %get3A_1461 = arith.index_cast %get3A_1459 : i32 to index
      %get3A_1462 = arith.index_cast %get3A_1460 : i32 to index
      %get3A_1463 = arith.index_cast %add3A_1446 : i32 to index
      %get3A_1464 = tpu.vector_load %arg6[%get3A_1461, %get3A_1462, %get3A_1463] {strides = array<i32>} : memref<2x4x8192xf32, #tpu.memory_space<vmem>>, vector<1x1x16xf32>,
      %get3A_1465 = vector.shape_cast %get3A_1464 : vector<1x1x16xf32> to vector<16xf32>
      %mul3A_1466 = arith.mulf %get3A_1465, %get3A_1449 : vector<16xf32>
      %add3A_1467 = arith.addf %add3A_1426, %mul3A_1466 : vector<16xf32>
      %get3A_1468 = arith.constant 1 : i32
      %get3A_1469 = arith.constant 2 : i32
      %get3A_1470 = arith.index_cast %get3A_1468 : i32 to index
      %get3A_1471 = arith.index_cast %get3A_1469 : i32 to index
      %get3A_1472 = arith.index_cast %add3A_1446 : i32 to index
      %get3A_1473 = tpu.vector_load %arg6[%get3A_1470, %get3A_1471, %get3A_1472] {strides = array<i32>} : memref<2x4x8192xf32, #tpu.memory_space<vmem>>, vector<1x1x16xf32>,
      %get3A_1474 = vector.shape_cast %get3A_1473 : vector<1x1x16xf32> to vector<16xf32>
      %mul3A_1475 = arith.mulf %get3A_1474, %get3A_1449 : vector<16xf32>
      %add3A_1476 = arith.addf %add3A_1435, %mul3A_1475 : vector<16xf32>
      %get3A_1477 = arith.constant 1 : i32
      %get3A_1478 = arith.constant 3 : i32
      %get3A_1479 = arith.index_cast %get3A_1477 : i32 to index
      %get3A_1480 = arith.index_cast %get3A_1478 : i32 to index
      %get3A_1481 = arith.index_cast %add3A_1446 : i32 to index
      %get3A_1482 = tpu.vector_load %arg6[%get3A_1479, %get3A_1480, %get3A_1481] {strides = array<i32>} : memref<2x4x8192xf32, #tpu.memory_space<vmem>>, vector<1x1x16xf32>,
      %get3A_1483 = vector.shape_cast %get3A_1482 : vector<1x1x16xf32> to vector<16xf32>
      %mul3A_1484 = arith.mulf %get3A_1483, %get3A_1449 : vector<16xf32>
      %add3A_1485 = arith.addf %add3A_1444, %mul3A_1484 : vector<16xf32>
      %add3A_1486 = arith.constant 48 : i32
      %add3A_1487 = arith.addi %mul3A_1363, %add3A_1486 : i32
      %get3A_1488 = arith.index_cast %add3A_1487 : i32 to index
      %get3A_1489 = tpu.vector_load %arg5[%get3A_1488] {strides = array<i32>} : memref<8192xf32, #tpu.memory_space<vmem>>, vector<16xf32>,
      %get3A_1490 = vector.shape_cast %get3A_1489 : vector<16xf32> to vector<16xf32>
      %get3A_1491 = arith.constant 1 : i32
      %get3A_1492 = arith.constant 0 : i32
      %get3A_1493 = arith.index_cast %get3A_1491 : i32 to index
      %get3A_1494 = arith.index_cast %get3A_1492 : i32 to index
      %get3A_1495 = arith.index_cast %add3A_1487 : i32 to index
      %get3A_1496 = tpu.vector_load %arg6[%get3A_1493, %get3A_1494, %get3A_1495] {strides = array<i32>} : memref<2x4x8192xf32, #tpu.memory_space<vmem>>, vector<1x1x16xf32>,
      %get3A_1497 = vector.shape_cast %get3A_1496 : vector<1x1x16xf32> to vector<16xf32>
      %mul3A_1498 = arith.mulf %get3A_1497, %get3A_1490 : vector<16xf32>
      %add3A_1499 = arith.addf %add3A_1458, %mul3A_1498 : vector<16xf32>
      %get3A_1500 = arith.constant 1 : i32
      %get3A_1501 = arith.constant 1 : i32
      %get3A_1502 = arith.index_cast %get3A_1500 : i32 to index
      %get3A_1503 = arith.index_cast %get3A_1501 : i32 to index
      %get3A_1504 = arith.index_cast %add3A_1487 : i32 to index
      %get3A_1505 = tpu.vector_load %arg6[%get3A_1502, %get3A_1503, %get3A_1504] {strides = array<i32>} : memref<2x4x8192xf32, #tpu.memory_space<vmem>>, vector<1x1x16xf32>,
      %get3A_1506 = vector.shape_cast %get3A_1505 : vector<1x1x16xf32> to vector<16xf32>
      %mul3A_1507 = arith.mulf %get3A_1506, %get3A_1490 : vector<16xf32>
      %add3A_1508 = arith.addf %add3A_1467, %mul3A_1507 : vector<16xf32>
      %get3A_1509 = arith.constant 1 : i32
      %get3A_1510 = arith.constant 2 : i32
      %get3A_1511 = arith.index_cast %get3A_1509 : i32 to index
      %get3A_1512 = arith.index_cast %get3A_1510 : i32 to index
      %get3A_1513 = arith.index_cast %add3A_1487 : i32 to index
      %get3A_1514 = tpu.vector_load %arg6[%get3A_1511, %get3A_1512, %get3A_1513] {strides = array<i32>} : memref<2x4x8192xf32, #tpu.memory_space<vmem>>, vector<1x1x16xf32>,
      %get3A_1515 = vector.shape_cast %get3A_1514 : vector<1x1x16xf32> to vector<16xf32>
      %mul3A_1516 = arith.mulf %get3A_1515, %get3A_1490 : vector<16xf32>
      %add3A_1517 = arith.addf %add3A_1476, %mul3A_1516 : vector<16xf32>
      %get3A_1518 = arith.constant 1 : i32
      %get3A_1519 = arith.constant 3 : i32
      %get3A_1520 = arith.index_cast %get3A_1518 : i32 to index
      %get3A_1521 = arith.index_cast %get3A_1519 : i32 to index
      %get3A_1522 = arith.index_cast %add3A_1487 : i32 to index
      %get3A_1523 = tpu.vector_load %arg6[%get3A_1520, %get3A_1521, %get3A_1522] {strides = array<i32>} : memref<2x4x8192xf32, #tpu.memory_space<vmem>>, vector<1x1x16xf32>,
      %get3A_1524 = vector.shape_cast %get3A_1523 : vector<1x1x16xf32> to vector<16xf32>
      %mul3A_1525 = arith.mulf %get3A_1524, %get3A_1490 : vector<16xf32>
      %add3A_1526 = arith.addf %add3A_1485, %mul3A_1525 : vector<16xf32>
      %add3A_1527 = arith.constant 64 : i32
      %add3A_1528 = arith.addi %mul3A_1363, %add3A_1527 : i32
      %get3A_1529 = arith.index_cast %add3A_1528 : i32 to index
      %get3A_1530 = tpu.vector_load %arg5[%get3A_1529] {strides = array<i32>} : memref<8192xf32, #tpu.memory_space<vmem>>, vector<16xf32>,
      %get3A_1531 = vector.shape_cast %get3A_1530 : vector<16xf32> to vector<16xf32>
      %get3A_1532 = arith.constant 1 : i32
      %get3A_1533 = arith.constant 0 : i32
      %get3A_1534 = arith.index_cast %get3A_1532 : i32 to index
      %get3A_1535 = arith.index_cast %get3A_1533 : i32 to index
      %get3A_1536 = arith.index_cast %add3A_1528 : i32 to index
      %get3A_1537 = tpu.vector_load %arg6[%get3A_1534, %get3A_1535, %get3A_1536] {strides = array<i32>} : memref<2x4x8192xf32, #tpu.memory_space<vmem>>, vector<1x1x16xf32>,
      %get3A_1538 = vector.shape_cast %get3A_1537 : vector<1x1x16xf32> to vector<16xf32>
      %mul3A_1539 = arith.mulf %get3A_1538, %get3A_1531 : vector<16xf32>
      %add3A_1540 = arith.addf %add3A_1499, %mul3A_1539 : vector<16xf32>
      %get3A_1541 = arith.constant 1 : i32
      %get3A_1542 = arith.constant 1 : i32
      %get3A_1543 = arith.index_cast %get3A_1541 : i32 to index
      %get3A_1544 = arith.index_cast %get3A_1542 : i32 to index
      %get3A_1545 = arith.index_cast %add3A_1528 : i32 to index
      %get3A_1546 = tpu.vector_load %arg6[%get3A_1543, %get3A_1544, %get3A_1545] {strides = array<i32>} : memref<2x4x8192xf32, #tpu.memory_space<vmem>>, vector<1x1x16xf32>,
      %get3A_1547 = vector.shape_cast %get3A_1546 : vector<1x1x16xf32> to vector<16xf32>
      %mul3A_1548 = arith.mulf %get3A_1547, %get3A_1531 : vector<16xf32>
      %add3A_1549 = arith.addf %add3A_1508, %mul3A_1548 : vector<16xf32>
      %get3A_1550 = arith.constant 1 : i32
      %get3A_1551 = arith.constant 2 : i32
      %get3A_1552 = arith.index_cast %get3A_1550 : i32 to index
      %get3A_1553 = arith.index_cast %get3A_1551 : i32 to index
      %get3A_1554 = arith.index_cast %add3A_1528 : i32 to index
      %get3A_1555 = tpu.vector_load %arg6[%get3A_1552, %get3A_1553, %get3A_1554] {strides = array<i32>} : memref<2x4x8192xf32, #tpu.memory_space<vmem>>, vector<1x1x16xf32>,
      %get3A_1556 = vector.shape_cast %get3A_1555 : vector<1x1x16xf32> to vector<16xf32>
      %mul3A_1557 = arith.mulf %get3A_1556, %get3A_1531 : vector<16xf32>
      %add3A_1558 = arith.addf %add3A_1517, %mul3A_1557 : vector<16xf32>
      %get3A_1559 = arith.constant 1 : i32
      %get3A_1560 = arith.constant 3 : i32
      %get3A_1561 = arith.index_cast %get3A_1559 : i32 to index
      %get3A_1562 = arith.index_cast %get3A_1560 : i32 to index
      %get3A_1563 = arith.index_cast %add3A_1528 : i32 to index
      %get3A_1564 = tpu.vector_load %arg6[%get3A_1561, %get3A_1562, %get3A_1563] {strides = array<i32>} : memref<2x4x8192xf32, #tpu.memory_space<vmem>>, vector<1x1x16xf32>,
      %get3A_1565 = vector.shape_cast %get3A_1564 : vector<1x1x16xf32> to vector<16xf32>
      %mul3A_1566 = arith.mulf %get3A_1565, %get3A_1531 : vector<16xf32>
      %add3A_1567 = arith.addf %add3A_1526, %mul3A_1566 : vector<16xf32>
      %add3A_1568 = arith.constant 80 : i32
      %add3A_1569 = arith.addi %mul3A_1363, %add3A_1568 : i32
      %get3A_1570 = arith.index_cast %add3A_1569 : i32 to index
      %get3A_1571 = tpu.vector_load %arg5[%get3A_1570] {strides = array<i32>} : memref<8192xf32, #tpu.memory_space<vmem>>, vector<16xf32>,
      %get3A_1572 = vector.shape_cast %get3A_1571 : vector<16xf32> to vector<16xf32>
      %get3A_1573 = arith.constant 1 : i32
      %get3A_1574 = arith.constant 0 : i32
      %get3A_1575 = arith.index_cast %get3A_1573 : i32 to index
      %get3A_1576 = arith.index_cast %get3A_1574 : i32 to index
      %get3A_1577 = arith.index_cast %add3A_1569 : i32 to index
      %get3A_1578 = tpu.vector_load %arg6[%get3A_1575, %get3A_1576, %get3A_1577] {strides = array<i32>} : memref<2x4x8192xf32, #tpu.memory_space<vmem>>, vector<1x1x16xf32>,
      %get3A_1579 = vector.shape_cast %get3A_1578 : vector<1x1x16xf32> to vector<16xf32>
      %mul3A_1580 = arith.mulf %get3A_1579, %get3A_1572 : vector<16xf32>
      %add3A_1581 = arith.addf %add3A_1540, %mul3A_1580 : vector<16xf32>
      %get3A_1582 = arith.constant 1 : i32
      %get3A_1583 = arith.constant 1 : i32
      %get3A_1584 = arith.index_cast %get3A_1582 : i32 to index
      %get3A_1585 = arith.index_cast %get3A_1583 : i32 to index
      %get3A_1586 = arith.index_cast %add3A_1569 : i32 to index
      %get3A_1587 = tpu.vector_load %arg6[%get3A_1584, %get3A_1585, %get3A_1586] {strides = array<i32>} : memref<2x4x8192xf32, #tpu.memory_space<vmem>>, vector<1x1x16xf32>,
      %get3A_1588 = vector.shape_cast %get3A_1587 : vector<1x1x16xf32> to vector<16xf32>
      %mul3A_1589 = arith.mulf %get3A_1588, %get3A_1572 : vector<16xf32>
      %add3A_1590 = arith.addf %add3A_1549, %mul3A_1589 : vector<16xf32>
      %get3A_1591 = arith.constant 1 : i32
      %get3A_1592 = arith.constant 2 : i32
      %get3A_1593 = arith.index_cast %get3A_1591 : i32 to index
      %get3A_1594 = arith.index_cast %get3A_1592 : i32 to index
      %get3A_1595 = arith.index_cast %add3A_1569 : i32 to index
      %get3A_1596 = tpu.vector_load %arg6[%get3A_1593, %get3A_1594, %get3A_1595] {strides = array<i32>} : memref<2x4x8192xf32, #tpu.memory_space<vmem>>, vector<1x1x16xf32>,
      %get3A_1597 = vector.shape_cast %get3A_1596 : vector<1x1x16xf32> to vector<16xf32>
      %mul3A_1598 = arith.mulf %get3A_1597, %get3A_1572 : vector<16xf32>
      %add3A_1599 = arith.addf %add3A_1558, %mul3A_1598 : vector<16xf32>
      %get3A_1600 = arith.constant 1 : i32
      %get3A_1601 = arith.constant 3 : i32
      %get3A_1602 = arith.index_cast %get3A_1600 : i32 to index
      %get3A_1603 = arith.index_cast %get3A_1601 : i32 to index
      %get3A_1604 = arith.index_cast %add3A_1569 : i32 to index
      %get3A_1605 = tpu.vector_load %arg6[%get3A_1602, %get3A_1603, %get3A_1604] {strides = array<i32>} : memref<2x4x8192xf32, #tpu.memory_space<vmem>>, vector<1x1x16xf32>,
      %get3A_1606 = vector.shape_cast %get3A_1605 : vector<1x1x16xf32> to vector<16xf32>
      %mul3A_1607 = arith.mulf %get3A_1606, %get3A_1572 : vector<16xf32>
      %add3A_1608 = arith.addf %add3A_1567, %mul3A_1607 : vector<16xf32>
      %add3A_1609 = arith.constant 96 : i32
      %add3A_1610 = arith.addi %mul3A_1363, %add3A_1609 : i32
      %get3A_1611 = arith.index_cast %add3A_1610 : i32 to index
      %get3A_1612 = tpu.vector_load %arg5[%get3A_1611] {strides = array<i32>} : memref<8192xf32, #tpu.memory_space<vmem>>, vector<16xf32>,
      %get3A_1613 = vector.shape_cast %get3A_1612 : vector<16xf32> to vector<16xf32>
      %get3A_1614 = arith.constant 1 : i32
      %get3A_1615 = arith.constant 0 : i32
      %get3A_1616 = arith.index_cast %get3A_1614 : i32 to index
      %get3A_1617 = arith.index_cast %get3A_1615 : i32 to index
      %get3A_1618 = arith.index_cast %add3A_1610 : i32 to index
      %get3A_1619 = tpu.vector_load %arg6[%get3A_1616, %get3A_1617, %get3A_1618] {strides = array<i32>} : memref<2x4x8192xf32, #tpu.memory_space<vmem>>, vector<1x1x16xf32>,
      %get3A_1620 = vector.shape_cast %get3A_1619 : vector<1x1x16xf32> to vector<16xf32>
      %mul3A_1621 = arith.mulf %get3A_1620, %get3A_1613 : vector<16xf32>
      %add3A_1622 = arith.addf %add3A_1581, %mul3A_1621 : vector<16xf32>
      %get3A_1623 = arith.constant 1 : i32
      %get3A_1624 = arith.constant 1 : i32
      %get3A_1625 = arith.index_cast %get3A_1623 : i32 to index
      %get3A_1626 = arith.index_cast %get3A_1624 : i32 to index
      %get3A_1627 = arith.index_cast %add3A_1610 : i32 to index
      %get3A_1628 = tpu.vector_load %arg6[%get3A_1625, %get3A_1626, %get3A_1627] {strides = array<i32>} : memref<2x4x8192xf32, #tpu.memory_space<vmem>>, vector<1x1x16xf32>,
      %get3A_1629 = vector.shape_cast %get3A_1628 : vector<1x1x16xf32> to vector<16xf32>
      %mul3A_1630 = arith.mulf %get3A_1629, %get3A_1613 : vector<16xf32>
      %add3A_1631 = arith.addf %add3A_1590, %mul3A_1630 : vector<16xf32>
      %get3A_1632 = arith.constant 1 : i32
      %get3A_1633 = arith.constant 2 : i32
      %get3A_1634 = arith.index_cast %get3A_1632 : i32 to index
      %get3A_1635 = arith.index_cast %get3A_1633 : i32 to index
      %get3A_1636 = arith.index_cast %add3A_1610 : i32 to index
      %get3A_1637 = tpu.vector_load %arg6[%get3A_1634, %get3A_1635, %get3A_1636] {strides = array<i32>} : memref<2x4x8192xf32, #tpu.memory_space<vmem>>, vector<1x1x16xf32>,
      %get3A_1638 = vector.shape_cast %get3A_1637 : vector<1x1x16xf32> to vector<16xf32>
      %mul3A_1639 = arith.mulf %get3A_1638, %get3A_1613 : vector<16xf32>
      %add3A_1640 = arith.addf %add3A_1599, %mul3A_1639 : vector<16xf32>
      %get3A_1641 = arith.constant 1 : i32
      %get3A_1642 = arith.constant 3 : i32
      %get3A_1643 = arith.index_cast %get3A_1641 : i32 to index
      %get3A_1644 = arith.index_cast %get3A_1642 : i32 to index
      %get3A_1645 = arith.index_cast %add3A_1610 : i32 to index
      %get3A_1646 = tpu.vector_load %arg6[%get3A_1643, %get3A_1644, %get3A_1645] {strides = array<i32>} : memref<2x4x8192xf32, #tpu.memory_space<vmem>>, vector<1x1x16xf32>,
      %get3A_1647 = vector.shape_cast %get3A_1646 : vector<1x1x16xf32> to vector<16xf32>
      %mul3A_1648 = arith.mulf %get3A_1647, %get3A_1613 : vector<16xf32>
      %add3A_1649 = arith.addf %add3A_1608, %mul3A_1648 : vector<16xf32>
      %add3A_1650 = arith.constant 112 : i32
      %add3A_1651 = arith.addi %mul3A_1363, %add3A_1650 : i32
      %get3A_1652 = arith.index_cast %add3A_1651 : i32 to index
      %get3A_1653 = tpu.vector_load %arg5[%get3A_1652] {strides = array<i32>} : memref<8192xf32, #tpu.memory_space<vmem>>, vector<16xf32>,
      %get3A_1654 = vector.shape_cast %get3A_1653 : vector<16xf32> to vector<16xf32>
      %get3A_1655 = arith.constant 1 : i32
      %get3A_1656 = arith.constant 0 : i32
      %get3A_1657 = arith.index_cast %get3A_1655 : i32 to index
      %get3A_1658 = arith.index_cast %get3A_1656 : i32 to index
      %get3A_1659 = arith.index_cast %add3A_1651 : i32 to index
      %get3A_1660 = tpu.vector_load %arg6[%get3A_1657, %get3A_1658, %get3A_1659] {strides = array<i32>} : memref<2x4x8192xf32, #tpu.memory_space<vmem>>, vector<1x1x16xf32>,
      %get3A_1661 = vector.shape_cast %get3A_1660 : vector<1x1x16xf32> to vector<16xf32>
      %mul3A_1662 = arith.mulf %get3A_1661, %get3A_1654 : vector<16xf32>
      %add3A_1663 = arith.addf %add3A_1622, %mul3A_1662 : vector<16xf32>
      %get3A_1664 = arith.constant 1 : i32
      %get3A_1665 = arith.constant 1 : i32
      %get3A_1666 = arith.index_cast %get3A_1664 : i32 to index
      %get3A_1667 = arith.index_cast %get3A_1665 : i32 to index
      %get3A_1668 = arith.index_cast %add3A_1651 : i32 to index
      %get3A_1669 = tpu.vector_load %arg6[%get3A_1666, %get3A_1667, %get3A_1668] {strides = array<i32>} : memref<2x4x8192xf32, #tpu.memory_space<vmem>>, vector<1x1x16xf32>,
      %get3A_1670 = vector.shape_cast %get3A_1669 : vector<1x1x16xf32> to vector<16xf32>
      %mul3A_1671 = arith.mulf %get3A_1670, %get3A_1654 : vector<16xf32>
      %add3A_1672 = arith.addf %add3A_1631, %mul3A_1671 : vector<16xf32>
      %get3A_1673 = arith.constant 1 : i32
      %get3A_1674 = arith.constant 2 : i32
      %get3A_1675 = arith.index_cast %get3A_1673 : i32 to index
      %get3A_1676 = arith.index_cast %get3A_1674 : i32 to index
      %get3A_1677 = arith.index_cast %add3A_1651 : i32 to index
      %get3A_1678 = tpu.vector_load %arg6[%get3A_1675, %get3A_1676, %get3A_1677] {strides = array<i32>} : memref<2x4x8192xf32, #tpu.memory_space<vmem>>, vector<1x1x16xf32>,
      %get3A_1679 = vector.shape_cast %get3A_1678 : vector<1x1x16xf32> to vector<16xf32>
      %mul3A_1680 = arith.mulf %get3A_1679, %get3A_1654 : vector<16xf32>
      %add3A_1681 = arith.addf %add3A_1640, %mul3A_1680 : vector<16xf32>
      %get3A_1682 = arith.constant 1 : i32
      %get3A_1683 = arith.constant 3 : i32
      %get3A_1684 = arith.index_cast %get3A_1682 : i32 to index
      %get3A_1685 = arith.index_cast %get3A_1683 : i32 to index
      %get3A_1686 = arith.index_cast %add3A_1651 : i32 to index
      %get3A_1687 = tpu.vector_load %arg6[%get3A_1684, %get3A_1685, %get3A_1686] {strides = array<i32>} : memref<2x4x8192xf32, #tpu.memory_space<vmem>>, vector<1x1x16xf32>,
      %get3A_1688 = vector.shape_cast %get3A_1687 : vector<1x1x16xf32> to vector<16xf32>
      %mul3A_1689 = arith.mulf %get3A_1688, %get3A_1654 : vector<16xf32>
      %add3A_1690 = arith.addf %add3A_1649, %mul3A_1689 : vector<16xf32>
      scf.yield %add3A_1663, %add3A_1672, %add3A_1681, %add3A_1690 : vector<16xf32>, vector<16xf32>, vector<16xf32>, vector<16xf32>
    }
    %scan3A_560 = arith.constant 64 : i32
    %xor3A_561 = arith.constant 8 : i32
    %xor3A_562 = vector.broadcast %xor3A_561 : i32 to vector<16xi32>
    %xor3A_563 = arith.xori %iota3A, %xor3A_562 : vector<16xi32>
    %broadcast_in_dim3A_564 = vector.shape_cast %xor3A_563 : vector<16xi32> to vector<16x1xi32>
    %gather3A_565 = vector.shape_cast %broadcast_in_dim3A_564 : vector<16x1xi32> to vector<16xi32>
    %gather3A_566 = tpu.dynamic_gather %scan3A_559#0[%gather3A_565] in [0] : vector<16xf32>, vector<16xi32> -> vector<16xf32>
    %add3A_567 = arith.addf %scan3A_559#0, %gather3A_566 : vector<16xf32>
    %xor3A_568 = arith.constant 4 : i32
    %xor3A_569 = vector.broadcast %xor3A_568 : i32 to vector<16xi32>
    %xor3A_570 = arith.xori %iota3A, %xor3A_569 : vector<16xi32>
    %broadcast_in_dim3A_571 = vector.shape_cast %xor3A_570 : vector<16xi32> to vector<16x1xi32>
    %gather3A_572 = vector.shape_cast %broadcast_in_dim3A_571 : vector<16x1xi32> to vector<16xi32>
    %gather3A_573 = tpu.dynamic_gather %add3A_567[%gather3A_572] in [0] : vector<16xf32>, vector<16xi32> -> vector<16xf32>
    %add3A_574 = arith.addf %add3A_567, %gather3A_573 : vector<16xf32>
    %xor3A_575 = arith.constant 2 : i32
    %xor3A_576 = vector.broadcast %xor3A_575 : i32 to vector<16xi32>
    %xor3A_577 = arith.xori %iota3A, %xor3A_576 : vector<16xi32>
    %broadcast_in_dim3A_578 = vector.shape_cast %xor3A_577 : vector<16xi32> to vector<16x1xi32>
    %gather3A_579 = vector.shape_cast %broadcast_in_dim3A_578 : vector<16x1xi32> to vector<16xi32>
    %gather3A_580 = tpu.dynamic_gather %add3A_574[%gather3A_579] in [0] : vector<16xf32>, vector<16xi32> -> vector<16xf32>
    %add3A_581 = arith.addf %add3A_574, %gather3A_580 : vector<16xf32>
    %xor3A_582 = arith.constant 1 : i32
    %xor3A_583 = vector.broadcast %xor3A_582 : i32 to vector<16xi32>
    %xor3A_584 = arith.xori %iota3A, %xor3A_583 : vector<16xi32>
    %broadcast_in_dim3A_585 = vector.shape_cast %xor3A_584 : vector<16xi32> to vector<16x1xi32>
    %gather3A_586 = vector.shape_cast %broadcast_in_dim3A_585 : vector<16x1xi32> to vector<16xi32>
    %gather3A_587 = tpu.dynamic_gather %add3A_581[%gather3A_586] in [0] : vector<16xf32>, vector<16xi32> -> vector<16xf32>
    %add3A_588 = arith.addf %add3A_581, %gather3A_587 : vector<16xf32>
    %eq3A_589 = arith.constant 12 : i32
    %eq3A_590 = vector.broadcast %eq3A_589 : i32 to vector<16xi32>
    %eq3A_591 = arith.cmpi eq, %iota3A, %eq3A_590 : vector<16xi32>
    %select_n3A_592 = arith.select %eq3A_591, %add3A_588, %select_n3A_520 : vector<16xi1>, vector<16xf32>
    %xor3A_593 = arith.constant 8 : i32
    %xor3A_594 = vector.broadcast %xor3A_593 : i32 to vector<16xi32>
    %xor3A_595 = arith.xori %iota3A, %xor3A_594 : vector<16xi32>
    %broadcast_in_dim3A_596 = vector.shape_cast %xor3A_595 : vector<16xi32> to vector<16x1xi32>
    %gather3A_597 = vector.shape_cast %broadcast_in_dim3A_596 : vector<16x1xi32> to vector<16xi32>
    %gather3A_598 = tpu.dynamic_gather %scan3A_559#1[%gather3A_597] in [0] : vector<16xf32>, vector<16xi32> -> vector<16xf32>
    %add3A_599 = arith.addf %scan3A_559#1, %gather3A_598 : vector<16xf32>
    %xor3A_600 = arith.constant 4 : i32
    %xor3A_601 = vector.broadcast %xor3A_600 : i32 to vector<16xi32>
    %xor3A_602 = arith.xori %iota3A, %xor3A_601 : vector<16xi32>
    %broadcast_in_dim3A_603 = vector.shape_cast %xor3A_602 : vector<16xi32> to vector<16x1xi32>
    %gather3A_604 = vector.shape_cast %broadcast_in_dim3A_603 : vector<16x1xi32> to vector<16xi32>
    %gather3A_605 = tpu.dynamic_gather %add3A_599[%gather3A_604] in [0] : vector<16xf32>, vector<16xi32> -> vector<16xf32>
    %add3A_606 = arith.addf %add3A_599, %gather3A_605 : vector<16xf32>
    %xor3A_607 = arith.constant 2 : i32
    %xor3A_608 = vector.broadcast %xor3A_607 : i32 to vector<16xi32>
    %xor3A_609 = arith.xori %iota3A, %xor3A_608 : vector<16xi32>
    %broadcast_in_dim3A_610 = vector.shape_cast %xor3A_609 : vector<16xi32> to vector<16x1xi32>
    %gather3A_611 = vector.shape_cast %broadcast_in_dim3A_610 : vector<16x1xi32> to vector<16xi32>
    %gather3A_612 = tpu.dynamic_gather %add3A_606[%gather3A_611] in [0] : vector<16xf32>, vector<16xi32> -> vector<16xf32>
    %add3A_613 = arith.addf %add3A_606, %gather3A_612 : vector<16xf32>
    %xor3A_614 = arith.constant 1 : i32
    %xor3A_615 = vector.broadcast %xor3A_614 : i32 to vector<16xi32>
    %xor3A_616 = arith.xori %iota3A, %xor3A_615 : vector<16xi32>
    %broadcast_in_dim3A_617 = vector.shape_cast %xor3A_616 : vector<16xi32> to vector<16x1xi32>
    %gather3A_618 = vector.shape_cast %broadcast_in_dim3A_617 : vector<16x1xi32> to vector<16xi32>
    %gather3A_619 = tpu.dynamic_gather %add3A_613[%gather3A_618] in [0] : vector<16xf32>, vector<16xi32> -> vector<16xf32>
    %add3A_620 = arith.addf %add3A_613, %gather3A_619 : vector<16xf32>
    %eq3A_621 = arith.constant 13 : i32
    %eq3A_622 = vector.broadcast %eq3A_621 : i32 to vector<16xi32>
    %eq3A_623 = arith.cmpi eq, %iota3A, %eq3A_622 : vector<16xi32>
    %select_n3A_624 = arith.select %eq3A_623, %add3A_620, %select_n3A_592 : vector<16xi1>, vector<16xf32>
    %xor3A_625 = arith.constant 8 : i32
    %xor3A_626 = vector.broadcast %xor3A_625 : i32 to vector<16xi32>
    %xor3A_627 = arith.xori %iota3A, %xor3A_626 : vector<16xi32>
    %broadcast_in_dim3A_628 = vector.shape_cast %xor3A_627 : vector<16xi32> to vector<16x1xi32>
    %gather3A_629 = vector.shape_cast %broadcast_in_dim3A_628 : vector<16x1xi32> to vector<16xi32>
    %gather3A_630 = tpu.dynamic_gather %scan3A_559#2[%gather3A_629] in [0] : vector<16xf32>, vector<16xi32> -> vector<16xf32>
    %add3A_631 = arith.addf %scan3A_559#2, %gather3A_630 : vector<16xf32>
    %xor3A_632 = arith.constant 4 : i32
    %xor3A_633 = vector.broadcast %xor3A_632 : i32 to vector<16xi32>
    %xor3A_634 = arith.xori %iota3A, %xor3A_633 : vector<16xi32>
    %broadcast_in_dim3A_635 = vector.shape_cast %xor3A_634 : vector<16xi32> to vector<16x1xi32>
    %gather3A_636 = vector.shape_cast %broadcast_in_dim3A_635 : vector<16x1xi32> to vector<16xi32>
    %gather3A_637 = tpu.dynamic_gather %add3A_631[%gather3A_636] in [0] : vector<16xf32>, vector<16xi32> -> vector<16xf32>
    %add3A_638 = arith.addf %add3A_631, %gather3A_637 : vector<16xf32>
    %xor3A_639 = arith.constant 2 : i32
    %xor3A_640 = vector.broadcast %xor3A_639 : i32 to vector<16xi32>
    %xor3A_641 = arith.xori %iota3A, %xor3A_640 : vector<16xi32>
    %broadcast_in_dim3A_642 = vector.shape_cast %xor3A_641 : vector<16xi32> to vector<16x1xi32>
    %gather3A_643 = vector.shape_cast %broadcast_in_dim3A_642 : vector<16x1xi32> to vector<16xi32>
    %gather3A_644 = tpu.dynamic_gather %add3A_638[%gather3A_643] in [0] : vector<16xf32>, vector<16xi32> -> vector<16xf32>
    %add3A_645 = arith.addf %add3A_638, %gather3A_644 : vector<16xf32>
    %xor3A_646 = arith.constant 1 : i32
    %xor3A_647 = vector.broadcast %xor3A_646 : i32 to vector<16xi32>
    %xor3A_648 = arith.xori %iota3A, %xor3A_647 : vector<16xi32>
    %broadcast_in_dim3A_649 = vector.shape_cast %xor3A_648 : vector<16xi32> to vector<16x1xi32>
    %gather3A_650 = vector.shape_cast %broadcast_in_dim3A_649 : vector<16x1xi32> to vector<16xi32>
    %gather3A_651 = tpu.dynamic_gather %add3A_645[%gather3A_650] in [0] : vector<16xf32>, vector<16xi32> -> vector<16xf32>
    %add3A_652 = arith.addf %add3A_645, %gather3A_651 : vector<16xf32>
    %eq3A_653 = arith.constant 14 : i32
    %eq3A_654 = vector.broadcast %eq3A_653 : i32 to vector<16xi32>
    %eq3A_655 = arith.cmpi eq, %iota3A, %eq3A_654 : vector<16xi32>
    %select_n3A_656 = arith.select %eq3A_655, %add3A_652, %select_n3A_624 : vector<16xi1>, vector<16xf32>
    %xor3A_657 = arith.constant 8 : i32
    %xor3A_658 = vector.broadcast %xor3A_657 : i32 to vector<16xi32>
    %xor3A_659 = arith.xori %iota3A, %xor3A_658 : vector<16xi32>
    %broadcast_in_dim3A_660 = vector.shape_cast %xor3A_659 : vector<16xi32> to vector<16x1xi32>
    %gather3A_661 = vector.shape_cast %broadcast_in_dim3A_660 : vector<16x1xi32> to vector<16xi32>
    %gather3A_662 = tpu.dynamic_gather %scan3A_559#3[%gather3A_661] in [0] : vector<16xf32>, vector<16xi32> -> vector<16xf32>
    %add3A_663 = arith.addf %scan3A_559#3, %gather3A_662 : vector<16xf32>
    %xor3A_664 = arith.constant 4 : i32
    %xor3A_665 = vector.broadcast %xor3A_664 : i32 to vector<16xi32>
    %xor3A_666 = arith.xori %iota3A, %xor3A_665 : vector<16xi32>
    %broadcast_in_dim3A_667 = vector.shape_cast %xor3A_666 : vector<16xi32> to vector<16x1xi32>
    %gather3A_668 = vector.shape_cast %broadcast_in_dim3A_667 : vector<16x1xi32> to vector<16xi32>
    %gather3A_669 = tpu.dynamic_gather %add3A_663[%gather3A_668] in [0] : vector<16xf32>, vector<16xi32> -> vector<16xf32>
    %add3A_670 = arith.addf %add3A_663, %gather3A_669 : vector<16xf32>
    %xor3A_671 = arith.constant 2 : i32
    %xor3A_672 = vector.broadcast %xor3A_671 : i32 to vector<16xi32>
    %xor3A_673 = arith.xori %iota3A, %xor3A_672 : vector<16xi32>
    %broadcast_in_dim3A_674 = vector.shape_cast %xor3A_673 : vector<16xi32> to vector<16x1xi32>
    %gather3A_675 = vector.shape_cast %broadcast_in_dim3A_674 : vector<16x1xi32> to vector<16xi32>
    %gather3A_676 = tpu.dynamic_gather %add3A_670[%gather3A_675] in [0] : vector<16xf32>, vector<16xi32> -> vector<16xf32>
    %add3A_677 = arith.addf %add3A_670, %gather3A_676 : vector<16xf32>
    %xor3A_678 = arith.constant 1 : i32
    %xor3A_679 = vector.broadcast %xor3A_678 : i32 to vector<16xi32>
    %xor3A_680 = arith.xori %iota3A, %xor3A_679 : vector<16xi32>
    %broadcast_in_dim3A_681 = vector.shape_cast %xor3A_680 : vector<16xi32> to vector<16x1xi32>
    %gather3A_682 = vector.shape_cast %broadcast_in_dim3A_681 : vector<16x1xi32> to vector<16xi32>
    %gather3A_683 = tpu.dynamic_gather %add3A_677[%gather3A_682] in [0] : vector<16xf32>, vector<16xi32> -> vector<16xf32>
    %add3A_684 = arith.addf %add3A_677, %gather3A_683 : vector<16xf32>
    %eq3A_685 = arith.constant 15 : i32
    %eq3A_686 = vector.broadcast %eq3A_685 : i32 to vector<16xi32>
    %eq3A_687 = arith.cmpi eq, %iota3A, %eq3A_686 : vector<16xi32>
    %select_n3A_688 = arith.select %eq3A_687, %add3A_684, %select_n3A_656 : vector<16xi1>, vector<16xf32>
    %max3A = arith.constant 9.99999997E-7 : f32
    %max3A_689 = vector.broadcast %max3A : f32 to vector<16xf32>
    %max3A_690 = arith.maximumf %select_n3A_688, %max3A_689 : vector<16xf32>
    %swap3A = arith.constant 0 : index
    %swap3A_691 = tpu.vector_load %arg7[%swap3A] {strides = array<i32>} : memref<32xf32, #tpu.memory_space<vmem>>, vector<16xf32>,
    %swap3A_692 = vector.shape_cast %swap3A_691 : vector<16xf32> to vector<16xf32>
    %swap3A_693 = vector.shape_cast %max3A_690 : vector<16xf32> to vector<16xf32>
    tpu.vector_store %arg7[%swap3A], %swap3A_693 {strides = array<i32>} : memref<32xf32, #tpu.memory_space<vmem>>, vector<16xf32>,
    %add3A_694 = arith.constant 20 : i32
    %add3A_695 = arith.addi %add3A_4, %add3A_694 : i32
    %dma_start3A_696 = arith.constant 1 : i32
    %dma_start3A_697 = arith.constant 1 : i32
    %dma_start3A_698 = arith.constant 0 : i32
    %dma_start3A_699 = arith.constant 0 : i32
    %dma_start3A_700 = tpu.memref_slice %arg6[%dma_start3A_696, %dma_start3A_698, %dma_start3A_699] : memref<2x4x8192xf32, #tpu.memory_space<vmem>> -> memref<1x4x8192xf32, #tpu.memory_space<vmem>>
    %dma_start3A_701 = tpu.memref_squeeze %dma_start3A_700 : memref<1x4x8192xf32, #tpu.memory_space<vmem>> -> memref<4x8192xf32, #tpu.memory_space<vmem>>
    %dma_start3A_702 = arith.constant 0 : i32
    %dma_start3A_703 = tpu.memref_slice %arg2[%add3A_695, %dma_start3A_702] : memref<4096x8192xf32, #tpu.memory_space<hbm>> -> memref<4x8192xf32, #tpu.memory_space<hbm>>
    %dma_start3A_704 = tpu.memref_slice %arg8[%dma_start3A_697] : memref<2x!tpu.dma_semaphore, #tpu.memory_space<semaphore_mem>> -> memref<1x!tpu.dma_semaphore, #tpu.memory_space<semaphore_mem>>
    %dma_start3A_705 = tpu.memref_squeeze %dma_start3A_704 : memref<1x!tpu.dma_semaphore, #tpu.memory_space<semaphore_mem>> -> memref<!tpu.dma_semaphore, #tpu.memory_space<semaphore_mem>>
    %dma_start3A_706 = arith.constant 0 : i32
    %dma_start3A_707 = arith.constant 0 : i32
    %dma_start3A_708 = tpu.memref_slice %arg6[%dma_start3A_696, %dma_start3A_706, %dma_start3A_707] : memref<2x4x8192xf32, #tpu.memory_space<vmem>> -> memref<1x4x8192xf32, #tpu.memory_space<vmem>>
    %dma_start3A_709 = tpu.memref_squeeze %dma_start3A_708 : memref<1x4x8192xf32, #tpu.memory_space<vmem>> -> memref<4x8192xf32, #tpu.memory_space<vmem>>
    %dma_start3A_710 = arith.constant 0 : i32
    %dma_start3A_711 = tpu.memref_slice %arg2[%add3A_695, %dma_start3A_710] : memref<4096x8192xf32, #tpu.memory_space<hbm>> -> memref<4x8192xf32, #tpu.memory_space<hbm>>
    tpu.enqueue_dma source(%dma_start3A_711 : memref<4x8192xf32, #tpu.memory_space<hbm>>) target(%dma_start3A_709 : memref<4x8192xf32, #tpu.memory_space<vmem>>) target_semaphore(%dma_start3A_705 : memref<!tpu.dma_semaphore, #tpu.memory_space<semaphore_mem>>)
    %dma_wait3A_712 = arith.constant 0 : i32
    %dma_wait3A_713 = arith.constant 0 : i32
    %dma_wait3A_714 = arith.constant 0 : i32
    %dma_wait3A_715 = arith.constant 0 : i32
    %dma_wait3A_716 = tpu.memref_slice %arg6[%dma_wait3A_712, %dma_wait3A_714, %dma_wait3A_715] : memref<2x4x8192xf32, #tpu.memory_space<vmem>> -> memref<1x4x8192xf32, #tpu.memory_space<vmem>>
    %dma_wait3A_717 = tpu.memref_squeeze %dma_wait3A_716 : memref<1x4x8192xf32, #tpu.memory_space<vmem>> -> memref<4x8192xf32, #tpu.memory_space<vmem>>
    %dma_wait3A_718 = arith.constant 0 : i32
    %dma_wait3A_719 = tpu.memref_slice %arg2[%add3A_522, %dma_wait3A_718] : memref<4096x8192xf32, #tpu.memory_space<hbm>> -> memref<4x8192xf32, #tpu.memory_space<hbm>>
    %dma_wait3A_720 = tpu.memref_slice %arg8[%dma_wait3A_713] : memref<2x!tpu.dma_semaphore, #tpu.memory_space<semaphore_mem>> -> memref<1x!tpu.dma_semaphore, #tpu.memory_space<semaphore_mem>>
    %dma_wait3A_721 = tpu.memref_squeeze %dma_wait3A_720 : memref<1x!tpu.dma_semaphore, #tpu.memory_space<semaphore_mem>> -> memref<!tpu.dma_semaphore, #tpu.memory_space<semaphore_mem>>
    %dma_wait3A_722 = arith.constant 0 : i32
    %dma_wait3A_723 = arith.constant 0 : i32
    %dma_wait3A_724 = tpu.memref_slice %arg6[%dma_wait3A_712, %dma_wait3A_722, %dma_wait3A_723] : memref<2x4x8192xf32, #tpu.memory_space<vmem>> -> memref<1x4x8192xf32, #tpu.memory_space<vmem>>
    %dma_wait3A_725 = tpu.memref_squeeze %dma_wait3A_724 : memref<1x4x8192xf32, #tpu.memory_space<vmem>> -> memref<4x8192xf32, #tpu.memory_space<vmem>>
    %dma_wait3A_726 = arith.constant 0 : i32
    %dma_wait3A_727 = tpu.memref_slice %arg2[%add3A_522, %dma_wait3A_726] : memref<4096x8192xf32, #tpu.memory_space<hbm>> -> memref<4x8192xf32, #tpu.memory_space<hbm>>
    tpu.wait_dma2 semaphore(%dma_wait3A_721 : memref<!tpu.dma_semaphore, #tpu.memory_space<semaphore_mem>>) src(%dma_wait3A_727 : memref<4x8192xf32, #tpu.memory_space<hbm>>) dst(%dma_wait3A_725 : memref<4x8192xf32, #tpu.memory_space<vmem>>)
    %scan3A_728 = arith.constant 0 : i32
    %scan3A_729 = arith.constant 64 : i32
    %scan3A_730 = arith.addi %scan3A_728, %scan3A_729 : i32
    %scan3A_731 = arith.constant 1 : i32
    %scan3A_732:4 = scf.for %scan3A_1357 = %scan3A_728 to %scan3A_730 step %scan3A_731 iter_args(%scan3A_1358 = %convert_element_type3A, %scan3A_1359 = %convert_element_type3A, %scan3A_1360 = %convert_element_type3A, %scan3A_1361 = %convert_element_type3A) -> (vector<16xf32>, vector<16xf32>, vector<16xf32>, vector<16xf32>)  : i32 {
      %mul3A_1362 = arith.constant 128 : i32
      %mul3A_1363 = arith.muli %scan3A_1357, %mul3A_1362 : i32
      %add3A_1364 = arith.constant 0 : i32
      %add3A_1365 = arith.addi %mul3A_1363, %add3A_1364 : i32
      %get3A = arith.index_cast %add3A_1365 : i32 to index
      %get3A_1366 = tpu.vector_load %arg5[%get3A] {strides = array<i32>} : memref<8192xf32, #tpu.memory_space<vmem>>, vector<16xf32>,
      %get3A_1367 = vector.shape_cast %get3A_1366 : vector<16xf32> to vector<16xf32>
      %get3A_1368 = arith.constant 0 : i32
      %get3A_1369 = arith.constant 0 : i32
      %get3A_1370 = arith.index_cast %get3A_1368 : i32 to index
      %get3A_1371 = arith.index_cast %get3A_1369 : i32 to index
      %get3A_1372 = arith.index_cast %add3A_1365 : i32 to index
      %get3A_1373 = tpu.vector_load %arg6[%get3A_1370, %get3A_1371, %get3A_1372] {strides = array<i32>} : memref<2x4x8192xf32, #tpu.memory_space<vmem>>, vector<1x1x16xf32>,
      %get3A_1374 = vector.shape_cast %get3A_1373 : vector<1x1x16xf32> to vector<16xf32>
      %mul3A_1375 = arith.mulf %get3A_1374, %get3A_1367 : vector<16xf32>
      %add3A_1376 = arith.addf %scan3A_1358, %mul3A_1375 : vector<16xf32>
      %get3A_1377 = arith.constant 0 : i32
      %get3A_1378 = arith.constant 1 : i32
      %get3A_1379 = arith.index_cast %get3A_1377 : i32 to index
      %get3A_1380 = arith.index_cast %get3A_1378 : i32 to index
      %get3A_1381 = arith.index_cast %add3A_1365 : i32 to index
      %get3A_1382 = tpu.vector_load %arg6[%get3A_1379, %get3A_1380, %get3A_1381] {strides = array<i32>} : memref<2x4x8192xf32, #tpu.memory_space<vmem>>, vector<1x1x16xf32>,
      %get3A_1383 = vector.shape_cast %get3A_1382 : vector<1x1x16xf32> to vector<16xf32>
      %mul3A_1384 = arith.mulf %get3A_1383, %get3A_1367 : vector<16xf32>
      %add3A_1385 = arith.addf %scan3A_1359, %mul3A_1384 : vector<16xf32>
      %get3A_1386 = arith.constant 0 : i32
      %get3A_1387 = arith.constant 2 : i32
      %get3A_1388 = arith.index_cast %get3A_1386 : i32 to index
      %get3A_1389 = arith.index_cast %get3A_1387 : i32 to index
      %get3A_1390 = arith.index_cast %add3A_1365 : i32 to index
      %get3A_1391 = tpu.vector_load %arg6[%get3A_1388, %get3A_1389, %get3A_1390] {strides = array<i32>} : memref<2x4x8192xf32, #tpu.memory_space<vmem>>, vector<1x1x16xf32>,
      %get3A_1392 = vector.shape_cast %get3A_1391 : vector<1x1x16xf32> to vector<16xf32>
      %mul3A_1393 = arith.mulf %get3A_1392, %get3A_1367 : vector<16xf32>
      %add3A_1394 = arith.addf %scan3A_1360, %mul3A_1393 : vector<16xf32>
      %get3A_1395 = arith.constant 0 : i32
      %get3A_1396 = arith.constant 3 : i32
      %get3A_1397 = arith.index_cast %get3A_1395 : i32 to index
      %get3A_1398 = arith.index_cast %get3A_1396 : i32 to index
      %get3A_1399 = arith.index_cast %add3A_1365 : i32 to index
      %get3A_1400 = tpu.vector_load %arg6[%get3A_1397, %get3A_1398, %get3A_1399] {strides = array<i32>} : memref<2x4x8192xf32, #tpu.memory_space<vmem>>, vector<1x1x16xf32>,
      %get3A_1401 = vector.shape_cast %get3A_1400 : vector<1x1x16xf32> to vector<16xf32>
      %mul3A_1402 = arith.mulf %get3A_1401, %get3A_1367 : vector<16xf32>
      %add3A_1403 = arith.addf %scan3A_1361, %mul3A_1402 : vector<16xf32>
      %add3A_1404 = arith.constant 16 : i32
      %add3A_1405 = arith.addi %mul3A_1363, %add3A_1404 : i32
      %get3A_1406 = arith.index_cast %add3A_1405 : i32 to index
      %get3A_1407 = tpu.vector_load %arg5[%get3A_1406] {strides = array<i32>} : memref<8192xf32, #tpu.memory_space<vmem>>, vector<16xf32>,
      %get3A_1408 = vector.shape_cast %get3A_1407 : vector<16xf32> to vector<16xf32>
      %get3A_1409 = arith.constant 0 : i32
      %get3A_1410 = arith.constant 0 : i32
      %get3A_1411 = arith.index_cast %get3A_1409 : i32 to index
      %get3A_1412 = arith.index_cast %get3A_1410 : i32 to index
      %get3A_1413 = arith.index_cast %add3A_1405 : i32 to index
      %get3A_1414 = tpu.vector_load %arg6[%get3A_1411, %get3A_1412, %get3A_1413] {strides = array<i32>} : memref<2x4x8192xf32, #tpu.memory_space<vmem>>, vector<1x1x16xf32>,
      %get3A_1415 = vector.shape_cast %get3A_1414 : vector<1x1x16xf32> to vector<16xf32>
      %mul3A_1416 = arith.mulf %get3A_1415, %get3A_1408 : vector<16xf32>
      %add3A_1417 = arith.addf %add3A_1376, %mul3A_1416 : vector<16xf32>
      %get3A_1418 = arith.constant 0 : i32
      %get3A_1419 = arith.constant 1 : i32
      %get3A_1420 = arith.index_cast %get3A_1418 : i32 to index
      %get3A_1421 = arith.index_cast %get3A_1419 : i32 to index
      %get3A_1422 = arith.index_cast %add3A_1405 : i32 to index
      %get3A_1423 = tpu.vector_load %arg6[%get3A_1420, %get3A_1421, %get3A_1422] {strides = array<i32>} : memref<2x4x8192xf32, #tpu.memory_space<vmem>>, vector<1x1x16xf32>,
      %get3A_1424 = vector.shape_cast %get3A_1423 : vector<1x1x16xf32> to vector<16xf32>
      %mul3A_1425 = arith.mulf %get3A_1424, %get3A_1408 : vector<16xf32>
      %add3A_1426 = arith.addf %add3A_1385, %mul3A_1425 : vector<16xf32>
      %get3A_1427 = arith.constant 0 : i32
      %get3A_1428 = arith.constant 2 : i32
      %get3A_1429 = arith.index_cast %get3A_1427 : i32 to index
      %get3A_1430 = arith.index_cast %get3A_1428 : i32 to index
      %get3A_1431 = arith.index_cast %add3A_1405 : i32 to index
      %get3A_1432 = tpu.vector_load %arg6[%get3A_1429, %get3A_1430, %get3A_1431] {strides = array<i32>} : memref<2x4x8192xf32, #tpu.memory_space<vmem>>, vector<1x1x16xf32>,
      %get3A_1433 = vector.shape_cast %get3A_1432 : vector<1x1x16xf32> to vector<16xf32>
      %mul3A_1434 = arith.mulf %get3A_1433, %get3A_1408 : vector<16xf32>
      %add3A_1435 = arith.addf %add3A_1394, %mul3A_1434 : vector<16xf32>
      %get3A_1436 = arith.constant 0 : i32
      %get3A_1437 = arith.constant 3 : i32
      %get3A_1438 = arith.index_cast %get3A_1436 : i32 to index
      %get3A_1439 = arith.index_cast %get3A_1437 : i32 to index
      %get3A_1440 = arith.index_cast %add3A_1405 : i32 to index
      %get3A_1441 = tpu.vector_load %arg6[%get3A_1438, %get3A_1439, %get3A_1440] {strides = array<i32>} : memref<2x4x8192xf32, #tpu.memory_space<vmem>>, vector<1x1x16xf32>,
      %get3A_1442 = vector.shape_cast %get3A_1441 : vector<1x1x16xf32> to vector<16xf32>
      %mul3A_1443 = arith.mulf %get3A_1442, %get3A_1408 : vector<16xf32>
      %add3A_1444 = arith.addf %add3A_1403, %mul3A_1443 : vector<16xf32>
      %add3A_1445 = arith.constant 32 : i32
      %add3A_1446 = arith.addi %mul3A_1363, %add3A_1445 : i32
      %get3A_1447 = arith.index_cast %add3A_1446 : i32 to index
      %get3A_1448 = tpu.vector_load %arg5[%get3A_1447] {strides = array<i32>} : memref<8192xf32, #tpu.memory_space<vmem>>, vector<16xf32>,
      %get3A_1449 = vector.shape_cast %get3A_1448 : vector<16xf32> to vector<16xf32>
      %get3A_1450 = arith.constant 0 : i32
      %get3A_1451 = arith.constant 0 : i32
      %get3A_1452 = arith.index_cast %get3A_1450 : i32 to index
      %get3A_1453 = arith.index_cast %get3A_1451 : i32 to index
      %get3A_1454 = arith.index_cast %add3A_1446 : i32 to index
      %get3A_1455 = tpu.vector_load %arg6[%get3A_1452, %get3A_1453, %get3A_1454] {strides = array<i32>} : memref<2x4x8192xf32, #tpu.memory_space<vmem>>, vector<1x1x16xf32>,
      %get3A_1456 = vector.shape_cast %get3A_1455 : vector<1x1x16xf32> to vector<16xf32>
      %mul3A_1457 = arith.mulf %get3A_1456, %get3A_1449 : vector<16xf32>
      %add3A_1458 = arith.addf %add3A_1417, %mul3A_1457 : vector<16xf32>
      %get3A_1459 = arith.constant 0 : i32
      %get3A_1460 = arith.constant 1 : i32
      %get3A_1461 = arith.index_cast %get3A_1459 : i32 to index
      %get3A_1462 = arith.index_cast %get3A_1460 : i32 to index
      %get3A_1463 = arith.index_cast %add3A_1446 : i32 to index
      %get3A_1464 = tpu.vector_load %arg6[%get3A_1461, %get3A_1462, %get3A_1463] {strides = array<i32>} : memref<2x4x8192xf32, #tpu.memory_space<vmem>>, vector<1x1x16xf32>,
      %get3A_1465 = vector.shape_cast %get3A_1464 : vector<1x1x16xf32> to vector<16xf32>
      %mul3A_1466 = arith.mulf %get3A_1465, %get3A_1449 : vector<16xf32>
      %add3A_1467 = arith.addf %add3A_1426, %mul3A_1466 : vector<16xf32>
      %get3A_1468 = arith.constant 0 : i32
      %get3A_1469 = arith.constant 2 : i32
      %get3A_1470 = arith.index_cast %get3A_1468 : i32 to index
      %get3A_1471 = arith.index_cast %get3A_1469 : i32 to index
      %get3A_1472 = arith.index_cast %add3A_1446 : i32 to index
      %get3A_1473 = tpu.vector_load %arg6[%get3A_1470, %get3A_1471, %get3A_1472] {strides = array<i32>} : memref<2x4x8192xf32, #tpu.memory_space<vmem>>, vector<1x1x16xf32>,
      %get3A_1474 = vector.shape_cast %get3A_1473 : vector<1x1x16xf32> to vector<16xf32>
      %mul3A_1475 = arith.mulf %get3A_1474, %get3A_1449 : vector<16xf32>
      %add3A_1476 = arith.addf %add3A_1435, %mul3A_1475 : vector<16xf32>
      %get3A_1477 = arith.constant 0 : i32
      %get3A_1478 = arith.constant 3 : i32
      %get3A_1479 = arith.index_cast %get3A_1477 : i32 to index
      %get3A_1480 = arith.index_cast %get3A_1478 : i32 to index
      %get3A_1481 = arith.index_cast %add3A_1446 : i32 to index
      %get3A_1482 = tpu.vector_load %arg6[%get3A_1479, %get3A_1480, %get3A_1481] {strides = array<i32>} : memref<2x4x8192xf32, #tpu.memory_space<vmem>>, vector<1x1x16xf32>,
      %get3A_1483 = vector.shape_cast %get3A_1482 : vector<1x1x16xf32> to vector<16xf32>
      %mul3A_1484 = arith.mulf %get3A_1483, %get3A_1449 : vector<16xf32>
      %add3A_1485 = arith.addf %add3A_1444, %mul3A_1484 : vector<16xf32>
      %add3A_1486 = arith.constant 48 : i32
      %add3A_1487 = arith.addi %mul3A_1363, %add3A_1486 : i32
      %get3A_1488 = arith.index_cast %add3A_1487 : i32 to index
      %get3A_1489 = tpu.vector_load %arg5[%get3A_1488] {strides = array<i32>} : memref<8192xf32, #tpu.memory_space<vmem>>, vector<16xf32>,
      %get3A_1490 = vector.shape_cast %get3A_1489 : vector<16xf32> to vector<16xf32>
      %get3A_1491 = arith.constant 0 : i32
      %get3A_1492 = arith.constant 0 : i32
      %get3A_1493 = arith.index_cast %get3A_1491 : i32 to index
      %get3A_1494 = arith.index_cast %get3A_1492 : i32 to index
      %get3A_1495 = arith.index_cast %add3A_1487 : i32 to index
      %get3A_1496 = tpu.vector_load %arg6[%get3A_1493, %get3A_1494, %get3A_1495] {strides = array<i32>} : memref<2x4x8192xf32, #tpu.memory_space<vmem>>, vector<1x1x16xf32>,
      %get3A_1497 = vector.shape_cast %get3A_1496 : vector<1x1x16xf32> to vector<16xf32>
      %mul3A_1498 = arith.mulf %get3A_1497, %get3A_1490 : vector<16xf32>
      %add3A_1499 = arith.addf %add3A_1458, %mul3A_1498 : vector<16xf32>
      %get3A_1500 = arith.constant 0 : i32
      %get3A_1501 = arith.constant 1 : i32
      %get3A_1502 = arith.index_cast %get3A_1500 : i32 to index
      %get3A_1503 = arith.index_cast %get3A_1501 : i32 to index
      %get3A_1504 = arith.index_cast %add3A_1487 : i32 to index
      %get3A_1505 = tpu.vector_load %arg6[%get3A_1502, %get3A_1503, %get3A_1504] {strides = array<i32>} : memref<2x4x8192xf32, #tpu.memory_space<vmem>>, vector<1x1x16xf32>,
      %get3A_1506 = vector.shape_cast %get3A_1505 : vector<1x1x16xf32> to vector<16xf32>
      %mul3A_1507 = arith.mulf %get3A_1506, %get3A_1490 : vector<16xf32>
      %add3A_1508 = arith.addf %add3A_1467, %mul3A_1507 : vector<16xf32>
      %get3A_1509 = arith.constant 0 : i32
      %get3A_1510 = arith.constant 2 : i32
      %get3A_1511 = arith.index_cast %get3A_1509 : i32 to index
      %get3A_1512 = arith.index_cast %get3A_1510 : i32 to index
      %get3A_1513 = arith.index_cast %add3A_1487 : i32 to index
      %get3A_1514 = tpu.vector_load %arg6[%get3A_1511, %get3A_1512, %get3A_1513] {strides = array<i32>} : memref<2x4x8192xf32, #tpu.memory_space<vmem>>, vector<1x1x16xf32>,
      %get3A_1515 = vector.shape_cast %get3A_1514 : vector<1x1x16xf32> to vector<16xf32>
      %mul3A_1516 = arith.mulf %get3A_1515, %get3A_1490 : vector<16xf32>
      %add3A_1517 = arith.addf %add3A_1476, %mul3A_1516 : vector<16xf32>
      %get3A_1518 = arith.constant 0 : i32
      %get3A_1519 = arith.constant 3 : i32
      %get3A_1520 = arith.index_cast %get3A_1518 : i32 to index
      %get3A_1521 = arith.index_cast %get3A_1519 : i32 to index
      %get3A_1522 = arith.index_cast %add3A_1487 : i32 to index
      %get3A_1523 = tpu.vector_load %arg6[%get3A_1520, %get3A_1521, %get3A_1522] {strides = array<i32>} : memref<2x4x8192xf32, #tpu.memory_space<vmem>>, vector<1x1x16xf32>,
      %get3A_1524 = vector.shape_cast %get3A_1523 : vector<1x1x16xf32> to vector<16xf32>
      %mul3A_1525 = arith.mulf %get3A_1524, %get3A_1490 : vector<16xf32>
      %add3A_1526 = arith.addf %add3A_1485, %mul3A_1525 : vector<16xf32>
      %add3A_1527 = arith.constant 64 : i32
      %add3A_1528 = arith.addi %mul3A_1363, %add3A_1527 : i32
      %get3A_1529 = arith.index_cast %add3A_1528 : i32 to index
      %get3A_1530 = tpu.vector_load %arg5[%get3A_1529] {strides = array<i32>} : memref<8192xf32, #tpu.memory_space<vmem>>, vector<16xf32>,
      %get3A_1531 = vector.shape_cast %get3A_1530 : vector<16xf32> to vector<16xf32>
      %get3A_1532 = arith.constant 0 : i32
      %get3A_1533 = arith.constant 0 : i32
      %get3A_1534 = arith.index_cast %get3A_1532 : i32 to index
      %get3A_1535 = arith.index_cast %get3A_1533 : i32 to index
      %get3A_1536 = arith.index_cast %add3A_1528 : i32 to index
      %get3A_1537 = tpu.vector_load %arg6[%get3A_1534, %get3A_1535, %get3A_1536] {strides = array<i32>} : memref<2x4x8192xf32, #tpu.memory_space<vmem>>, vector<1x1x16xf32>,
      %get3A_1538 = vector.shape_cast %get3A_1537 : vector<1x1x16xf32> to vector<16xf32>
      %mul3A_1539 = arith.mulf %get3A_1538, %get3A_1531 : vector<16xf32>
      %add3A_1540 = arith.addf %add3A_1499, %mul3A_1539 : vector<16xf32>
      %get3A_1541 = arith.constant 0 : i32
      %get3A_1542 = arith.constant 1 : i32
      %get3A_1543 = arith.index_cast %get3A_1541 : i32 to index
      %get3A_1544 = arith.index_cast %get3A_1542 : i32 to index
      %get3A_1545 = arith.index_cast %add3A_1528 : i32 to index
      %get3A_1546 = tpu.vector_load %arg6[%get3A_1543, %get3A_1544, %get3A_1545] {strides = array<i32>} : memref<2x4x8192xf32, #tpu.memory_space<vmem>>, vector<1x1x16xf32>,
      %get3A_1547 = vector.shape_cast %get3A_1546 : vector<1x1x16xf32> to vector<16xf32>
      %mul3A_1548 = arith.mulf %get3A_1547, %get3A_1531 : vector<16xf32>
      %add3A_1549 = arith.addf %add3A_1508, %mul3A_1548 : vector<16xf32>
      %get3A_1550 = arith.constant 0 : i32
      %get3A_1551 = arith.constant 2 : i32
      %get3A_1552 = arith.index_cast %get3A_1550 : i32 to index
      %get3A_1553 = arith.index_cast %get3A_1551 : i32 to index
      %get3A_1554 = arith.index_cast %add3A_1528 : i32 to index
      %get3A_1555 = tpu.vector_load %arg6[%get3A_1552, %get3A_1553, %get3A_1554] {strides = array<i32>} : memref<2x4x8192xf32, #tpu.memory_space<vmem>>, vector<1x1x16xf32>,
      %get3A_1556 = vector.shape_cast %get3A_1555 : vector<1x1x16xf32> to vector<16xf32>
      %mul3A_1557 = arith.mulf %get3A_1556, %get3A_1531 : vector<16xf32>
      %add3A_1558 = arith.addf %add3A_1517, %mul3A_1557 : vector<16xf32>
      %get3A_1559 = arith.constant 0 : i32
      %get3A_1560 = arith.constant 3 : i32
      %get3A_1561 = arith.index_cast %get3A_1559 : i32 to index
      %get3A_1562 = arith.index_cast %get3A_1560 : i32 to index
      %get3A_1563 = arith.index_cast %add3A_1528 : i32 to index
      %get3A_1564 = tpu.vector_load %arg6[%get3A_1561, %get3A_1562, %get3A_1563] {strides = array<i32>} : memref<2x4x8192xf32, #tpu.memory_space<vmem>>, vector<1x1x16xf32>,
      %get3A_1565 = vector.shape_cast %get3A_1564 : vector<1x1x16xf32> to vector<16xf32>
      %mul3A_1566 = arith.mulf %get3A_1565, %get3A_1531 : vector<16xf32>
      %add3A_1567 = arith.addf %add3A_1526, %mul3A_1566 : vector<16xf32>
      %add3A_1568 = arith.constant 80 : i32
      %add3A_1569 = arith.addi %mul3A_1363, %add3A_1568 : i32
      %get3A_1570 = arith.index_cast %add3A_1569 : i32 to index
      %get3A_1571 = tpu.vector_load %arg5[%get3A_1570] {strides = array<i32>} : memref<8192xf32, #tpu.memory_space<vmem>>, vector<16xf32>,
      %get3A_1572 = vector.shape_cast %get3A_1571 : vector<16xf32> to vector<16xf32>
      %get3A_1573 = arith.constant 0 : i32
      %get3A_1574 = arith.constant 0 : i32
      %get3A_1575 = arith.index_cast %get3A_1573 : i32 to index
      %get3A_1576 = arith.index_cast %get3A_1574 : i32 to index
      %get3A_1577 = arith.index_cast %add3A_1569 : i32 to index
      %get3A_1578 = tpu.vector_load %arg6[%get3A_1575, %get3A_1576, %get3A_1577] {strides = array<i32>} : memref<2x4x8192xf32, #tpu.memory_space<vmem>>, vector<1x1x16xf32>,
      %get3A_1579 = vector.shape_cast %get3A_1578 : vector<1x1x16xf32> to vector<16xf32>
      %mul3A_1580 = arith.mulf %get3A_1579, %get3A_1572 : vector<16xf32>
      %add3A_1581 = arith.addf %add3A_1540, %mul3A_1580 : vector<16xf32>
      %get3A_1582 = arith.constant 0 : i32
      %get3A_1583 = arith.constant 1 : i32
      %get3A_1584 = arith.index_cast %get3A_1582 : i32 to index
      %get3A_1585 = arith.index_cast %get3A_1583 : i32 to index
      %get3A_1586 = arith.index_cast %add3A_1569 : i32 to index
      %get3A_1587 = tpu.vector_load %arg6[%get3A_1584, %get3A_1585, %get3A_1586] {strides = array<i32>} : memref<2x4x8192xf32, #tpu.memory_space<vmem>>, vector<1x1x16xf32>,
      %get3A_1588 = vector.shape_cast %get3A_1587 : vector<1x1x16xf32> to vector<16xf32>
      %mul3A_1589 = arith.mulf %get3A_1588, %get3A_1572 : vector<16xf32>
      %add3A_1590 = arith.addf %add3A_1549, %mul3A_1589 : vector<16xf32>
      %get3A_1591 = arith.constant 0 : i32
      %get3A_1592 = arith.constant 2 : i32
      %get3A_1593 = arith.index_cast %get3A_1591 : i32 to index
      %get3A_1594 = arith.index_cast %get3A_1592 : i32 to index
      %get3A_1595 = arith.index_cast %add3A_1569 : i32 to index
      %get3A_1596 = tpu.vector_load %arg6[%get3A_1593, %get3A_1594, %get3A_1595] {strides = array<i32>} : memref<2x4x8192xf32, #tpu.memory_space<vmem>>, vector<1x1x16xf32>,
      %get3A_1597 = vector.shape_cast %get3A_1596 : vector<1x1x16xf32> to vector<16xf32>
      %mul3A_1598 = arith.mulf %get3A_1597, %get3A_1572 : vector<16xf32>
      %add3A_1599 = arith.addf %add3A_1558, %mul3A_1598 : vector<16xf32>
      %get3A_1600 = arith.constant 0 : i32
      %get3A_1601 = arith.constant 3 : i32
      %get3A_1602 = arith.index_cast %get3A_1600 : i32 to index
      %get3A_1603 = arith.index_cast %get3A_1601 : i32 to index
      %get3A_1604 = arith.index_cast %add3A_1569 : i32 to index
      %get3A_1605 = tpu.vector_load %arg6[%get3A_1602, %get3A_1603, %get3A_1604] {strides = array<i32>} : memref<2x4x8192xf32, #tpu.memory_space<vmem>>, vector<1x1x16xf32>,
      %get3A_1606 = vector.shape_cast %get3A_1605 : vector<1x1x16xf32> to vector<16xf32>
      %mul3A_1607 = arith.mulf %get3A_1606, %get3A_1572 : vector<16xf32>
      %add3A_1608 = arith.addf %add3A_1567, %mul3A_1607 : vector<16xf32>
      %add3A_1609 = arith.constant 96 : i32
      %add3A_1610 = arith.addi %mul3A_1363, %add3A_1609 : i32
      %get3A_1611 = arith.index_cast %add3A_1610 : i32 to index
      %get3A_1612 = tpu.vector_load %arg5[%get3A_1611] {strides = array<i32>} : memref<8192xf32, #tpu.memory_space<vmem>>, vector<16xf32>,
      %get3A_1613 = vector.shape_cast %get3A_1612 : vector<16xf32> to vector<16xf32>
      %get3A_1614 = arith.constant 0 : i32
      %get3A_1615 = arith.constant 0 : i32
      %get3A_1616 = arith.index_cast %get3A_1614 : i32 to index
      %get3A_1617 = arith.index_cast %get3A_1615 : i32 to index
      %get3A_1618 = arith.index_cast %add3A_1610 : i32 to index
      %get3A_1619 = tpu.vector_load %arg6[%get3A_1616, %get3A_1617, %get3A_1618] {strides = array<i32>} : memref<2x4x8192xf32, #tpu.memory_space<vmem>>, vector<1x1x16xf32>,
      %get3A_1620 = vector.shape_cast %get3A_1619 : vector<1x1x16xf32> to vector<16xf32>
      %mul3A_1621 = arith.mulf %get3A_1620, %get3A_1613 : vector<16xf32>
      %add3A_1622 = arith.addf %add3A_1581, %mul3A_1621 : vector<16xf32>
      %get3A_1623 = arith.constant 0 : i32
      %get3A_1624 = arith.constant 1 : i32
      %get3A_1625 = arith.index_cast %get3A_1623 : i32 to index
      %get3A_1626 = arith.index_cast %get3A_1624 : i32 to index
      %get3A_1627 = arith.index_cast %add3A_1610 : i32 to index
      %get3A_1628 = tpu.vector_load %arg6[%get3A_1625, %get3A_1626, %get3A_1627] {strides = array<i32>} : memref<2x4x8192xf32, #tpu.memory_space<vmem>>, vector<1x1x16xf32>,
      %get3A_1629 = vector.shape_cast %get3A_1628 : vector<1x1x16xf32> to vector<16xf32>
      %mul3A_1630 = arith.mulf %get3A_1629, %get3A_1613 : vector<16xf32>
      %add3A_1631 = arith.addf %add3A_1590, %mul3A_1630 : vector<16xf32>
      %get3A_1632 = arith.constant 0 : i32
      %get3A_1633 = arith.constant 2 : i32
      %get3A_1634 = arith.index_cast %get3A_1632 : i32 to index
      %get3A_1635 = arith.index_cast %get3A_1633 : i32 to index
      %get3A_1636 = arith.index_cast %add3A_1610 : i32 to index
      %get3A_1637 = tpu.vector_load %arg6[%get3A_1634, %get3A_1635, %get3A_1636] {strides = array<i32>} : memref<2x4x8192xf32, #tpu.memory_space<vmem>>, vector<1x1x16xf32>,
      %get3A_1638 = vector.shape_cast %get3A_1637 : vector<1x1x16xf32> to vector<16xf32>
      %mul3A_1639 = arith.mulf %get3A_1638, %get3A_1613 : vector<16xf32>
      %add3A_1640 = arith.addf %add3A_1599, %mul3A_1639 : vector<16xf32>
      %get3A_1641 = arith.constant 0 : i32
      %get3A_1642 = arith.constant 3 : i32
      %get3A_1643 = arith.index_cast %get3A_1641 : i32 to index
      %get3A_1644 = arith.index_cast %get3A_1642 : i32 to index
      %get3A_1645 = arith.index_cast %add3A_1610 : i32 to index
      %get3A_1646 = tpu.vector_load %arg6[%get3A_1643, %get3A_1644, %get3A_1645] {strides = array<i32>} : memref<2x4x8192xf32, #tpu.memory_space<vmem>>, vector<1x1x16xf32>,
      %get3A_1647 = vector.shape_cast %get3A_1646 : vector<1x1x16xf32> to vector<16xf32>
      %mul3A_1648 = arith.mulf %get3A_1647, %get3A_1613 : vector<16xf32>
      %add3A_1649 = arith.addf %add3A_1608, %mul3A_1648 : vector<16xf32>
      %add3A_1650 = arith.constant 112 : i32
      %add3A_1651 = arith.addi %mul3A_1363, %add3A_1650 : i32
      %get3A_1652 = arith.index_cast %add3A_1651 : i32 to index
      %get3A_1653 = tpu.vector_load %arg5[%get3A_1652] {strides = array<i32>} : memref<8192xf32, #tpu.memory_space<vmem>>, vector<16xf32>,
      %get3A_1654 = vector.shape_cast %get3A_1653 : vector<16xf32> to vector<16xf32>
      %get3A_1655 = arith.constant 0 : i32
      %get3A_1656 = arith.constant 0 : i32
      %get3A_1657 = arith.index_cast %get3A_1655 : i32 to index
      %get3A_1658 = arith.index_cast %get3A_1656 : i32 to index
      %get3A_1659 = arith.index_cast %add3A_1651 : i32 to index
      %get3A_1660 = tpu.vector_load %arg6[%get3A_1657, %get3A_1658, %get3A_1659] {strides = array<i32>} : memref<2x4x8192xf32, #tpu.memory_space<vmem>>, vector<1x1x16xf32>,
      %get3A_1661 = vector.shape_cast %get3A_1660 : vector<1x1x16xf32> to vector<16xf32>
      %mul3A_1662 = arith.mulf %get3A_1661, %get3A_1654 : vector<16xf32>
      %add3A_1663 = arith.addf %add3A_1622, %mul3A_1662 : vector<16xf32>
      %get3A_1664 = arith.constant 0 : i32
      %get3A_1665 = arith.constant 1 : i32
      %get3A_1666 = arith.index_cast %get3A_1664 : i32 to index
      %get3A_1667 = arith.index_cast %get3A_1665 : i32 to index
      %get3A_1668 = arith.index_cast %add3A_1651 : i32 to index
      %get3A_1669 = tpu.vector_load %arg6[%get3A_1666, %get3A_1667, %get3A_1668] {strides = array<i32>} : memref<2x4x8192xf32, #tpu.memory_space<vmem>>, vector<1x1x16xf32>,
      %get3A_1670 = vector.shape_cast %get3A_1669 : vector<1x1x16xf32> to vector<16xf32>
      %mul3A_1671 = arith.mulf %get3A_1670, %get3A_1654 : vector<16xf32>
      %add3A_1672 = arith.addf %add3A_1631, %mul3A_1671 : vector<16xf32>
      %get3A_1673 = arith.constant 0 : i32
      %get3A_1674 = arith.constant 2 : i32
      %get3A_1675 = arith.index_cast %get3A_1673 : i32 to index
      %get3A_1676 = arith.index_cast %get3A_1674 : i32 to index
      %get3A_1677 = arith.index_cast %add3A_1651 : i32 to index
      %get3A_1678 = tpu.vector_load %arg6[%get3A_1675, %get3A_1676, %get3A_1677] {strides = array<i32>} : memref<2x4x8192xf32, #tpu.memory_space<vmem>>, vector<1x1x16xf32>,
      %get3A_1679 = vector.shape_cast %get3A_1678 : vector<1x1x16xf32> to vector<16xf32>
      %mul3A_1680 = arith.mulf %get3A_1679, %get3A_1654 : vector<16xf32>
      %add3A_1681 = arith.addf %add3A_1640, %mul3A_1680 : vector<16xf32>
      %get3A_1682 = arith.constant 0 : i32
      %get3A_1683 = arith.constant 3 : i32
      %get3A_1684 = arith.index_cast %get3A_1682 : i32 to index
      %get3A_1685 = arith.index_cast %get3A_1683 : i32 to index
      %get3A_1686 = arith.index_cast %add3A_1651 : i32 to index
      %get3A_1687 = tpu.vector_load %arg6[%get3A_1684, %get3A_1685, %get3A_1686] {strides = array<i32>} : memref<2x4x8192xf32, #tpu.memory_space<vmem>>, vector<1x1x16xf32>,
      %get3A_1688 = vector.shape_cast %get3A_1687 : vector<1x1x16xf32> to vector<16xf32>
      %mul3A_1689 = arith.mulf %get3A_1688, %get3A_1654 : vector<16xf32>
      %add3A_1690 = arith.addf %add3A_1649, %mul3A_1689 : vector<16xf32>
      scf.yield %add3A_1663, %add3A_1672, %add3A_1681, %add3A_1690 : vector<16xf32>, vector<16xf32>, vector<16xf32>, vector<16xf32>
    }
    %scan3A_733 = arith.constant 64 : i32
    %xor3A_734 = arith.constant 8 : i32
    %xor3A_735 = vector.broadcast %xor3A_734 : i32 to vector<16xi32>
    %xor3A_736 = arith.xori %iota3A, %xor3A_735 : vector<16xi32>
    %broadcast_in_dim3A_737 = vector.shape_cast %xor3A_736 : vector<16xi32> to vector<16x1xi32>
    %gather3A_738 = vector.shape_cast %broadcast_in_dim3A_737 : vector<16x1xi32> to vector<16xi32>
    %gather3A_739 = tpu.dynamic_gather %scan3A_732#0[%gather3A_738] in [0] : vector<16xf32>, vector<16xi32> -> vector<16xf32>
    %add3A_740 = arith.addf %scan3A_732#0, %gather3A_739 : vector<16xf32>
    %xor3A_741 = arith.constant 4 : i32
    %xor3A_742 = vector.broadcast %xor3A_741 : i32 to vector<16xi32>
    %xor3A_743 = arith.xori %iota3A, %xor3A_742 : vector<16xi32>
    %broadcast_in_dim3A_744 = vector.shape_cast %xor3A_743 : vector<16xi32> to vector<16x1xi32>
    %gather3A_745 = vector.shape_cast %broadcast_in_dim3A_744 : vector<16x1xi32> to vector<16xi32>
    %gather3A_746 = tpu.dynamic_gather %add3A_740[%gather3A_745] in [0] : vector<16xf32>, vector<16xi32> -> vector<16xf32>
    %add3A_747 = arith.addf %add3A_740, %gather3A_746 : vector<16xf32>
    %xor3A_748 = arith.constant 2 : i32
    %xor3A_749 = vector.broadcast %xor3A_748 : i32 to vector<16xi32>
    %xor3A_750 = arith.xori %iota3A, %xor3A_749 : vector<16xi32>
    %broadcast_in_dim3A_751 = vector.shape_cast %xor3A_750 : vector<16xi32> to vector<16x1xi32>
    %gather3A_752 = vector.shape_cast %broadcast_in_dim3A_751 : vector<16x1xi32> to vector<16xi32>
    %gather3A_753 = tpu.dynamic_gather %add3A_747[%gather3A_752] in [0] : vector<16xf32>, vector<16xi32> -> vector<16xf32>
    %add3A_754 = arith.addf %add3A_747, %gather3A_753 : vector<16xf32>
    %xor3A_755 = arith.constant 1 : i32
    %xor3A_756 = vector.broadcast %xor3A_755 : i32 to vector<16xi32>
    %xor3A_757 = arith.xori %iota3A, %xor3A_756 : vector<16xi32>
    %broadcast_in_dim3A_758 = vector.shape_cast %xor3A_757 : vector<16xi32> to vector<16x1xi32>
    %gather3A_759 = vector.shape_cast %broadcast_in_dim3A_758 : vector<16x1xi32> to vector<16xi32>
    %gather3A_760 = tpu.dynamic_gather %add3A_754[%gather3A_759] in [0] : vector<16xf32>, vector<16xi32> -> vector<16xf32>
    %add3A_761 = arith.addf %add3A_754, %gather3A_760 : vector<16xf32>
    %eq3A_762 = arith.constant 0 : i32
    %eq3A_763 = vector.broadcast %eq3A_762 : i32 to vector<16xi32>
    %eq3A_764 = arith.cmpi eq, %iota3A, %eq3A_763 : vector<16xi32>
    %select_n3A_765 = arith.select %eq3A_764, %add3A_761, %convert_element_type3A : vector<16xi1>, vector<16xf32>
    %xor3A_766 = arith.constant 8 : i32
    %xor3A_767 = vector.broadcast %xor3A_766 : i32 to vector<16xi32>
    %xor3A_768 = arith.xori %iota3A, %xor3A_767 : vector<16xi32>
    %broadcast_in_dim3A_769 = vector.shape_cast %xor3A_768 : vector<16xi32> to vector<16x1xi32>
    %gather3A_770 = vector.shape_cast %broadcast_in_dim3A_769 : vector<16x1xi32> to vector<16xi32>
    %gather3A_771 = tpu.dynamic_gather %scan3A_732#1[%gather3A_770] in [0] : vector<16xf32>, vector<16xi32> -> vector<16xf32>
    %add3A_772 = arith.addf %scan3A_732#1, %gather3A_771 : vector<16xf32>
    %xor3A_773 = arith.constant 4 : i32
    %xor3A_774 = vector.broadcast %xor3A_773 : i32 to vector<16xi32>
    %xor3A_775 = arith.xori %iota3A, %xor3A_774 : vector<16xi32>
    %broadcast_in_dim3A_776 = vector.shape_cast %xor3A_775 : vector<16xi32> to vector<16x1xi32>
    %gather3A_777 = vector.shape_cast %broadcast_in_dim3A_776 : vector<16x1xi32> to vector<16xi32>
    %gather3A_778 = tpu.dynamic_gather %add3A_772[%gather3A_777] in [0] : vector<16xf32>, vector<16xi32> -> vector<16xf32>
    %add3A_779 = arith.addf %add3A_772, %gather3A_778 : vector<16xf32>
    %xor3A_780 = arith.constant 2 : i32
    %xor3A_781 = vector.broadcast %xor3A_780 : i32 to vector<16xi32>
    %xor3A_782 = arith.xori %iota3A, %xor3A_781 : vector<16xi32>
    %broadcast_in_dim3A_783 = vector.shape_cast %xor3A_782 : vector<16xi32> to vector<16x1xi32>
    %gather3A_784 = vector.shape_cast %broadcast_in_dim3A_783 : vector<16x1xi32> to vector<16xi32>
    %gather3A_785 = tpu.dynamic_gather %add3A_779[%gather3A_784] in [0] : vector<16xf32>, vector<16xi32> -> vector<16xf32>
    %add3A_786 = arith.addf %add3A_779, %gather3A_785 : vector<16xf32>
    %xor3A_787 = arith.constant 1 : i32
    %xor3A_788 = vector.broadcast %xor3A_787 : i32 to vector<16xi32>
    %xor3A_789 = arith.xori %iota3A, %xor3A_788 : vector<16xi32>
    %broadcast_in_dim3A_790 = vector.shape_cast %xor3A_789 : vector<16xi32> to vector<16x1xi32>
    %gather3A_791 = vector.shape_cast %broadcast_in_dim3A_790 : vector<16x1xi32> to vector<16xi32>
    %gather3A_792 = tpu.dynamic_gather %add3A_786[%gather3A_791] in [0] : vector<16xf32>, vector<16xi32> -> vector<16xf32>
    %add3A_793 = arith.addf %add3A_786, %gather3A_792 : vector<16xf32>
    %eq3A_794 = arith.constant 1 : i32
    %eq3A_795 = vector.broadcast %eq3A_794 : i32 to vector<16xi32>
    %eq3A_796 = arith.cmpi eq, %iota3A, %eq3A_795 : vector<16xi32>
    %select_n3A_797 = arith.select %eq3A_796, %add3A_793, %select_n3A_765 : vector<16xi1>, vector<16xf32>
    %xor3A_798 = arith.constant 8 : i32
    %xor3A_799 = vector.broadcast %xor3A_798 : i32 to vector<16xi32>
    %xor3A_800 = arith.xori %iota3A, %xor3A_799 : vector<16xi32>
    %broadcast_in_dim3A_801 = vector.shape_cast %xor3A_800 : vector<16xi32> to vector<16x1xi32>
    %gather3A_802 = vector.shape_cast %broadcast_in_dim3A_801 : vector<16x1xi32> to vector<16xi32>
    %gather3A_803 = tpu.dynamic_gather %scan3A_732#2[%gather3A_802] in [0] : vector<16xf32>, vector<16xi32> -> vector<16xf32>
    %add3A_804 = arith.addf %scan3A_732#2, %gather3A_803 : vector<16xf32>
    %xor3A_805 = arith.constant 4 : i32
    %xor3A_806 = vector.broadcast %xor3A_805 : i32 to vector<16xi32>
    %xor3A_807 = arith.xori %iota3A, %xor3A_806 : vector<16xi32>
    %broadcast_in_dim3A_808 = vector.shape_cast %xor3A_807 : vector<16xi32> to vector<16x1xi32>
    %gather3A_809 = vector.shape_cast %broadcast_in_dim3A_808 : vector<16x1xi32> to vector<16xi32>
    %gather3A_810 = tpu.dynamic_gather %add3A_804[%gather3A_809] in [0] : vector<16xf32>, vector<16xi32> -> vector<16xf32>
    %add3A_811 = arith.addf %add3A_804, %gather3A_810 : vector<16xf32>
    %xor3A_812 = arith.constant 2 : i32
    %xor3A_813 = vector.broadcast %xor3A_812 : i32 to vector<16xi32>
    %xor3A_814 = arith.xori %iota3A, %xor3A_813 : vector<16xi32>
    %broadcast_in_dim3A_815 = vector.shape_cast %xor3A_814 : vector<16xi32> to vector<16x1xi32>
    %gather3A_816 = vector.shape_cast %broadcast_in_dim3A_815 : vector<16x1xi32> to vector<16xi32>
    %gather3A_817 = tpu.dynamic_gather %add3A_811[%gather3A_816] in [0] : vector<16xf32>, vector<16xi32> -> vector<16xf32>
    %add3A_818 = arith.addf %add3A_811, %gather3A_817 : vector<16xf32>
    %xor3A_819 = arith.constant 1 : i32
    %xor3A_820 = vector.broadcast %xor3A_819 : i32 to vector<16xi32>
    %xor3A_821 = arith.xori %iota3A, %xor3A_820 : vector<16xi32>
    %broadcast_in_dim3A_822 = vector.shape_cast %xor3A_821 : vector<16xi32> to vector<16x1xi32>
    %gather3A_823 = vector.shape_cast %broadcast_in_dim3A_822 : vector<16x1xi32> to vector<16xi32>
    %gather3A_824 = tpu.dynamic_gather %add3A_818[%gather3A_823] in [0] : vector<16xf32>, vector<16xi32> -> vector<16xf32>
    %add3A_825 = arith.addf %add3A_818, %gather3A_824 : vector<16xf32>
    %eq3A_826 = arith.constant 2 : i32
    %eq3A_827 = vector.broadcast %eq3A_826 : i32 to vector<16xi32>
    %eq3A_828 = arith.cmpi eq, %iota3A, %eq3A_827 : vector<16xi32>
    %select_n3A_829 = arith.select %eq3A_828, %add3A_825, %select_n3A_797 : vector<16xi1>, vector<16xf32>
    %xor3A_830 = arith.constant 8 : i32
    %xor3A_831 = vector.broadcast %xor3A_830 : i32 to vector<16xi32>
    %xor3A_832 = arith.xori %iota3A, %xor3A_831 : vector<16xi32>
    %broadcast_in_dim3A_833 = vector.shape_cast %xor3A_832 : vector<16xi32> to vector<16x1xi32>
    %gather3A_834 = vector.shape_cast %broadcast_in_dim3A_833 : vector<16x1xi32> to vector<16xi32>
    %gather3A_835 = tpu.dynamic_gather %scan3A_732#3[%gather3A_834] in [0] : vector<16xf32>, vector<16xi32> -> vector<16xf32>
    %add3A_836 = arith.addf %scan3A_732#3, %gather3A_835 : vector<16xf32>
    %xor3A_837 = arith.constant 4 : i32
    %xor3A_838 = vector.broadcast %xor3A_837 : i32 to vector<16xi32>
    %xor3A_839 = arith.xori %iota3A, %xor3A_838 : vector<16xi32>
    %broadcast_in_dim3A_840 = vector.shape_cast %xor3A_839 : vector<16xi32> to vector<16x1xi32>
    %gather3A_841 = vector.shape_cast %broadcast_in_dim3A_840 : vector<16x1xi32> to vector<16xi32>
    %gather3A_842 = tpu.dynamic_gather %add3A_836[%gather3A_841] in [0] : vector<16xf32>, vector<16xi32> -> vector<16xf32>
    %add3A_843 = arith.addf %add3A_836, %gather3A_842 : vector<16xf32>
    %xor3A_844 = arith.constant 2 : i32
    %xor3A_845 = vector.broadcast %xor3A_844 : i32 to vector<16xi32>
    %xor3A_846 = arith.xori %iota3A, %xor3A_845 : vector<16xi32>
    %broadcast_in_dim3A_847 = vector.shape_cast %xor3A_846 : vector<16xi32> to vector<16x1xi32>
    %gather3A_848 = vector.shape_cast %broadcast_in_dim3A_847 : vector<16x1xi32> to vector<16xi32>
    %gather3A_849 = tpu.dynamic_gather %add3A_843[%gather3A_848] in [0] : vector<16xf32>, vector<16xi32> -> vector<16xf32>
    %add3A_850 = arith.addf %add3A_843, %gather3A_849 : vector<16xf32>
    %xor3A_851 = arith.constant 1 : i32
    %xor3A_852 = vector.broadcast %xor3A_851 : i32 to vector<16xi32>
    %xor3A_853 = arith.xori %iota3A, %xor3A_852 : vector<16xi32>
    %broadcast_in_dim3A_854 = vector.shape_cast %xor3A_853 : vector<16xi32> to vector<16x1xi32>
    %gather3A_855 = vector.shape_cast %broadcast_in_dim3A_854 : vector<16x1xi32> to vector<16xi32>
    %gather3A_856 = tpu.dynamic_gather %add3A_850[%gather3A_855] in [0] : vector<16xf32>, vector<16xi32> -> vector<16xf32>
    %add3A_857 = arith.addf %add3A_850, %gather3A_856 : vector<16xf32>
    %eq3A_858 = arith.constant 3 : i32
    %eq3A_859 = vector.broadcast %eq3A_858 : i32 to vector<16xi32>
    %eq3A_860 = arith.cmpi eq, %iota3A, %eq3A_859 : vector<16xi32>
    %select_n3A_861 = arith.select %eq3A_860, %add3A_857, %select_n3A_829 : vector<16xi1>, vector<16xf32>
    %add3A_862 = arith.constant 24 : i32
    %add3A_863 = arith.addi %add3A_4, %add3A_862 : i32
    %dma_start3A_864 = arith.constant 0 : i32
    %dma_start3A_865 = arith.constant 0 : i32
    %dma_start3A_866 = arith.constant 0 : i32
    %dma_start3A_867 = arith.constant 0 : i32
    %dma_start3A_868 = tpu.memref_slice %arg6[%dma_start3A_864, %dma_start3A_866, %dma_start3A_867] : memref<2x4x8192xf32, #tpu.memory_space<vmem>> -> memref<1x4x8192xf32, #tpu.memory_space<vmem>>
    %dma_start3A_869 = tpu.memref_squeeze %dma_start3A_868 : memref<1x4x8192xf32, #tpu.memory_space<vmem>> -> memref<4x8192xf32, #tpu.memory_space<vmem>>
    %dma_start3A_870 = arith.constant 0 : i32
    %dma_start3A_871 = tpu.memref_slice %arg2[%add3A_863, %dma_start3A_870] : memref<4096x8192xf32, #tpu.memory_space<hbm>> -> memref<4x8192xf32, #tpu.memory_space<hbm>>
    %dma_start3A_872 = tpu.memref_slice %arg8[%dma_start3A_865] : memref<2x!tpu.dma_semaphore, #tpu.memory_space<semaphore_mem>> -> memref<1x!tpu.dma_semaphore, #tpu.memory_space<semaphore_mem>>
    %dma_start3A_873 = tpu.memref_squeeze %dma_start3A_872 : memref<1x!tpu.dma_semaphore, #tpu.memory_space<semaphore_mem>> -> memref<!tpu.dma_semaphore, #tpu.memory_space<semaphore_mem>>
    %dma_start3A_874 = arith.constant 0 : i32
    %dma_start3A_875 = arith.constant 0 : i32
    %dma_start3A_876 = tpu.memref_slice %arg6[%dma_start3A_864, %dma_start3A_874, %dma_start3A_875] : memref<2x4x8192xf32, #tpu.memory_space<vmem>> -> memref<1x4x8192xf32, #tpu.memory_space<vmem>>
    %dma_start3A_877 = tpu.memref_squeeze %dma_start3A_876 : memref<1x4x8192xf32, #tpu.memory_space<vmem>> -> memref<4x8192xf32, #tpu.memory_space<vmem>>
    %dma_start3A_878 = arith.constant 0 : i32
    %dma_start3A_879 = tpu.memref_slice %arg2[%add3A_863, %dma_start3A_878] : memref<4096x8192xf32, #tpu.memory_space<hbm>> -> memref<4x8192xf32, #tpu.memory_space<hbm>>
    tpu.enqueue_dma source(%dma_start3A_879 : memref<4x8192xf32, #tpu.memory_space<hbm>>) target(%dma_start3A_877 : memref<4x8192xf32, #tpu.memory_space<vmem>>) target_semaphore(%dma_start3A_873 : memref<!tpu.dma_semaphore, #tpu.memory_space<semaphore_mem>>)
    %dma_wait3A_880 = arith.constant 1 : i32
    %dma_wait3A_881 = arith.constant 1 : i32
    %dma_wait3A_882 = arith.constant 0 : i32
    %dma_wait3A_883 = arith.constant 0 : i32
    %dma_wait3A_884 = tpu.memref_slice %arg6[%dma_wait3A_880, %dma_wait3A_882, %dma_wait3A_883] : memref<2x4x8192xf32, #tpu.memory_space<vmem>> -> memref<1x4x8192xf32, #tpu.memory_space<vmem>>
    %dma_wait3A_885 = tpu.memref_squeeze %dma_wait3A_884 : memref<1x4x8192xf32, #tpu.memory_space<vmem>> -> memref<4x8192xf32, #tpu.memory_space<vmem>>
    %dma_wait3A_886 = arith.constant 0 : i32
    %dma_wait3A_887 = tpu.memref_slice %arg2[%add3A_695, %dma_wait3A_886] : memref<4096x8192xf32, #tpu.memory_space<hbm>> -> memref<4x8192xf32, #tpu.memory_space<hbm>>
    %dma_wait3A_888 = tpu.memref_slice %arg8[%dma_wait3A_881] : memref<2x!tpu.dma_semaphore, #tpu.memory_space<semaphore_mem>> -> memref<1x!tpu.dma_semaphore, #tpu.memory_space<semaphore_mem>>
    %dma_wait3A_889 = tpu.memref_squeeze %dma_wait3A_888 : memref<1x!tpu.dma_semaphore, #tpu.memory_space<semaphore_mem>> -> memref<!tpu.dma_semaphore, #tpu.memory_space<semaphore_mem>>
    %dma_wait3A_890 = arith.constant 0 : i32
    %dma_wait3A_891 = arith.constant 0 : i32
    %dma_wait3A_892 = tpu.memref_slice %arg6[%dma_wait3A_880, %dma_wait3A_890, %dma_wait3A_891] : memref<2x4x8192xf32, #tpu.memory_space<vmem>> -> memref<1x4x8192xf32, #tpu.memory_space<vmem>>
    %dma_wait3A_893 = tpu.memref_squeeze %dma_wait3A_892 : memref<1x4x8192xf32, #tpu.memory_space<vmem>> -> memref<4x8192xf32, #tpu.memory_space<vmem>>
    %dma_wait3A_894 = arith.constant 0 : i32
    %dma_wait3A_895 = tpu.memref_slice %arg2[%add3A_695, %dma_wait3A_894] : memref<4096x8192xf32, #tpu.memory_space<hbm>> -> memref<4x8192xf32, #tpu.memory_space<hbm>>
    tpu.wait_dma2 semaphore(%dma_wait3A_889 : memref<!tpu.dma_semaphore, #tpu.memory_space<semaphore_mem>>) src(%dma_wait3A_895 : memref<4x8192xf32, #tpu.memory_space<hbm>>) dst(%dma_wait3A_893 : memref<4x8192xf32, #tpu.memory_space<vmem>>)
    %scan3A_896 = arith.constant 0 : i32
    %scan3A_897 = arith.constant 64 : i32
    %scan3A_898 = arith.addi %scan3A_896, %scan3A_897 : i32
    %scan3A_899 = arith.constant 1 : i32
    %scan3A_900:4 = scf.for %scan3A_1357 = %scan3A_896 to %scan3A_898 step %scan3A_899 iter_args(%scan3A_1358 = %convert_element_type3A, %scan3A_1359 = %convert_element_type3A, %scan3A_1360 = %convert_element_type3A, %scan3A_1361 = %convert_element_type3A) -> (vector<16xf32>, vector<16xf32>, vector<16xf32>, vector<16xf32>)  : i32 {
      %mul3A_1362 = arith.constant 128 : i32
      %mul3A_1363 = arith.muli %scan3A_1357, %mul3A_1362 : i32
      %add3A_1364 = arith.constant 0 : i32
      %add3A_1365 = arith.addi %mul3A_1363, %add3A_1364 : i32
      %get3A = arith.index_cast %add3A_1365 : i32 to index
      %get3A_1366 = tpu.vector_load %arg5[%get3A] {strides = array<i32>} : memref<8192xf32, #tpu.memory_space<vmem>>, vector<16xf32>,
      %get3A_1367 = vector.shape_cast %get3A_1366 : vector<16xf32> to vector<16xf32>
      %get3A_1368 = arith.constant 1 : i32
      %get3A_1369 = arith.constant 0 : i32
      %get3A_1370 = arith.index_cast %get3A_1368 : i32 to index
      %get3A_1371 = arith.index_cast %get3A_1369 : i32 to index
      %get3A_1372 = arith.index_cast %add3A_1365 : i32 to index
      %get3A_1373 = tpu.vector_load %arg6[%get3A_1370, %get3A_1371, %get3A_1372] {strides = array<i32>} : memref<2x4x8192xf32, #tpu.memory_space<vmem>>, vector<1x1x16xf32>,
      %get3A_1374 = vector.shape_cast %get3A_1373 : vector<1x1x16xf32> to vector<16xf32>
      %mul3A_1375 = arith.mulf %get3A_1374, %get3A_1367 : vector<16xf32>
      %add3A_1376 = arith.addf %scan3A_1358, %mul3A_1375 : vector<16xf32>
      %get3A_1377 = arith.constant 1 : i32
      %get3A_1378 = arith.constant 1 : i32
      %get3A_1379 = arith.index_cast %get3A_1377 : i32 to index
      %get3A_1380 = arith.index_cast %get3A_1378 : i32 to index
      %get3A_1381 = arith.index_cast %add3A_1365 : i32 to index
      %get3A_1382 = tpu.vector_load %arg6[%get3A_1379, %get3A_1380, %get3A_1381] {strides = array<i32>} : memref<2x4x8192xf32, #tpu.memory_space<vmem>>, vector<1x1x16xf32>,
      %get3A_1383 = vector.shape_cast %get3A_1382 : vector<1x1x16xf32> to vector<16xf32>
      %mul3A_1384 = arith.mulf %get3A_1383, %get3A_1367 : vector<16xf32>
      %add3A_1385 = arith.addf %scan3A_1359, %mul3A_1384 : vector<16xf32>
      %get3A_1386 = arith.constant 1 : i32
      %get3A_1387 = arith.constant 2 : i32
      %get3A_1388 = arith.index_cast %get3A_1386 : i32 to index
      %get3A_1389 = arith.index_cast %get3A_1387 : i32 to index
      %get3A_1390 = arith.index_cast %add3A_1365 : i32 to index
      %get3A_1391 = tpu.vector_load %arg6[%get3A_1388, %get3A_1389, %get3A_1390] {strides = array<i32>} : memref<2x4x8192xf32, #tpu.memory_space<vmem>>, vector<1x1x16xf32>,
      %get3A_1392 = vector.shape_cast %get3A_1391 : vector<1x1x16xf32> to vector<16xf32>
      %mul3A_1393 = arith.mulf %get3A_1392, %get3A_1367 : vector<16xf32>
      %add3A_1394 = arith.addf %scan3A_1360, %mul3A_1393 : vector<16xf32>
      %get3A_1395 = arith.constant 1 : i32
      %get3A_1396 = arith.constant 3 : i32
      %get3A_1397 = arith.index_cast %get3A_1395 : i32 to index
      %get3A_1398 = arith.index_cast %get3A_1396 : i32 to index
      %get3A_1399 = arith.index_cast %add3A_1365 : i32 to index
      %get3A_1400 = tpu.vector_load %arg6[%get3A_1397, %get3A_1398, %get3A_1399] {strides = array<i32>} : memref<2x4x8192xf32, #tpu.memory_space<vmem>>, vector<1x1x16xf32>,
      %get3A_1401 = vector.shape_cast %get3A_1400 : vector<1x1x16xf32> to vector<16xf32>
      %mul3A_1402 = arith.mulf %get3A_1401, %get3A_1367 : vector<16xf32>
      %add3A_1403 = arith.addf %scan3A_1361, %mul3A_1402 : vector<16xf32>
      %add3A_1404 = arith.constant 16 : i32
      %add3A_1405 = arith.addi %mul3A_1363, %add3A_1404 : i32
      %get3A_1406 = arith.index_cast %add3A_1405 : i32 to index
      %get3A_1407 = tpu.vector_load %arg5[%get3A_1406] {strides = array<i32>} : memref<8192xf32, #tpu.memory_space<vmem>>, vector<16xf32>,
      %get3A_1408 = vector.shape_cast %get3A_1407 : vector<16xf32> to vector<16xf32>
      %get3A_1409 = arith.constant 1 : i32
      %get3A_1410 = arith.constant 0 : i32
      %get3A_1411 = arith.index_cast %get3A_1409 : i32 to index
      %get3A_1412 = arith.index_cast %get3A_1410 : i32 to index
      %get3A_1413 = arith.index_cast %add3A_1405 : i32 to index
      %get3A_1414 = tpu.vector_load %arg6[%get3A_1411, %get3A_1412, %get3A_1413] {strides = array<i32>} : memref<2x4x8192xf32, #tpu.memory_space<vmem>>, vector<1x1x16xf32>,
      %get3A_1415 = vector.shape_cast %get3A_1414 : vector<1x1x16xf32> to vector<16xf32>
      %mul3A_1416 = arith.mulf %get3A_1415, %get3A_1408 : vector<16xf32>
      %add3A_1417 = arith.addf %add3A_1376, %mul3A_1416 : vector<16xf32>
      %get3A_1418 = arith.constant 1 : i32
      %get3A_1419 = arith.constant 1 : i32
      %get3A_1420 = arith.index_cast %get3A_1418 : i32 to index
      %get3A_1421 = arith.index_cast %get3A_1419 : i32 to index
      %get3A_1422 = arith.index_cast %add3A_1405 : i32 to index
      %get3A_1423 = tpu.vector_load %arg6[%get3A_1420, %get3A_1421, %get3A_1422] {strides = array<i32>} : memref<2x4x8192xf32, #tpu.memory_space<vmem>>, vector<1x1x16xf32>,
      %get3A_1424 = vector.shape_cast %get3A_1423 : vector<1x1x16xf32> to vector<16xf32>
      %mul3A_1425 = arith.mulf %get3A_1424, %get3A_1408 : vector<16xf32>
      %add3A_1426 = arith.addf %add3A_1385, %mul3A_1425 : vector<16xf32>
      %get3A_1427 = arith.constant 1 : i32
      %get3A_1428 = arith.constant 2 : i32
      %get3A_1429 = arith.index_cast %get3A_1427 : i32 to index
      %get3A_1430 = arith.index_cast %get3A_1428 : i32 to index
      %get3A_1431 = arith.index_cast %add3A_1405 : i32 to index
      %get3A_1432 = tpu.vector_load %arg6[%get3A_1429, %get3A_1430, %get3A_1431] {strides = array<i32>} : memref<2x4x8192xf32, #tpu.memory_space<vmem>>, vector<1x1x16xf32>,
      %get3A_1433 = vector.shape_cast %get3A_1432 : vector<1x1x16xf32> to vector<16xf32>
      %mul3A_1434 = arith.mulf %get3A_1433, %get3A_1408 : vector<16xf32>
      %add3A_1435 = arith.addf %add3A_1394, %mul3A_1434 : vector<16xf32>
      %get3A_1436 = arith.constant 1 : i32
      %get3A_1437 = arith.constant 3 : i32
      %get3A_1438 = arith.index_cast %get3A_1436 : i32 to index
      %get3A_1439 = arith.index_cast %get3A_1437 : i32 to index
      %get3A_1440 = arith.index_cast %add3A_1405 : i32 to index
      %get3A_1441 = tpu.vector_load %arg6[%get3A_1438, %get3A_1439, %get3A_1440] {strides = array<i32>} : memref<2x4x8192xf32, #tpu.memory_space<vmem>>, vector<1x1x16xf32>,
      %get3A_1442 = vector.shape_cast %get3A_1441 : vector<1x1x16xf32> to vector<16xf32>
      %mul3A_1443 = arith.mulf %get3A_1442, %get3A_1408 : vector<16xf32>
      %add3A_1444 = arith.addf %add3A_1403, %mul3A_1443 : vector<16xf32>
      %add3A_1445 = arith.constant 32 : i32
      %add3A_1446 = arith.addi %mul3A_1363, %add3A_1445 : i32
      %get3A_1447 = arith.index_cast %add3A_1446 : i32 to index
      %get3A_1448 = tpu.vector_load %arg5[%get3A_1447] {strides = array<i32>} : memref<8192xf32, #tpu.memory_space<vmem>>, vector<16xf32>,
      %get3A_1449 = vector.shape_cast %get3A_1448 : vector<16xf32> to vector<16xf32>
      %get3A_1450 = arith.constant 1 : i32
      %get3A_1451 = arith.constant 0 : i32
      %get3A_1452 = arith.index_cast %get3A_1450 : i32 to index
      %get3A_1453 = arith.index_cast %get3A_1451 : i32 to index
      %get3A_1454 = arith.index_cast %add3A_1446 : i32 to index
      %get3A_1455 = tpu.vector_load %arg6[%get3A_1452, %get3A_1453, %get3A_1454] {strides = array<i32>} : memref<2x4x8192xf32, #tpu.memory_space<vmem>>, vector<1x1x16xf32>,
      %get3A_1456 = vector.shape_cast %get3A_1455 : vector<1x1x16xf32> to vector<16xf32>
      %mul3A_1457 = arith.mulf %get3A_1456, %get3A_1449 : vector<16xf32>
      %add3A_1458 = arith.addf %add3A_1417, %mul3A_1457 : vector<16xf32>
      %get3A_1459 = arith.constant 1 : i32
      %get3A_1460 = arith.constant 1 : i32
      %get3A_1461 = arith.index_cast %get3A_1459 : i32 to index
      %get3A_1462 = arith.index_cast %get3A_1460 : i32 to index
      %get3A_1463 = arith.index_cast %add3A_1446 : i32 to index
      %get3A_1464 = tpu.vector_load %arg6[%get3A_1461, %get3A_1462, %get3A_1463] {strides = array<i32>} : memref<2x4x8192xf32, #tpu.memory_space<vmem>>, vector<1x1x16xf32>,
      %get3A_1465 = vector.shape_cast %get3A_1464 : vector<1x1x16xf32> to vector<16xf32>
      %mul3A_1466 = arith.mulf %get3A_1465, %get3A_1449 : vector<16xf32>
      %add3A_1467 = arith.addf %add3A_1426, %mul3A_1466 : vector<16xf32>
      %get3A_1468 = arith.constant 1 : i32
      %get3A_1469 = arith.constant 2 : i32
      %get3A_1470 = arith.index_cast %get3A_1468 : i32 to index
      %get3A_1471 = arith.index_cast %get3A_1469 : i32 to index
      %get3A_1472 = arith.index_cast %add3A_1446 : i32 to index
      %get3A_1473 = tpu.vector_load %arg6[%get3A_1470, %get3A_1471, %get3A_1472] {strides = array<i32>} : memref<2x4x8192xf32, #tpu.memory_space<vmem>>, vector<1x1x16xf32>,
      %get3A_1474 = vector.shape_cast %get3A_1473 : vector<1x1x16xf32> to vector<16xf32>
      %mul3A_1475 = arith.mulf %get3A_1474, %get3A_1449 : vector<16xf32>
      %add3A_1476 = arith.addf %add3A_1435, %mul3A_1475 : vector<16xf32>
      %get3A_1477 = arith.constant 1 : i32
      %get3A_1478 = arith.constant 3 : i32
      %get3A_1479 = arith.index_cast %get3A_1477 : i32 to index
      %get3A_1480 = arith.index_cast %get3A_1478 : i32 to index
      %get3A_1481 = arith.index_cast %add3A_1446 : i32 to index
      %get3A_1482 = tpu.vector_load %arg6[%get3A_1479, %get3A_1480, %get3A_1481] {strides = array<i32>} : memref<2x4x8192xf32, #tpu.memory_space<vmem>>, vector<1x1x16xf32>,
      %get3A_1483 = vector.shape_cast %get3A_1482 : vector<1x1x16xf32> to vector<16xf32>
      %mul3A_1484 = arith.mulf %get3A_1483, %get3A_1449 : vector<16xf32>
      %add3A_1485 = arith.addf %add3A_1444, %mul3A_1484 : vector<16xf32>
      %add3A_1486 = arith.constant 48 : i32
      %add3A_1487 = arith.addi %mul3A_1363, %add3A_1486 : i32
      %get3A_1488 = arith.index_cast %add3A_1487 : i32 to index
      %get3A_1489 = tpu.vector_load %arg5[%get3A_1488] {strides = array<i32>} : memref<8192xf32, #tpu.memory_space<vmem>>, vector<16xf32>,
      %get3A_1490 = vector.shape_cast %get3A_1489 : vector<16xf32> to vector<16xf32>
      %get3A_1491 = arith.constant 1 : i32
      %get3A_1492 = arith.constant 0 : i32
      %get3A_1493 = arith.index_cast %get3A_1491 : i32 to index
      %get3A_1494 = arith.index_cast %get3A_1492 : i32 to index
      %get3A_1495 = arith.index_cast %add3A_1487 : i32 to index
      %get3A_1496 = tpu.vector_load %arg6[%get3A_1493, %get3A_1494, %get3A_1495] {strides = array<i32>} : memref<2x4x8192xf32, #tpu.memory_space<vmem>>, vector<1x1x16xf32>,
      %get3A_1497 = vector.shape_cast %get3A_1496 : vector<1x1x16xf32> to vector<16xf32>
      %mul3A_1498 = arith.mulf %get3A_1497, %get3A_1490 : vector<16xf32>
      %add3A_1499 = arith.addf %add3A_1458, %mul3A_1498 : vector<16xf32>
      %get3A_1500 = arith.constant 1 : i32
      %get3A_1501 = arith.constant 1 : i32
      %get3A_1502 = arith.index_cast %get3A_1500 : i32 to index
      %get3A_1503 = arith.index_cast %get3A_1501 : i32 to index
      %get3A_1504 = arith.index_cast %add3A_1487 : i32 to index
      %get3A_1505 = tpu.vector_load %arg6[%get3A_1502, %get3A_1503, %get3A_1504] {strides = array<i32>} : memref<2x4x8192xf32, #tpu.memory_space<vmem>>, vector<1x1x16xf32>,
      %get3A_1506 = vector.shape_cast %get3A_1505 : vector<1x1x16xf32> to vector<16xf32>
      %mul3A_1507 = arith.mulf %get3A_1506, %get3A_1490 : vector<16xf32>
      %add3A_1508 = arith.addf %add3A_1467, %mul3A_1507 : vector<16xf32>
      %get3A_1509 = arith.constant 1 : i32
      %get3A_1510 = arith.constant 2 : i32
      %get3A_1511 = arith.index_cast %get3A_1509 : i32 to index
      %get3A_1512 = arith.index_cast %get3A_1510 : i32 to index
      %get3A_1513 = arith.index_cast %add3A_1487 : i32 to index
      %get3A_1514 = tpu.vector_load %arg6[%get3A_1511, %get3A_1512, %get3A_1513] {strides = array<i32>} : memref<2x4x8192xf32, #tpu.memory_space<vmem>>, vector<1x1x16xf32>,
      %get3A_1515 = vector.shape_cast %get3A_1514 : vector<1x1x16xf32> to vector<16xf32>
      %mul3A_1516 = arith.mulf %get3A_1515, %get3A_1490 : vector<16xf32>
      %add3A_1517 = arith.addf %add3A_1476, %mul3A_1516 : vector<16xf32>
      %get3A_1518 = arith.constant 1 : i32
      %get3A_1519 = arith.constant 3 : i32
      %get3A_1520 = arith.index_cast %get3A_1518 : i32 to index
      %get3A_1521 = arith.index_cast %get3A_1519 : i32 to index
      %get3A_1522 = arith.index_cast %add3A_1487 : i32 to index
      %get3A_1523 = tpu.vector_load %arg6[%get3A_1520, %get3A_1521, %get3A_1522] {strides = array<i32>} : memref<2x4x8192xf32, #tpu.memory_space<vmem>>, vector<1x1x16xf32>,
      %get3A_1524 = vector.shape_cast %get3A_1523 : vector<1x1x16xf32> to vector<16xf32>
      %mul3A_1525 = arith.mulf %get3A_1524, %get3A_1490 : vector<16xf32>
      %add3A_1526 = arith.addf %add3A_1485, %mul3A_1525 : vector<16xf32>
      %add3A_1527 = arith.constant 64 : i32
      %add3A_1528 = arith.addi %mul3A_1363, %add3A_1527 : i32
      %get3A_1529 = arith.index_cast %add3A_1528 : i32 to index
      %get3A_1530 = tpu.vector_load %arg5[%get3A_1529] {strides = array<i32>} : memref<8192xf32, #tpu.memory_space<vmem>>, vector<16xf32>,
      %get3A_1531 = vector.shape_cast %get3A_1530 : vector<16xf32> to vector<16xf32>
      %get3A_1532 = arith.constant 1 : i32
      %get3A_1533 = arith.constant 0 : i32
      %get3A_1534 = arith.index_cast %get3A_1532 : i32 to index
      %get3A_1535 = arith.index_cast %get3A_1533 : i32 to index
      %get3A_1536 = arith.index_cast %add3A_1528 : i32 to index
      %get3A_1537 = tpu.vector_load %arg6[%get3A_1534, %get3A_1535, %get3A_1536] {strides = array<i32>} : memref<2x4x8192xf32, #tpu.memory_space<vmem>>, vector<1x1x16xf32>,
      %get3A_1538 = vector.shape_cast %get3A_1537 : vector<1x1x16xf32> to vector<16xf32>
      %mul3A_1539 = arith.mulf %get3A_1538, %get3A_1531 : vector<16xf32>
      %add3A_1540 = arith.addf %add3A_1499, %mul3A_1539 : vector<16xf32>
      %get3A_1541 = arith.constant 1 : i32
      %get3A_1542 = arith.constant 1 : i32
      %get3A_1543 = arith.index_cast %get3A_1541 : i32 to index
      %get3A_1544 = arith.index_cast %get3A_1542 : i32 to index
      %get3A_1545 = arith.index_cast %add3A_1528 : i32 to index
      %get3A_1546 = tpu.vector_load %arg6[%get3A_1543, %get3A_1544, %get3A_1545] {strides = array<i32>} : memref<2x4x8192xf32, #tpu.memory_space<vmem>>, vector<1x1x16xf32>,
      %get3A_1547 = vector.shape_cast %get3A_1546 : vector<1x1x16xf32> to vector<16xf32>
      %mul3A_1548 = arith.mulf %get3A_1547, %get3A_1531 : vector<16xf32>
      %add3A_1549 = arith.addf %add3A_1508, %mul3A_1548 : vector<16xf32>
      %get3A_1550 = arith.constant 1 : i32
      %get3A_1551 = arith.constant 2 : i32
      %get3A_1552 = arith.index_cast %get3A_1550 : i32 to index
      %get3A_1553 = arith.index_cast %get3A_1551 : i32 to index
      %get3A_1554 = arith.index_cast %add3A_1528 : i32 to index
      %get3A_1555 = tpu.vector_load %arg6[%get3A_1552, %get3A_1553, %get3A_1554] {strides = array<i32>} : memref<2x4x8192xf32, #tpu.memory_space<vmem>>, vector<1x1x16xf32>,
      %get3A_1556 = vector.shape_cast %get3A_1555 : vector<1x1x16xf32> to vector<16xf32>
      %mul3A_1557 = arith.mulf %get3A_1556, %get3A_1531 : vector<16xf32>
      %add3A_1558 = arith.addf %add3A_1517, %mul3A_1557 : vector<16xf32>
      %get3A_1559 = arith.constant 1 : i32
      %get3A_1560 = arith.constant 3 : i32
      %get3A_1561 = arith.index_cast %get3A_1559 : i32 to index
      %get3A_1562 = arith.index_cast %get3A_1560 : i32 to index
      %get3A_1563 = arith.index_cast %add3A_1528 : i32 to index
      %get3A_1564 = tpu.vector_load %arg6[%get3A_1561, %get3A_1562, %get3A_1563] {strides = array<i32>} : memref<2x4x8192xf32, #tpu.memory_space<vmem>>, vector<1x1x16xf32>,
      %get3A_1565 = vector.shape_cast %get3A_1564 : vector<1x1x16xf32> to vector<16xf32>
      %mul3A_1566 = arith.mulf %get3A_1565, %get3A_1531 : vector<16xf32>
      %add3A_1567 = arith.addf %add3A_1526, %mul3A_1566 : vector<16xf32>
      %add3A_1568 = arith.constant 80 : i32
      %add3A_1569 = arith.addi %mul3A_1363, %add3A_1568 : i32
      %get3A_1570 = arith.index_cast %add3A_1569 : i32 to index
      %get3A_1571 = tpu.vector_load %arg5[%get3A_1570] {strides = array<i32>} : memref<8192xf32, #tpu.memory_space<vmem>>, vector<16xf32>,
      %get3A_1572 = vector.shape_cast %get3A_1571 : vector<16xf32> to vector<16xf32>
      %get3A_1573 = arith.constant 1 : i32
      %get3A_1574 = arith.constant 0 : i32
      %get3A_1575 = arith.index_cast %get3A_1573 : i32 to index
      %get3A_1576 = arith.index_cast %get3A_1574 : i32 to index
      %get3A_1577 = arith.index_cast %add3A_1569 : i32 to index
      %get3A_1578 = tpu.vector_load %arg6[%get3A_1575, %get3A_1576, %get3A_1577] {strides = array<i32>} : memref<2x4x8192xf32, #tpu.memory_space<vmem>>, vector<1x1x16xf32>,
      %get3A_1579 = vector.shape_cast %get3A_1578 : vector<1x1x16xf32> to vector<16xf32>
      %mul3A_1580 = arith.mulf %get3A_1579, %get3A_1572 : vector<16xf32>
      %add3A_1581 = arith.addf %add3A_1540, %mul3A_1580 : vector<16xf32>
      %get3A_1582 = arith.constant 1 : i32
      %get3A_1583 = arith.constant 1 : i32
      %get3A_1584 = arith.index_cast %get3A_1582 : i32 to index
      %get3A_1585 = arith.index_cast %get3A_1583 : i32 to index
      %get3A_1586 = arith.index_cast %add3A_1569 : i32 to index
      %get3A_1587 = tpu.vector_load %arg6[%get3A_1584, %get3A_1585, %get3A_1586] {strides = array<i32>} : memref<2x4x8192xf32, #tpu.memory_space<vmem>>, vector<1x1x16xf32>,
      %get3A_1588 = vector.shape_cast %get3A_1587 : vector<1x1x16xf32> to vector<16xf32>
      %mul3A_1589 = arith.mulf %get3A_1588, %get3A_1572 : vector<16xf32>
      %add3A_1590 = arith.addf %add3A_1549, %mul3A_1589 : vector<16xf32>
      %get3A_1591 = arith.constant 1 : i32
      %get3A_1592 = arith.constant 2 : i32
      %get3A_1593 = arith.index_cast %get3A_1591 : i32 to index
      %get3A_1594 = arith.index_cast %get3A_1592 : i32 to index
      %get3A_1595 = arith.index_cast %add3A_1569 : i32 to index
      %get3A_1596 = tpu.vector_load %arg6[%get3A_1593, %get3A_1594, %get3A_1595] {strides = array<i32>} : memref<2x4x8192xf32, #tpu.memory_space<vmem>>, vector<1x1x16xf32>,
      %get3A_1597 = vector.shape_cast %get3A_1596 : vector<1x1x16xf32> to vector<16xf32>
      %mul3A_1598 = arith.mulf %get3A_1597, %get3A_1572 : vector<16xf32>
      %add3A_1599 = arith.addf %add3A_1558, %mul3A_1598 : vector<16xf32>
      %get3A_1600 = arith.constant 1 : i32
      %get3A_1601 = arith.constant 3 : i32
      %get3A_1602 = arith.index_cast %get3A_1600 : i32 to index
      %get3A_1603 = arith.index_cast %get3A_1601 : i32 to index
      %get3A_1604 = arith.index_cast %add3A_1569 : i32 to index
      %get3A_1605 = tpu.vector_load %arg6[%get3A_1602, %get3A_1603, %get3A_1604] {strides = array<i32>} : memref<2x4x8192xf32, #tpu.memory_space<vmem>>, vector<1x1x16xf32>,
      %get3A_1606 = vector.shape_cast %get3A_1605 : vector<1x1x16xf32> to vector<16xf32>
      %mul3A_1607 = arith.mulf %get3A_1606, %get3A_1572 : vector<16xf32>
      %add3A_1608 = arith.addf %add3A_1567, %mul3A_1607 : vector<16xf32>
      %add3A_1609 = arith.constant 96 : i32
      %add3A_1610 = arith.addi %mul3A_1363, %add3A_1609 : i32
      %get3A_1611 = arith.index_cast %add3A_1610 : i32 to index
      %get3A_1612 = tpu.vector_load %arg5[%get3A_1611] {strides = array<i32>} : memref<8192xf32, #tpu.memory_space<vmem>>, vector<16xf32>,
      %get3A_1613 = vector.shape_cast %get3A_1612 : vector<16xf32> to vector<16xf32>
      %get3A_1614 = arith.constant 1 : i32
      %get3A_1615 = arith.constant 0 : i32
      %get3A_1616 = arith.index_cast %get3A_1614 : i32 to index
      %get3A_1617 = arith.index_cast %get3A_1615 : i32 to index
      %get3A_1618 = arith.index_cast %add3A_1610 : i32 to index
      %get3A_1619 = tpu.vector_load %arg6[%get3A_1616, %get3A_1617, %get3A_1618] {strides = array<i32>} : memref<2x4x8192xf32, #tpu.memory_space<vmem>>, vector<1x1x16xf32>,
      %get3A_1620 = vector.shape_cast %get3A_1619 : vector<1x1x16xf32> to vector<16xf32>
      %mul3A_1621 = arith.mulf %get3A_1620, %get3A_1613 : vector<16xf32>
      %add3A_1622 = arith.addf %add3A_1581, %mul3A_1621 : vector<16xf32>
      %get3A_1623 = arith.constant 1 : i32
      %get3A_1624 = arith.constant 1 : i32
      %get3A_1625 = arith.index_cast %get3A_1623 : i32 to index
      %get3A_1626 = arith.index_cast %get3A_1624 : i32 to index
      %get3A_1627 = arith.index_cast %add3A_1610 : i32 to index
      %get3A_1628 = tpu.vector_load %arg6[%get3A_1625, %get3A_1626, %get3A_1627] {strides = array<i32>} : memref<2x4x8192xf32, #tpu.memory_space<vmem>>, vector<1x1x16xf32>,
      %get3A_1629 = vector.shape_cast %get3A_1628 : vector<1x1x16xf32> to vector<16xf32>
      %mul3A_1630 = arith.mulf %get3A_1629, %get3A_1613 : vector<16xf32>
      %add3A_1631 = arith.addf %add3A_1590, %mul3A_1630 : vector<16xf32>
      %get3A_1632 = arith.constant 1 : i32
      %get3A_1633 = arith.constant 2 : i32
      %get3A_1634 = arith.index_cast %get3A_1632 : i32 to index
      %get3A_1635 = arith.index_cast %get3A_1633 : i32 to index
      %get3A_1636 = arith.index_cast %add3A_1610 : i32 to index
      %get3A_1637 = tpu.vector_load %arg6[%get3A_1634, %get3A_1635, %get3A_1636] {strides = array<i32>} : memref<2x4x8192xf32, #tpu.memory_space<vmem>>, vector<1x1x16xf32>,
      %get3A_1638 = vector.shape_cast %get3A_1637 : vector<1x1x16xf32> to vector<16xf32>
      %mul3A_1639 = arith.mulf %get3A_1638, %get3A_1613 : vector<16xf32>
      %add3A_1640 = arith.addf %add3A_1599, %mul3A_1639 : vector<16xf32>
      %get3A_1641 = arith.constant 1 : i32
      %get3A_1642 = arith.constant 3 : i32
      %get3A_1643 = arith.index_cast %get3A_1641 : i32 to index
      %get3A_1644 = arith.index_cast %get3A_1642 : i32 to index
      %get3A_1645 = arith.index_cast %add3A_1610 : i32 to index
      %get3A_1646 = tpu.vector_load %arg6[%get3A_1643, %get3A_1644, %get3A_1645] {strides = array<i32>} : memref<2x4x8192xf32, #tpu.memory_space<vmem>>, vector<1x1x16xf32>,
      %get3A_1647 = vector.shape_cast %get3A_1646 : vector<1x1x16xf32> to vector<16xf32>
      %mul3A_1648 = arith.mulf %get3A_1647, %get3A_1613 : vector<16xf32>
      %add3A_1649 = arith.addf %add3A_1608, %mul3A_1648 : vector<16xf32>
      %add3A_1650 = arith.constant 112 : i32
      %add3A_1651 = arith.addi %mul3A_1363, %add3A_1650 : i32
      %get3A_1652 = arith.index_cast %add3A_1651 : i32 to index
      %get3A_1653 = tpu.vector_load %arg5[%get3A_1652] {strides = array<i32>} : memref<8192xf32, #tpu.memory_space<vmem>>, vector<16xf32>,
      %get3A_1654 = vector.shape_cast %get3A_1653 : vector<16xf32> to vector<16xf32>
      %get3A_1655 = arith.constant 1 : i32
      %get3A_1656 = arith.constant 0 : i32
      %get3A_1657 = arith.index_cast %get3A_1655 : i32 to index
      %get3A_1658 = arith.index_cast %get3A_1656 : i32 to index
      %get3A_1659 = arith.index_cast %add3A_1651 : i32 to index
      %get3A_1660 = tpu.vector_load %arg6[%get3A_1657, %get3A_1658, %get3A_1659] {strides = array<i32>} : memref<2x4x8192xf32, #tpu.memory_space<vmem>>, vector<1x1x16xf32>,
      %get3A_1661 = vector.shape_cast %get3A_1660 : vector<1x1x16xf32> to vector<16xf32>
      %mul3A_1662 = arith.mulf %get3A_1661, %get3A_1654 : vector<16xf32>
      %add3A_1663 = arith.addf %add3A_1622, %mul3A_1662 : vector<16xf32>
      %get3A_1664 = arith.constant 1 : i32
      %get3A_1665 = arith.constant 1 : i32
      %get3A_1666 = arith.index_cast %get3A_1664 : i32 to index
      %get3A_1667 = arith.index_cast %get3A_1665 : i32 to index
      %get3A_1668 = arith.index_cast %add3A_1651 : i32 to index
      %get3A_1669 = tpu.vector_load %arg6[%get3A_1666, %get3A_1667, %get3A_1668] {strides = array<i32>} : memref<2x4x8192xf32, #tpu.memory_space<vmem>>, vector<1x1x16xf32>,
      %get3A_1670 = vector.shape_cast %get3A_1669 : vector<1x1x16xf32> to vector<16xf32>
      %mul3A_1671 = arith.mulf %get3A_1670, %get3A_1654 : vector<16xf32>
      %add3A_1672 = arith.addf %add3A_1631, %mul3A_1671 : vector<16xf32>
      %get3A_1673 = arith.constant 1 : i32
      %get3A_1674 = arith.constant 2 : i32
      %get3A_1675 = arith.index_cast %get3A_1673 : i32 to index
      %get3A_1676 = arith.index_cast %get3A_1674 : i32 to index
      %get3A_1677 = arith.index_cast %add3A_1651 : i32 to index
      %get3A_1678 = tpu.vector_load %arg6[%get3A_1675, %get3A_1676, %get3A_1677] {strides = array<i32>} : memref<2x4x8192xf32, #tpu.memory_space<vmem>>, vector<1x1x16xf32>,
      %get3A_1679 = vector.shape_cast %get3A_1678 : vector<1x1x16xf32> to vector<16xf32>
      %mul3A_1680 = arith.mulf %get3A_1679, %get3A_1654 : vector<16xf32>
      %add3A_1681 = arith.addf %add3A_1640, %mul3A_1680 : vector<16xf32>
      %get3A_1682 = arith.constant 1 : i32
      %get3A_1683 = arith.constant 3 : i32
      %get3A_1684 = arith.index_cast %get3A_1682 : i32 to index
      %get3A_1685 = arith.index_cast %get3A_1683 : i32 to index
      %get3A_1686 = arith.index_cast %add3A_1651 : i32 to index
      %get3A_1687 = tpu.vector_load %arg6[%get3A_1684, %get3A_1685, %get3A_1686] {strides = array<i32>} : memref<2x4x8192xf32, #tpu.memory_space<vmem>>, vector<1x1x16xf32>,
      %get3A_1688 = vector.shape_cast %get3A_1687 : vector<1x1x16xf32> to vector<16xf32>
      %mul3A_1689 = arith.mulf %get3A_1688, %get3A_1654 : vector<16xf32>
      %add3A_1690 = arith.addf %add3A_1649, %mul3A_1689 : vector<16xf32>
      scf.yield %add3A_1663, %add3A_1672, %add3A_1681, %add3A_1690 : vector<16xf32>, vector<16xf32>, vector<16xf32>, vector<16xf32>
    }
    %scan3A_901 = arith.constant 64 : i32
    %xor3A_902 = arith.constant 8 : i32
    %xor3A_903 = vector.broadcast %xor3A_902 : i32 to vector<16xi32>
    %xor3A_904 = arith.xori %iota3A, %xor3A_903 : vector<16xi32>
    %broadcast_in_dim3A_905 = vector.shape_cast %xor3A_904 : vector<16xi32> to vector<16x1xi32>
    %gather3A_906 = vector.shape_cast %broadcast_in_dim3A_905 : vector<16x1xi32> to vector<16xi32>
    %gather3A_907 = tpu.dynamic_gather %scan3A_900#0[%gather3A_906] in [0] : vector<16xf32>, vector<16xi32> -> vector<16xf32>
    %add3A_908 = arith.addf %scan3A_900#0, %gather3A_907 : vector<16xf32>
    %xor3A_909 = arith.constant 4 : i32
    %xor3A_910 = vector.broadcast %xor3A_909 : i32 to vector<16xi32>
    %xor3A_911 = arith.xori %iota3A, %xor3A_910 : vector<16xi32>
    %broadcast_in_dim3A_912 = vector.shape_cast %xor3A_911 : vector<16xi32> to vector<16x1xi32>
    %gather3A_913 = vector.shape_cast %broadcast_in_dim3A_912 : vector<16x1xi32> to vector<16xi32>
    %gather3A_914 = tpu.dynamic_gather %add3A_908[%gather3A_913] in [0] : vector<16xf32>, vector<16xi32> -> vector<16xf32>
    %add3A_915 = arith.addf %add3A_908, %gather3A_914 : vector<16xf32>
    %xor3A_916 = arith.constant 2 : i32
    %xor3A_917 = vector.broadcast %xor3A_916 : i32 to vector<16xi32>
    %xor3A_918 = arith.xori %iota3A, %xor3A_917 : vector<16xi32>
    %broadcast_in_dim3A_919 = vector.shape_cast %xor3A_918 : vector<16xi32> to vector<16x1xi32>
    %gather3A_920 = vector.shape_cast %broadcast_in_dim3A_919 : vector<16x1xi32> to vector<16xi32>
    %gather3A_921 = tpu.dynamic_gather %add3A_915[%gather3A_920] in [0] : vector<16xf32>, vector<16xi32> -> vector<16xf32>
    %add3A_922 = arith.addf %add3A_915, %gather3A_921 : vector<16xf32>
    %xor3A_923 = arith.constant 1 : i32
    %xor3A_924 = vector.broadcast %xor3A_923 : i32 to vector<16xi32>
    %xor3A_925 = arith.xori %iota3A, %xor3A_924 : vector<16xi32>
    %broadcast_in_dim3A_926 = vector.shape_cast %xor3A_925 : vector<16xi32> to vector<16x1xi32>
    %gather3A_927 = vector.shape_cast %broadcast_in_dim3A_926 : vector<16x1xi32> to vector<16xi32>
    %gather3A_928 = tpu.dynamic_gather %add3A_922[%gather3A_927] in [0] : vector<16xf32>, vector<16xi32> -> vector<16xf32>
    %add3A_929 = arith.addf %add3A_922, %gather3A_928 : vector<16xf32>
    %eq3A_930 = arith.constant 4 : i32
    %eq3A_931 = vector.broadcast %eq3A_930 : i32 to vector<16xi32>
    %eq3A_932 = arith.cmpi eq, %iota3A, %eq3A_931 : vector<16xi32>
    %select_n3A_933 = arith.select %eq3A_932, %add3A_929, %select_n3A_861 : vector<16xi1>, vector<16xf32>
    %xor3A_934 = arith.constant 8 : i32
    %xor3A_935 = vector.broadcast %xor3A_934 : i32 to vector<16xi32>
    %xor3A_936 = arith.xori %iota3A, %xor3A_935 : vector<16xi32>
    %broadcast_in_dim3A_937 = vector.shape_cast %xor3A_936 : vector<16xi32> to vector<16x1xi32>
    %gather3A_938 = vector.shape_cast %broadcast_in_dim3A_937 : vector<16x1xi32> to vector<16xi32>
    %gather3A_939 = tpu.dynamic_gather %scan3A_900#1[%gather3A_938] in [0] : vector<16xf32>, vector<16xi32> -> vector<16xf32>
    %add3A_940 = arith.addf %scan3A_900#1, %gather3A_939 : vector<16xf32>
    %xor3A_941 = arith.constant 4 : i32
    %xor3A_942 = vector.broadcast %xor3A_941 : i32 to vector<16xi32>
    %xor3A_943 = arith.xori %iota3A, %xor3A_942 : vector<16xi32>
    %broadcast_in_dim3A_944 = vector.shape_cast %xor3A_943 : vector<16xi32> to vector<16x1xi32>
    %gather3A_945 = vector.shape_cast %broadcast_in_dim3A_944 : vector<16x1xi32> to vector<16xi32>
    %gather3A_946 = tpu.dynamic_gather %add3A_940[%gather3A_945] in [0] : vector<16xf32>, vector<16xi32> -> vector<16xf32>
    %add3A_947 = arith.addf %add3A_940, %gather3A_946 : vector<16xf32>
    %xor3A_948 = arith.constant 2 : i32
    %xor3A_949 = vector.broadcast %xor3A_948 : i32 to vector<16xi32>
    %xor3A_950 = arith.xori %iota3A, %xor3A_949 : vector<16xi32>
    %broadcast_in_dim3A_951 = vector.shape_cast %xor3A_950 : vector<16xi32> to vector<16x1xi32>
    %gather3A_952 = vector.shape_cast %broadcast_in_dim3A_951 : vector<16x1xi32> to vector<16xi32>
    %gather3A_953 = tpu.dynamic_gather %add3A_947[%gather3A_952] in [0] : vector<16xf32>, vector<16xi32> -> vector<16xf32>
    %add3A_954 = arith.addf %add3A_947, %gather3A_953 : vector<16xf32>
    %xor3A_955 = arith.constant 1 : i32
    %xor3A_956 = vector.broadcast %xor3A_955 : i32 to vector<16xi32>
    %xor3A_957 = arith.xori %iota3A, %xor3A_956 : vector<16xi32>
    %broadcast_in_dim3A_958 = vector.shape_cast %xor3A_957 : vector<16xi32> to vector<16x1xi32>
    %gather3A_959 = vector.shape_cast %broadcast_in_dim3A_958 : vector<16x1xi32> to vector<16xi32>
    %gather3A_960 = tpu.dynamic_gather %add3A_954[%gather3A_959] in [0] : vector<16xf32>, vector<16xi32> -> vector<16xf32>
    %add3A_961 = arith.addf %add3A_954, %gather3A_960 : vector<16xf32>
    %eq3A_962 = arith.constant 5 : i32
    %eq3A_963 = vector.broadcast %eq3A_962 : i32 to vector<16xi32>
    %eq3A_964 = arith.cmpi eq, %iota3A, %eq3A_963 : vector<16xi32>
    %select_n3A_965 = arith.select %eq3A_964, %add3A_961, %select_n3A_933 : vector<16xi1>, vector<16xf32>
    %xor3A_966 = arith.constant 8 : i32
    %xor3A_967 = vector.broadcast %xor3A_966 : i32 to vector<16xi32>
    %xor3A_968 = arith.xori %iota3A, %xor3A_967 : vector<16xi32>
    %broadcast_in_dim3A_969 = vector.shape_cast %xor3A_968 : vector<16xi32> to vector<16x1xi32>
    %gather3A_970 = vector.shape_cast %broadcast_in_dim3A_969 : vector<16x1xi32> to vector<16xi32>
    %gather3A_971 = tpu.dynamic_gather %scan3A_900#2[%gather3A_970] in [0] : vector<16xf32>, vector<16xi32> -> vector<16xf32>
    %add3A_972 = arith.addf %scan3A_900#2, %gather3A_971 : vector<16xf32>
    %xor3A_973 = arith.constant 4 : i32
    %xor3A_974 = vector.broadcast %xor3A_973 : i32 to vector<16xi32>
    %xor3A_975 = arith.xori %iota3A, %xor3A_974 : vector<16xi32>
    %broadcast_in_dim3A_976 = vector.shape_cast %xor3A_975 : vector<16xi32> to vector<16x1xi32>
    %gather3A_977 = vector.shape_cast %broadcast_in_dim3A_976 : vector<16x1xi32> to vector<16xi32>
    %gather3A_978 = tpu.dynamic_gather %add3A_972[%gather3A_977] in [0] : vector<16xf32>, vector<16xi32> -> vector<16xf32>
    %add3A_979 = arith.addf %add3A_972, %gather3A_978 : vector<16xf32>
    %xor3A_980 = arith.constant 2 : i32
    %xor3A_981 = vector.broadcast %xor3A_980 : i32 to vector<16xi32>
    %xor3A_982 = arith.xori %iota3A, %xor3A_981 : vector<16xi32>
    %broadcast_in_dim3A_983 = vector.shape_cast %xor3A_982 : vector<16xi32> to vector<16x1xi32>
    %gather3A_984 = vector.shape_cast %broadcast_in_dim3A_983 : vector<16x1xi32> to vector<16xi32>
    %gather3A_985 = tpu.dynamic_gather %add3A_979[%gather3A_984] in [0] : vector<16xf32>, vector<16xi32> -> vector<16xf32>
    %add3A_986 = arith.addf %add3A_979, %gather3A_985 : vector<16xf32>
    %xor3A_987 = arith.constant 1 : i32
    %xor3A_988 = vector.broadcast %xor3A_987 : i32 to vector<16xi32>
    %xor3A_989 = arith.xori %iota3A, %xor3A_988 : vector<16xi32>
    %broadcast_in_dim3A_990 = vector.shape_cast %xor3A_989 : vector<16xi32> to vector<16x1xi32>
    %gather3A_991 = vector.shape_cast %broadcast_in_dim3A_990 : vector<16x1xi32> to vector<16xi32>
    %gather3A_992 = tpu.dynamic_gather %add3A_986[%gather3A_991] in [0] : vector<16xf32>, vector<16xi32> -> vector<16xf32>
    %add3A_993 = arith.addf %add3A_986, %gather3A_992 : vector<16xf32>
    %eq3A_994 = arith.constant 6 : i32
    %eq3A_995 = vector.broadcast %eq3A_994 : i32 to vector<16xi32>
    %eq3A_996 = arith.cmpi eq, %iota3A, %eq3A_995 : vector<16xi32>
    %select_n3A_997 = arith.select %eq3A_996, %add3A_993, %select_n3A_965 : vector<16xi1>, vector<16xf32>
    %xor3A_998 = arith.constant 8 : i32
    %xor3A_999 = vector.broadcast %xor3A_998 : i32 to vector<16xi32>
    %xor3A_1000 = arith.xori %iota3A, %xor3A_999 : vector<16xi32>
    %broadcast_in_dim3A_1001 = vector.shape_cast %xor3A_1000 : vector<16xi32> to vector<16x1xi32>
    %gather3A_1002 = vector.shape_cast %broadcast_in_dim3A_1001 : vector<16x1xi32> to vector<16xi32>
    %gather3A_1003 = tpu.dynamic_gather %scan3A_900#3[%gather3A_1002] in [0] : vector<16xf32>, vector<16xi32> -> vector<16xf32>
    %add3A_1004 = arith.addf %scan3A_900#3, %gather3A_1003 : vector<16xf32>
    %xor3A_1005 = arith.constant 4 : i32
    %xor3A_1006 = vector.broadcast %xor3A_1005 : i32 to vector<16xi32>
    %xor3A_1007 = arith.xori %iota3A, %xor3A_1006 : vector<16xi32>
    %broadcast_in_dim3A_1008 = vector.shape_cast %xor3A_1007 : vector<16xi32> to vector<16x1xi32>
    %gather3A_1009 = vector.shape_cast %broadcast_in_dim3A_1008 : vector<16x1xi32> to vector<16xi32>
    %gather3A_1010 = tpu.dynamic_gather %add3A_1004[%gather3A_1009] in [0] : vector<16xf32>, vector<16xi32> -> vector<16xf32>
    %add3A_1011 = arith.addf %add3A_1004, %gather3A_1010 : vector<16xf32>
    %xor3A_1012 = arith.constant 2 : i32
    %xor3A_1013 = vector.broadcast %xor3A_1012 : i32 to vector<16xi32>
    %xor3A_1014 = arith.xori %iota3A, %xor3A_1013 : vector<16xi32>
    %broadcast_in_dim3A_1015 = vector.shape_cast %xor3A_1014 : vector<16xi32> to vector<16x1xi32>
    %gather3A_1016 = vector.shape_cast %broadcast_in_dim3A_1015 : vector<16x1xi32> to vector<16xi32>
    %gather3A_1017 = tpu.dynamic_gather %add3A_1011[%gather3A_1016] in [0] : vector<16xf32>, vector<16xi32> -> vector<16xf32>
    %add3A_1018 = arith.addf %add3A_1011, %gather3A_1017 : vector<16xf32>
    %xor3A_1019 = arith.constant 1 : i32
    %xor3A_1020 = vector.broadcast %xor3A_1019 : i32 to vector<16xi32>
    %xor3A_1021 = arith.xori %iota3A, %xor3A_1020 : vector<16xi32>
    %broadcast_in_dim3A_1022 = vector.shape_cast %xor3A_1021 : vector<16xi32> to vector<16x1xi32>
    %gather3A_1023 = vector.shape_cast %broadcast_in_dim3A_1022 : vector<16x1xi32> to vector<16xi32>
    %gather3A_1024 = tpu.dynamic_gather %add3A_1018[%gather3A_1023] in [0] : vector<16xf32>, vector<16xi32> -> vector<16xf32>
    %add3A_1025 = arith.addf %add3A_1018, %gather3A_1024 : vector<16xf32>
    %eq3A_1026 = arith.constant 7 : i32
    %eq3A_1027 = vector.broadcast %eq3A_1026 : i32 to vector<16xi32>
    %eq3A_1028 = arith.cmpi eq, %iota3A, %eq3A_1027 : vector<16xi32>
    %select_n3A_1029 = arith.select %eq3A_1028, %add3A_1025, %select_n3A_997 : vector<16xi1>, vector<16xf32>
    %add3A_1030 = arith.constant 28 : i32
    %add3A_1031 = arith.addi %add3A_4, %add3A_1030 : i32
    %dma_start3A_1032 = arith.constant 1 : i32
    %dma_start3A_1033 = arith.constant 1 : i32
    %dma_start3A_1034 = arith.constant 0 : i32
    %dma_start3A_1035 = arith.constant 0 : i32
    %dma_start3A_1036 = tpu.memref_slice %arg6[%dma_start3A_1032, %dma_start3A_1034, %dma_start3A_1035] : memref<2x4x8192xf32, #tpu.memory_space<vmem>> -> memref<1x4x8192xf32, #tpu.memory_space<vmem>>
    %dma_start3A_1037 = tpu.memref_squeeze %dma_start3A_1036 : memref<1x4x8192xf32, #tpu.memory_space<vmem>> -> memref<4x8192xf32, #tpu.memory_space<vmem>>
    %dma_start3A_1038 = arith.constant 0 : i32
    %dma_start3A_1039 = tpu.memref_slice %arg2[%add3A_1031, %dma_start3A_1038] : memref<4096x8192xf32, #tpu.memory_space<hbm>> -> memref<4x8192xf32, #tpu.memory_space<hbm>>
    %dma_start3A_1040 = tpu.memref_slice %arg8[%dma_start3A_1033] : memref<2x!tpu.dma_semaphore, #tpu.memory_space<semaphore_mem>> -> memref<1x!tpu.dma_semaphore, #tpu.memory_space<semaphore_mem>>
    %dma_start3A_1041 = tpu.memref_squeeze %dma_start3A_1040 : memref<1x!tpu.dma_semaphore, #tpu.memory_space<semaphore_mem>> -> memref<!tpu.dma_semaphore, #tpu.memory_space<semaphore_mem>>
    %dma_start3A_1042 = arith.constant 0 : i32
    %dma_start3A_1043 = arith.constant 0 : i32
    %dma_start3A_1044 = tpu.memref_slice %arg6[%dma_start3A_1032, %dma_start3A_1042, %dma_start3A_1043] : memref<2x4x8192xf32, #tpu.memory_space<vmem>> -> memref<1x4x8192xf32, #tpu.memory_space<vmem>>
    %dma_start3A_1045 = tpu.memref_squeeze %dma_start3A_1044 : memref<1x4x8192xf32, #tpu.memory_space<vmem>> -> memref<4x8192xf32, #tpu.memory_space<vmem>>
    %dma_start3A_1046 = arith.constant 0 : i32
    %dma_start3A_1047 = tpu.memref_slice %arg2[%add3A_1031, %dma_start3A_1046] : memref<4096x8192xf32, #tpu.memory_space<hbm>> -> memref<4x8192xf32, #tpu.memory_space<hbm>>
    tpu.enqueue_dma source(%dma_start3A_1047 : memref<4x8192xf32, #tpu.memory_space<hbm>>) target(%dma_start3A_1045 : memref<4x8192xf32, #tpu.memory_space<vmem>>) target_semaphore(%dma_start3A_1041 : memref<!tpu.dma_semaphore, #tpu.memory_space<semaphore_mem>>)
    %dma_wait3A_1048 = arith.constant 0 : i32
    %dma_wait3A_1049 = arith.constant 0 : i32
    %dma_wait3A_1050 = arith.constant 0 : i32
    %dma_wait3A_1051 = arith.constant 0 : i32
    %dma_wait3A_1052 = tpu.memref_slice %arg6[%dma_wait3A_1048, %dma_wait3A_1050, %dma_wait3A_1051] : memref<2x4x8192xf32, #tpu.memory_space<vmem>> -> memref<1x4x8192xf32, #tpu.memory_space<vmem>>
    %dma_wait3A_1053 = tpu.memref_squeeze %dma_wait3A_1052 : memref<1x4x8192xf32, #tpu.memory_space<vmem>> -> memref<4x8192xf32, #tpu.memory_space<vmem>>
    %dma_wait3A_1054 = arith.constant 0 : i32
    %dma_wait3A_1055 = tpu.memref_slice %arg2[%add3A_863, %dma_wait3A_1054] : memref<4096x8192xf32, #tpu.memory_space<hbm>> -> memref<4x8192xf32, #tpu.memory_space<hbm>>
    %dma_wait3A_1056 = tpu.memref_slice %arg8[%dma_wait3A_1049] : memref<2x!tpu.dma_semaphore, #tpu.memory_space<semaphore_mem>> -> memref<1x!tpu.dma_semaphore, #tpu.memory_space<semaphore_mem>>
    %dma_wait3A_1057 = tpu.memref_squeeze %dma_wait3A_1056 : memref<1x!tpu.dma_semaphore, #tpu.memory_space<semaphore_mem>> -> memref<!tpu.dma_semaphore, #tpu.memory_space<semaphore_mem>>
    %dma_wait3A_1058 = arith.constant 0 : i32
    %dma_wait3A_1059 = arith.constant 0 : i32
    %dma_wait3A_1060 = tpu.memref_slice %arg6[%dma_wait3A_1048, %dma_wait3A_1058, %dma_wait3A_1059] : memref<2x4x8192xf32, #tpu.memory_space<vmem>> -> memref<1x4x8192xf32, #tpu.memory_space<vmem>>
    %dma_wait3A_1061 = tpu.memref_squeeze %dma_wait3A_1060 : memref<1x4x8192xf32, #tpu.memory_space<vmem>> -> memref<4x8192xf32, #tpu.memory_space<vmem>>
    %dma_wait3A_1062 = arith.constant 0 : i32
    %dma_wait3A_1063 = tpu.memref_slice %arg2[%add3A_863, %dma_wait3A_1062] : memref<4096x8192xf32, #tpu.memory_space<hbm>> -> memref<4x8192xf32, #tpu.memory_space<hbm>>
    tpu.wait_dma2 semaphore(%dma_wait3A_1057 : memref<!tpu.dma_semaphore, #tpu.memory_space<semaphore_mem>>) src(%dma_wait3A_1063 : memref<4x8192xf32, #tpu.memory_space<hbm>>) dst(%dma_wait3A_1061 : memref<4x8192xf32, #tpu.memory_space<vmem>>)
    %scan3A_1064 = arith.constant 0 : i32
    %scan3A_1065 = arith.constant 64 : i32
    %scan3A_1066 = arith.addi %scan3A_1064, %scan3A_1065 : i32
    %scan3A_1067 = arith.constant 1 : i32
    %scan3A_1068:4 = scf.for %scan3A_1357 = %scan3A_1064 to %scan3A_1066 step %scan3A_1067 iter_args(%scan3A_1358 = %convert_element_type3A, %scan3A_1359 = %convert_element_type3A, %scan3A_1360 = %convert_element_type3A, %scan3A_1361 = %convert_element_type3A) -> (vector<16xf32>, vector<16xf32>, vector<16xf32>, vector<16xf32>)  : i32 {
      %mul3A_1362 = arith.constant 128 : i32
      %mul3A_1363 = arith.muli %scan3A_1357, %mul3A_1362 : i32
      %add3A_1364 = arith.constant 0 : i32
      %add3A_1365 = arith.addi %mul3A_1363, %add3A_1364 : i32
      %get3A = arith.index_cast %add3A_1365 : i32 to index
      %get3A_1366 = tpu.vector_load %arg5[%get3A] {strides = array<i32>} : memref<8192xf32, #tpu.memory_space<vmem>>, vector<16xf32>,
      %get3A_1367 = vector.shape_cast %get3A_1366 : vector<16xf32> to vector<16xf32>
      %get3A_1368 = arith.constant 0 : i32
      %get3A_1369 = arith.constant 0 : i32
      %get3A_1370 = arith.index_cast %get3A_1368 : i32 to index
      %get3A_1371 = arith.index_cast %get3A_1369 : i32 to index
      %get3A_1372 = arith.index_cast %add3A_1365 : i32 to index
      %get3A_1373 = tpu.vector_load %arg6[%get3A_1370, %get3A_1371, %get3A_1372] {strides = array<i32>} : memref<2x4x8192xf32, #tpu.memory_space<vmem>>, vector<1x1x16xf32>,
      %get3A_1374 = vector.shape_cast %get3A_1373 : vector<1x1x16xf32> to vector<16xf32>
      %mul3A_1375 = arith.mulf %get3A_1374, %get3A_1367 : vector<16xf32>
      %add3A_1376 = arith.addf %scan3A_1358, %mul3A_1375 : vector<16xf32>
      %get3A_1377 = arith.constant 0 : i32
      %get3A_1378 = arith.constant 1 : i32
      %get3A_1379 = arith.index_cast %get3A_1377 : i32 to index
      %get3A_1380 = arith.index_cast %get3A_1378 : i32 to index
      %get3A_1381 = arith.index_cast %add3A_1365 : i32 to index
      %get3A_1382 = tpu.vector_load %arg6[%get3A_1379, %get3A_1380, %get3A_1381] {strides = array<i32>} : memref<2x4x8192xf32, #tpu.memory_space<vmem>>, vector<1x1x16xf32>,
      %get3A_1383 = vector.shape_cast %get3A_1382 : vector<1x1x16xf32> to vector<16xf32>
      %mul3A_1384 = arith.mulf %get3A_1383, %get3A_1367 : vector<16xf32>
      %add3A_1385 = arith.addf %scan3A_1359, %mul3A_1384 : vector<16xf32>
      %get3A_1386 = arith.constant 0 : i32
      %get3A_1387 = arith.constant 2 : i32
      %get3A_1388 = arith.index_cast %get3A_1386 : i32 to index
      %get3A_1389 = arith.index_cast %get3A_1387 : i32 to index
      %get3A_1390 = arith.index_cast %add3A_1365 : i32 to index
      %get3A_1391 = tpu.vector_load %arg6[%get3A_1388, %get3A_1389, %get3A_1390] {strides = array<i32>} : memref<2x4x8192xf32, #tpu.memory_space<vmem>>, vector<1x1x16xf32>,
      %get3A_1392 = vector.shape_cast %get3A_1391 : vector<1x1x16xf32> to vector<16xf32>
      %mul3A_1393 = arith.mulf %get3A_1392, %get3A_1367 : vector<16xf32>
      %add3A_1394 = arith.addf %scan3A_1360, %mul3A_1393 : vector<16xf32>
      %get3A_1395 = arith.constant 0 : i32
      %get3A_1396 = arith.constant 3 : i32
      %get3A_1397 = arith.index_cast %get3A_1395 : i32 to index
      %get3A_1398 = arith.index_cast %get3A_1396 : i32 to index
      %get3A_1399 = arith.index_cast %add3A_1365 : i32 to index
      %get3A_1400 = tpu.vector_load %arg6[%get3A_1397, %get3A_1398, %get3A_1399] {strides = array<i32>} : memref<2x4x8192xf32, #tpu.memory_space<vmem>>, vector<1x1x16xf32>,
      %get3A_1401 = vector.shape_cast %get3A_1400 : vector<1x1x16xf32> to vector<16xf32>
      %mul3A_1402 = arith.mulf %get3A_1401, %get3A_1367 : vector<16xf32>
      %add3A_1403 = arith.addf %scan3A_1361, %mul3A_1402 : vector<16xf32>
      %add3A_1404 = arith.constant 16 : i32
      %add3A_1405 = arith.addi %mul3A_1363, %add3A_1404 : i32
      %get3A_1406 = arith.index_cast %add3A_1405 : i32 to index
      %get3A_1407 = tpu.vector_load %arg5[%get3A_1406] {strides = array<i32>} : memref<8192xf32, #tpu.memory_space<vmem>>, vector<16xf32>,
      %get3A_1408 = vector.shape_cast %get3A_1407 : vector<16xf32> to vector<16xf32>
      %get3A_1409 = arith.constant 0 : i32
      %get3A_1410 = arith.constant 0 : i32
      %get3A_1411 = arith.index_cast %get3A_1409 : i32 to index
      %get3A_1412 = arith.index_cast %get3A_1410 : i32 to index
      %get3A_1413 = arith.index_cast %add3A_1405 : i32 to index
      %get3A_1414 = tpu.vector_load %arg6[%get3A_1411, %get3A_1412, %get3A_1413] {strides = array<i32>} : memref<2x4x8192xf32, #tpu.memory_space<vmem>>, vector<1x1x16xf32>,
      %get3A_1415 = vector.shape_cast %get3A_1414 : vector<1x1x16xf32> to vector<16xf32>
      %mul3A_1416 = arith.mulf %get3A_1415, %get3A_1408 : vector<16xf32>
      %add3A_1417 = arith.addf %add3A_1376, %mul3A_1416 : vector<16xf32>
      %get3A_1418 = arith.constant 0 : i32
      %get3A_1419 = arith.constant 1 : i32
      %get3A_1420 = arith.index_cast %get3A_1418 : i32 to index
      %get3A_1421 = arith.index_cast %get3A_1419 : i32 to index
      %get3A_1422 = arith.index_cast %add3A_1405 : i32 to index
      %get3A_1423 = tpu.vector_load %arg6[%get3A_1420, %get3A_1421, %get3A_1422] {strides = array<i32>} : memref<2x4x8192xf32, #tpu.memory_space<vmem>>, vector<1x1x16xf32>,
      %get3A_1424 = vector.shape_cast %get3A_1423 : vector<1x1x16xf32> to vector<16xf32>
      %mul3A_1425 = arith.mulf %get3A_1424, %get3A_1408 : vector<16xf32>
      %add3A_1426 = arith.addf %add3A_1385, %mul3A_1425 : vector<16xf32>
      %get3A_1427 = arith.constant 0 : i32
      %get3A_1428 = arith.constant 2 : i32
      %get3A_1429 = arith.index_cast %get3A_1427 : i32 to index
      %get3A_1430 = arith.index_cast %get3A_1428 : i32 to index
      %get3A_1431 = arith.index_cast %add3A_1405 : i32 to index
      %get3A_1432 = tpu.vector_load %arg6[%get3A_1429, %get3A_1430, %get3A_1431] {strides = array<i32>} : memref<2x4x8192xf32, #tpu.memory_space<vmem>>, vector<1x1x16xf32>,
      %get3A_1433 = vector.shape_cast %get3A_1432 : vector<1x1x16xf32> to vector<16xf32>
      %mul3A_1434 = arith.mulf %get3A_1433, %get3A_1408 : vector<16xf32>
      %add3A_1435 = arith.addf %add3A_1394, %mul3A_1434 : vector<16xf32>
      %get3A_1436 = arith.constant 0 : i32
      %get3A_1437 = arith.constant 3 : i32
      %get3A_1438 = arith.index_cast %get3A_1436 : i32 to index
      %get3A_1439 = arith.index_cast %get3A_1437 : i32 to index
      %get3A_1440 = arith.index_cast %add3A_1405 : i32 to index
      %get3A_1441 = tpu.vector_load %arg6[%get3A_1438, %get3A_1439, %get3A_1440] {strides = array<i32>} : memref<2x4x8192xf32, #tpu.memory_space<vmem>>, vector<1x1x16xf32>,
      %get3A_1442 = vector.shape_cast %get3A_1441 : vector<1x1x16xf32> to vector<16xf32>
      %mul3A_1443 = arith.mulf %get3A_1442, %get3A_1408 : vector<16xf32>
      %add3A_1444 = arith.addf %add3A_1403, %mul3A_1443 : vector<16xf32>
      %add3A_1445 = arith.constant 32 : i32
      %add3A_1446 = arith.addi %mul3A_1363, %add3A_1445 : i32
      %get3A_1447 = arith.index_cast %add3A_1446 : i32 to index
      %get3A_1448 = tpu.vector_load %arg5[%get3A_1447] {strides = array<i32>} : memref<8192xf32, #tpu.memory_space<vmem>>, vector<16xf32>,
      %get3A_1449 = vector.shape_cast %get3A_1448 : vector<16xf32> to vector<16xf32>
      %get3A_1450 = arith.constant 0 : i32
      %get3A_1451 = arith.constant 0 : i32
      %get3A_1452 = arith.index_cast %get3A_1450 : i32 to index
      %get3A_1453 = arith.index_cast %get3A_1451 : i32 to index
      %get3A_1454 = arith.index_cast %add3A_1446 : i32 to index
      %get3A_1455 = tpu.vector_load %arg6[%get3A_1452, %get3A_1453, %get3A_1454] {strides = array<i32>} : memref<2x4x8192xf32, #tpu.memory_space<vmem>>, vector<1x1x16xf32>,
      %get3A_1456 = vector.shape_cast %get3A_1455 : vector<1x1x16xf32> to vector<16xf32>
      %mul3A_1457 = arith.mulf %get3A_1456, %get3A_1449 : vector<16xf32>
      %add3A_1458 = arith.addf %add3A_1417, %mul3A_1457 : vector<16xf32>
      %get3A_1459 = arith.constant 0 : i32
      %get3A_1460 = arith.constant 1 : i32
      %get3A_1461 = arith.index_cast %get3A_1459 : i32 to index
      %get3A_1462 = arith.index_cast %get3A_1460 : i32 to index
      %get3A_1463 = arith.index_cast %add3A_1446 : i32 to index
      %get3A_1464 = tpu.vector_load %arg6[%get3A_1461, %get3A_1462, %get3A_1463] {strides = array<i32>} : memref<2x4x8192xf32, #tpu.memory_space<vmem>>, vector<1x1x16xf32>,
      %get3A_1465 = vector.shape_cast %get3A_1464 : vector<1x1x16xf32> to vector<16xf32>
      %mul3A_1466 = arith.mulf %get3A_1465, %get3A_1449 : vector<16xf32>
      %add3A_1467 = arith.addf %add3A_1426, %mul3A_1466 : vector<16xf32>
      %get3A_1468 = arith.constant 0 : i32
      %get3A_1469 = arith.constant 2 : i32
      %get3A_1470 = arith.index_cast %get3A_1468 : i32 to index
      %get3A_1471 = arith.index_cast %get3A_1469 : i32 to index
      %get3A_1472 = arith.index_cast %add3A_1446 : i32 to index
      %get3A_1473 = tpu.vector_load %arg6[%get3A_1470, %get3A_1471, %get3A_1472] {strides = array<i32>} : memref<2x4x8192xf32, #tpu.memory_space<vmem>>, vector<1x1x16xf32>,
      %get3A_1474 = vector.shape_cast %get3A_1473 : vector<1x1x16xf32> to vector<16xf32>
      %mul3A_1475 = arith.mulf %get3A_1474, %get3A_1449 : vector<16xf32>
      %add3A_1476 = arith.addf %add3A_1435, %mul3A_1475 : vector<16xf32>
      %get3A_1477 = arith.constant 0 : i32
      %get3A_1478 = arith.constant 3 : i32
      %get3A_1479 = arith.index_cast %get3A_1477 : i32 to index
      %get3A_1480 = arith.index_cast %get3A_1478 : i32 to index
      %get3A_1481 = arith.index_cast %add3A_1446 : i32 to index
      %get3A_1482 = tpu.vector_load %arg6[%get3A_1479, %get3A_1480, %get3A_1481] {strides = array<i32>} : memref<2x4x8192xf32, #tpu.memory_space<vmem>>, vector<1x1x16xf32>,
      %get3A_1483 = vector.shape_cast %get3A_1482 : vector<1x1x16xf32> to vector<16xf32>
      %mul3A_1484 = arith.mulf %get3A_1483, %get3A_1449 : vector<16xf32>
      %add3A_1485 = arith.addf %add3A_1444, %mul3A_1484 : vector<16xf32>
      %add3A_1486 = arith.constant 48 : i32
      %add3A_1487 = arith.addi %mul3A_1363, %add3A_1486 : i32
      %get3A_1488 = arith.index_cast %add3A_1487 : i32 to index
      %get3A_1489 = tpu.vector_load %arg5[%get3A_1488] {strides = array<i32>} : memref<8192xf32, #tpu.memory_space<vmem>>, vector<16xf32>,
      %get3A_1490 = vector.shape_cast %get3A_1489 : vector<16xf32> to vector<16xf32>
      %get3A_1491 = arith.constant 0 : i32
      %get3A_1492 = arith.constant 0 : i32
      %get3A_1493 = arith.index_cast %get3A_1491 : i32 to index
      %get3A_1494 = arith.index_cast %get3A_1492 : i32 to index
      %get3A_1495 = arith.index_cast %add3A_1487 : i32 to index
      %get3A_1496 = tpu.vector_load %arg6[%get3A_1493, %get3A_1494, %get3A_1495] {strides = array<i32>} : memref<2x4x8192xf32, #tpu.memory_space<vmem>>, vector<1x1x16xf32>,
      %get3A_1497 = vector.shape_cast %get3A_1496 : vector<1x1x16xf32> to vector<16xf32>
      %mul3A_1498 = arith.mulf %get3A_1497, %get3A_1490 : vector<16xf32>
      %add3A_1499 = arith.addf %add3A_1458, %mul3A_1498 : vector<16xf32>
      %get3A_1500 = arith.constant 0 : i32
      %get3A_1501 = arith.constant 1 : i32
      %get3A_1502 = arith.index_cast %get3A_1500 : i32 to index
      %get3A_1503 = arith.index_cast %get3A_1501 : i32 to index
      %get3A_1504 = arith.index_cast %add3A_1487 : i32 to index
      %get3A_1505 = tpu.vector_load %arg6[%get3A_1502, %get3A_1503, %get3A_1504] {strides = array<i32>} : memref<2x4x8192xf32, #tpu.memory_space<vmem>>, vector<1x1x16xf32>,
      %get3A_1506 = vector.shape_cast %get3A_1505 : vector<1x1x16xf32> to vector<16xf32>
      %mul3A_1507 = arith.mulf %get3A_1506, %get3A_1490 : vector<16xf32>
      %add3A_1508 = arith.addf %add3A_1467, %mul3A_1507 : vector<16xf32>
      %get3A_1509 = arith.constant 0 : i32
      %get3A_1510 = arith.constant 2 : i32
      %get3A_1511 = arith.index_cast %get3A_1509 : i32 to index
      %get3A_1512 = arith.index_cast %get3A_1510 : i32 to index
      %get3A_1513 = arith.index_cast %add3A_1487 : i32 to index
      %get3A_1514 = tpu.vector_load %arg6[%get3A_1511, %get3A_1512, %get3A_1513] {strides = array<i32>} : memref<2x4x8192xf32, #tpu.memory_space<vmem>>, vector<1x1x16xf32>,
      %get3A_1515 = vector.shape_cast %get3A_1514 : vector<1x1x16xf32> to vector<16xf32>
      %mul3A_1516 = arith.mulf %get3A_1515, %get3A_1490 : vector<16xf32>
      %add3A_1517 = arith.addf %add3A_1476, %mul3A_1516 : vector<16xf32>
      %get3A_1518 = arith.constant 0 : i32
      %get3A_1519 = arith.constant 3 : i32
      %get3A_1520 = arith.index_cast %get3A_1518 : i32 to index
      %get3A_1521 = arith.index_cast %get3A_1519 : i32 to index
      %get3A_1522 = arith.index_cast %add3A_1487 : i32 to index
      %get3A_1523 = tpu.vector_load %arg6[%get3A_1520, %get3A_1521, %get3A_1522] {strides = array<i32>} : memref<2x4x8192xf32, #tpu.memory_space<vmem>>, vector<1x1x16xf32>,
      %get3A_1524 = vector.shape_cast %get3A_1523 : vector<1x1x16xf32> to vector<16xf32>
      %mul3A_1525 = arith.mulf %get3A_1524, %get3A_1490 : vector<16xf32>
      %add3A_1526 = arith.addf %add3A_1485, %mul3A_1525 : vector<16xf32>
      %add3A_1527 = arith.constant 64 : i32
      %add3A_1528 = arith.addi %mul3A_1363, %add3A_1527 : i32
      %get3A_1529 = arith.index_cast %add3A_1528 : i32 to index
      %get3A_1530 = tpu.vector_load %arg5[%get3A_1529] {strides = array<i32>} : memref<8192xf32, #tpu.memory_space<vmem>>, vector<16xf32>,
      %get3A_1531 = vector.shape_cast %get3A_1530 : vector<16xf32> to vector<16xf32>
      %get3A_1532 = arith.constant 0 : i32
      %get3A_1533 = arith.constant 0 : i32
      %get3A_1534 = arith.index_cast %get3A_1532 : i32 to index
      %get3A_1535 = arith.index_cast %get3A_1533 : i32 to index
      %get3A_1536 = arith.index_cast %add3A_1528 : i32 to index
      %get3A_1537 = tpu.vector_load %arg6[%get3A_1534, %get3A_1535, %get3A_1536] {strides = array<i32>} : memref<2x4x8192xf32, #tpu.memory_space<vmem>>, vector<1x1x16xf32>,
      %get3A_1538 = vector.shape_cast %get3A_1537 : vector<1x1x16xf32> to vector<16xf32>
      %mul3A_1539 = arith.mulf %get3A_1538, %get3A_1531 : vector<16xf32>
      %add3A_1540 = arith.addf %add3A_1499, %mul3A_1539 : vector<16xf32>
      %get3A_1541 = arith.constant 0 : i32
      %get3A_1542 = arith.constant 1 : i32
      %get3A_1543 = arith.index_cast %get3A_1541 : i32 to index
      %get3A_1544 = arith.index_cast %get3A_1542 : i32 to index
      %get3A_1545 = arith.index_cast %add3A_1528 : i32 to index
      %get3A_1546 = tpu.vector_load %arg6[%get3A_1543, %get3A_1544, %get3A_1545] {strides = array<i32>} : memref<2x4x8192xf32, #tpu.memory_space<vmem>>, vector<1x1x16xf32>,
      %get3A_1547 = vector.shape_cast %get3A_1546 : vector<1x1x16xf32> to vector<16xf32>
      %mul3A_1548 = arith.mulf %get3A_1547, %get3A_1531 : vector<16xf32>
      %add3A_1549 = arith.addf %add3A_1508, %mul3A_1548 : vector<16xf32>
      %get3A_1550 = arith.constant 0 : i32
      %get3A_1551 = arith.constant 2 : i32
      %get3A_1552 = arith.index_cast %get3A_1550 : i32 to index
      %get3A_1553 = arith.index_cast %get3A_1551 : i32 to index
      %get3A_1554 = arith.index_cast %add3A_1528 : i32 to index
      %get3A_1555 = tpu.vector_load %arg6[%get3A_1552, %get3A_1553, %get3A_1554] {strides = array<i32>} : memref<2x4x8192xf32, #tpu.memory_space<vmem>>, vector<1x1x16xf32>,
      %get3A_1556 = vector.shape_cast %get3A_1555 : vector<1x1x16xf32> to vector<16xf32>
      %mul3A_1557 = arith.mulf %get3A_1556, %get3A_1531 : vector<16xf32>
      %add3A_1558 = arith.addf %add3A_1517, %mul3A_1557 : vector<16xf32>
      %get3A_1559 = arith.constant 0 : i32
      %get3A_1560 = arith.constant 3 : i32
      %get3A_1561 = arith.index_cast %get3A_1559 : i32 to index
      %get3A_1562 = arith.index_cast %get3A_1560 : i32 to index
      %get3A_1563 = arith.index_cast %add3A_1528 : i32 to index
      %get3A_1564 = tpu.vector_load %arg6[%get3A_1561, %get3A_1562, %get3A_1563] {strides = array<i32>} : memref<2x4x8192xf32, #tpu.memory_space<vmem>>, vector<1x1x16xf32>,
      %get3A_1565 = vector.shape_cast %get3A_1564 : vector<1x1x16xf32> to vector<16xf32>
      %mul3A_1566 = arith.mulf %get3A_1565, %get3A_1531 : vector<16xf32>
      %add3A_1567 = arith.addf %add3A_1526, %mul3A_1566 : vector<16xf32>
      %add3A_1568 = arith.constant 80 : i32
      %add3A_1569 = arith.addi %mul3A_1363, %add3A_1568 : i32
      %get3A_1570 = arith.index_cast %add3A_1569 : i32 to index
      %get3A_1571 = tpu.vector_load %arg5[%get3A_1570] {strides = array<i32>} : memref<8192xf32, #tpu.memory_space<vmem>>, vector<16xf32>,
      %get3A_1572 = vector.shape_cast %get3A_1571 : vector<16xf32> to vector<16xf32>
      %get3A_1573 = arith.constant 0 : i32
      %get3A_1574 = arith.constant 0 : i32
      %get3A_1575 = arith.index_cast %get3A_1573 : i32 to index
      %get3A_1576 = arith.index_cast %get3A_1574 : i32 to index
      %get3A_1577 = arith.index_cast %add3A_1569 : i32 to index
      %get3A_1578 = tpu.vector_load %arg6[%get3A_1575, %get3A_1576, %get3A_1577] {strides = array<i32>} : memref<2x4x8192xf32, #tpu.memory_space<vmem>>, vector<1x1x16xf32>,
      %get3A_1579 = vector.shape_cast %get3A_1578 : vector<1x1x16xf32> to vector<16xf32>
      %mul3A_1580 = arith.mulf %get3A_1579, %get3A_1572 : vector<16xf32>
      %add3A_1581 = arith.addf %add3A_1540, %mul3A_1580 : vector<16xf32>
      %get3A_1582 = arith.constant 0 : i32
      %get3A_1583 = arith.constant 1 : i32
      %get3A_1584 = arith.index_cast %get3A_1582 : i32 to index
      %get3A_1585 = arith.index_cast %get3A_1583 : i32 to index
      %get3A_1586 = arith.index_cast %add3A_1569 : i32 to index
      %get3A_1587 = tpu.vector_load %arg6[%get3A_1584, %get3A_1585, %get3A_1586] {strides = array<i32>} : memref<2x4x8192xf32, #tpu.memory_space<vmem>>, vector<1x1x16xf32>,
      %get3A_1588 = vector.shape_cast %get3A_1587 : vector<1x1x16xf32> to vector<16xf32>
      %mul3A_1589 = arith.mulf %get3A_1588, %get3A_1572 : vector<16xf32>
      %add3A_1590 = arith.addf %add3A_1549, %mul3A_1589 : vector<16xf32>
      %get3A_1591 = arith.constant 0 : i32
      %get3A_1592 = arith.constant 2 : i32
      %get3A_1593 = arith.index_cast %get3A_1591 : i32 to index
      %get3A_1594 = arith.index_cast %get3A_1592 : i32 to index
      %get3A_1595 = arith.index_cast %add3A_1569 : i32 to index
      %get3A_1596 = tpu.vector_load %arg6[%get3A_1593, %get3A_1594, %get3A_1595] {strides = array<i32>} : memref<2x4x8192xf32, #tpu.memory_space<vmem>>, vector<1x1x16xf32>,
      %get3A_1597 = vector.shape_cast %get3A_1596 : vector<1x1x16xf32> to vector<16xf32>
      %mul3A_1598 = arith.mulf %get3A_1597, %get3A_1572 : vector<16xf32>
      %add3A_1599 = arith.addf %add3A_1558, %mul3A_1598 : vector<16xf32>
      %get3A_1600 = arith.constant 0 : i32
      %get3A_1601 = arith.constant 3 : i32
      %get3A_1602 = arith.index_cast %get3A_1600 : i32 to index
      %get3A_1603 = arith.index_cast %get3A_1601 : i32 to index
      %get3A_1604 = arith.index_cast %add3A_1569 : i32 to index
      %get3A_1605 = tpu.vector_load %arg6[%get3A_1602, %get3A_1603, %get3A_1604] {strides = array<i32>} : memref<2x4x8192xf32, #tpu.memory_space<vmem>>, vector<1x1x16xf32>,
      %get3A_1606 = vector.shape_cast %get3A_1605 : vector<1x1x16xf32> to vector<16xf32>
      %mul3A_1607 = arith.mulf %get3A_1606, %get3A_1572 : vector<16xf32>
      %add3A_1608 = arith.addf %add3A_1567, %mul3A_1607 : vector<16xf32>
      %add3A_1609 = arith.constant 96 : i32
      %add3A_1610 = arith.addi %mul3A_1363, %add3A_1609 : i32
      %get3A_1611 = arith.index_cast %add3A_1610 : i32 to index
      %get3A_1612 = tpu.vector_load %arg5[%get3A_1611] {strides = array<i32>} : memref<8192xf32, #tpu.memory_space<vmem>>, vector<16xf32>,
      %get3A_1613 = vector.shape_cast %get3A_1612 : vector<16xf32> to vector<16xf32>
      %get3A_1614 = arith.constant 0 : i32
      %get3A_1615 = arith.constant 0 : i32
      %get3A_1616 = arith.index_cast %get3A_1614 : i32 to index
      %get3A_1617 = arith.index_cast %get3A_1615 : i32 to index
      %get3A_1618 = arith.index_cast %add3A_1610 : i32 to index
      %get3A_1619 = tpu.vector_load %arg6[%get3A_1616, %get3A_1617, %get3A_1618] {strides = array<i32>} : memref<2x4x8192xf32, #tpu.memory_space<vmem>>, vector<1x1x16xf32>,
      %get3A_1620 = vector.shape_cast %get3A_1619 : vector<1x1x16xf32> to vector<16xf32>
      %mul3A_1621 = arith.mulf %get3A_1620, %get3A_1613 : vector<16xf32>
      %add3A_1622 = arith.addf %add3A_1581, %mul3A_1621 : vector<16xf32>
      %get3A_1623 = arith.constant 0 : i32
      %get3A_1624 = arith.constant 1 : i32
      %get3A_1625 = arith.index_cast %get3A_1623 : i32 to index
      %get3A_1626 = arith.index_cast %get3A_1624 : i32 to index
      %get3A_1627 = arith.index_cast %add3A_1610 : i32 to index
      %get3A_1628 = tpu.vector_load %arg6[%get3A_1625, %get3A_1626, %get3A_1627] {strides = array<i32>} : memref<2x4x8192xf32, #tpu.memory_space<vmem>>, vector<1x1x16xf32>,
      %get3A_1629 = vector.shape_cast %get3A_1628 : vector<1x1x16xf32> to vector<16xf32>
      %mul3A_1630 = arith.mulf %get3A_1629, %get3A_1613 : vector<16xf32>
      %add3A_1631 = arith.addf %add3A_1590, %mul3A_1630 : vector<16xf32>
      %get3A_1632 = arith.constant 0 : i32
      %get3A_1633 = arith.constant 2 : i32
      %get3A_1634 = arith.index_cast %get3A_1632 : i32 to index
      %get3A_1635 = arith.index_cast %get3A_1633 : i32 to index
      %get3A_1636 = arith.index_cast %add3A_1610 : i32 to index
      %get3A_1637 = tpu.vector_load %arg6[%get3A_1634, %get3A_1635, %get3A_1636] {strides = array<i32>} : memref<2x4x8192xf32, #tpu.memory_space<vmem>>, vector<1x1x16xf32>,
      %get3A_1638 = vector.shape_cast %get3A_1637 : vector<1x1x16xf32> to vector<16xf32>
      %mul3A_1639 = arith.mulf %get3A_1638, %get3A_1613 : vector<16xf32>
      %add3A_1640 = arith.addf %add3A_1599, %mul3A_1639 : vector<16xf32>
      %get3A_1641 = arith.constant 0 : i32
      %get3A_1642 = arith.constant 3 : i32
      %get3A_1643 = arith.index_cast %get3A_1641 : i32 to index
      %get3A_1644 = arith.index_cast %get3A_1642 : i32 to index
      %get3A_1645 = arith.index_cast %add3A_1610 : i32 to index
      %get3A_1646 = tpu.vector_load %arg6[%get3A_1643, %get3A_1644, %get3A_1645] {strides = array<i32>} : memref<2x4x8192xf32, #tpu.memory_space<vmem>>, vector<1x1x16xf32>,
      %get3A_1647 = vector.shape_cast %get3A_1646 : vector<1x1x16xf32> to vector<16xf32>
      %mul3A_1648 = arith.mulf %get3A_1647, %get3A_1613 : vector<16xf32>
      %add3A_1649 = arith.addf %add3A_1608, %mul3A_1648 : vector<16xf32>
      %add3A_1650 = arith.constant 112 : i32
      %add3A_1651 = arith.addi %mul3A_1363, %add3A_1650 : i32
      %get3A_1652 = arith.index_cast %add3A_1651 : i32 to index
      %get3A_1653 = tpu.vector_load %arg5[%get3A_1652] {strides = array<i32>} : memref<8192xf32, #tpu.memory_space<vmem>>, vector<16xf32>,
      %get3A_1654 = vector.shape_cast %get3A_1653 : vector<16xf32> to vector<16xf32>
      %get3A_1655 = arith.constant 0 : i32
      %get3A_1656 = arith.constant 0 : i32
      %get3A_1657 = arith.index_cast %get3A_1655 : i32 to index
      %get3A_1658 = arith.index_cast %get3A_1656 : i32 to index
      %get3A_1659 = arith.index_cast %add3A_1651 : i32 to index
      %get3A_1660 = tpu.vector_load %arg6[%get3A_1657, %get3A_1658, %get3A_1659] {strides = array<i32>} : memref<2x4x8192xf32, #tpu.memory_space<vmem>>, vector<1x1x16xf32>,
      %get3A_1661 = vector.shape_cast %get3A_1660 : vector<1x1x16xf32> to vector<16xf32>
      %mul3A_1662 = arith.mulf %get3A_1661, %get3A_1654 : vector<16xf32>
      %add3A_1663 = arith.addf %add3A_1622, %mul3A_1662 : vector<16xf32>
      %get3A_1664 = arith.constant 0 : i32
      %get3A_1665 = arith.constant 1 : i32
      %get3A_1666 = arith.index_cast %get3A_1664 : i32 to index
      %get3A_1667 = arith.index_cast %get3A_1665 : i32 to index
      %get3A_1668 = arith.index_cast %add3A_1651 : i32 to index
      %get3A_1669 = tpu.vector_load %arg6[%get3A_1666, %get3A_1667, %get3A_1668] {strides = array<i32>} : memref<2x4x8192xf32, #tpu.memory_space<vmem>>, vector<1x1x16xf32>,
      %get3A_1670 = vector.shape_cast %get3A_1669 : vector<1x1x16xf32> to vector<16xf32>
      %mul3A_1671 = arith.mulf %get3A_1670, %get3A_1654 : vector<16xf32>
      %add3A_1672 = arith.addf %add3A_1631, %mul3A_1671 : vector<16xf32>
      %get3A_1673 = arith.constant 0 : i32
      %get3A_1674 = arith.constant 2 : i32
      %get3A_1675 = arith.index_cast %get3A_1673 : i32 to index
      %get3A_1676 = arith.index_cast %get3A_1674 : i32 to index
      %get3A_1677 = arith.index_cast %add3A_1651 : i32 to index
      %get3A_1678 = tpu.vector_load %arg6[%get3A_1675, %get3A_1676, %get3A_1677] {strides = array<i32>} : memref<2x4x8192xf32, #tpu.memory_space<vmem>>, vector<1x1x16xf32>,
      %get3A_1679 = vector.shape_cast %get3A_1678 : vector<1x1x16xf32> to vector<16xf32>
      %mul3A_1680 = arith.mulf %get3A_1679, %get3A_1654 : vector<16xf32>
      %add3A_1681 = arith.addf %add3A_1640, %mul3A_1680 : vector<16xf32>
      %get3A_1682 = arith.constant 0 : i32
      %get3A_1683 = arith.constant 3 : i32
      %get3A_1684 = arith.index_cast %get3A_1682 : i32 to index
      %get3A_1685 = arith.index_cast %get3A_1683 : i32 to index
      %get3A_1686 = arith.index_cast %add3A_1651 : i32 to index
      %get3A_1687 = tpu.vector_load %arg6[%get3A_1684, %get3A_1685, %get3A_1686] {strides = array<i32>} : memref<2x4x8192xf32, #tpu.memory_space<vmem>>, vector<1x1x16xf32>,
      %get3A_1688 = vector.shape_cast %get3A_1687 : vector<1x1x16xf32> to vector<16xf32>
      %mul3A_1689 = arith.mulf %get3A_1688, %get3A_1654 : vector<16xf32>
      %add3A_1690 = arith.addf %add3A_1649, %mul3A_1689 : vector<16xf32>
      scf.yield %add3A_1663, %add3A_1672, %add3A_1681, %add3A_1690 : vector<16xf32>, vector<16xf32>, vector<16xf32>, vector<16xf32>
    }
    %scan3A_1069 = arith.constant 64 : i32
    %xor3A_1070 = arith.constant 8 : i32
    %xor3A_1071 = vector.broadcast %xor3A_1070 : i32 to vector<16xi32>
    %xor3A_1072 = arith.xori %iota3A, %xor3A_1071 : vector<16xi32>
    %broadcast_in_dim3A_1073 = vector.shape_cast %xor3A_1072 : vector<16xi32> to vector<16x1xi32>
    %gather3A_1074 = vector.shape_cast %broadcast_in_dim3A_1073 : vector<16x1xi32> to vector<16xi32>
    %gather3A_1075 = tpu.dynamic_gather %scan3A_1068#0[%gather3A_1074] in [0] : vector<16xf32>, vector<16xi32> -> vector<16xf32>
    %add3A_1076 = arith.addf %scan3A_1068#0, %gather3A_1075 : vector<16xf32>
    %xor3A_1077 = arith.constant 4 : i32
    %xor3A_1078 = vector.broadcast %xor3A_1077 : i32 to vector<16xi32>
    %xor3A_1079 = arith.xori %iota3A, %xor3A_1078 : vector<16xi32>
    %broadcast_in_dim3A_1080 = vector.shape_cast %xor3A_1079 : vector<16xi32> to vector<16x1xi32>
    %gather3A_1081 = vector.shape_cast %broadcast_in_dim3A_1080 : vector<16x1xi32> to vector<16xi32>
    %gather3A_1082 = tpu.dynamic_gather %add3A_1076[%gather3A_1081] in [0] : vector<16xf32>, vector<16xi32> -> vector<16xf32>
    %add3A_1083 = arith.addf %add3A_1076, %gather3A_1082 : vector<16xf32>
    %xor3A_1084 = arith.constant 2 : i32
    %xor3A_1085 = vector.broadcast %xor3A_1084 : i32 to vector<16xi32>
    %xor3A_1086 = arith.xori %iota3A, %xor3A_1085 : vector<16xi32>
    %broadcast_in_dim3A_1087 = vector.shape_cast %xor3A_1086 : vector<16xi32> to vector<16x1xi32>
    %gather3A_1088 = vector.shape_cast %broadcast_in_dim3A_1087 : vector<16x1xi32> to vector<16xi32>
    %gather3A_1089 = tpu.dynamic_gather %add3A_1083[%gather3A_1088] in [0] : vector<16xf32>, vector<16xi32> -> vector<16xf32>
    %add3A_1090 = arith.addf %add3A_1083, %gather3A_1089 : vector<16xf32>
    %xor3A_1091 = arith.constant 1 : i32
    %xor3A_1092 = vector.broadcast %xor3A_1091 : i32 to vector<16xi32>
    %xor3A_1093 = arith.xori %iota3A, %xor3A_1092 : vector<16xi32>
    %broadcast_in_dim3A_1094 = vector.shape_cast %xor3A_1093 : vector<16xi32> to vector<16x1xi32>
    %gather3A_1095 = vector.shape_cast %broadcast_in_dim3A_1094 : vector<16x1xi32> to vector<16xi32>
    %gather3A_1096 = tpu.dynamic_gather %add3A_1090[%gather3A_1095] in [0] : vector<16xf32>, vector<16xi32> -> vector<16xf32>
    %add3A_1097 = arith.addf %add3A_1090, %gather3A_1096 : vector<16xf32>
    %eq3A_1098 = arith.constant 8 : i32
    %eq3A_1099 = vector.broadcast %eq3A_1098 : i32 to vector<16xi32>
    %eq3A_1100 = arith.cmpi eq, %iota3A, %eq3A_1099 : vector<16xi32>
    %select_n3A_1101 = arith.select %eq3A_1100, %add3A_1097, %select_n3A_1029 : vector<16xi1>, vector<16xf32>
    %xor3A_1102 = arith.constant 8 : i32
    %xor3A_1103 = vector.broadcast %xor3A_1102 : i32 to vector<16xi32>
    %xor3A_1104 = arith.xori %iota3A, %xor3A_1103 : vector<16xi32>
    %broadcast_in_dim3A_1105 = vector.shape_cast %xor3A_1104 : vector<16xi32> to vector<16x1xi32>
    %gather3A_1106 = vector.shape_cast %broadcast_in_dim3A_1105 : vector<16x1xi32> to vector<16xi32>
    %gather3A_1107 = tpu.dynamic_gather %scan3A_1068#1[%gather3A_1106] in [0] : vector<16xf32>, vector<16xi32> -> vector<16xf32>
    %add3A_1108 = arith.addf %scan3A_1068#1, %gather3A_1107 : vector<16xf32>
    %xor3A_1109 = arith.constant 4 : i32
    %xor3A_1110 = vector.broadcast %xor3A_1109 : i32 to vector<16xi32>
    %xor3A_1111 = arith.xori %iota3A, %xor3A_1110 : vector<16xi32>
    %broadcast_in_dim3A_1112 = vector.shape_cast %xor3A_1111 : vector<16xi32> to vector<16x1xi32>
    %gather3A_1113 = vector.shape_cast %broadcast_in_dim3A_1112 : vector<16x1xi32> to vector<16xi32>
    %gather3A_1114 = tpu.dynamic_gather %add3A_1108[%gather3A_1113] in [0] : vector<16xf32>, vector<16xi32> -> vector<16xf32>
    %add3A_1115 = arith.addf %add3A_1108, %gather3A_1114 : vector<16xf32>
    %xor3A_1116 = arith.constant 2 : i32
    %xor3A_1117 = vector.broadcast %xor3A_1116 : i32 to vector<16xi32>
    %xor3A_1118 = arith.xori %iota3A, %xor3A_1117 : vector<16xi32>
    %broadcast_in_dim3A_1119 = vector.shape_cast %xor3A_1118 : vector<16xi32> to vector<16x1xi32>
    %gather3A_1120 = vector.shape_cast %broadcast_in_dim3A_1119 : vector<16x1xi32> to vector<16xi32>
    %gather3A_1121 = tpu.dynamic_gather %add3A_1115[%gather3A_1120] in [0] : vector<16xf32>, vector<16xi32> -> vector<16xf32>
    %add3A_1122 = arith.addf %add3A_1115, %gather3A_1121 : vector<16xf32>
    %xor3A_1123 = arith.constant 1 : i32
    %xor3A_1124 = vector.broadcast %xor3A_1123 : i32 to vector<16xi32>
    %xor3A_1125 = arith.xori %iota3A, %xor3A_1124 : vector<16xi32>
    %broadcast_in_dim3A_1126 = vector.shape_cast %xor3A_1125 : vector<16xi32> to vector<16x1xi32>
    %gather3A_1127 = vector.shape_cast %broadcast_in_dim3A_1126 : vector<16x1xi32> to vector<16xi32>
    %gather3A_1128 = tpu.dynamic_gather %add3A_1122[%gather3A_1127] in [0] : vector<16xf32>, vector<16xi32> -> vector<16xf32>
    %add3A_1129 = arith.addf %add3A_1122, %gather3A_1128 : vector<16xf32>
    %eq3A_1130 = arith.constant 9 : i32
    %eq3A_1131 = vector.broadcast %eq3A_1130 : i32 to vector<16xi32>
    %eq3A_1132 = arith.cmpi eq, %iota3A, %eq3A_1131 : vector<16xi32>
    %select_n3A_1133 = arith.select %eq3A_1132, %add3A_1129, %select_n3A_1101 : vector<16xi1>, vector<16xf32>
    %xor3A_1134 = arith.constant 8 : i32
    %xor3A_1135 = vector.broadcast %xor3A_1134 : i32 to vector<16xi32>
    %xor3A_1136 = arith.xori %iota3A, %xor3A_1135 : vector<16xi32>
    %broadcast_in_dim3A_1137 = vector.shape_cast %xor3A_1136 : vector<16xi32> to vector<16x1xi32>
    %gather3A_1138 = vector.shape_cast %broadcast_in_dim3A_1137 : vector<16x1xi32> to vector<16xi32>
    %gather3A_1139 = tpu.dynamic_gather %scan3A_1068#2[%gather3A_1138] in [0] : vector<16xf32>, vector<16xi32> -> vector<16xf32>
    %add3A_1140 = arith.addf %scan3A_1068#2, %gather3A_1139 : vector<16xf32>
    %xor3A_1141 = arith.constant 4 : i32
    %xor3A_1142 = vector.broadcast %xor3A_1141 : i32 to vector<16xi32>
    %xor3A_1143 = arith.xori %iota3A, %xor3A_1142 : vector<16xi32>
    %broadcast_in_dim3A_1144 = vector.shape_cast %xor3A_1143 : vector<16xi32> to vector<16x1xi32>
    %gather3A_1145 = vector.shape_cast %broadcast_in_dim3A_1144 : vector<16x1xi32> to vector<16xi32>
    %gather3A_1146 = tpu.dynamic_gather %add3A_1140[%gather3A_1145] in [0] : vector<16xf32>, vector<16xi32> -> vector<16xf32>
    %add3A_1147 = arith.addf %add3A_1140, %gather3A_1146 : vector<16xf32>
    %xor3A_1148 = arith.constant 2 : i32
    %xor3A_1149 = vector.broadcast %xor3A_1148 : i32 to vector<16xi32>
    %xor3A_1150 = arith.xori %iota3A, %xor3A_1149 : vector<16xi32>
    %broadcast_in_dim3A_1151 = vector.shape_cast %xor3A_1150 : vector<16xi32> to vector<16x1xi32>
    %gather3A_1152 = vector.shape_cast %broadcast_in_dim3A_1151 : vector<16x1xi32> to vector<16xi32>
    %gather3A_1153 = tpu.dynamic_gather %add3A_1147[%gather3A_1152] in [0] : vector<16xf32>, vector<16xi32> -> vector<16xf32>
    %add3A_1154 = arith.addf %add3A_1147, %gather3A_1153 : vector<16xf32>
    %xor3A_1155 = arith.constant 1 : i32
    %xor3A_1156 = vector.broadcast %xor3A_1155 : i32 to vector<16xi32>
    %xor3A_1157 = arith.xori %iota3A, %xor3A_1156 : vector<16xi32>
    %broadcast_in_dim3A_1158 = vector.shape_cast %xor3A_1157 : vector<16xi32> to vector<16x1xi32>
    %gather3A_1159 = vector.shape_cast %broadcast_in_dim3A_1158 : vector<16x1xi32> to vector<16xi32>
    %gather3A_1160 = tpu.dynamic_gather %add3A_1154[%gather3A_1159] in [0] : vector<16xf32>, vector<16xi32> -> vector<16xf32>
    %add3A_1161 = arith.addf %add3A_1154, %gather3A_1160 : vector<16xf32>
    %eq3A_1162 = arith.constant 10 : i32
    %eq3A_1163 = vector.broadcast %eq3A_1162 : i32 to vector<16xi32>
    %eq3A_1164 = arith.cmpi eq, %iota3A, %eq3A_1163 : vector<16xi32>
    %select_n3A_1165 = arith.select %eq3A_1164, %add3A_1161, %select_n3A_1133 : vector<16xi1>, vector<16xf32>
    %xor3A_1166 = arith.constant 8 : i32
    %xor3A_1167 = vector.broadcast %xor3A_1166 : i32 to vector<16xi32>
    %xor3A_1168 = arith.xori %iota3A, %xor3A_1167 : vector<16xi32>
    %broadcast_in_dim3A_1169 = vector.shape_cast %xor3A_1168 : vector<16xi32> to vector<16x1xi32>
    %gather3A_1170 = vector.shape_cast %broadcast_in_dim3A_1169 : vector<16x1xi32> to vector<16xi32>
    %gather3A_1171 = tpu.dynamic_gather %scan3A_1068#3[%gather3A_1170] in [0] : vector<16xf32>, vector<16xi32> -> vector<16xf32>
    %add3A_1172 = arith.addf %scan3A_1068#3, %gather3A_1171 : vector<16xf32>
    %xor3A_1173 = arith.constant 4 : i32
    %xor3A_1174 = vector.broadcast %xor3A_1173 : i32 to vector<16xi32>
    %xor3A_1175 = arith.xori %iota3A, %xor3A_1174 : vector<16xi32>
    %broadcast_in_dim3A_1176 = vector.shape_cast %xor3A_1175 : vector<16xi32> to vector<16x1xi32>
    %gather3A_1177 = vector.shape_cast %broadcast_in_dim3A_1176 : vector<16x1xi32> to vector<16xi32>
    %gather3A_1178 = tpu.dynamic_gather %add3A_1172[%gather3A_1177] in [0] : vector<16xf32>, vector<16xi32> -> vector<16xf32>
    %add3A_1179 = arith.addf %add3A_1172, %gather3A_1178 : vector<16xf32>
    %xor3A_1180 = arith.constant 2 : i32
    %xor3A_1181 = vector.broadcast %xor3A_1180 : i32 to vector<16xi32>
    %xor3A_1182 = arith.xori %iota3A, %xor3A_1181 : vector<16xi32>
    %broadcast_in_dim3A_1183 = vector.shape_cast %xor3A_1182 : vector<16xi32> to vector<16x1xi32>
    %gather3A_1184 = vector.shape_cast %broadcast_in_dim3A_1183 : vector<16x1xi32> to vector<16xi32>
    %gather3A_1185 = tpu.dynamic_gather %add3A_1179[%gather3A_1184] in [0] : vector<16xf32>, vector<16xi32> -> vector<16xf32>
    %add3A_1186 = arith.addf %add3A_1179, %gather3A_1185 : vector<16xf32>
    %xor3A_1187 = arith.constant 1 : i32
    %xor3A_1188 = vector.broadcast %xor3A_1187 : i32 to vector<16xi32>
    %xor3A_1189 = arith.xori %iota3A, %xor3A_1188 : vector<16xi32>
    %broadcast_in_dim3A_1190 = vector.shape_cast %xor3A_1189 : vector<16xi32> to vector<16x1xi32>
    %gather3A_1191 = vector.shape_cast %broadcast_in_dim3A_1190 : vector<16x1xi32> to vector<16xi32>
    %gather3A_1192 = tpu.dynamic_gather %add3A_1186[%gather3A_1191] in [0] : vector<16xf32>, vector<16xi32> -> vector<16xf32>
    %add3A_1193 = arith.addf %add3A_1186, %gather3A_1192 : vector<16xf32>
    %eq3A_1194 = arith.constant 11 : i32
    %eq3A_1195 = vector.broadcast %eq3A_1194 : i32 to vector<16xi32>
    %eq3A_1196 = arith.cmpi eq, %iota3A, %eq3A_1195 : vector<16xi32>
    %select_n3A_1197 = arith.select %eq3A_1196, %add3A_1193, %select_n3A_1165 : vector<16xi1>, vector<16xf32>
    %dma_wait3A_1198 = arith.constant 1 : i32
    %dma_wait3A_1199 = arith.constant 1 : i32
    %dma_wait3A_1200 = arith.constant 0 : i32
    %dma_wait3A_1201 = arith.constant 0 : i32
    %dma_wait3A_1202 = tpu.memref_slice %arg6[%dma_wait3A_1198, %dma_wait3A_1200, %dma_wait3A_1201] : memref<2x4x8192xf32, #tpu.memory_space<vmem>> -> memref<1x4x8192xf32, #tpu.memory_space<vmem>>
    %dma_wait3A_1203 = tpu.memref_squeeze %dma_wait3A_1202 : memref<1x4x8192xf32, #tpu.memory_space<vmem>> -> memref<4x8192xf32, #tpu.memory_space<vmem>>
    %dma_wait3A_1204 = arith.constant 0 : i32
    %dma_wait3A_1205 = tpu.memref_slice %arg2[%add3A_1031, %dma_wait3A_1204] : memref<4096x8192xf32, #tpu.memory_space<hbm>> -> memref<4x8192xf32, #tpu.memory_space<hbm>>
    %dma_wait3A_1206 = tpu.memref_slice %arg8[%dma_wait3A_1199] : memref<2x!tpu.dma_semaphore, #tpu.memory_space<semaphore_mem>> -> memref<1x!tpu.dma_semaphore, #tpu.memory_space<semaphore_mem>>
    %dma_wait3A_1207 = tpu.memref_squeeze %dma_wait3A_1206 : memref<1x!tpu.dma_semaphore, #tpu.memory_space<semaphore_mem>> -> memref<!tpu.dma_semaphore, #tpu.memory_space<semaphore_mem>>
    %dma_wait3A_1208 = arith.constant 0 : i32
    %dma_wait3A_1209 = arith.constant 0 : i32
    %dma_wait3A_1210 = tpu.memref_slice %arg6[%dma_wait3A_1198, %dma_wait3A_1208, %dma_wait3A_1209] : memref<2x4x8192xf32, #tpu.memory_space<vmem>> -> memref<1x4x8192xf32, #tpu.memory_space<vmem>>
    %dma_wait3A_1211 = tpu.memref_squeeze %dma_wait3A_1210 : memref<1x4x8192xf32, #tpu.memory_space<vmem>> -> memref<4x8192xf32, #tpu.memory_space<vmem>>
    %dma_wait3A_1212 = arith.constant 0 : i32
    %dma_wait3A_1213 = tpu.memref_slice %arg2[%add3A_1031, %dma_wait3A_1212] : memref<4096x8192xf32, #tpu.memory_space<hbm>> -> memref<4x8192xf32, #tpu.memory_space<hbm>>
    tpu.wait_dma2 semaphore(%dma_wait3A_1207 : memref<!tpu.dma_semaphore, #tpu.memory_space<semaphore_mem>>) src(%dma_wait3A_1213 : memref<4x8192xf32, #tpu.memory_space<hbm>>) dst(%dma_wait3A_1211 : memref<4x8192xf32, #tpu.memory_space<vmem>>)
    %scan3A_1214 = arith.constant 0 : i32
    %scan3A_1215 = arith.constant 64 : i32
    %scan3A_1216 = arith.addi %scan3A_1214, %scan3A_1215 : i32
    %scan3A_1217 = arith.constant 1 : i32
    %scan3A_1218:4 = scf.for %scan3A_1357 = %scan3A_1214 to %scan3A_1216 step %scan3A_1217 iter_args(%scan3A_1358 = %convert_element_type3A, %scan3A_1359 = %convert_element_type3A, %scan3A_1360 = %convert_element_type3A, %scan3A_1361 = %convert_element_type3A) -> (vector<16xf32>, vector<16xf32>, vector<16xf32>, vector<16xf32>)  : i32 {
      %mul3A_1362 = arith.constant 128 : i32
      %mul3A_1363 = arith.muli %scan3A_1357, %mul3A_1362 : i32
      %add3A_1364 = arith.constant 0 : i32
      %add3A_1365 = arith.addi %mul3A_1363, %add3A_1364 : i32
      %get3A = arith.index_cast %add3A_1365 : i32 to index
      %get3A_1366 = tpu.vector_load %arg5[%get3A] {strides = array<i32>} : memref<8192xf32, #tpu.memory_space<vmem>>, vector<16xf32>,
      %get3A_1367 = vector.shape_cast %get3A_1366 : vector<16xf32> to vector<16xf32>
      %get3A_1368 = arith.constant 1 : i32
      %get3A_1369 = arith.constant 0 : i32
      %get3A_1370 = arith.index_cast %get3A_1368 : i32 to index
      %get3A_1371 = arith.index_cast %get3A_1369 : i32 to index
      %get3A_1372 = arith.index_cast %add3A_1365 : i32 to index
      %get3A_1373 = tpu.vector_load %arg6[%get3A_1370, %get3A_1371, %get3A_1372] {strides = array<i32>} : memref<2x4x8192xf32, #tpu.memory_space<vmem>>, vector<1x1x16xf32>,
      %get3A_1374 = vector.shape_cast %get3A_1373 : vector<1x1x16xf32> to vector<16xf32>
      %mul3A_1375 = arith.mulf %get3A_1374, %get3A_1367 : vector<16xf32>
      %add3A_1376 = arith.addf %scan3A_1358, %mul3A_1375 : vector<16xf32>
      %get3A_1377 = arith.constant 1 : i32
      %get3A_1378 = arith.constant 1 : i32
      %get3A_1379 = arith.index_cast %get3A_1377 : i32 to index
      %get3A_1380 = arith.index_cast %get3A_1378 : i32 to index
      %get3A_1381 = arith.index_cast %add3A_1365 : i32 to index
      %get3A_1382 = tpu.vector_load %arg6[%get3A_1379, %get3A_1380, %get3A_1381] {strides = array<i32>} : memref<2x4x8192xf32, #tpu.memory_space<vmem>>, vector<1x1x16xf32>,
      %get3A_1383 = vector.shape_cast %get3A_1382 : vector<1x1x16xf32> to vector<16xf32>
      %mul3A_1384 = arith.mulf %get3A_1383, %get3A_1367 : vector<16xf32>
      %add3A_1385 = arith.addf %scan3A_1359, %mul3A_1384 : vector<16xf32>
      %get3A_1386 = arith.constant 1 : i32
      %get3A_1387 = arith.constant 2 : i32
      %get3A_1388 = arith.index_cast %get3A_1386 : i32 to index
      %get3A_1389 = arith.index_cast %get3A_1387 : i32 to index
      %get3A_1390 = arith.index_cast %add3A_1365 : i32 to index
      %get3A_1391 = tpu.vector_load %arg6[%get3A_1388, %get3A_1389, %get3A_1390] {strides = array<i32>} : memref<2x4x8192xf32, #tpu.memory_space<vmem>>, vector<1x1x16xf32>,
      %get3A_1392 = vector.shape_cast %get3A_1391 : vector<1x1x16xf32> to vector<16xf32>
      %mul3A_1393 = arith.mulf %get3A_1392, %get3A_1367 : vector<16xf32>
      %add3A_1394 = arith.addf %scan3A_1360, %mul3A_1393 : vector<16xf32>
      %get3A_1395 = arith.constant 1 : i32
      %get3A_1396 = arith.constant 3 : i32
      %get3A_1397 = arith.index_cast %get3A_1395 : i32 to index
      %get3A_1398 = arith.index_cast %get3A_1396 : i32 to index
      %get3A_1399 = arith.index_cast %add3A_1365 : i32 to index
      %get3A_1400 = tpu.vector_load %arg6[%get3A_1397, %get3A_1398, %get3A_1399] {strides = array<i32>} : memref<2x4x8192xf32, #tpu.memory_space<vmem>>, vector<1x1x16xf32>,
      %get3A_1401 = vector.shape_cast %get3A_1400 : vector<1x1x16xf32> to vector<16xf32>
      %mul3A_1402 = arith.mulf %get3A_1401, %get3A_1367 : vector<16xf32>
      %add3A_1403 = arith.addf %scan3A_1361, %mul3A_1402 : vector<16xf32>
      %add3A_1404 = arith.constant 16 : i32
      %add3A_1405 = arith.addi %mul3A_1363, %add3A_1404 : i32
      %get3A_1406 = arith.index_cast %add3A_1405 : i32 to index
      %get3A_1407 = tpu.vector_load %arg5[%get3A_1406] {strides = array<i32>} : memref<8192xf32, #tpu.memory_space<vmem>>, vector<16xf32>,
      %get3A_1408 = vector.shape_cast %get3A_1407 : vector<16xf32> to vector<16xf32>
      %get3A_1409 = arith.constant 1 : i32
      %get3A_1410 = arith.constant 0 : i32
      %get3A_1411 = arith.index_cast %get3A_1409 : i32 to index
      %get3A_1412 = arith.index_cast %get3A_1410 : i32 to index
      %get3A_1413 = arith.index_cast %add3A_1405 : i32 to index
      %get3A_1414 = tpu.vector_load %arg6[%get3A_1411, %get3A_1412, %get3A_1413] {strides = array<i32>} : memref<2x4x8192xf32, #tpu.memory_space<vmem>>, vector<1x1x16xf32>,
      %get3A_1415 = vector.shape_cast %get3A_1414 : vector<1x1x16xf32> to vector<16xf32>
      %mul3A_1416 = arith.mulf %get3A_1415, %get3A_1408 : vector<16xf32>
      %add3A_1417 = arith.addf %add3A_1376, %mul3A_1416 : vector<16xf32>
      %get3A_1418 = arith.constant 1 : i32
      %get3A_1419 = arith.constant 1 : i32
      %get3A_1420 = arith.index_cast %get3A_1418 : i32 to index
      %get3A_1421 = arith.index_cast %get3A_1419 : i32 to index
      %get3A_1422 = arith.index_cast %add3A_1405 : i32 to index
      %get3A_1423 = tpu.vector_load %arg6[%get3A_1420, %get3A_1421, %get3A_1422] {strides = array<i32>} : memref<2x4x8192xf32, #tpu.memory_space<vmem>>, vector<1x1x16xf32>,
      %get3A_1424 = vector.shape_cast %get3A_1423 : vector<1x1x16xf32> to vector<16xf32>
      %mul3A_1425 = arith.mulf %get3A_1424, %get3A_1408 : vector<16xf32>
      %add3A_1426 = arith.addf %add3A_1385, %mul3A_1425 : vector<16xf32>
      %get3A_1427 = arith.constant 1 : i32
      %get3A_1428 = arith.constant 2 : i32
      %get3A_1429 = arith.index_cast %get3A_1427 : i32 to index
      %get3A_1430 = arith.index_cast %get3A_1428 : i32 to index
      %get3A_1431 = arith.index_cast %add3A_1405 : i32 to index
      %get3A_1432 = tpu.vector_load %arg6[%get3A_1429, %get3A_1430, %get3A_1431] {strides = array<i32>} : memref<2x4x8192xf32, #tpu.memory_space<vmem>>, vector<1x1x16xf32>,
      %get3A_1433 = vector.shape_cast %get3A_1432 : vector<1x1x16xf32> to vector<16xf32>
      %mul3A_1434 = arith.mulf %get3A_1433, %get3A_1408 : vector<16xf32>
      %add3A_1435 = arith.addf %add3A_1394, %mul3A_1434 : vector<16xf32>
      %get3A_1436 = arith.constant 1 : i32
      %get3A_1437 = arith.constant 3 : i32
      %get3A_1438 = arith.index_cast %get3A_1436 : i32 to index
      %get3A_1439 = arith.index_cast %get3A_1437 : i32 to index
      %get3A_1440 = arith.index_cast %add3A_1405 : i32 to index
      %get3A_1441 = tpu.vector_load %arg6[%get3A_1438, %get3A_1439, %get3A_1440] {strides = array<i32>} : memref<2x4x8192xf32, #tpu.memory_space<vmem>>, vector<1x1x16xf32>,
      %get3A_1442 = vector.shape_cast %get3A_1441 : vector<1x1x16xf32> to vector<16xf32>
      %mul3A_1443 = arith.mulf %get3A_1442, %get3A_1408 : vector<16xf32>
      %add3A_1444 = arith.addf %add3A_1403, %mul3A_1443 : vector<16xf32>
      %add3A_1445 = arith.constant 32 : i32
      %add3A_1446 = arith.addi %mul3A_1363, %add3A_1445 : i32
      %get3A_1447 = arith.index_cast %add3A_1446 : i32 to index
      %get3A_1448 = tpu.vector_load %arg5[%get3A_1447] {strides = array<i32>} : memref<8192xf32, #tpu.memory_space<vmem>>, vector<16xf32>,
      %get3A_1449 = vector.shape_cast %get3A_1448 : vector<16xf32> to vector<16xf32>
      %get3A_1450 = arith.constant 1 : i32
      %get3A_1451 = arith.constant 0 : i32
      %get3A_1452 = arith.index_cast %get3A_1450 : i32 to index
      %get3A_1453 = arith.index_cast %get3A_1451 : i32 to index
      %get3A_1454 = arith.index_cast %add3A_1446 : i32 to index
      %get3A_1455 = tpu.vector_load %arg6[%get3A_1452, %get3A_1453, %get3A_1454] {strides = array<i32>} : memref<2x4x8192xf32, #tpu.memory_space<vmem>>, vector<1x1x16xf32>,
      %get3A_1456 = vector.shape_cast %get3A_1455 : vector<1x1x16xf32> to vector<16xf32>
      %mul3A_1457 = arith.mulf %get3A_1456, %get3A_1449 : vector<16xf32>
      %add3A_1458 = arith.addf %add3A_1417, %mul3A_1457 : vector<16xf32>
      %get3A_1459 = arith.constant 1 : i32
      %get3A_1460 = arith.constant 1 : i32
      %get3A_1461 = arith.index_cast %get3A_1459 : i32 to index
      %get3A_1462 = arith.index_cast %get3A_1460 : i32 to index
      %get3A_1463 = arith.index_cast %add3A_1446 : i32 to index
      %get3A_1464 = tpu.vector_load %arg6[%get3A_1461, %get3A_1462, %get3A_1463] {strides = array<i32>} : memref<2x4x8192xf32, #tpu.memory_space<vmem>>, vector<1x1x16xf32>,
      %get3A_1465 = vector.shape_cast %get3A_1464 : vector<1x1x16xf32> to vector<16xf32>
      %mul3A_1466 = arith.mulf %get3A_1465, %get3A_1449 : vector<16xf32>
      %add3A_1467 = arith.addf %add3A_1426, %mul3A_1466 : vector<16xf32>
      %get3A_1468 = arith.constant 1 : i32
      %get3A_1469 = arith.constant 2 : i32
      %get3A_1470 = arith.index_cast %get3A_1468 : i32 to index
      %get3A_1471 = arith.index_cast %get3A_1469 : i32 to index
      %get3A_1472 = arith.index_cast %add3A_1446 : i32 to index
      %get3A_1473 = tpu.vector_load %arg6[%get3A_1470, %get3A_1471, %get3A_1472] {strides = array<i32>} : memref<2x4x8192xf32, #tpu.memory_space<vmem>>, vector<1x1x16xf32>,
      %get3A_1474 = vector.shape_cast %get3A_1473 : vector<1x1x16xf32> to vector<16xf32>
      %mul3A_1475 = arith.mulf %get3A_1474, %get3A_1449 : vector<16xf32>
      %add3A_1476 = arith.addf %add3A_1435, %mul3A_1475 : vector<16xf32>
      %get3A_1477 = arith.constant 1 : i32
      %get3A_1478 = arith.constant 3 : i32
      %get3A_1479 = arith.index_cast %get3A_1477 : i32 to index
      %get3A_1480 = arith.index_cast %get3A_1478 : i32 to index
      %get3A_1481 = arith.index_cast %add3A_1446 : i32 to index
      %get3A_1482 = tpu.vector_load %arg6[%get3A_1479, %get3A_1480, %get3A_1481] {strides = array<i32>} : memref<2x4x8192xf32, #tpu.memory_space<vmem>>, vector<1x1x16xf32>,
      %get3A_1483 = vector.shape_cast %get3A_1482 : vector<1x1x16xf32> to vector<16xf32>
      %mul3A_1484 = arith.mulf %get3A_1483, %get3A_1449 : vector<16xf32>
      %add3A_1485 = arith.addf %add3A_1444, %mul3A_1484 : vector<16xf32>
      %add3A_1486 = arith.constant 48 : i32
      %add3A_1487 = arith.addi %mul3A_1363, %add3A_1486 : i32
      %get3A_1488 = arith.index_cast %add3A_1487 : i32 to index
      %get3A_1489 = tpu.vector_load %arg5[%get3A_1488] {strides = array<i32>} : memref<8192xf32, #tpu.memory_space<vmem>>, vector<16xf32>,
      %get3A_1490 = vector.shape_cast %get3A_1489 : vector<16xf32> to vector<16xf32>
      %get3A_1491 = arith.constant 1 : i32
      %get3A_1492 = arith.constant 0 : i32
      %get3A_1493 = arith.index_cast %get3A_1491 : i32 to index
      %get3A_1494 = arith.index_cast %get3A_1492 : i32 to index
      %get3A_1495 = arith.index_cast %add3A_1487 : i32 to index
      %get3A_1496 = tpu.vector_load %arg6[%get3A_1493, %get3A_1494, %get3A_1495] {strides = array<i32>} : memref<2x4x8192xf32, #tpu.memory_space<vmem>>, vector<1x1x16xf32>,
      %get3A_1497 = vector.shape_cast %get3A_1496 : vector<1x1x16xf32> to vector<16xf32>
      %mul3A_1498 = arith.mulf %get3A_1497, %get3A_1490 : vector<16xf32>
      %add3A_1499 = arith.addf %add3A_1458, %mul3A_1498 : vector<16xf32>
      %get3A_1500 = arith.constant 1 : i32
      %get3A_1501 = arith.constant 1 : i32
      %get3A_1502 = arith.index_cast %get3A_1500 : i32 to index
      %get3A_1503 = arith.index_cast %get3A_1501 : i32 to index
      %get3A_1504 = arith.index_cast %add3A_1487 : i32 to index
      %get3A_1505 = tpu.vector_load %arg6[%get3A_1502, %get3A_1503, %get3A_1504] {strides = array<i32>} : memref<2x4x8192xf32, #tpu.memory_space<vmem>>, vector<1x1x16xf32>,
      %get3A_1506 = vector.shape_cast %get3A_1505 : vector<1x1x16xf32> to vector<16xf32>
      %mul3A_1507 = arith.mulf %get3A_1506, %get3A_1490 : vector<16xf32>
      %add3A_1508 = arith.addf %add3A_1467, %mul3A_1507 : vector<16xf32>
      %get3A_1509 = arith.constant 1 : i32
      %get3A_1510 = arith.constant 2 : i32
      %get3A_1511 = arith.index_cast %get3A_1509 : i32 to index
      %get3A_1512 = arith.index_cast %get3A_1510 : i32 to index
      %get3A_1513 = arith.index_cast %add3A_1487 : i32 to index
      %get3A_1514 = tpu.vector_load %arg6[%get3A_1511, %get3A_1512, %get3A_1513] {strides = array<i32>} : memref<2x4x8192xf32, #tpu.memory_space<vmem>>, vector<1x1x16xf32>,
      %get3A_1515 = vector.shape_cast %get3A_1514 : vector<1x1x16xf32> to vector<16xf32>
      %mul3A_1516 = arith.mulf %get3A_1515, %get3A_1490 : vector<16xf32>
      %add3A_1517 = arith.addf %add3A_1476, %mul3A_1516 : vector<16xf32>
      %get3A_1518 = arith.constant 1 : i32
      %get3A_1519 = arith.constant 3 : i32
      %get3A_1520 = arith.index_cast %get3A_1518 : i32 to index
      %get3A_1521 = arith.index_cast %get3A_1519 : i32 to index
      %get3A_1522 = arith.index_cast %add3A_1487 : i32 to index
      %get3A_1523 = tpu.vector_load %arg6[%get3A_1520, %get3A_1521, %get3A_1522] {strides = array<i32>} : memref<2x4x8192xf32, #tpu.memory_space<vmem>>, vector<1x1x16xf32>,
      %get3A_1524 = vector.shape_cast %get3A_1523 : vector<1x1x16xf32> to vector<16xf32>
      %mul3A_1525 = arith.mulf %get3A_1524, %get3A_1490 : vector<16xf32>
      %add3A_1526 = arith.addf %add3A_1485, %mul3A_1525 : vector<16xf32>
      %add3A_1527 = arith.constant 64 : i32
      %add3A_1528 = arith.addi %mul3A_1363, %add3A_1527 : i32
      %get3A_1529 = arith.index_cast %add3A_1528 : i32 to index
      %get3A_1530 = tpu.vector_load %arg5[%get3A_1529] {strides = array<i32>} : memref<8192xf32, #tpu.memory_space<vmem>>, vector<16xf32>,
      %get3A_1531 = vector.shape_cast %get3A_1530 : vector<16xf32> to vector<16xf32>
      %get3A_1532 = arith.constant 1 : i32
      %get3A_1533 = arith.constant 0 : i32
      %get3A_1534 = arith.index_cast %get3A_1532 : i32 to index
      %get3A_1535 = arith.index_cast %get3A_1533 : i32 to index
      %get3A_1536 = arith.index_cast %add3A_1528 : i32 to index
      %get3A_1537 = tpu.vector_load %arg6[%get3A_1534, %get3A_1535, %get3A_1536] {strides = array<i32>} : memref<2x4x8192xf32, #tpu.memory_space<vmem>>, vector<1x1x16xf32>,
      %get3A_1538 = vector.shape_cast %get3A_1537 : vector<1x1x16xf32> to vector<16xf32>
      %mul3A_1539 = arith.mulf %get3A_1538, %get3A_1531 : vector<16xf32>
      %add3A_1540 = arith.addf %add3A_1499, %mul3A_1539 : vector<16xf32>
      %get3A_1541 = arith.constant 1 : i32
      %get3A_1542 = arith.constant 1 : i32
      %get3A_1543 = arith.index_cast %get3A_1541 : i32 to index
      %get3A_1544 = arith.index_cast %get3A_1542 : i32 to index
      %get3A_1545 = arith.index_cast %add3A_1528 : i32 to index
      %get3A_1546 = tpu.vector_load %arg6[%get3A_1543, %get3A_1544, %get3A_1545] {strides = array<i32>} : memref<2x4x8192xf32, #tpu.memory_space<vmem>>, vector<1x1x16xf32>,
      %get3A_1547 = vector.shape_cast %get3A_1546 : vector<1x1x16xf32> to vector<16xf32>
      %mul3A_1548 = arith.mulf %get3A_1547, %get3A_1531 : vector<16xf32>
      %add3A_1549 = arith.addf %add3A_1508, %mul3A_1548 : vector<16xf32>
      %get3A_1550 = arith.constant 1 : i32
      %get3A_1551 = arith.constant 2 : i32
      %get3A_1552 = arith.index_cast %get3A_1550 : i32 to index
      %get3A_1553 = arith.index_cast %get3A_1551 : i32 to index
      %get3A_1554 = arith.index_cast %add3A_1528 : i32 to index
      %get3A_1555 = tpu.vector_load %arg6[%get3A_1552, %get3A_1553, %get3A_1554] {strides = array<i32>} : memref<2x4x8192xf32, #tpu.memory_space<vmem>>, vector<1x1x16xf32>,
      %get3A_1556 = vector.shape_cast %get3A_1555 : vector<1x1x16xf32> to vector<16xf32>
      %mul3A_1557 = arith.mulf %get3A_1556, %get3A_1531 : vector<16xf32>
      %add3A_1558 = arith.addf %add3A_1517, %mul3A_1557 : vector<16xf32>
      %get3A_1559 = arith.constant 1 : i32
      %get3A_1560 = arith.constant 3 : i32
      %get3A_1561 = arith.index_cast %get3A_1559 : i32 to index
      %get3A_1562 = arith.index_cast %get3A_1560 : i32 to index
      %get3A_1563 = arith.index_cast %add3A_1528 : i32 to index
      %get3A_1564 = tpu.vector_load %arg6[%get3A_1561, %get3A_1562, %get3A_1563] {strides = array<i32>} : memref<2x4x8192xf32, #tpu.memory_space<vmem>>, vector<1x1x16xf32>,
      %get3A_1565 = vector.shape_cast %get3A_1564 : vector<1x1x16xf32> to vector<16xf32>
      %mul3A_1566 = arith.mulf %get3A_1565, %get3A_1531 : vector<16xf32>
      %add3A_1567 = arith.addf %add3A_1526, %mul3A_1566 : vector<16xf32>
      %add3A_1568 = arith.constant 80 : i32
      %add3A_1569 = arith.addi %mul3A_1363, %add3A_1568 : i32
      %get3A_1570 = arith.index_cast %add3A_1569 : i32 to index
      %get3A_1571 = tpu.vector_load %arg5[%get3A_1570] {strides = array<i32>} : memref<8192xf32, #tpu.memory_space<vmem>>, vector<16xf32>,
      %get3A_1572 = vector.shape_cast %get3A_1571 : vector<16xf32> to vector<16xf32>
      %get3A_1573 = arith.constant 1 : i32
      %get3A_1574 = arith.constant 0 : i32
      %get3A_1575 = arith.index_cast %get3A_1573 : i32 to index
      %get3A_1576 = arith.index_cast %get3A_1574 : i32 to index
      %get3A_1577 = arith.index_cast %add3A_1569 : i32 to index
      %get3A_1578 = tpu.vector_load %arg6[%get3A_1575, %get3A_1576, %get3A_1577] {strides = array<i32>} : memref<2x4x8192xf32, #tpu.memory_space<vmem>>, vector<1x1x16xf32>,
      %get3A_1579 = vector.shape_cast %get3A_1578 : vector<1x1x16xf32> to vector<16xf32>
      %mul3A_1580 = arith.mulf %get3A_1579, %get3A_1572 : vector<16xf32>
      %add3A_1581 = arith.addf %add3A_1540, %mul3A_1580 : vector<16xf32>
      %get3A_1582 = arith.constant 1 : i32
      %get3A_1583 = arith.constant 1 : i32
      %get3A_1584 = arith.index_cast %get3A_1582 : i32 to index
      %get3A_1585 = arith.index_cast %get3A_1583 : i32 to index
      %get3A_1586 = arith.index_cast %add3A_1569 : i32 to index
      %get3A_1587 = tpu.vector_load %arg6[%get3A_1584, %get3A_1585, %get3A_1586] {strides = array<i32>} : memref<2x4x8192xf32, #tpu.memory_space<vmem>>, vector<1x1x16xf32>,
      %get3A_1588 = vector.shape_cast %get3A_1587 : vector<1x1x16xf32> to vector<16xf32>
      %mul3A_1589 = arith.mulf %get3A_1588, %get3A_1572 : vector<16xf32>
      %add3A_1590 = arith.addf %add3A_1549, %mul3A_1589 : vector<16xf32>
      %get3A_1591 = arith.constant 1 : i32
      %get3A_1592 = arith.constant 2 : i32
      %get3A_1593 = arith.index_cast %get3A_1591 : i32 to index
      %get3A_1594 = arith.index_cast %get3A_1592 : i32 to index
      %get3A_1595 = arith.index_cast %add3A_1569 : i32 to index
      %get3A_1596 = tpu.vector_load %arg6[%get3A_1593, %get3A_1594, %get3A_1595] {strides = array<i32>} : memref<2x4x8192xf32, #tpu.memory_space<vmem>>, vector<1x1x16xf32>,
      %get3A_1597 = vector.shape_cast %get3A_1596 : vector<1x1x16xf32> to vector<16xf32>
      %mul3A_1598 = arith.mulf %get3A_1597, %get3A_1572 : vector<16xf32>
      %add3A_1599 = arith.addf %add3A_1558, %mul3A_1598 : vector<16xf32>
      %get3A_1600 = arith.constant 1 : i32
      %get3A_1601 = arith.constant 3 : i32
      %get3A_1602 = arith.index_cast %get3A_1600 : i32 to index
      %get3A_1603 = arith.index_cast %get3A_1601 : i32 to index
      %get3A_1604 = arith.index_cast %add3A_1569 : i32 to index
      %get3A_1605 = tpu.vector_load %arg6[%get3A_1602, %get3A_1603, %get3A_1604] {strides = array<i32>} : memref<2x4x8192xf32, #tpu.memory_space<vmem>>, vector<1x1x16xf32>,
      %get3A_1606 = vector.shape_cast %get3A_1605 : vector<1x1x16xf32> to vector<16xf32>
      %mul3A_1607 = arith.mulf %get3A_1606, %get3A_1572 : vector<16xf32>
      %add3A_1608 = arith.addf %add3A_1567, %mul3A_1607 : vector<16xf32>
      %add3A_1609 = arith.constant 96 : i32
      %add3A_1610 = arith.addi %mul3A_1363, %add3A_1609 : i32
      %get3A_1611 = arith.index_cast %add3A_1610 : i32 to index
      %get3A_1612 = tpu.vector_load %arg5[%get3A_1611] {strides = array<i32>} : memref<8192xf32, #tpu.memory_space<vmem>>, vector<16xf32>,
      %get3A_1613 = vector.shape_cast %get3A_1612 : vector<16xf32> to vector<16xf32>
      %get3A_1614 = arith.constant 1 : i32
      %get3A_1615 = arith.constant 0 : i32
      %get3A_1616 = arith.index_cast %get3A_1614 : i32 to index
      %get3A_1617 = arith.index_cast %get3A_1615 : i32 to index
      %get3A_1618 = arith.index_cast %add3A_1610 : i32 to index
      %get3A_1619 = tpu.vector_load %arg6[%get3A_1616, %get3A_1617, %get3A_1618] {strides = array<i32>} : memref<2x4x8192xf32, #tpu.memory_space<vmem>>, vector<1x1x16xf32>,
      %get3A_1620 = vector.shape_cast %get3A_1619 : vector<1x1x16xf32> to vector<16xf32>
      %mul3A_1621 = arith.mulf %get3A_1620, %get3A_1613 : vector<16xf32>
      %add3A_1622 = arith.addf %add3A_1581, %mul3A_1621 : vector<16xf32>
      %get3A_1623 = arith.constant 1 : i32
      %get3A_1624 = arith.constant 1 : i32
      %get3A_1625 = arith.index_cast %get3A_1623 : i32 to index
      %get3A_1626 = arith.index_cast %get3A_1624 : i32 to index
      %get3A_1627 = arith.index_cast %add3A_1610 : i32 to index
      %get3A_1628 = tpu.vector_load %arg6[%get3A_1625, %get3A_1626, %get3A_1627] {strides = array<i32>} : memref<2x4x8192xf32, #tpu.memory_space<vmem>>, vector<1x1x16xf32>,
      %get3A_1629 = vector.shape_cast %get3A_1628 : vector<1x1x16xf32> to vector<16xf32>
      %mul3A_1630 = arith.mulf %get3A_1629, %get3A_1613 : vector<16xf32>
      %add3A_1631 = arith.addf %add3A_1590, %mul3A_1630 : vector<16xf32>
      %get3A_1632 = arith.constant 1 : i32
      %get3A_1633 = arith.constant 2 : i32
      %get3A_1634 = arith.index_cast %get3A_1632 : i32 to index
      %get3A_1635 = arith.index_cast %get3A_1633 : i32 to index
      %get3A_1636 = arith.index_cast %add3A_1610 : i32 to index
      %get3A_1637 = tpu.vector_load %arg6[%get3A_1634, %get3A_1635, %get3A_1636] {strides = array<i32>} : memref<2x4x8192xf32, #tpu.memory_space<vmem>>, vector<1x1x16xf32>,
      %get3A_1638 = vector.shape_cast %get3A_1637 : vector<1x1x16xf32> to vector<16xf32>
      %mul3A_1639 = arith.mulf %get3A_1638, %get3A_1613 : vector<16xf32>
      %add3A_1640 = arith.addf %add3A_1599, %mul3A_1639 : vector<16xf32>
      %get3A_1641 = arith.constant 1 : i32
      %get3A_1642 = arith.constant 3 : i32
      %get3A_1643 = arith.index_cast %get3A_1641 : i32 to index
      %get3A_1644 = arith.index_cast %get3A_1642 : i32 to index
      %get3A_1645 = arith.index_cast %add3A_1610 : i32 to index
      %get3A_1646 = tpu.vector_load %arg6[%get3A_1643, %get3A_1644, %get3A_1645] {strides = array<i32>} : memref<2x4x8192xf32, #tpu.memory_space<vmem>>, vector<1x1x16xf32>,
      %get3A_1647 = vector.shape_cast %get3A_1646 : vector<1x1x16xf32> to vector<16xf32>
      %mul3A_1648 = arith.mulf %get3A_1647, %get3A_1613 : vector<16xf32>
      %add3A_1649 = arith.addf %add3A_1608, %mul3A_1648 : vector<16xf32>
      %add3A_1650 = arith.constant 112 : i32
      %add3A_1651 = arith.addi %mul3A_1363, %add3A_1650 : i32
      %get3A_1652 = arith.index_cast %add3A_1651 : i32 to index
      %get3A_1653 = tpu.vector_load %arg5[%get3A_1652] {strides = array<i32>} : memref<8192xf32, #tpu.memory_space<vmem>>, vector<16xf32>,
      %get3A_1654 = vector.shape_cast %get3A_1653 : vector<16xf32> to vector<16xf32>
      %get3A_1655 = arith.constant 1 : i32
      %get3A_1656 = arith.constant 0 : i32
      %get3A_1657 = arith.index_cast %get3A_1655 : i32 to index
      %get3A_1658 = arith.index_cast %get3A_1656 : i32 to index
      %get3A_1659 = arith.index_cast %add3A_1651 : i32 to index
      %get3A_1660 = tpu.vector_load %arg6[%get3A_1657, %get3A_1658, %get3A_1659] {strides = array<i32>} : memref<2x4x8192xf32, #tpu.memory_space<vmem>>, vector<1x1x16xf32>,
      %get3A_1661 = vector.shape_cast %get3A_1660 : vector<1x1x16xf32> to vector<16xf32>
      %mul3A_1662 = arith.mulf %get3A_1661, %get3A_1654 : vector<16xf32>
      %add3A_1663 = arith.addf %add3A_1622, %mul3A_1662 : vector<16xf32>
      %get3A_1664 = arith.constant 1 : i32
      %get3A_1665 = arith.constant 1 : i32
      %get3A_1666 = arith.index_cast %get3A_1664 : i32 to index
      %get3A_1667 = arith.index_cast %get3A_1665 : i32 to index
      %get3A_1668 = arith.index_cast %add3A_1651 : i32 to index
      %get3A_1669 = tpu.vector_load %arg6[%get3A_1666, %get3A_1667, %get3A_1668] {strides = array<i32>} : memref<2x4x8192xf32, #tpu.memory_space<vmem>>, vector<1x1x16xf32>,
      %get3A_1670 = vector.shape_cast %get3A_1669 : vector<1x1x16xf32> to vector<16xf32>
      %mul3A_1671 = arith.mulf %get3A_1670, %get3A_1654 : vector<16xf32>
      %add3A_1672 = arith.addf %add3A_1631, %mul3A_1671 : vector<16xf32>
      %get3A_1673 = arith.constant 1 : i32
      %get3A_1674 = arith.constant 2 : i32
      %get3A_1675 = arith.index_cast %get3A_1673 : i32 to index
      %get3A_1676 = arith.index_cast %get3A_1674 : i32 to index
      %get3A_1677 = arith.index_cast %add3A_1651 : i32 to index
      %get3A_1678 = tpu.vector_load %arg6[%get3A_1675, %get3A_1676, %get3A_1677] {strides = array<i32>} : memref<2x4x8192xf32, #tpu.memory_space<vmem>>, vector<1x1x16xf32>,
      %get3A_1679 = vector.shape_cast %get3A_1678 : vector<1x1x16xf32> to vector<16xf32>
      %mul3A_1680 = arith.mulf %get3A_1679, %get3A_1654 : vector<16xf32>
      %add3A_1681 = arith.addf %add3A_1640, %mul3A_1680 : vector<16xf32>
      %get3A_1682 = arith.constant 1 : i32
      %get3A_1683 = arith.constant 3 : i32
      %get3A_1684 = arith.index_cast %get3A_1682 : i32 to index
      %get3A_1685 = arith.index_cast %get3A_1683 : i32 to index
      %get3A_1686 = arith.index_cast %add3A_1651 : i32 to index
      %get3A_1687 = tpu.vector_load %arg6[%get3A_1684, %get3A_1685, %get3A_1686] {strides = array<i32>} : memref<2x4x8192xf32, #tpu.memory_space<vmem>>, vector<1x1x16xf32>,
      %get3A_1688 = vector.shape_cast %get3A_1687 : vector<1x1x16xf32> to vector<16xf32>
      %mul3A_1689 = arith.mulf %get3A_1688, %get3A_1654 : vector<16xf32>
      %add3A_1690 = arith.addf %add3A_1649, %mul3A_1689 : vector<16xf32>
      scf.yield %add3A_1663, %add3A_1672, %add3A_1681, %add3A_1690 : vector<16xf32>, vector<16xf32>, vector<16xf32>, vector<16xf32>
    }
    %scan3A_1219 = arith.constant 64 : i32
    %xor3A_1220 = arith.constant 8 : i32
    %xor3A_1221 = vector.broadcast %xor3A_1220 : i32 to vector<16xi32>
    %xor3A_1222 = arith.xori %iota3A, %xor3A_1221 : vector<16xi32>
    %broadcast_in_dim3A_1223 = vector.shape_cast %xor3A_1222 : vector<16xi32> to vector<16x1xi32>
    %gather3A_1224 = vector.shape_cast %broadcast_in_dim3A_1223 : vector<16x1xi32> to vector<16xi32>
    %gather3A_1225 = tpu.dynamic_gather %scan3A_1218#0[%gather3A_1224] in [0] : vector<16xf32>, vector<16xi32> -> vector<16xf32>
    %add3A_1226 = arith.addf %scan3A_1218#0, %gather3A_1225 : vector<16xf32>
    %xor3A_1227 = arith.constant 4 : i32
    %xor3A_1228 = vector.broadcast %xor3A_1227 : i32 to vector<16xi32>
    %xor3A_1229 = arith.xori %iota3A, %xor3A_1228 : vector<16xi32>
    %broadcast_in_dim3A_1230 = vector.shape_cast %xor3A_1229 : vector<16xi32> to vector<16x1xi32>
    %gather3A_1231 = vector.shape_cast %broadcast_in_dim3A_1230 : vector<16x1xi32> to vector<16xi32>
    %gather3A_1232 = tpu.dynamic_gather %add3A_1226[%gather3A_1231] in [0] : vector<16xf32>, vector<16xi32> -> vector<16xf32>
    %add3A_1233 = arith.addf %add3A_1226, %gather3A_1232 : vector<16xf32>
    %xor3A_1234 = arith.constant 2 : i32
    %xor3A_1235 = vector.broadcast %xor3A_1234 : i32 to vector<16xi32>
    %xor3A_1236 = arith.xori %iota3A, %xor3A_1235 : vector<16xi32>
    %broadcast_in_dim3A_1237 = vector.shape_cast %xor3A_1236 : vector<16xi32> to vector<16x1xi32>
    %gather3A_1238 = vector.shape_cast %broadcast_in_dim3A_1237 : vector<16x1xi32> to vector<16xi32>
    %gather3A_1239 = tpu.dynamic_gather %add3A_1233[%gather3A_1238] in [0] : vector<16xf32>, vector<16xi32> -> vector<16xf32>
    %add3A_1240 = arith.addf %add3A_1233, %gather3A_1239 : vector<16xf32>
    %xor3A_1241 = arith.constant 1 : i32
    %xor3A_1242 = vector.broadcast %xor3A_1241 : i32 to vector<16xi32>
    %xor3A_1243 = arith.xori %iota3A, %xor3A_1242 : vector<16xi32>
    %broadcast_in_dim3A_1244 = vector.shape_cast %xor3A_1243 : vector<16xi32> to vector<16x1xi32>
    %gather3A_1245 = vector.shape_cast %broadcast_in_dim3A_1244 : vector<16x1xi32> to vector<16xi32>
    %gather3A_1246 = tpu.dynamic_gather %add3A_1240[%gather3A_1245] in [0] : vector<16xf32>, vector<16xi32> -> vector<16xf32>
    %add3A_1247 = arith.addf %add3A_1240, %gather3A_1246 : vector<16xf32>
    %eq3A_1248 = arith.constant 12 : i32
    %eq3A_1249 = vector.broadcast %eq3A_1248 : i32 to vector<16xi32>
    %eq3A_1250 = arith.cmpi eq, %iota3A, %eq3A_1249 : vector<16xi32>
    %select_n3A_1251 = arith.select %eq3A_1250, %add3A_1247, %select_n3A_1197 : vector<16xi1>, vector<16xf32>
    %xor3A_1252 = arith.constant 8 : i32
    %xor3A_1253 = vector.broadcast %xor3A_1252 : i32 to vector<16xi32>
    %xor3A_1254 = arith.xori %iota3A, %xor3A_1253 : vector<16xi32>
    %broadcast_in_dim3A_1255 = vector.shape_cast %xor3A_1254 : vector<16xi32> to vector<16x1xi32>
    %gather3A_1256 = vector.shape_cast %broadcast_in_dim3A_1255 : vector<16x1xi32> to vector<16xi32>
    %gather3A_1257 = tpu.dynamic_gather %scan3A_1218#1[%gather3A_1256] in [0] : vector<16xf32>, vector<16xi32> -> vector<16xf32>
    %add3A_1258 = arith.addf %scan3A_1218#1, %gather3A_1257 : vector<16xf32>
    %xor3A_1259 = arith.constant 4 : i32
    %xor3A_1260 = vector.broadcast %xor3A_1259 : i32 to vector<16xi32>
    %xor3A_1261 = arith.xori %iota3A, %xor3A_1260 : vector<16xi32>
    %broadcast_in_dim3A_1262 = vector.shape_cast %xor3A_1261 : vector<16xi32> to vector<16x1xi32>
    %gather3A_1263 = vector.shape_cast %broadcast_in_dim3A_1262 : vector<16x1xi32> to vector<16xi32>
    %gather3A_1264 = tpu.dynamic_gather %add3A_1258[%gather3A_1263] in [0] : vector<16xf32>, vector<16xi32> -> vector<16xf32>
    %add3A_1265 = arith.addf %add3A_1258, %gather3A_1264 : vector<16xf32>
    %xor3A_1266 = arith.constant 2 : i32
    %xor3A_1267 = vector.broadcast %xor3A_1266 : i32 to vector<16xi32>
    %xor3A_1268 = arith.xori %iota3A, %xor3A_1267 : vector<16xi32>
    %broadcast_in_dim3A_1269 = vector.shape_cast %xor3A_1268 : vector<16xi32> to vector<16x1xi32>
    %gather3A_1270 = vector.shape_cast %broadcast_in_dim3A_1269 : vector<16x1xi32> to vector<16xi32>
    %gather3A_1271 = tpu.dynamic_gather %add3A_1265[%gather3A_1270] in [0] : vector<16xf32>, vector<16xi32> -> vector<16xf32>
    %add3A_1272 = arith.addf %add3A_1265, %gather3A_1271 : vector<16xf32>
    %xor3A_1273 = arith.constant 1 : i32
    %xor3A_1274 = vector.broadcast %xor3A_1273 : i32 to vector<16xi32>
    %xor3A_1275 = arith.xori %iota3A, %xor3A_1274 : vector<16xi32>
    %broadcast_in_dim3A_1276 = vector.shape_cast %xor3A_1275 : vector<16xi32> to vector<16x1xi32>
    %gather3A_1277 = vector.shape_cast %broadcast_in_dim3A_1276 : vector<16x1xi32> to vector<16xi32>
    %gather3A_1278 = tpu.dynamic_gather %add3A_1272[%gather3A_1277] in [0] : vector<16xf32>, vector<16xi32> -> vector<16xf32>
    %add3A_1279 = arith.addf %add3A_1272, %gather3A_1278 : vector<16xf32>
    %eq3A_1280 = arith.constant 13 : i32
    %eq3A_1281 = vector.broadcast %eq3A_1280 : i32 to vector<16xi32>
    %eq3A_1282 = arith.cmpi eq, %iota3A, %eq3A_1281 : vector<16xi32>
    %select_n3A_1283 = arith.select %eq3A_1282, %add3A_1279, %select_n3A_1251 : vector<16xi1>, vector<16xf32>
    %xor3A_1284 = arith.constant 8 : i32
    %xor3A_1285 = vector.broadcast %xor3A_1284 : i32 to vector<16xi32>
    %xor3A_1286 = arith.xori %iota3A, %xor3A_1285 : vector<16xi32>
    %broadcast_in_dim3A_1287 = vector.shape_cast %xor3A_1286 : vector<16xi32> to vector<16x1xi32>
    %gather3A_1288 = vector.shape_cast %broadcast_in_dim3A_1287 : vector<16x1xi32> to vector<16xi32>
    %gather3A_1289 = tpu.dynamic_gather %scan3A_1218#2[%gather3A_1288] in [0] : vector<16xf32>, vector<16xi32> -> vector<16xf32>
    %add3A_1290 = arith.addf %scan3A_1218#2, %gather3A_1289 : vector<16xf32>
    %xor3A_1291 = arith.constant 4 : i32
    %xor3A_1292 = vector.broadcast %xor3A_1291 : i32 to vector<16xi32>
    %xor3A_1293 = arith.xori %iota3A, %xor3A_1292 : vector<16xi32>
    %broadcast_in_dim3A_1294 = vector.shape_cast %xor3A_1293 : vector<16xi32> to vector<16x1xi32>
    %gather3A_1295 = vector.shape_cast %broadcast_in_dim3A_1294 : vector<16x1xi32> to vector<16xi32>
    %gather3A_1296 = tpu.dynamic_gather %add3A_1290[%gather3A_1295] in [0] : vector<16xf32>, vector<16xi32> -> vector<16xf32>
    %add3A_1297 = arith.addf %add3A_1290, %gather3A_1296 : vector<16xf32>
    %xor3A_1298 = arith.constant 2 : i32
    %xor3A_1299 = vector.broadcast %xor3A_1298 : i32 to vector<16xi32>
    %xor3A_1300 = arith.xori %iota3A, %xor3A_1299 : vector<16xi32>
    %broadcast_in_dim3A_1301 = vector.shape_cast %xor3A_1300 : vector<16xi32> to vector<16x1xi32>
    %gather3A_1302 = vector.shape_cast %broadcast_in_dim3A_1301 : vector<16x1xi32> to vector<16xi32>
    %gather3A_1303 = tpu.dynamic_gather %add3A_1297[%gather3A_1302] in [0] : vector<16xf32>, vector<16xi32> -> vector<16xf32>
    %add3A_1304 = arith.addf %add3A_1297, %gather3A_1303 : vector<16xf32>
    %xor3A_1305 = arith.constant 1 : i32
    %xor3A_1306 = vector.broadcast %xor3A_1305 : i32 to vector<16xi32>
    %xor3A_1307 = arith.xori %iota3A, %xor3A_1306 : vector<16xi32>
    %broadcast_in_dim3A_1308 = vector.shape_cast %xor3A_1307 : vector<16xi32> to vector<16x1xi32>
    %gather3A_1309 = vector.shape_cast %broadcast_in_dim3A_1308 : vector<16x1xi32> to vector<16xi32>
    %gather3A_1310 = tpu.dynamic_gather %add3A_1304[%gather3A_1309] in [0] : vector<16xf32>, vector<16xi32> -> vector<16xf32>
    %add3A_1311 = arith.addf %add3A_1304, %gather3A_1310 : vector<16xf32>
    %eq3A_1312 = arith.constant 14 : i32
    %eq3A_1313 = vector.broadcast %eq3A_1312 : i32 to vector<16xi32>
    %eq3A_1314 = arith.cmpi eq, %iota3A, %eq3A_1313 : vector<16xi32>
    %select_n3A_1315 = arith.select %eq3A_1314, %add3A_1311, %select_n3A_1283 : vector<16xi1>, vector<16xf32>
    %xor3A_1316 = arith.constant 8 : i32
    %xor3A_1317 = vector.broadcast %xor3A_1316 : i32 to vector<16xi32>
    %xor3A_1318 = arith.xori %iota3A, %xor3A_1317 : vector<16xi32>
    %broadcast_in_dim3A_1319 = vector.shape_cast %xor3A_1318 : vector<16xi32> to vector<16x1xi32>
    %gather3A_1320 = vector.shape_cast %broadcast_in_dim3A_1319 : vector<16x1xi32> to vector<16xi32>
    %gather3A_1321 = tpu.dynamic_gather %scan3A_1218#3[%gather3A_1320] in [0] : vector<16xf32>, vector<16xi32> -> vector<16xf32>
    %add3A_1322 = arith.addf %scan3A_1218#3, %gather3A_1321 : vector<16xf32>
    %xor3A_1323 = arith.constant 4 : i32
    %xor3A_1324 = vector.broadcast %xor3A_1323 : i32 to vector<16xi32>
    %xor3A_1325 = arith.xori %iota3A, %xor3A_1324 : vector<16xi32>
    %broadcast_in_dim3A_1326 = vector.shape_cast %xor3A_1325 : vector<16xi32> to vector<16x1xi32>
    %gather3A_1327 = vector.shape_cast %broadcast_in_dim3A_1326 : vector<16x1xi32> to vector<16xi32>
    %gather3A_1328 = tpu.dynamic_gather %add3A_1322[%gather3A_1327] in [0] : vector<16xf32>, vector<16xi32> -> vector<16xf32>
    %add3A_1329 = arith.addf %add3A_1322, %gather3A_1328 : vector<16xf32>
    %xor3A_1330 = arith.constant 2 : i32
    %xor3A_1331 = vector.broadcast %xor3A_1330 : i32 to vector<16xi32>
    %xor3A_1332 = arith.xori %iota3A, %xor3A_1331 : vector<16xi32>
    %broadcast_in_dim3A_1333 = vector.shape_cast %xor3A_1332 : vector<16xi32> to vector<16x1xi32>
    %gather3A_1334 = vector.shape_cast %broadcast_in_dim3A_1333 : vector<16x1xi32> to vector<16xi32>
    %gather3A_1335 = tpu.dynamic_gather %add3A_1329[%gather3A_1334] in [0] : vector<16xf32>, vector<16xi32> -> vector<16xf32>
    %add3A_1336 = arith.addf %add3A_1329, %gather3A_1335 : vector<16xf32>
    %xor3A_1337 = arith.constant 1 : i32
    %xor3A_1338 = vector.broadcast %xor3A_1337 : i32 to vector<16xi32>
    %xor3A_1339 = arith.xori %iota3A, %xor3A_1338 : vector<16xi32>
    %broadcast_in_dim3A_1340 = vector.shape_cast %xor3A_1339 : vector<16xi32> to vector<16x1xi32>
    %gather3A_1341 = vector.shape_cast %broadcast_in_dim3A_1340 : vector<16x1xi32> to vector<16xi32>
    %gather3A_1342 = tpu.dynamic_gather %add3A_1336[%gather3A_1341] in [0] : vector<16xf32>, vector<16xi32> -> vector<16xf32>
    %add3A_1343 = arith.addf %add3A_1336, %gather3A_1342 : vector<16xf32>
    %eq3A_1344 = arith.constant 15 : i32
    %eq3A_1345 = vector.broadcast %eq3A_1344 : i32 to vector<16xi32>
    %eq3A_1346 = arith.cmpi eq, %iota3A, %eq3A_1345 : vector<16xi32>
    %select_n3A_1347 = arith.select %eq3A_1346, %add3A_1343, %select_n3A_1315 : vector<16xi1>, vector<16xf32>
    %max3A_1348 = arith.constant 9.99999997E-7 : f32
    %max3A_1349 = vector.broadcast %max3A_1348 : f32 to vector<16xf32>
    %max3A_1350 = arith.maximumf %select_n3A_1347, %max3A_1349 : vector<16xf32>
    %swap3A_1351 = arith.constant 16 : index
    %swap3A_1352 = tpu.vector_load %arg7[%swap3A_1351] {strides = array<i32>} : memref<32xf32, #tpu.memory_space<vmem>>, vector<16xf32>,
    %swap3A_1353 = vector.shape_cast %swap3A_1352 : vector<16xf32> to vector<16xf32>
    %swap3A_1354 = vector.shape_cast %max3A_1350 : vector<16xf32> to vector<16xf32>
    tpu.vector_store %arg7[%swap3A_1351], %swap3A_1354 {strides = array<i32>} : memref<32xf32, #tpu.memory_space<vmem>>, vector<16xf32>,
    %mul3A_1355 = arith.constant 32 : i32
    %mul3A_1356 = arith.muli %add3A, %mul3A_1355 : i32
    "tpu.region"() ({
      %run_scoped3A = tpu.sem_alloc : memref<!tpu.dma_semaphore, #tpu.memory_space<semaphore_mem>>
      %dma_start3A_1357 = tpu.memref_slice %arg4[%mul3A_1356] : memref<1024xf32, #tpu.memory_space<hbm>> -> memref<32xf32, #tpu.memory_space<hbm>>
      %dma_start3A_1358 = tpu.memref_slice %arg4[%mul3A_1356] : memref<1024xf32, #tpu.memory_space<hbm>> -> memref<32xf32, #tpu.memory_space<hbm>>
      tpu.enqueue_dma source(%arg7 : memref<32xf32, #tpu.memory_space<vmem>>) target(%dma_start3A_1358 : memref<32xf32, #tpu.memory_space<hbm>>) target_semaphore(%run_scoped3A : memref<!tpu.dma_semaphore, #tpu.memory_space<semaphore_mem>>)
      %dma_wait3A_1359 = tpu.memref_slice %arg4[%mul3A_1356] : memref<1024xf32, #tpu.memory_space<hbm>> -> memref<32xf32, #tpu.memory_space<hbm>>
      %dma_wait3A_1360 = tpu.memref_slice %arg4[%mul3A_1356] : memref<1024xf32, #tpu.memory_space<hbm>> -> memref<32xf32, #tpu.memory_space<hbm>>
      tpu.wait_dma2 semaphore(%run_scoped3A : memref<!tpu.dma_semaphore, #tpu.memory_space<semaphore_mem>>) src(%arg7 : memref<32xf32, #tpu.memory_space<vmem>>) dst(%dma_wait3A_1360 : memref<32xf32, #tpu.memory_space<hbm>>)
      tpu.yield
    }) : () -> ()
    return
  }
}

module attributes {stable_mosaic.version = 14 : i64} {
  func.func @_tc_mv_kernel(%arg0: i32, %arg1: memref<2xf32, #tpu.memory_space<smem>>, %arg2: memref<1x8192xf32, #tpu.memory_space<vmem>>, %arg3: memref<1x8192xf32, #tpu.memory_space<vmem>>, %arg4: memref<256x8192xf32, #tpu.memory_space<vmem>>, %arg5: memref<256x1xf32, #tpu.memory_space<vmem>>) attributes {dimension_semantics = [#tpu.dimension_semantics<arbitrary>], iteration_bounds = array<i64: 12>, scalar_prefetch = 0 : i64, scratch_operands = 0 : i64, tpu.core_type = #tpu.core_type<tc>, window_params = [{transform_indices = @transform_0, window_bounds = array<i64: 2>}, {pipeline_mode = #tpu.pipeline_mode<synchronous>, transform_indices = @transform_1, window_bounds = array<i64: 1, 8192>}, {pipeline_mode = #tpu.pipeline_mode<synchronous>, transform_indices = @transform_2, window_bounds = array<i64: 1, 8192>}, {transform_indices = @transform_3, window_bounds = array<i64: 256, 8192>}, {transform_indices = @transform_4, window_bounds = array<i64: 256, 1>}]} {
    %get3A = arith.constant 0 : index
    %get3A_0 = memref.load %arg1[%get3A] : memref<2xf32, #tpu.memory_space<smem>>
    %get3A_1 = arith.constant 1 : index
    %get3A_2 = memref.load %arg1[%get3A_1] : memref<2xf32, #tpu.memory_space<smem>>
    %get3A_3 = arith.constant 0 : index
    %get3A_4 = arith.constant 0 : index
    %get3A_5 = vector.load %arg2[%get3A_3, %get3A_4] : memref<1x8192xf32, #tpu.memory_space<vmem>>, vector<1x8192xf32>
    %get3A_6 = arith.constant 0 : index
    %get3A_7 = arith.constant 0 : index
    %get3A_8 = vector.load %arg3[%get3A_6, %get3A_7] : memref<1x8192xf32, #tpu.memory_space<vmem>>, vector<1x8192xf32>
    %add3A = arith.addf %get3A_5, %get3A_8 : vector<1x8192xf32>
    %mul3A = arith.constant 5.000000e-01 : f32
    %mul3A_9 = vector.broadcast %mul3A : f32 to vector<1x8192xf32>
    %mul3A_10 = arith.mulf %mul3A_9, %add3A : vector<1x8192xf32>
    %sub3A = arith.subf %get3A_8, %get3A_5 : vector<1x8192xf32>
    %neg3A = arith.constant 0.000000e+00 : f32
    %neg3A_11 = arith.subf %neg3A, %get3A_2 : f32
    %log3A = math.log %mul3A_10 : vector<1x8192xf32>
    %mul3A_12 = vector.broadcast %neg3A_11 : f32 to vector<1x8192xf32>
    %mul3A_13 = arith.mulf %mul3A_12, %log3A : vector<1x8192xf32>
    %exp3A = math.exp %mul3A_13 : vector<1x8192xf32>
    %mul3A_14 = vector.broadcast %get3A_0 : f32 to vector<1x8192xf32>
    %mul3A_15 = arith.mulf %mul3A_14, %exp3A : vector<1x8192xf32>
    %mul3A_16 = arith.mulf %mul3A_15, %sub3A : vector<1x8192xf32>
    %get3A_17 = arith.constant 0 : index
    %get3A_18 = arith.constant 0 : index
    %get3A_19 = vector.load %arg4[%get3A_17, %get3A_18] : memref<256x8192xf32, #tpu.memory_space<vmem>>, vector<256x8192xf32>
    %dot_general3A = arith.constant dense<0.000000e+00> : vector<256x1xf32>
    %dot_general3A_20 = tpu.matmul %get3A_19, %mul3A_16, %dot_general3A {dimension_numbers = #tpu.dot_dimension_numbers<[1], [1], [0], [0], [0, 0, 1, 0], [], []>, transpose_lhs_hint = false} : vector<256x8192xf32>, vector<1x8192xf32>, vector<256x1xf32> -> vector<256x1xf32>
    %max3A = arith.constant 9.99999997E-7 : f32
    %max3A_21 = vector.broadcast %max3A : f32 to vector<256x1xf32>
    %max3A_22 = arith.maximumf %dot_general3A_20, %max3A_21 : vector<256x1xf32>
    %swap3A = arith.constant 0 : index
    %swap3A_23 = arith.constant 0 : index
    %swap3A_24 = vector.load %arg5[%swap3A, %swap3A_23] : memref<256x1xf32, #tpu.memory_space<vmem>>, vector<256x1xf32>
    tpu.vector_store %arg5[%swap3A, %swap3A_23], %max3A_22 {strides = array<i32>} : memref<256x1xf32, #tpu.memory_space<vmem>>, vector<256x1xf32>,
    return
  }
  func.func @transform_0(%arg0: i32) -> i32 {
    %c0_i32 = arith.constant 0 : i32
    %c0_i32_0 = arith.constant 0 : i32
    return %c0_i32 : i32
  }
  func.func @transform_1(%arg0: i32) -> (i32, i32) {
    %c0_i32 = arith.constant 0 : i32
    %c0_i32_0 = arith.constant 0 : i32
    %c0_i32_1 = arith.constant 0 : i32
    return %c0_i32, %c0_i32_0 : i32, i32
  }
  func.func @transform_2(%arg0: i32) -> (i32, i32) {
    %c0_i32 = arith.constant 0 : i32
    %c0_i32_0 = arith.constant 0 : i32
    %c0_i32_1 = arith.constant 0 : i32
    return %c0_i32, %c0_i32_0 : i32, i32
  }
  func.func @transform_3(%arg0: i32) -> (i32, i32) {
    %c0_i32 = arith.constant 0 : i32
    %c0_i32_0 = arith.constant 0 : i32
    return %arg0, %c0_i32 : i32, i32
  }
  func.func @transform_4(%arg0: i32) -> (i32, i32) {
    %c0_i32 = arith.constant 0 : i32
    %c0_i32_0 = arith.constant 0 : i32
    return %arg0, %c0_i32 : i32, i32
  }
}

module attributes {stable_mosaic.version = 14 : i64} {
  func.func @_flux_kernel(%arg0: memref<2xf32, #tpu.memory_space<smem>>, %arg1: memref<1x8192xf32, #tpu.memory_space<vmem>>, %arg2: memref<1x8192xf32, #tpu.memory_space<vmem>>, %arg3: memref<1x8192xf32, #tpu.memory_space<vmem>>) attributes {dimension_semantics = [], scalar_prefetch = 0 : i64, scratch_operands = 0 : i64, tpu.core_type = #tpu.core_type<tc>} {
    %get3A = arith.constant 0 : index
    %get3A_0 = memref.load %arg0[%get3A] : memref<2xf32, #tpu.memory_space<smem>>
    %get3A_1 = arith.constant 1 : index
    %get3A_2 = memref.load %arg0[%get3A_1] : memref<2xf32, #tpu.memory_space<smem>>
    %get3A_3 = arith.constant 0 : index
    %get3A_4 = arith.constant 0 : index
    %get3A_5 = vector.load %arg1[%get3A_3, %get3A_4] : memref<1x8192xf32, #tpu.memory_space<vmem>>, vector<1x8192xf32>
    %get3A_6 = arith.constant 0 : index
    %get3A_7 = arith.constant 0 : index
    %get3A_8 = vector.load %arg2[%get3A_6, %get3A_7] : memref<1x8192xf32, #tpu.memory_space<vmem>>, vector<1x8192xf32>
    %add3A = arith.addf %get3A_5, %get3A_8 : vector<1x8192xf32>
    %mul3A = arith.constant 5.000000e-01 : f32
    %mul3A_9 = vector.broadcast %mul3A : f32 to vector<1x8192xf32>
    %mul3A_10 = arith.mulf %mul3A_9, %add3A : vector<1x8192xf32>
    %sub3A = arith.subf %get3A_8, %get3A_5 : vector<1x8192xf32>
    %neg3A = arith.constant 0.000000e+00 : f32
    %neg3A_11 = arith.subf %neg3A, %get3A_2 : f32
    %log3A = math.log %mul3A_10 : vector<1x8192xf32>
    %mul3A_12 = vector.broadcast %neg3A_11 : f32 to vector<1x8192xf32>
    %mul3A_13 = arith.mulf %mul3A_12, %log3A : vector<1x8192xf32>
    %exp3A = math.exp %mul3A_13 : vector<1x8192xf32>
    %mul3A_14 = vector.broadcast %get3A_0 : f32 to vector<1x8192xf32>
    %mul3A_15 = arith.mulf %mul3A_14, %exp3A : vector<1x8192xf32>
    %mul3A_16 = arith.mulf %mul3A_15, %sub3A : vector<1x8192xf32>
    %swap3A = arith.constant 0 : index
    %swap3A_17 = arith.constant 0 : index
    %swap3A_18 = vector.load %arg3[%swap3A, %swap3A_17] : memref<1x8192xf32, #tpu.memory_space<vmem>>, vector<1x8192xf32>
    tpu.vector_store %arg3[%swap3A, %swap3A_17], %mul3A_16 {strides = array<i32>} : memref<1x8192xf32, #tpu.memory_space<vmem>>, vector<1x8192xf32>,
    return
  }
}

</mosaic_0001>

<sc_bundles>
// kernel: kernel.5.cloned.1.call-start
scs
__scs_entry_jumppad:
0x0: {  	(pc) =	sbr.rel $0x88, $3  }
0x1: {  	(tag) =	ssettag $0x0;
	lr =	simm.s32 $0x1  }
0x2: {  	[smem:$0x3F9D] =	sst lr;
	_ =	strace $0xD0000000  }
0x3: {  	_ = 	snop  }
0x4: {  	_ = 	snop  }
0x5: {  	_ = 	snop  }
0x6: {  	_ = 	snop  }
0x7: {  	_ = 	snop  }
__scs_overlays_trampoline_lowered:
0x8: {  	[smem:$0x3FAC] =	sst s0  }
0x9: {  	[smem:$0x3FAD] =	sst s1  }
0xa: {  	[smem:$0x3FAE] =	sst s2  }
0xb: {  	[smem:$0x3FAF] =	sst s3  }
0xc: {  	[smem:$0x3FB0] =	sst s4  }
0xd: {  	[smem:$0x3FB1] =	sst s5  }
0xe: {  	[smem:$0x3FB2] =	sst s6  }
0xf: {  	[smem:$0x3FB3] =	sst s7  }
0x10: {  	[smem:$0x3FB4] =	sst s8  }
0x11: {  	[smem:$0x3FB5] =	sst s9;
	s0 =	simm.s32 @!p0 $0x0  }
0x12: {  	s1 =	sld [smem:$0x3F9B];
	s0 =	simm.s32 @p0 $0x1  }
0x13: {  	[smem:$0x3FB6] =	sst s0;
	s0 =	simm.s32 @!p1 $0x0  }
0x14: {  	s2 =	sld [smem:$0x3F9A];
	s0 =	simm.s32 @p1 $0x1  }
0x15: {  	[smem:$0x3FB7] =	sst s0;
	s0 =	simm.s32 @!p2 $0x0  }
0x16: {  	s3 =	sld [smem:$0x3FDB];
	s0 =	simm.s32 @p2 $0x1  }
0x17: {  	s4 =	simm.s32 $0x1BF5;
	[smem:$0x3FB9] =	sst s0  }
0x18: {  	s0 =	sld [smem:$0x3F9C];
	_ =	swait.ge [sflag:s4], $0x0  }
0x19: {  	s7 =	sld [smem:$0x3F9D]  }
0x1a: {  	s8 =	sadd.s32 $0xFFFFE003, lr  }
0x1b: {  	s9 =	sadd.s32 $0xFFFFFEF7, lr;
	s5 =	simm.s32 $0xFFFFFFFF;
	p2 =	slt.u32 s8, $0xFFFFF086  }
0x1c: {  	p1 =	slt.u32 s9, $0xF7A;
	s5 =	simm.s32 @!p2 $0x0  }
0x1d: {  	s5 =	simm.s32 @p1 $0x1;
	p0 =	seq.s32 s7, s2  }
0x1e: {  	s7 =	smul.u32 @!p0 $0xF7A, s2;
	p2 =	seq.s32 @!p0 s5, $0x0  }
0x1f: {  	s9 =	smul.u32 $0xF7A, s1;
	s8 =	simm.s32 @!p0 $0x1BF5;
	p2 =	por !p2, p0  }
0x20: {  	[sflag:s8] =	ssyncset.s32 @!p0 $0xFFFFF086;
	s6 =	sadd.s32 @!p0 s3, s7;
	s7 =	simm.s32 @!p0 $0x108  }
0x21: {  	s3 =	sadd.s32 s3, s9;
	s6 =	sadd.s32 @!p0 $0x88, s6;
	s7 =	simm.s32 @p2 $0x1082  }
0x22: {  	[simem:s7], [sflag:s8] =	dma.local @!p0 [hbm:s6], $0xF7A  }
0x23: {  	s9 =	sor.u32 $0xD0000000, s2;
	s6 =	simm.s32 $0x108;
	_ =	swait.ge @!p0 [sflag:s8], $0x0  }
0x24: {  	s3 =	sadd.s32 $0x88, s3;
	s6 =	simm.s32 @!p1 $0x1082;
	[sflag:s4] =	ssyncset.s32 $0xFFFFF086  }
0x25: {  	[simem:s6], [sflag:s4] =	dma.local [hbm:s3], $0xF7A  }
0x26: {  	[smem:$0x3F9D] =	sst s1;
	(tag) =	ssettag s2;
	_ =	strace s9  }
0x27: {  	s1 =	sld [smem:$0x3FAD]  }
0x28: {  	s2 =	sld [smem:$0x3FAE]  }
0x29: {  	s4 =	sld [smem:$0x3FB0]  }
0x2a: {  	p0 =	seq.s32 s5, $0x0;
	s5 =	sld [smem:$0x3FB1]  }
0x2b: {  	s6 =	sld [smem:$0x3FB2]  }
0x2c: {  	s7 =	sld [smem:$0x3FB3]  }
0x2d: {  	s3 =	simm.s32 $0x108;
	s8 =	sld [smem:$0x3FB4]  }
0x2e: {  	s3 =	simm.s32 @!p0 $0x1082;
	s9 =	sld [smem:$0x3FB5]  }
0x2f: {  	lr =	sadd.s32 s0, s3;
	s0 =	sld [smem:$0x3FAC]  }
0x30: {  	s3 =	sld [smem:$0x3FAF]  }
0x31: {  	[smem:$0x3FB8] =	sst s10  }
0x32: {  	s10 =	sld [smem:$0x3FB6];
	_ =	sdelay $0x3  }
0x33: {  	p0 =	seq.s32 s10, $0x1;
	s10 =	sld [smem:$0x3FB8];
	_ =	sdelay $0x3  }
0x34: {  	[smem:$0x3FB8] =	sst s10  }
0x35: {  	s10 =	sld [smem:$0x3FB7];
	_ =	sdelay $0x3  }
0x36: {  	p1 =	seq.s32 s10, $0x1;
	s10 =	sld [smem:$0x3FB8];
	_ =	sdelay $0x3  }
0x37: {  	[smem:$0x3FB8] =	sst s10  }
0x38: {  	s10 =	sld [smem:$0x3FB9]  }
0x39: {  	_ = 	snop;
	(pc) =	sbr.ind lr, $3  }
0x3a: {  	_ = 	snop  }
0x3b: {  	_ = 	snop  }
0x3c: {  	p2 =	seq.s32 s10, $0x1;
	s10 =	sld [smem:$0x3FB8]  }
0x3d: {  	_ =	shalt  }
0x3e: {  	_ =	shalt  }
0x3f: {  	_ =	shalt  }
0x40: {  	_ =	shalt  }
0x41: {  	_ =	shalt  }
0x42: {  	_ =	shalt  }
0x43: {  	_ =	shalt  }
0x44: {  	_ =	shalt  }
0x45: {  	_ =	shalt  }
0x46: {  	_ =	shalt  }
0x47: {  	_ =	shalt  }
0x48: {  	_ =	shalt  }
0x49: {  	_ =	shalt  }
0x4a: {  	_ =	shalt  }
0x4b: {  	_ =	shalt  }
0x4c: {  	_ =	shalt  }
0x4d: {  	_ =	shalt  }
0x4e: {  	_ =	shalt  }
0x4f: {  	_ =	shalt  }
0x50: {  	_ =	shalt  }
0x51: {  	_ =	shalt  }
0x52: {  	_ =	shalt  }
0x53: {  	_ =	shalt  }
0x54: {  	_ =	shalt  }
0x55: {  	_ =	shalt  }
0x56: {  	_ =	shalt  }
0x57: {  	_ =	shalt  }
0x58: {  	_ =	shalt  }
0x59: {  	_ =	shalt  }
0x5a: {  	_ =	shalt  }
0x5b: {  	_ =	shalt  }
0x5c: {  	_ =	shalt  }
0x5d: {  	_ =	shalt  }
0x5e: {  	_ =	shalt  }
0x5f: {  	_ =	shalt  }
0x60: {  	_ =	shalt  }
0x61: {  	_ =	shalt  }
0x62: {  	_ =	shalt  }
0x63: {  	_ =	shalt  }
0x64: {  	_ =	shalt  }
0x65: {  	_ =	shalt  }
0x66: {  	_ =	shalt  }
0x67: {  	_ =	shalt  }
0x68: {  	_ =	shalt  }
0x69: {  	_ =	shalt  }
0x6a: {  	_ =	shalt  }
0x6b: {  	_ =	shalt  }
0x6c: {  	_ =	shalt  }
0x6d: {  	_ =	shalt  }
0x6e: {  	_ =	shalt  }
0x6f: {  	_ =	shalt  }
0x70: {  	_ =	shalt  }
0x71: {  	_ =	shalt  }
0x72: {  	_ =	shalt  }
0x73: {  	_ =	shalt  }
0x74: {  	_ =	shalt  }
0x75: {  	_ =	shalt  }
0x76: {  	_ =	shalt  }
0x77: {  	_ =	shalt  }
0x78: {  	_ =	shalt  }
0x79: {  	_ =	shalt  }
0x7a: {  	_ =	shalt  }
0x7b: {  	_ =	shalt  }
0x7c: {  	_ =	shalt  }
0x7d: {  	_ =	shalt  }
0x7e: {  	_ =	shalt  }
0x7f: {  	_ =	shalt  }
0x80: {  	_ =	shalt  }
0x81: {  	_ =	shalt  }
0x82: {  	_ =	shalt  }
0x83: {  	_ =	shalt  }
0x84: {  	_ =	shalt  }
0x85: {  	_ =	shalt  }
0x86: {  	_ =	shalt  }
0x87: {  	_ =	shalt  }
.Lfunc_end0:
.L_simem_size_0:
called_computation_lowered:
.L_overlay_start_0:
0x88: {  	s2 =	sld [smem:$0x3FD9]  }
0x89: {  	s3 =	sld [smem:$0x3FFE];
	_ =	sdelay $0x1  }
0x8a: {  	s1 =	srdreg.scid  }
0x8b: {  	s0 =	sand.u32 $0x1, s1  }
0x8c: {  	s17 =	sshll.u32 s0, $0xA;
	s2 =	sadd.s32 s3, s2  }
0x8d: {  	s2 =	sadd.s32 s2, s17  }
0x8e: {  	[smem:$0x3FC4] =	sst s2  }
0x8f: {  	_ = 	snop  }
0x90: {  	s2 =	sld [smem:$0x3FC8];
	(tm) =	ssettm $0x1  }
0x91: {  	s18 =	sld [smem:$0x3FFB];
	_ =	sdelay $0x3  }
0x92: {  	_ =	strace s18  }
0x93: {  	s3 =	sld [smem:$0x3FFC];
	_ =	sdelay $0x3  }
0x94: {  	_ =	strace s3  }
0x95: {  	s3 =	sld [smem:$0x3FFD];
	_ =	sdelay $0x3  }
0x96: {  	_ =	strace s3  }
0x97: {  	_ =	strace $0x8FFFFFFF  }
0x98: {  	s19 =	sld [smem:$0x3FDB];
	_ =	sdelay $0x1  }
0x99: {  	s4 =	simm.s32 $_scs_section_size  }
0x9a: {  	s5 =	simm.s32 $_size__tile_overlayer_lowered;
	s6 =	simm.s32 $_tile_overlayer_lowered  }
0x9b: {  	s22 =	simm.s32 $0x1BFF;
	s21 =	sshll.u32 s6, $0x1;
	s3 =	sadd.s32 s4, s19  }
0x9c: {  	s7 =	simm.s32 $0x0;
	s20 =	sshll.u32 s5, $0x1;
	s5 =	sadd.s32 s21, s3  }
0x9d: {  	[timem:s7], [sflag:s22] =	dma.local [hbm:s5], s20  }
0x9e: {  	_ =	swait.ge [sflag:s22], s20  }
0x9f: {  	s4 =	ssub.s32 $0x0, s20;
	[sflag:s22] =	ssyncset.done $0x0  }
0xa0: {  	[sflag:s22] =	ssyncadd.s32 s4;
	_ =	sdelay $0x1  }
0xa1: {  	s23 =	simm.s32 $0x1B8B  }
0xa2: {  	_ =	swait.ge [sflag:s23], $0x1  }
0xa3: {  	[sflag:s23] =	ssyncset.done $0x0  }
0xa4: {  	s25 =	simm.s32 $0x1B8E;
	s24 =	sld [smem:$0x3FFE];
	[sflag:s23] =	ssyncadd.s32 $0xFFFFFFFF  }
0xa5: {  	s26 =	simm.s32 $execute0_lowered;
	[smem:$0x3FD2] =	sst s25  }
0xa6: {  	s5 =	sshll.u32 s26, $0x1;
	_ =	strace $0x80000046;
	[dreg:$0x1] =	wrdreg $0xFFFFFFFF  }
0xa7: {  	s28 =	simm.s32 $_size_execute0_lowered;
	s3 =	sadd.s32 s3, s5;
	[dreg:$0x0] =	wrdreg $0x0  }
0xa8: {  	s5 =	sshll.u32 s28, $0x1;
	[dreg:$0x2] =	wrdreg s3  }
0xa9: {  	[dreg:$0x3] =	wrdreg s5  }
0xaa: {  	[dreg:$0x4] =	wrdreg $0xC0  }
0xab: {  	_ =	task [dreg:s7], $0x5FFFF  }
0xac: {  	[dreg:$0x1] =	wrdreg $0xFFFFFFFF  }
0xad: {  	[dreg:$0x0] =	wrdreg $0x60  }
0xae: {  	[dreg:$0x2] =	wrdreg s2  }
0xaf: {  	[dreg:$0x3] =	wrdreg s24  }
0xb0: {  	[dreg:$0x4] =	wrdreg $0x9  }
0xb1: {  	_ =	task.clear_ibuf [dreg:s7], $0x5FFFF;
	_ =	strace $0x90000046  }
0xb2: {  	s29 =	simm.s32 $0x9;
	_ =	strace $0x80000048  }
0xb3: {  	_ =	swait.ge [sflag:s29], $0x1  }
0xb4: {  	[sflag:s29] =	ssyncadd.s32 $0xFFFFFFFF  }
0xb5: {  	_ =	strace $0x90000048  }
0xb6: {  	_ =	sfence  }
0xb7: {  	s30 =	sld [smem:$0x0];
	_ =	sdelay $0x2  }
0xb8: {  	s31 =	sshll.u32 s1, $0xD;
	s1 =	sshrl.u32 s1, $0x2  }
0xb9: {  	s3 =	sand.u32 $0x4000, s31;
	s1 =	sadd.s32 s1, s30  }
0xba: {  	s0 =	sor.u32 s3, s0;
	s1 =	sshll.u32 s1, $0x11  }
0xbb: {  	s0 =	sor.u32 s1, s0  }
0xbc: {  	s0 =	sadd.s32 $0x8F2B, s0  }
0xbd: {  	[sflag:s0] =	ssyncadd.remote.s32 $0x1  }
0xbe: {  	_ =	sfence.sel $0xFFFF  }
0xbf: {  	[dreg:$0x0] =	wrdreg $0xFFFFFFFF;
	(pc) =	sbr.abs _section_cstart, $3  }
0xc0: {  	[dreg:$0x1] =	wrdreg $0xFFFFFFFF  }
0xc1: {  	_ =	task.clear_ibuf [dreg:s7], $0x2FFFF;
	_ =	strace $0x9FFFFFFF  }
0xc2: {  	(tm) =	ssettm $0x7FFFFFFF  }
0xc3: {  	_ =	shalt  }
tec
execute0_lowered:
.L_overlay_start_1:
0x0: {  	(tag) =	ssettag $0x1  }
0x1: {  	v0 =	vimm.s32 $0xFEDCBA98;
	v1 =	vimm.s32 $0x76543210  }
0x2: {  	s4 =	rddreg [dreg:$0x0];
	v2 =	vimm.s32 $0xBA98FEDC;
	v3 =	vimm.s32 $0x32107654;
	v4 =	vimm.s32 $0xDCFE98BA  }
0x3: {  	s5 =	rddreg [dreg:$0x1];
	v5 =	vimm.s32 $0x54761032;
	v6 =	vimm.s32 $0xEFCDAB89;
	v7 =	vimm.s32 $0x67452301  }
0x4: {  	s0 =	rddreg [dreg:$0x2];
	vm3 =	vmmov $0x1;
	vm4 =	vmmov $0x3;
	vm5 =	vmmov $0x7  }
0x5: {  	s2 =	simm.s32 $0x0;
	s3 =	srdreg.scid;
	s1 =	stileid.u32;
	vm6 =	vmmov $0xf;
	vm7 =	vmmov $0x1f;
	vm0 =	vmmov $0x3f  }
0x6: {  	s14 =	simm.s32 $0x3;
	s15 =	simm.s32 $0x200;
	s16 =	simm.s32 $0x400;
	vm2 =	vmmov $0x7f;
	vm1 =	vmmov $0xff;
	vm8 =	vmmov $0x1ff  }
0x7: {  	s17 =	simm.s32 $0x2000;
	s18 =	simm.s32 $0xA000;
	s19 =	simm.s32 $0x1;
	vm9 =	vmmov $0x3ff;
	vm10 =	vmmov $0x7ff;
	vm11 =	vmmov $0xfff  }
0x8: {  	s20 =	simm.s32 $0x2;
	s21 =	simm.s32 $0x12000;
	v0 =	vunpack.c.l.s4.s8 v0;
	s6 =	sand.u32 $0x1, s3;
	v1 =	vunpack.c.l.s4.s8 v1;
	v2 =	vunpack.c.l.s4.s8 v2  }
0x9: {  	s22 =	simm.s32 $0x0;
	s31 =	sshll.u32 s1, $0x6;
	v3 =	vunpack.c.l.s4.s8 v3;
	v4 =	vunpack.c.l.s4.s8 v4;
	v5 =	vunpack.c.l.s4.s8 v5;
	s7 =	sshll.u32 s6, $0x5  }
0xa: {  	[smem:$0x7FF] =	sst s2;
	s3 =	sadd.s32 $0xE00, s5;
	v6 =	vunpack.c.l.s4.s8 v6;
	v7 =	vunpack.c.l.s4.s8 v7;
	v0 =	vunpack.c.0.s8.s32 v0;
	s7 =	sor.u32 s7, s31  }
0xb: {  	_ =	strace $0x80000047;
	s6 =	ssub.s32 $0x2, s6;
	v2 =	vunpack.c.0.s8.s32 v2;
	v3 =	vunpack.c.0.s8.s32 v3;
	v4 =	vunpack.c.0.s8.s32 v4;
	s8 =	sshll.u32 s7, $0xA  }
0xc: {  	s9 =	sshrl.u32 s6, $0x1;
	v5 =	vunpack.c.0.s8.s32 v5;
	v6 =	vunpack.c.0.s8.s32 v6;
	v7 =	vunpack.c.0.s8.s32 v7;
	s7 =	sshrl.u32 s7, $0x3;
	s11 =	sadd.s32 s8, s4  }
0xd: {  	vm12 =	vmmov $0x1fff;
	v1 =	vunpack.c.0.s8.s32 v1;
	s13 =	ssub.s32 s6, s9;
	s12 =	sadd.s32 s7, s5;
	v2 =	vcombine.low v3, v2;
	s4 =	sadd.s32 $0x300040, s11  }
0xe: {  	s13 =	smax.u32 s13, $0x1;
	v3 =	vcombine.low v5, v4;
	v4 =	vcombine.low v7, v6;
	v0 =	vand.u32 $0xF, v0;
	s5 =	sadd.s32 $0x300000, s11;
	s7 =	sadd.s32 $0x302040, s11  }
0xf: {  	vm13 =	vmmov $0x3fff;
	vm14 =	vmmov $0x7fff;
	s6 =	sadd.s32 $0x302000, s11;
	s8 =	sadd.s32 $0x304000, s11;
	s9 =	sadd.s32 $0x304040, s11;
	v0 =	vcombine.low v0, v1  }
0x10: {  	s10 =	sadd.s32 $0x306000, s11;
	s11 =	sadd.s32 $0x306040, s11;
	s12 =	sadd.s32 $0x1200, s12;
	v1 =	vand.u32 $0xF, v2;
	v2 =	vand.u32 $0xF, v3;
	v3 =	vand.u32 $0xF, v4  }
.LBB2_1:
0x11: {  	[tilespmem:s2], [sflag:$0x3] =	stream.linear.gather [hbm4b:s3+s2], $0x2000, $0x38;
	[tilespmem:$0x12080] =	vst v63  }
0x12: {  	_ =	swait.ge [sflag:s14], $0x2000  }
0x13: {  	[sflag:s14] =	ssyncset.done $0x0  }
0x14: {  	[sflag:s14] =	ssyncadd.s32 $0xFFFFE000  }
0x15: {  	[tilespmem:s17], [sflag:$0x1] =	stream.strided.gather [hbm4b:s5+s15], $0x8000, s16, s15, $0x38;
	[tilespmem:$0x12080] =	vst v63  }
0x16: {  	_ = 	snop  }
0x17: {  	[tilespmem:s18], [sflag:$0x2] =	stream.strided.gather [hbm4b:s4+s15], $0x8000, s16, s15, $0x38;
	[tilespmem:$0x12080] =	vst v63  }
0x18: {  	_ =	swait.ge [sflag:s19], $0x8000  }
0x19: {  	[sflag:s19] =	ssyncset.done $0x0  }
0x1a: {  	s23 =	simm.s32 $0x2100;
	[sflag:s19] =	ssyncadd.s32 $0xFFFF8000  }
0x1b: {  	v7 =	vld [tilespmem:s23+$0xFFFFFF70]  }
0x1c: {  	s24 =	simm.s32 $0x0;
	v8 =	vld [tilespmem:s23+$0xFFFFFFF0]  }
0x1d: {  	v4 =	vld [tilespmem:s24+$0x70]  }
0x1e: {  	v9 =	vld [tilespmem:s23+$0xFFFFFF60]  }
0x1f: {  	v10 =	vld [tilespmem:s23+$0xFFFFFFE0]  }
0x20: {  	v5 =	vld [tilespmem:s24+$0x60]  }
0x21: {  	v13 =	vld [tilespmem:s23+$0xFFFFFF50]  }
0x22: {  	v14 =	vld [tilespmem:s23+$0xFFFFFFD0]  }
0x23: {  	v6 =	vld [tilespmem:s24+$0x50]  }
0x24: {  	v22 =	vld [tilespmem:s23+$0xFFFFFF40]  }
0x25: {  	v23 =	vld [tilespmem:s23+$0xFFFFFFC0]  }
0x26: {  	v11 =	vld [tilespmem:s24+$0x40]  }
0x27: {  	v26 =	vld [tilespmem:s23+$0xFFFFFF30]  }
0x28: {  	v27 =	vld [tilespmem:s23+$0xFFFFFFB0]  }
0x29: {  	v12 =	vld [tilespmem:s24+$0x30]  }
0x2a: {  	v28 =	vld [tilespmem:s23+$0xFFFFFF20]  }
0x2b: {  	v21 =	vld [tilespmem:s23+$0xFFFFFFA0]  }
0x2c: {  	v15 =	vld [tilespmem:s24+$0x20]  }
0x2d: {  	v25 =	vld [tilespmem:s23+$0xFFFFFF10]  }
0x2e: {  	v24 =	vld [tilespmem:s23+$0xFFFFFF90]  }
0x2f: {  	v20 =	vld [tilespmem:s24+$0x10]  }
0x30: {  	v16 =	vimm.f32 $0.0e+00;
	v29 =	vld [tilespmem:s23+$0xFFFFFF00]  }
0x31: {  	v19 =	vimm.f32 $0.0e+00;
	v30 =	vld [tilespmem:s23+$0xFFFFFF80];
	v7 =	vmul.f32 v7, v4;
	v8 =	vmul.f32 v8, v4  }
0x32: {  	v17 =	vimm.f32 $0.0e+00;
	v31 =	vld [tilespmem:s23+$0x0];
	v9 =	vmul.f32 v9, v5;
	v10 =	vmul.f32 v10, v5  }
0x33: {  	v18 =	vimm.f32 $0.0e+00;
	v32 =	vld [tilespmem:s24+$0x0];
	s24 =	simm.s32 $0x200;
	v13 =	vmul.f32 v13, v6;
	v14 =	vmul.f32 v14, v6  }
.LBB2_2:
0x34: {  	p0 =	sne.s32 s24, $0x7E00;
	v33 =	vld [tilespmem:s23+$0x80];
	v22 =	vmul.f32 v22, v11;
	v23 =	vmul.f32 v23, v11  }
0x35: {  	v26 =	vmul.f32 v26, v12;
	v27 =	vmul.f32 v27, v12;
	v34 =	vld [tilespmem:s23+$0x10]  }
0x36: {  	v28 =	vmul.f32 v28, v15;
	v21 =	vmul.f32 v21, v15;
	v35 =	vld [tilespmem:s23+$0x90]  }
0x37: {  	v25 =	vmul.f32 v25, v20;
	v24 =	vmul.f32 v24, v20;
	v36 =	vld [tilespmem:s23+$0x20]  }
0x38: {  	v29 =	vmul.f32 v29, v32;
	v30 =	vmul.f32 v30, v32;
	v37 =	vld [tilespmem:s23+$0xA0]  }
0x39: {  	v31 =	vmul.f32 v31, v32;
	v32 =	vmul.f32 v33, v32;
	v33 =	vld [tilespmem:s23+$0x30]  }
0x3a: {  	v16 =	vadd.f32 v29, v16;
	v19 =	vadd.f32 v30, v19;
	v29 =	vmul.f32 v34, v20;
	v30 =	vld [tilespmem:s23+$0xB0]  }
0x3b: {  	v17 =	vadd.f32 v31, v17;
	v18 =	vadd.f32 v32, v18;
	v20 =	vmul.f32 v35, v20;
	v31 =	vld [tilespmem:s23+$0x40]  }
0x3c: {  	v16 =	vadd.f32 v25, v16;
	v19 =	vadd.f32 v24, v19;
	v24 =	vmul.f32 v36, v15;
	v25 =	vld [tilespmem:s23+$0xC0]  }
0x3d: {  	v17 =	vadd.f32 v29, v17;
	v18 =	vadd.f32 v20, v18;
	v15 =	vmul.f32 v37, v15;
	v20 =	vld [tilespmem:s23+$0x50]  }
0x3e: {  	v16 =	vadd.f32 v28, v16;
	v19 =	vadd.f32 v21, v19;
	v21 =	vmul.f32 v33, v12;
	v28 =	vld [tilespmem:s23+$0xD0]  }
0x3f: {  	v17 =	vadd.f32 v24, v17;
	v15 =	vadd.f32 v15, v18;
	v12 =	vmul.f32 v30, v12;
	v18 =	vld [tilespmem:s23+$0x60]  }
0x40: {  	v16 =	vadd.f32 v26, v16;
	v19 =	vadd.f32 v27, v19;
	v24 =	vmul.f32 v31, v11;
	v26 =	vld [tilespmem:s23+$0xE0]  }
0x41: {  	v17 =	vadd.f32 v21, v17;
	v12 =	vadd.f32 v12, v15;
	v11 =	vmul.f32 v25, v11;
	v15 =	vld [tilespmem:s23+$0x70]  }
0x42: {  	v16 =	vadd.f32 v22, v16;
	v19 =	vadd.f32 v23, v19;
	v20 =	vmul.f32 v20, v6;
	v21 =	vld [tilespmem:s23+$0xF0];
	s23 =	sadd.s32 $0x200, s23  }
0x43: {  	v17 =	vadd.f32 v24, v17;
	v31 =	vld [tilespmem:s23+$0xFFFFFF70];
	v11 =	vadd.f32 v11, v12;
	v6 =	vmul.f32 v28, v6  }
0x44: {  	s25 =	sshra.s32 s24, $0x2;
	v32 =	vld [tilespmem:s23+$0xFFFFFFF0];
	v12 =	vadd.f32 v13, v16;
	v13 =	vadd.f32 v14, v19;
	v14 =	vmul.f32 v18, v5  }
0x45: {  	v16 =	vadd.f32 v20, v17;
	v22 =	vld [tilespmem:s25+$0x70];
	v6 =	vadd.f32 v6, v11;
	v5 =	vmul.f32 v26, v5  }
0x46: {  	v33 =	vld [tilespmem:s23+$0xFFFFFF60];
	v9 =	vadd.f32 v9, v12;
	v10 =	vadd.f32 v10, v13;
	v11 =	vmul.f32 v15, v4  }
0x47: {  	v12 =	vadd.f32 v14, v16;
	v13 =	vld [tilespmem:s23+$0xFFFFFFE0];
	v6 =	vadd.f32 v5, v6;
	v15 =	vmul.f32 v21, v4  }
0x48: {  	v5 =	vld [tilespmem:s25+$0x60];
	v16 =	vadd.f32 v7, v9;
	v19 =	vadd.f32 v8, v10  }
0x49: {  	v17 =	vadd.f32 v11, v12;
	v14 =	vld [tilespmem:s23+$0xFFFFFF50];
	v18 =	vadd.f32 v15, v6  }
0x4a: {  	v34 =	vld [tilespmem:s23+$0xFFFFFFD0];
	v4 =	vmov v22  }
0x4b: {  	v6 =	vld [tilespmem:s25+$0x50]  }
0x4c: {  	v22 =	vld [tilespmem:s23+$0xFFFFFF40]  }
0x4d: {  	v23 =	vld [tilespmem:s23+$0xFFFFFFC0]  }
0x4e: {  	v11 =	vld [tilespmem:s25+$0x40]  }
0x4f: {  	v26 =	vld [tilespmem:s23+$0xFFFFFF30]  }
0x50: {  	v27 =	vld [tilespmem:s23+$0xFFFFFFB0]  }
0x51: {  	v12 =	vld [tilespmem:s25+$0x30]  }
0x52: {  	v28 =	vld [tilespmem:s23+$0xFFFFFF20]  }
0x53: {  	v21 =	vld [tilespmem:s23+$0xFFFFFFA0]  }
0x54: {  	v15 =	vld [tilespmem:s25+$0x20]  }
0x55: {  	v25 =	vld [tilespmem:s23+$0xFFFFFF10]  }
0x56: {  	v24 =	vld [tilespmem:s23+$0xFFFFFF90]  }
.Ltmp0:
0x57: {  	v20 =	vld [tilespmem:s25+$0x10];
	(pc) =	sbr.rel @p0 .LBB2_2-.Ltmp0, $4  }
0x58: {  	v29 =	vld [tilespmem:s23+$0xFFFFFF00]  }
0x59: {  	v7 =	vmul.f32 v31, v4;
	v8 =	vmul.f32 v32, v4;
	v30 =	vld [tilespmem:s23+$0xFFFFFF80]  }
0x5a: {  	v9 =	vmul.f32 v33, v5;
	v10 =	vmul.f32 v13, v5;
	v31 =	vld [tilespmem:s23+$0x0]  }
0x5b: {  	s24 =	sadd.s32 $0x200, s24;
	v13 =	vmul.f32 v14, v6;
	v14 =	vmul.f32 v34, v6;
	v32 =	vld [tilespmem:s25+$0x0]  }
0x5c: {  	v33 =	vld [tilespmem:s23+$0x80]  }
0x5d: {  	v34 =	vld [tilespmem:s23+$0x10]  }
0x5e: {  	v35 =	vld [tilespmem:s23+$0x90]  }
0x5f: {  	v36 =	vld [tilespmem:s23+$0x20]  }
0x60: {  	v37 =	vld [tilespmem:s23+$0xA0]  }
0x61: {  	v38 =	vld [tilespmem:s23+$0x30];
	v27 =	vmul.f32 v27, v12  }
0x62: {  	v28 =	vmul.f32 v28, v15;
	v39 =	vld [tilespmem:s23+$0xB0];
	v21 =	vmul.f32 v21, v15  }
0x63: {  	v40 =	vld [tilespmem:s23+$0x40];
	v25 =	vmul.f32 v25, v20;
	v29 =	vmul.f32 v29, v32  }
0x64: {  	v62 =	vld [tilespmem:s23+$0xC0];
	v30 =	vmul.f32 v30, v32;
	v31 =	vmul.f32 v31, v32  }
0x65: {  	v24 =	vmul.f32 v24, v20;
	v63 =	vld [tilespmem:s23+$0xD0];
	v61 =	vmul.f32 v33, v32;
	v16 =	vadd.f32 v29, v16  }
0x66: {  	v29 =	vld [tilespmem:s23+$0x50];
	v19 =	vadd.f32 v30, v19;
	v30 =	vmul.f32 v34, v20;
	v17 =	vadd.f32 v31, v17  }
0x67: {  	v20 =	vmul.f32 v35, v20;
	v31 =	vld [tilespmem:s23+$0x60];
	v18 =	vadd.f32 v61, v18;
	v16 =	vadd.f32 v25, v16  }
0x68: {  	v19 =	vadd.f32 v24, v19;
	v24 =	vmul.f32 v36, v15;
	v25 =	vld [tilespmem:s23+$0xE0];
	v17 =	vadd.f32 v30, v17  }
0x69: {  	v15 =	vmul.f32 v37, v15;
	v18 =	vadd.f32 v20, v18;
	v20 =	vld [tilespmem:s23+$0x70];
	v16 =	vadd.f32 v28, v16  }
0x6a: {  	v19 =	vadd.f32 v21, v19;
	v21 =	vmul.f32 v38, v12;
	v28 =	vld [tilespmem:s23+$0xF0];
	v17 =	vadd.f32 v24, v17;
	[tilespmem:s17], [sflag:$0x1] =	stream.strided.gather [hbm4b:s6+s15], $0x8000, s16, s15, $0x38  }
0x6b: {  	v26 =	vmul.f32 v26, v12;
	v15 =	vadd.f32 v15, v18;
	_ =	swait.ge [sflag:s20], $0x8000  }
0x6c: {  	v18 =	vadd.f32 v27, v19;
	v19 =	vmul.f32 v40, v11;
	v17 =	vadd.f32 v21, v17;
	[sflag:s20] =	ssyncset.done $0x0  }
0x6d: {  	v22 =	vmul.f32 v22, v11;
	s23 =	simm.s32 $0x0;
	[sflag:s20] =	ssyncadd.s32 $0xFFFF8000  }
0x6e: {  	v12 =	vmul.f32 v39, v12;
	v16 =	vadd.f32 v26, v16;
	v17 =	vadd.f32 v19, v17;
	v19 =	vld [tilespmem:s23+$0xA060]  }
0x6f: {  	v23 =	vmul.f32 v23, v11;
	v21 =	vld [tilespmem:s23+$0xA0E0]  }
0x70: {  	v11 =	vmul.f32 v62, v11;
	v12 =	vadd.f32 v12, v15;
	v15 =	vadd.f32 v22, v16;
	v22 =	vld [tilespmem:s23+$0xA050]  }
0x71: {  	v16 =	vadd.f32 v23, v18;
	v18 =	vmul.f32 v29, v6;
	v29 =	vld [tilespmem:s23+$0xA040]  }
0x72: {  	v6 =	vmul.f32 v63, v6;
	v30 =	vld [tilespmem:s23+$0xA0C0];
	v11 =	vadd.f32 v11, v12  }
0x73: {  	s24 =	simm.s32 $0x40;
	v32 =	vld [tilespmem:s23+$0xA0B0];
	v13 =	vadd.f32 v13, v15;
	v14 =	vadd.f32 v14, v16;
	v15 =	vmul.f32 v31, v5  }
0x74: {  	v23 =	vld [tilespmem:s24+$0xFFFFFFE0];
	v17 =	vadd.f32 v18, v17;
	v5 =	vmul.f32 v25, v5;
	v6 =	vadd.f32 v6, v11  }
0x75: {  	v12 =	vld [tilespmem:s24+$0x30];
	v11 =	vmul.f32 v20, v4;
	v9 =	vadd.f32 v9, v13;
	v10 =	vadd.f32 v10, v14  }
0x76: {  	v16 =	vld [tilespmem:s23+$0xA070];
	v4 =	vmul.f32 v28, v4;
	v14 =	vadd.f32 v15, v17;
	v5 =	vadd.f32 v5, v6  }
0x77: {  	v18 =	vld [tilespmem:s23+$0xA0F0];
	v6 =	vadd.f32 v7, v9;
	v7 =	vadd.f32 v8, v10  }
0x78: {  	v34 =	vld [tilespmem:s23+$0xA020];
	v8 =	vadd.f32 v11, v14;
	v4 =	vadd.f32 v4, v5  }
0x79: {  	v33 =	vld [tilespmem:s23+$0xA0A0];
	v5 =	vperm.xlane v6, v0;
	v9 =	vperm.xlane v7, v0  }
0x7a: {  	v13 =	vld [tilespmem:s24+$0x20];
	v10 =	vperm.xlane v8, v0;
	v11 =	vperm.xlane v4, v0  }
0x7b: {  	v27 =	vld [tilespmem:s24+$0xFFFFFFD0];
	v15 =	vmul.f32 v16, v12;
	v5 =	vadd.f32 v5, v6;
	v6 =	vadd.f32 v9, v7  }
0x7c: {  	v35 =	vld [tilespmem:s23+$0xA010];
	v16 =	vmul.f32 v18, v12;
	v7 =	vadd.f32 v10, v8;
	v4 =	vadd.f32 v11, v4  }
0x7d: {  	v36 =	vld [tilespmem:s23+$0xA090];
	v8 =	vperm.xlane v5, v1;
	v9 =	vperm.xlane v6, v1  }
0x7e: {  	v14 =	vld [tilespmem:s24+$0x10];
	v10 =	vperm.xlane v7, v1;
	v11 =	vperm.xlane v4, v1  }
0x7f: {  	v25 =	vld [tilespmem:s23+$0xA0D0];
	v18 =	vmul.f32 v19, v13;
	v5 =	vadd.f32 v8, v5;
	v8 =	vadd.f32 v9, v6  }
0x80: {  	v37 =	vld [tilespmem:s24+$0xFFFFFFC0];
	v19 =	vmul.f32 v21, v13;
	v9 =	vadd.f32 v10, v7;
	v4 =	vadd.f32 v11, v4  }
0x81: {  	v24 =	vimm.f32 $0.0e+00;
	v31 =	vld [tilespmem:s23+$0xA030];
	v6 =	vperm.xlane v5, v2;
	v7 =	vperm.xlane v8, v2  }
0x82: {  	v26 =	vimm.f32 $0.0e+00;
	v17 =	vld [tilespmem:s24+$0x0];
	v10 =	vperm.xlane v9, v2;
	v11 =	vperm.xlane v4, v2  }
0x83: {  	v20 =	vld [tilespmem:s24+$0xFFFFFFF0];
	v21 =	vmul.f32 v22, v14;
	v6 =	vadd.f32 v6, v5;
	v7 =	vadd.f32 v7, v8  }
0x84: {  	v38 =	vld [tilespmem:s23+$0xA000];
	v22 =	vmul.f32 v25, v14;
	v5 =	vadd.f32 v10, v9;
	v4 =	vadd.f32 v11, v4  }
0x85: {  	v39 =	vld [tilespmem:s23+$0xA080];
	v28 =	vimm.f32 $0.0e+00;
	v10 =	vperm.xlane v6, v3;
	v11 =	vperm.xlane v7, v3  }
0x86: {  	s25 =	simm.s32 $0x800;
	v40 =	vld [tilespmem:s23+$0xA100];
	v25 =	vimm.f32 $0.0e+00;
	v9 =	vperm.xlane v5, v3;
	v8 =	vperm.xlane v4, v3  }
.LBB2_4:
0x87: {  	p0 =	sne.s32 s25, $0x1F800;
	v41 =	vld [tilespmem:s23+$0xA180];
	v29 =	vmul.f32 v29, v17;
	v30 =	vmul.f32 v30, v17  }
0x88: {  	v31 =	vmul.f32 v31, v20;
	v32 =	vmul.f32 v32, v20;
	v42 =	vld [tilespmem:s23+$0xA110]  }
0x89: {  	v34 =	vmul.f32 v34, v23;
	v33 =	vmul.f32 v33, v23;
	v43 =	vld [tilespmem:s23+$0xA190]  }
0x8a: {  	v35 =	vmul.f32 v35, v27;
	v36 =	vmul.f32 v36, v27;
	v44 =	vld [tilespmem:s23+$0xA120]  }
0x8b: {  	v38 =	vmul.f32 v38, v37;
	v39 =	vmul.f32 v39, v37;
	v45 =	vld [tilespmem:s23+$0xA1A0]  }
0x8c: {  	v40 =	vmul.f32 v40, v37;
	v37 =	vmul.f32 v41, v37;
	v41 =	vld [tilespmem:s23+$0xA130]  }
0x8d: {  	v24 =	vadd.f32 v38, v24;
	v28 =	vadd.f32 v39, v28;
	v38 =	vmul.f32 v42, v27;
	v39 =	vld [tilespmem:s23+$0xA1B0]  }
0x8e: {  	v25 =	vadd.f32 v40, v25;
	v26 =	vadd.f32 v37, v26;
	v27 =	vmul.f32 v43, v27;
	v37 =	vld [tilespmem:s23+$0xA140]  }
0x8f: {  	v24 =	vadd.f32 v35, v24;
	v28 =	vadd.f32 v36, v28;
	v35 =	vmul.f32 v44, v23;
	v36 =	vld [tilespmem:s23+$0xA1C0]  }
0x90: {  	v25 =	vadd.f32 v38, v25;
	v26 =	vadd.f32 v27, v26;
	v23 =	vmul.f32 v45, v23;
	v27 =	vld [tilespmem:s23+$0xA150]  }
0x91: {  	v24 =	vadd.f32 v34, v24;
	v28 =	vadd.f32 v33, v28;
	v33 =	vmul.f32 v41, v20;
	v34 =	vld [tilespmem:s23+$0xA1D0]  }
0x92: {  	v25 =	vadd.f32 v35, v25;
	v23 =	vadd.f32 v23, v26;
	v20 =	vmul.f32 v39, v20;
	v26 =	vld [tilespmem:s23+$0xA160]  }
0x93: {  	v24 =	vadd.f32 v31, v24;
	v28 =	vadd.f32 v32, v28;
	v31 =	vmul.f32 v37, v17;
	v32 =	vld [tilespmem:s23+$0xA1E0]  }
0x94: {  	v25 =	vadd.f32 v33, v25;
	v20 =	vadd.f32 v20, v23;
	v17 =	vmul.f32 v36, v17;
	v23 =	vld [tilespmem:s23+$0xA170]  }
0x95: {  	s24 =	sadd.s32 $0x80, s24;
	v24 =	vadd.f32 v29, v24;
	v28 =	vadd.f32 v30, v28;
	v27 =	vmul.f32 v27, v14;
	v29 =	vld [tilespmem:s23+$0xA1F0]  }
0x96: {  	s23 =	sshra.s32 s25, $0x2;
	v25 =	vadd.f32 v31, v25;
	v30 =	vld [tilespmem:s24+$0x30];
	v17 =	vadd.f32 v17, v20;
	v14 =	vmul.f32 v34, v14  }
0x97: {  	v20 =	vadd.f32 v21, v24;
	v21 =	vadd.f32 v22, v28;
	v39 =	vld [tilespmem:s23+$0xA070];
	v22 =	vmul.f32 v26, v13  }
0x98: {  	v24 =	vadd.f32 v27, v25;
	v40 =	vld [tilespmem:s23+$0xA0F0];
	v14 =	vadd.f32 v14, v17;
	v17 =	vmul.f32 v32, v13  }
0x99: {  	v18 =	vadd.f32 v18, v20;
	v19 =	vadd.f32 v19, v21;
	v13 =	vld [tilespmem:s24+$0x20];
	v20 =	vmul.f32 v23, v12  }
0x9a: {  	v22 =	vadd.f32 v22, v24;
	v21 =	vld [tilespmem:s23+$0xA060];
	v17 =	vadd.f32 v17, v14;
	v23 =	vmul.f32 v29, v12  }
0x9b: {  	v24 =	vadd.f32 v15, v18;
	v28 =	vadd.f32 v16, v19;
	v41 =	vld [tilespmem:s23+$0xA0E0];
	v12 =	vmov v30  }
0x9c: {  	v25 =	vadd.f32 v20, v22;
	v14 =	vld [tilespmem:s24+$0x10];
	v26 =	vadd.f32 v23, v17  }
0x9d: {  	v22 =	vld [tilespmem:s23+$0xA050]  }
0x9e: {  	v42 =	vld [tilespmem:s23+$0xA0D0]  }
0x9f: {  	v17 =	vld [tilespmem:s24+$0x0]  }
0xa0: {  	v29 =	vld [tilespmem:s23+$0xA040]  }
0xa1: {  	v30 =	vld [tilespmem:s23+$0xA0C0]  }
0xa2: {  	v20 =	vld [tilespmem:s24+$0xFFFFFFF0]  }
0xa3: {  	v31 =	vld [tilespmem:s23+$0xA030]  }
0xa4: {  	v32 =	vld [tilespmem:s23+$0xA0B0]  }
0xa5: {  	v23 =	vld [tilespmem:s24+$0xFFFFFFE0]  }
0xa6: {  	v34 =	vld [tilespmem:s23+$0xA020]  }
0xa7: {  	v33 =	vld [tilespmem:s23+$0xA0A0]  }
0xa8: {  	v27 =	vld [tilespmem:s24+$0xFFFFFFD0]  }
0xa9: {  	v35 =	vld [tilespmem:s23+$0xA010]  }
.Ltmp1:
0xaa: {  	v36 =	vld [tilespmem:s23+$0xA090];
	(pc) =	sbr.rel @p0 .LBB2_4-.Ltmp1, $4  }
0xab: {  	v37 =	vld [tilespmem:s24+$0xFFFFFFC0]  }
0xac: {  	v15 =	vmul.f32 v39, v12;
	v16 =	vmul.f32 v40, v12;
	v38 =	vld [tilespmem:s23+$0xA000]  }
0xad: {  	v18 =	vmul.f32 v21, v13;
	v19 =	vmul.f32 v41, v13;
	v39 =	vld [tilespmem:s23+$0xA080]  }
0xae: {  	s25 =	sadd.s32 $0x800, s25;
	v21 =	vmul.f32 v22, v14;
	v22 =	vmul.f32 v42, v14;
	v40 =	vld [tilespmem:s23+$0xA100]  }
0xaf: {  	v41 =	vld [tilespmem:s23+$0xA180]  }
0xb0: {  	v42 =	vld [tilespmem:s23+$0xA110]  }
0xb1: {  	v43 =	vld [tilespmem:s23+$0xA190]  }
0xb2: {  	v44 =	vld [tilespmem:s23+$0xA120]  }
0xb3: {  	v45 =	vld [tilespmem:s23+$0xA1A0]  }
0xb4: {  	v46 =	vld [tilespmem:s23+$0xA130]  }
0xb5: {  	v29 =	vmul.f32 v29, v17;
	v31 =	vmul.f32 v31, v20;
	v47 =	vld [tilespmem:s23+$0xA1B0]  }
0xb6: {  	v32 =	vmul.f32 v32, v20;
	v34 =	vmul.f32 v34, v23;
	v48 =	vld [tilespmem:s23+$0xA140]  }
0xb7: {  	v54 =	vld [tilespmem:s23+$0xA1C0];
	v33 =	vmul.f32 v33, v23;
	v38 =	vmul.f32 v38, v37  }
0xb8: {  	v35 =	vmul.f32 v35, v27;
	v55 =	vld [tilespmem:s23+$0xA150];
	v39 =	vmul.f32 v39, v37  }
0xb9: {  	v36 =	vmul.f32 v36, v27;
	v57 =	vld [tilespmem:s23+$0xA1D0];
	v24 =	vadd.f32 v38, v24;
	v53 =	vmul.f32 v41, v37  }
0xba: {  	v58 =	vld [tilespmem:s23+$0xA160];
	v40 =	vmul.f32 v40, v37;
	v28 =	vadd.f32 v39, v28;
	v56 =	vmul.f32 v42, v27  }
0xbb: {  	v60 =	vld [tilespmem:s23+$0xA1E0];
	v27 =	vmul.f32 v43, v27;
	v24 =	vadd.f32 v35, v24;
	v26 =	vadd.f32 v53, v26  }
0xbc: {  	v62 =	vld [tilespmem:s23+$0xA1F0];
	v59 =	vmul.f32 v44, v23;
	v25 =	vadd.f32 v40, v25;
	v28 =	vadd.f32 v36, v28  }
0xbd: {  	v23 =	vmul.f32 v45, v23;
	v24 =	vadd.f32 v34, v24;
	v26 =	vadd.f32 v27, v26;
	v27 =	vld [tilespmem:s23+$0xA170];
	[tilespmem:s18], [sflag:$0x2] =	stream.strided.gather [hbm4b:s7+s15], $0x8000, s16, s15, $0x38  }
0xbe: {  	v61 =	vmul.f32 v46, v20;
	v25 =	vadd.f32 v56, v25;
	v28 =	vadd.f32 v33, v28;
	_ =	swait.ge [sflag:s19], $0x8000  }
0xbf: {  	v20 =	vmul.f32 v47, v20;
	v24 =	vadd.f32 v31, v24;
	v23 =	vadd.f32 v23, v26;
	[sflag:s19] =	ssyncset.done $0x0  }
0xc0: {  	v30 =	vmul.f32 v30, v17;
	s23 =	simm.s32 $0x2100;
	v25 =	vadd.f32 v59, v25;
	v26 =	vadd.f32 v32, v28;
	[sflag:s19] =	ssyncadd.s32 $0xFFFF8000  }
0xc1: {  	v20 =	vadd.f32 v20, v23;
	v23 =	vadd.f32 v29, v24;
	v29 =	vld [tilespmem:s23+$0xFFFFFF70]  }
0xc2: {  	v24 =	vadd.f32 v30, v26;
	v30 =	vld [tilespmem:s23+$0xFFFFFF50]  }
0xc3: {  	v28 =	vmul.f32 v48, v17;
	v17 =	vmul.f32 v54, v17;
	v25 =	vadd.f32 v61, v25;
	v63 =	vld [tilespmem:s23+$0xFFFFFFD0]  }
0xc4: {  	v26 =	vmul.f32 v55, v14;
	v36 =	vld [tilespmem:s23+$0xFFFFFF40]  }
0xc5: {  	v14 =	vmul.f32 v57, v14;
	v38 =	vld [tilespmem:s23+$0xFFFFFFC0];
	v25 =	vadd.f32 v28, v25;
	v17 =	vadd.f32 v17, v20  }
0xc6: {  	v39 =	vld [tilespmem:s23+$0xFFFFFF30];
	v21 =	vadd.f32 v21, v23;
	v22 =	vadd.f32 v22, v24;
	v23 =	vmul.f32 v58, v13  }
0xc7: {  	v40 =	vld [tilespmem:s23+$0xFFFFFFB0];
	v13 =	vmul.f32 v60, v13;
	v25 =	vadd.f32 v26, v25;
	v14 =	vadd.f32 v14, v17  }
0xc8: {  	s24 =	simm.s32 $0x0;
	v42 =	vld [tilespmem:s23+$0xFFFFFF20];
	v17 =	vadd.f32 v18, v21;
	v18 =	vadd.f32 v19, v22;
	v19 =	vmul.f32 v27, v12  }
0xc9: {  	v20 =	vld [tilespmem:s24+$0x70];
	v12 =	vmul.f32 v62, v12;
	v21 =	vadd.f32 v23, v25;
	v13 =	vadd.f32 v13, v14  }
0xca: {  	v24 =	vld [tilespmem:s23+$0xFFFFFFF0];
	v14 =	vadd.f32 v15, v17;
	v15 =	vadd.f32 v16, v18  }
0xcb: {  	v41 =	vld [tilespmem:s23+$0xFFFFFFA0];
	v16 =	vadd.f32 v19, v21;
	v12 =	vadd.f32 v12, v13  }
0xcc: {  	v26 =	vld [tilespmem:s23+$0xFFFFFF60];
	v13 =	vperm.xlane v14, v0;
	v17 =	vperm.xlane v15, v0  }
0xcd: {  	v22 =	vld [tilespmem:s24+$0x60];
	v18 =	vperm.xlane v16, v0;
	v19 =	vperm.xlane v12, v0  }
0xce: {  	v27 =	vld [tilespmem:s23+$0xFFFFFFE0];
	v23 =	vmul.f32 v29, v20;
	v13 =	vadd.f32 v13, v14;
	v14 =	vadd.f32 v17, v15  }
0xcf: {  	v31 =	vld [tilespmem:s24+$0x20];
	v24 =	vmul.f32 v24, v20;
	v15 =	vadd.f32 v18, v16;
	v12 =	vadd.f32 v19, v12  }
0xd0: {  	v43 =	vld [tilespmem:s23+$0xFFFFFF10];
	v16 =	vperm.xlane v13, v1;
	v17 =	vperm.xlane v14, v1  }
0xd1: {  	v21 =	vld [tilespmem:s24+$0x50];
	v18 =	vperm.xlane v15, v1;
	v19 =	vperm.xlane v12, v1  }
0xd2: {  	v44 =	vld [tilespmem:s23+$0xFFFFFF90];
	v26 =	vmul.f32 v26, v22;
	v13 =	vadd.f32 v16, v13;
	v14 =	vadd.f32 v17, v14  }
0xd3: {  	v37 =	vld [tilespmem:s24+$0x10];
	v27 =	vmul.f32 v27, v22;
	v15 =	vadd.f32 v18, v15;
	v12 =	vadd.f32 v19, v12  }
0xd4: {  	v35 =	vimm.f32 $0.0e+00;
	v45 =	vld [tilespmem:s23+$0xFFFFFF00];
	v16 =	vperm.xlane v13, v2;
	v17 =	vperm.xlane v14, v2  }
0xd5: {  	v34 =	vimm.f32 $0.0e+00;
	v25 =	vld [tilespmem:s24+$0x40];
	v18 =	vperm.xlane v15, v2;
	v19 =	vperm.xlane v12, v2  }
0xd6: {  	v28 =	vld [tilespmem:s24+$0x30];
	v29 =	vmul.f32 v30, v21;
	v16 =	vadd.f32 v16, v13;
	v14 =	vadd.f32 v17, v14  }
0xd7: {  	v46 =	vld [tilespmem:s23+$0xFFFFFF80];
	v30 =	vmul.f32 v63, v21;
	v13 =	vadd.f32 v18, v15;
	v12 =	vadd.f32 v19, v12  }
0xd8: {  	v33 =	vimm.f32 $0.0e+00;
	v47 =	vld [tilespmem:s23+$0x0];
	v19 =	vperm.xlane v16, v3;
	v18 =	vperm.xlane v14, v3  }
0xd9: {  	v32 =	vimm.f32 $0.0e+00;
	v48 =	vld [tilespmem:s24+$0x0];
	s24 =	simm.s32 $0x200;
	v17 =	vperm.xlane v13, v3;
	v15 =	vperm.xlane v12, v3  }
.LBB2_6:
0xda: {  	p0 =	sne.s32 s24, $0x7E00;
	v49 =	vld [tilespmem:s23+$0x80];
	v36 =	vmul.f32 v36, v25;
	v38 =	vmul.f32 v38, v25  }
0xdb: {  	v39 =	vmul.f32 v39, v28;
	v40 =	vmul.f32 v40, v28;
	v50 =	vld [tilespmem:s23+$0x10]  }
0xdc: {  	v42 =	vmul.f32 v42, v31;
	v41 =	vmul.f32 v41, v31;
	v51 =	vld [tilespmem:s23+$0x90]  }
0xdd: {  	v43 =	vmul.f32 v43, v37;
	v44 =	vmul.f32 v44, v37;
	v52 =	vld [tilespmem:s23+$0x20]  }
0xde: {  	v45 =	vmul.f32 v45, v48;
	v46 =	vmul.f32 v46, v48;
	v53 =	vld [tilespmem:s23+$0xA0]  }
0xdf: {  	v47 =	vmul.f32 v47, v48;
	v48 =	vmul.f32 v49, v48;
	v49 =	vld [tilespmem:s23+$0x30]  }
0xe0: {  	v32 =	vadd.f32 v45, v32;
	v35 =	vadd.f32 v46, v35;
	v45 =	vmul.f32 v50, v37;
	v46 =	vld [tilespmem:s23+$0xB0]  }
0xe1: {  	v33 =	vadd.f32 v47, v33;
	v34 =	vadd.f32 v48, v34;
	v37 =	vmul.f32 v51, v37;
	v47 =	vld [tilespmem:s23+$0x40]  }
0xe2: {  	v32 =	vadd.f32 v43, v32;
	v35 =	vadd.f32 v44, v35;
	v43 =	vmul.f32 v52, v31;
	v44 =	vld [tilespmem:s23+$0xC0]  }
0xe3: {  	v33 =	vadd.f32 v45, v33;
	v34 =	vadd.f32 v37, v34;
	v31 =	vmul.f32 v53, v31;
	v37 =	vld [tilespmem:s23+$0x50]  }
0xe4: {  	v32 =	vadd.f32 v42, v32;
	v35 =	vadd.f32 v41, v35;
	v41 =	vmul.f32 v49, v28;
	v42 =	vld [tilespmem:s23+$0xD0]  }
0xe5: {  	v33 =	vadd.f32 v43, v33;
	v31 =	vadd.f32 v31, v34;
	v28 =	vmul.f32 v46, v28;
	v34 =	vld [tilespmem:s23+$0x60]  }
0xe6: {  	v32 =	vadd.f32 v39, v32;
	v35 =	vadd.f32 v40, v35;
	v39 =	vmul.f32 v47, v25;
	v40 =	vld [tilespmem:s23+$0xE0]  }
0xe7: {  	v33 =	vadd.f32 v41, v33;
	v28 =	vadd.f32 v28, v31;
	v25 =	vmul.f32 v44, v25;
	v31 =	vld [tilespmem:s23+$0x70]  }
0xe8: {  	v32 =	vadd.f32 v36, v32;
	v35 =	vadd.f32 v38, v35;
	v36 =	vmul.f32 v37, v21;
	v37 =	vld [tilespmem:s23+$0xF0];
	s23 =	sadd.s32 $0x200, s23  }
0xe9: {  	v33 =	vadd.f32 v39, v33;
	v47 =	vld [tilespmem:s23+$0xFFFFFF70];
	v25 =	vadd.f32 v25, v28;
	v21 =	vmul.f32 v42, v21  }
0xea: {  	s25 =	sshra.s32 s24, $0x2;
	v48 =	vld [tilespmem:s23+$0xFFFFFFF0];
	v28 =	vadd.f32 v29, v32;
	v29 =	vadd.f32 v30, v35;
	v30 =	vmul.f32 v34, v22  }
0xeb: {  	v32 =	vadd.f32 v36, v33;
	v38 =	vld [tilespmem:s25+$0x70];
	v21 =	vadd.f32 v21, v25;
	v22 =	vmul.f32 v40, v22  }
0xec: {  	v49 =	vld [tilespmem:s23+$0xFFFFFF60];
	v25 =	vadd.f32 v26, v28;
	v26 =	vadd.f32 v27, v29;
	v27 =	vmul.f32 v31, v20  }
0xed: {  	v28 =	vadd.f32 v30, v32;
	v29 =	vld [tilespmem:s23+$0xFFFFFFE0];
	v21 =	vadd.f32 v22, v21;
	v31 =	vmul.f32 v37, v20  }
0xee: {  	v22 =	vld [tilespmem:s25+$0x60];
	v32 =	vadd.f32 v23, v25;
	v35 =	vadd.f32 v24, v26  }
0xef: {  	v33 =	vadd.f32 v27, v28;
	v30 =	vld [tilespmem:s23+$0xFFFFFF50];
	v34 =	vadd.f32 v31, v21  }
0xf0: {  	v50 =	vld [tilespmem:s23+$0xFFFFFFD0];
	v20 =	vmov v38  }
0xf1: {  	v21 =	vld [tilespmem:s25+$0x50]  }
0xf2: {  	v36 =	vld [tilespmem:s23+$0xFFFFFF40]  }
0xf3: {  	v38 =	vld [tilespmem:s23+$0xFFFFFFC0]  }
0xf4: {  	v25 =	vld [tilespmem:s25+$0x40]  }
0xf5: {  	v39 =	vld [tilespmem:s23+$0xFFFFFF30]  }
0xf6: {  	v40 =	vld [tilespmem:s23+$0xFFFFFFB0]  }
0xf7: {  	v28 =	vld [tilespmem:s25+$0x30]  }
0xf8: {  	v42 =	vld [tilespmem:s23+$0xFFFFFF20]  }
0xf9: {  	v41 =	vld [tilespmem:s23+$0xFFFFFFA0]  }
0xfa: {  	v31 =	vld [tilespmem:s25+$0x20]  }
0xfb: {  	v43 =	vld [tilespmem:s23+$0xFFFFFF10]  }
0xfc: {  	v44 =	vld [tilespmem:s23+$0xFFFFFF90]  }
.Ltmp2:
0xfd: {  	v37 =	vld [tilespmem:s25+$0x10];
	(pc) =	sbr.rel @p0 .LBB2_6-.Ltmp2, $4  }
0xfe: {  	v45 =	vld [tilespmem:s23+$0xFFFFFF00]  }
0xff: {  	v23 =	vmul.f32 v47, v20;
	v24 =	vmul.f32 v48, v20;
	v46 =	vld [tilespmem:s23+$0xFFFFFF80]  }
0x100: {  	v26 =	vmul.f32 v49, v22;
	v27 =	vmul.f32 v29, v22;
	v47 =	vld [tilespmem:s23+$0x0]  }
0x101: {  	s24 =	sadd.s32 $0x200, s24;
	v29 =	vmul.f32 v30, v21;
	v30 =	vmul.f32 v50, v21;
	v48 =	vld [tilespmem:s25+$0x0]  }
0x102: {  	v49 =	vld [tilespmem:s23+$0x80]  }
0x103: {  	v50 =	vld [tilespmem:s23+$0x10]  }
0x104: {  	v51 =	vld [tilespmem:s23+$0x90]  }
0x105: {  	v52 =	vld [tilespmem:s23+$0x20]  }
0x106: {  	v53 =	vld [tilespmem:s23+$0xA0]  }
0x107: {  	v54 =	vld [tilespmem:s23+$0x30]  }
0x108: {  	v36 =	vmul.f32 v36, v25;
	v55 =	vld [tilespmem:s23+$0xB0]  }
0x109: {  	v39 =	vmul.f32 v39, v28;
	v40 =	vmul.f32 v40, v28;
	v56 =	vld [tilespmem:s23+$0x40]  }
0x10a: {  	v42 =	vmul.f32 v42, v31;
	v41 =	vmul.f32 v41, v31;
	v57 =	vld [tilespmem:s23+$0x50]  }
0x10b: {  	v43 =	vmul.f32 v43, v37;
	v44 =	vmul.f32 v44, v37;
	v59 =	vld [tilespmem:s23+$0xD0]  }
0x10c: {  	v61 =	vld [tilespmem:s23+$0x60];
	v45 =	vmul.f32 v45, v48;
	v46 =	vmul.f32 v46, v48  }
0x10d: {  	v47 =	vmul.f32 v47, v48;
	v63 =	vmul.f32 v49, v48;
	v49 =	vld [tilespmem:s23+$0xC0]  }
0x10e: {  	v58 =	vmul.f32 v50, v37;
	v60 =	vmul.f32 v51, v37;
	v48 =	vld [tilespmem:s23+$0x70]  }
0x10f: {  	v62 =	vmul.f32 v52, v31;
	v52 =	vld [tilespmem:s23+$0xF0];
	v32 =	vadd.f32 v45, v32;
	v35 =	vadd.f32 v46, v35  }
0x110: {  	v31 =	vmul.f32 v53, v31;
	v33 =	vadd.f32 v47, v33;
	v34 =	vadd.f32 v63, v34;
	v63 =	vld [tilespmem:s23+$0xE0];
	[tilespmem:s17], [sflag:$0x1] =	stream.strided.gather [hbm4b:s8+s15], $0x8000, s16, s15, $0x38  }
0x111: {  	v51 =	vmul.f32 v54, v28;
	v32 =	vadd.f32 v43, v32;
	v35 =	vadd.f32 v44, v35;
	_ =	swait.ge [sflag:s20], $0x8000  }
0x112: {  	v28 =	vmul.f32 v55, v28;
	v33 =	vadd.f32 v58, v33;
	v34 =	vadd.f32 v60, v34;
	[sflag:s20] =	ssyncset.done $0x0  }
0x113: {  	v54 =	vmul.f32 v56, v25;
	s23 =	simm.s32 $0x0;
	v32 =	vadd.f32 v42, v32;
	v35 =	vadd.f32 v41, v35;
	[sflag:s20] =	ssyncadd.s32 $0xFFFF8000  }
0x114: {  	v56 =	vmul.f32 v57, v21;
	v33 =	vadd.f32 v62, v33;
	v31 =	vadd.f32 v31, v34;
	v57 =	vld [tilespmem:s23+$0xA070]  }
0x115: {  	v38 =	vmul.f32 v38, v25;
	v58 =	vld [tilespmem:s23+$0xA0F0];
	v32 =	vadd.f32 v39, v32;
	v53 =	vadd.f32 v40, v35  }
0x116: {  	v25 =	vmul.f32 v49, v25;
	v60 =	vld [tilespmem:s23+$0xA0E0];
	v33 =	vadd.f32 v51, v33;
	v28 =	vadd.f32 v28, v31  }
0x117: {  	v62 =	vld [tilespmem:s23+$0xA0D0];
	v31 =	vadd.f32 v36, v32;
	v55 =	vadd.f32 v38, v53  }
0x118: {  	v45 =	vld [tilespmem:s23+$0xA040];
	v33 =	vadd.f32 v54, v33;
	v25 =	vadd.f32 v25, v28;
	v28 =	vmul.f32 v59, v21  }
0x119: {  	v46 =	vld [tilespmem:s23+$0xA0C0];
	v29 =	vadd.f32 v29, v31;
	v30 =	vadd.f32 v30, v55;
	v31 =	vmul.f32 v61, v22  }
0x11a: {  	v47 =	vld [tilespmem:s23+$0xA030];
	v33 =	vadd.f32 v56, v33;
	v22 =	vmul.f32 v63, v22;
	v25 =	vadd.f32 v28, v25  }
0x11b: {  	s24 =	simm.s32 $0x40;
	v49 =	vld [tilespmem:s23+$0xA020];
	v26 =	vadd.f32 v26, v29;
	v28 =	vadd.f32 v27, v30;
	v29 =	vmul.f32 v48, v20  }
0x11c: {  	v21 =	vld [tilespmem:s24+$0x30];
	v30 =	vadd.f32 v31, v33;
	v20 =	vmul.f32 v52, v20;
	v22 =	vadd.f32 v22, v25  }
0x11d: {  	v43 =	vld [tilespmem:s24+$0xFFFFFFD0];
	v23 =	vadd.f32 v23, v26;
	v24 =	vadd.f32 v24, v28  }
0x11e: {  	v50 =	vld [tilespmem:s24+$0xFFFFFFC0];
	v25 =	vadd.f32 v29, v30;
	v20 =	vadd.f32 v20, v22  }
0x11f: {  	v59 =	vld [tilespmem:s23+$0xA060];
	v22 =	vperm.xlane v23, v0;
	v26 =	vperm.xlane v24, v0  }
0x120: {  	v27 =	vld [tilespmem:s24+$0x20];
	v28 =	vperm.xlane v25, v0;
	v29 =	vperm.xlane v20, v0  }
0x121: {  	v39 =	vld [tilespmem:s24+$0xFFFFFFE0];
	v33 =	vmul.f32 v57, v21;
	v22 =	vadd.f32 v22, v23;
	v23 =	vadd.f32 v26, v24  }
0x122: {  	v51 =	vld [tilespmem:s23+$0xA0A0];
	v32 =	vmul.f32 v58, v21;
	v24 =	vadd.f32 v28, v25;
	v20 =	vadd.f32 v29, v20  }
0x123: {  	v61 =	vld [tilespmem:s23+$0xA050];
	v25 =	vperm.xlane v22, v1;
	v26 =	vperm.xlane v23, v1  }
0x124: {  	v30 =	vld [tilespmem:s24+$0x10];
	v28 =	vperm.xlane v24, v1;
	v29 =	vperm.xlane v20, v1  }
0x125: {  	v36 =	vld [tilespmem:s24+$0xFFFFFFF0];
	v34 =	vmul.f32 v59, v27;
	v22 =	vadd.f32 v25, v22;
	v23 =	vadd.f32 v26, v23  }
0x126: {  	v53 =	vld [tilespmem:s23+$0xA010];
	v35 =	vmul.f32 v60, v27;
	v24 =	vadd.f32 v28, v24;
	v20 =	vadd.f32 v29, v20  }
0x127: {  	v44 =	vimm.f32 $0.0e+00;
	v54 =	vld [tilespmem:s23+$0xA000];
	v25 =	vperm.xlane v22, v2;
	v26 =	vperm.xlane v23, v2  }
0x128: {  	v41 =	vimm.f32 $0.0e+00;
	v31 =	vld [tilespmem:s24+$0x0];
	v29 =	vperm.xlane v24, v2;
	v63 =	vperm.xlane v20, v2  }
0x129: {  	v48 =	vld [tilespmem:s23+$0xA0B0];
	v37 =	vmul.f32 v61, v30;
	v28 =	vadd.f32 v25, v22;
	v25 =	vadd.f32 v26, v23  }
0x12a: {  	v55 =	vld [tilespmem:s23+$0xA080];
	v38 =	vmul.f32 v62, v30;
	v23 =	vadd.f32 v29, v24;
	v20 =	vadd.f32 v63, v20  }
0x12b: {  	v42 =	vimm.f32 $0.0e+00;
	v52 =	vld [tilespmem:s23+$0xA090];
	v29 =	vperm.xlane v28, v3;
	v26 =	vperm.xlane v25, v3  }
0x12c: {  	s25 =	simm.s32 $0x800;
	v40 =	vimm.f32 $0.0e+00;
	v56 =	vld [tilespmem:s23+$0xA100];
	v24 =	vperm.xlane v23, v3;
	v22 =	vperm.xlane v20, v3  }
.LBB2_8:
0x12d: {  	p0 =	sne.s32 s25, $0x1F800;
	v57 =	vld [tilespmem:s23+$0xA180];
	v45 =	vmul.f32 v45, v31;
	v46 =	vmul.f32 v46, v31  }
0x12e: {  	v47 =	vmul.f32 v47, v36;
	v48 =	vmul.f32 v48, v36;
	v58 =	vld [tilespmem:s23+$0xA110]  }
0x12f: {  	v49 =	vmul.f32 v49, v39;
	v51 =	vmul.f32 v51, v39;
	v59 =	vld [tilespmem:s23+$0xA190]  }
0x130: {  	v53 =	vmul.f32 v53, v43;
	v52 =	vmul.f32 v52, v43;
	v60 =	vld [tilespmem:s23+$0xA120]  }
0x131: {  	v54 =	vmul.f32 v54, v50;
	v55 =	vmul.f32 v55, v50;
	v61 =	vld [tilespmem:s23+$0xA1A0]  }
0x132: {  	v56 =	vmul.f32 v56, v50;
	v50 =	vmul.f32 v57, v50;
	v57 =	vld [tilespmem:s23+$0xA130]  }
0x133: {  	v40 =	vadd.f32 v54, v40;
	v44 =	vadd.f32 v55, v44;
	v54 =	vmul.f32 v58, v43;
	v55 =	vld [tilespmem:s23+$0xA1B0]  }
0x134: {  	v41 =	vadd.f32 v56, v41;
	v42 =	vadd.f32 v50, v42;
	v43 =	vmul.f32 v59, v43;
	v50 =	vld [tilespmem:s23+$0xA140]  }
0x135: {  	v40 =	vadd.f32 v53, v40;
	v44 =	vadd.f32 v52, v44;
	v52 =	vmul.f32 v60, v39;
	v53 =	vld [tilespmem:s23+$0xA1C0]  }
0x136: {  	v41 =	vadd.f32 v54, v41;
	v42 =	vadd.f32 v43, v42;
	v39 =	vmul.f32 v61, v39;
	v43 =	vld [tilespmem:s23+$0xA150]  }
0x137: {  	v40 =	vadd.f32 v49, v40;
	v44 =	vadd.f32 v51, v44;
	v49 =	vmul.f32 v57, v36;
	v51 =	vld [tilespmem:s23+$0xA1D0]  }
0x138: {  	v41 =	vadd.f32 v52, v41;
	v39 =	vadd.f32 v39, v42;
	v36 =	vmul.f32 v55, v36;
	v42 =	vld [tilespmem:s23+$0xA160]  }
0x139: {  	v40 =	vadd.f32 v47, v40;
	v44 =	vadd.f32 v48, v44;
	v47 =	vmul.f32 v50, v31;
	v48 =	vld [tilespmem:s23+$0xA1E0]  }
0x13a: {  	v41 =	vadd.f32 v49, v41;
	v36 =	vadd.f32 v36, v39;
	v31 =	vmul.f32 v53, v31;
	v39 =	vld [tilespmem:s23+$0xA170]  }
0x13b: {  	s24 =	sadd.s32 $0x80, s24;
	v40 =	vadd.f32 v45, v40;
	v44 =	vadd.f32 v46, v44;
	v43 =	vmul.f32 v43, v30;
	v45 =	vld [tilespmem:s23+$0xA1F0]  }
0x13c: {  	s23 =	sshra.s32 s25, $0x2;
	v41 =	vadd.f32 v47, v41;
	v46 =	vld [tilespmem:s24+$0x30];
	v31 =	vadd.f32 v31, v36;
	v30 =	vmul.f32 v51, v30  }
0x13d: {  	v36 =	vadd.f32 v37, v40;
	v37 =	vadd.f32 v38, v44;
	v55 =	vld [tilespmem:s23+$0xA070];
	v38 =	vmul.f32 v42, v27  }
0x13e: {  	v40 =	vadd.f32 v43, v41;
	v56 =	vld [tilespmem:s23+$0xA0F0];
	v30 =	vadd.f32 v30, v31;
	v31 =	vmul.f32 v48, v27  }
0x13f: {  	v34 =	vadd.f32 v34, v36;
	v35 =	vadd.f32 v35, v37;
	v27 =	vld [tilespmem:s24+$0x20];
	v36 =	vmul.f32 v39, v21  }
0x140: {  	v38 =	vadd.f32 v38, v40;
	v37 =	vld [tilespmem:s23+$0xA060];
	v31 =	vadd.f32 v31, v30;
	v39 =	vmul.f32 v45, v21  }
0x141: {  	v40 =	vadd.f32 v33, v34;
	v44 =	vadd.f32 v32, v35;
	v57 =	vld [tilespmem:s23+$0xA0E0];
	v21 =	vmov v46  }
0x142: {  	v41 =	vadd.f32 v36, v38;
	v30 =	vld [tilespmem:s24+$0x10];
	v42 =	vadd.f32 v39, v31  }
0x143: {  	v38 =	vld [tilespmem:s23+$0xA050]  }
0x144: {  	v58 =	vld [tilespmem:s23+$0xA0D0]  }
0x145: {  	v31 =	vld [tilespmem:s24+$0x0]  }
0x146: {  	v45 =	vld [tilespmem:s23+$0xA040]  }
0x147: {  	v46 =	vld [tilespmem:s23+$0xA0C0]  }
0x148: {  	v36 =	vld [tilespmem:s24+$0xFFFFFFF0]  }
0x149: {  	v47 =	vld [tilespmem:s23+$0xA030]  }
0x14a: {  	v48 =	vld [tilespmem:s23+$0xA0B0]  }
0x14b: {  	v39 =	vld [tilespmem:s24+$0xFFFFFFE0]  }
0x14c: {  	v49 =	vld [tilespmem:s23+$0xA020]  }
0x14d: {  	v51 =	vld [tilespmem:s23+$0xA0A0]  }
0x14e: {  	v43 =	vld [tilespmem:s24+$0xFFFFFFD0]  }
0x14f: {  	v53 =	vld [tilespmem:s23+$0xA010]  }
.Ltmp3:
0x150: {  	v52 =	vld [tilespmem:s23+$0xA090];
	(pc) =	sbr.rel @p0 .LBB2_8-.Ltmp3, $4  }
0x151: {  	v50 =	vld [tilespmem:s24+$0xFFFFFFC0]  }
0x152: {  	v33 =	vmul.f32 v55, v21;
	v32 =	vmul.f32 v56, v21;
	v54 =	vld [tilespmem:s23+$0xA000]  }
0x153: {  	v34 =	vmul.f32 v37, v27;
	v35 =	vmul.f32 v57, v27;
	v55 =	vld [tilespmem:s23+$0xA080]  }
0x154: {  	s25 =	sadd.s32 $0x800, s25;
	v37 =	vmul.f32 v38, v30;
	v38 =	vmul.f32 v58, v30;
	v56 =	vld [tilespmem:s23+$0xA100]  }
0x155: {  	v45 =	vmul.f32 v45, v31  }
0x156: {  	v46 =	vmul.f32 v46, v31;
	v47 =	vmul.f32 v47, v36  }
0x157: {  	v57 =	vld [tilespmem:s23+$0xA180];
	v48 =	vmul.f32 v48, v36;
	v49 =	vmul.f32 v49, v39  }
0x158: {  	v58 =	vld [tilespmem:s23+$0xA110];
	v51 =	vmul.f32 v51, v39;
	v6 =	vadd.f32 v10, v6;
	v7 =	vadd.f32 v11, v7  }
0x159: {  	v59 =	vld [tilespmem:s23+$0xA190];
	v53 =	vmul.f32 v53, v43;
	v52 =	vmul.f32 v52, v43;
	v5 =	vadd.f32 v9, v5  }
0x15a: {  	v4 =	vadd.f32 v8, v4;
	v54 =	vmul.f32 v54, v50;
	v6 =	vsel vm3, v6, v7  }
0x15b: {  	v60 =	vld [tilespmem:s23+$0xA120];
	v55 =	vmul.f32 v55, v50;
	v5 =	vsel vm4, v6, v5;
	v6 =	vadd.f32 v19, v16  }
0x15c: {  	v61 =	vld [tilespmem:s23+$0xA1A0];
	v56 =	vmul.f32 v56, v50;
	v40 =	vadd.f32 v54, v40;
	v4 =	vsel vm5, v5, v4  }
0x15d: {  	v5 =	vadd.f32 v18, v14;
	v63 =	vmul.f32 v57, v50;
	v57 =	vld [tilespmem:s23+$0xA130];
	v44 =	vadd.f32 v55, v44  }
0x15e: {  	v58 =	vmul.f32 v58, v43;
	v55 =	vld [tilespmem:s23+$0xA1B0];
	v62 =	vmul.f32 v59, v43;
	v41 =	vadd.f32 v56, v41  }
0x15f: {  	v50 =	vld [tilespmem:s23+$0xA140];
	v4 =	vsel vm6, v4, v6;
	v40 =	vadd.f32 v53, v40;
	v42 =	vadd.f32 v63, v42  }
0x160: {  	v53 =	vld [tilespmem:s23+$0xA1C0];
	v44 =	vadd.f32 v52, v44;
	v63 =	vmul.f32 v60, v39;
	v41 =	vadd.f32 v58, v41  }
0x161: {  	v56 =	vmul.f32 v61, v39;
	v58 =	vld [tilespmem:s23+$0xA150];
	v40 =	vadd.f32 v49, v40;
	v42 =	vadd.f32 v62, v42  }
0x162: {  	v60 =	vld [tilespmem:s23+$0xA1D0];
	v44 =	vadd.f32 v51, v44;
	v59 =	vmul.f32 v57, v36;
	v41 =	vadd.f32 v63, v41  }
0x163: {  	v62 =	vld [tilespmem:s23+$0xA160];
	v61 =	vmul.f32 v55, v36;
	v40 =	vadd.f32 v47, v40;
	v39 =	vadd.f32 v56, v42  }
0x164: {  	v52 =	vld [tilespmem:s23+$0xA1E0];
	v63 =	vmul.f32 v50, v31;
	v44 =	vadd.f32 v48, v44;
	v41 =	vadd.f32 v59, v41  }
0x165: {  	v31 =	vmul.f32 v53, v31;
	v54 =	vadd.f32 v45, v40;
	v36 =	vadd.f32 v61, v39  }
0x166: {  	v55 =	vld [tilespmem:s23+$0xA170];
	v44 =	vadd.f32 v46, v44;
	v43 =	vmul.f32 v58, v30;
	v41 =	vadd.f32 v63, v41  }
0x167: {  	v56 =	vld [tilespmem:s23+$0xA1F0];
	v30 =	vmul.f32 v60, v30;
	v57 =	vadd.f32 v37, v54;
	v31 =	vadd.f32 v31, v36  }
0x168: {  	v59 =	vmul.f32 v62, v27;
	v58 =	vadd.f32 v38, v44;
	v60 =	vadd.f32 v43, v41  }
0x169: {  	v27 =	vmul.f32 v52, v27;
	v30 =	vadd.f32 v30, v31;
	v31 =	vadd.f32 v34, v57  }
0x16a: {  	v4 =	vsel vm7, v4, v5;
	v61 =	vadd.f32 v35, v58;
	v62 =	vadd.f32 v59, v60  }
0x16b: {  	v63 =	vmul.f32 v55, v21;
	v27 =	vadd.f32 v27, v30;
	v30 =	vadd.f32 v33, v31  }
0x16c: {  	v5 =	vadd.f32 v17, v13;
	v21 =	vmul.f32 v56, v21;
	v10 =	vadd.f32 v32, v61  }
0x16d: {  	v8 =	vadd.f32 v15, v12;
	v7 =	vadd.f32 v63, v62;
	v9 =	vperm.xlane v30, v0  }
0x16e: {  	v4 =	vsel vm0, v4, v5;
	v6 =	vadd.f32 v21, v27;
	v5 =	vperm.xlane v10, v0  }
0x16f: {  	v4 =	vsel vm2, v4, v8;
	v8 =	vadd.f32 v9, v30;
	v9 =	vperm.xlane v7, v0  }
0x170: {  	v11 =	vadd.f32 v29, v28;
	v5 =	vadd.f32 v5, v10;
	v10 =	vperm.xlane v6, v0  }
0x171: {  	v12 =	vperm.xlane v8, v1;
	v7 =	vadd.f32 v9, v7  }
0x172: {  	v4 =	vsel vm1, v4, v11;
	v9 =	vperm.xlane v5, v1;
	v6 =	vadd.f32 v10, v6  }
0x173: {  	v10 =	vadd.f32 v26, v25;
	v8 =	vadd.f32 v12, v8;
	v11 =	vperm.xlane v7, v1  }
0x174: {  	v5 =	vadd.f32 v9, v5;
	v9 =	vperm.xlane v6, v1  }
0x175: {  	v4 =	vsel vm8, v4, v10;
	v10 =	vperm.xlane v8, v2;
	v7 =	vadd.f32 v11, v7  }
0x176: {  	v12 =	vperm.xlane v5, v2;
	v6 =	vadd.f32 v9, v6  }
0x177: {  	v11 =	vadd.f32 v24, v23;
	v8 =	vadd.f32 v10, v8;
	v9 =	vperm.xlane v7, v2  }
0x178: {  	v5 =	vadd.f32 v12, v5;
	v10 =	vperm.xlane v6, v2  }
0x179: {  	v4 =	vsel vm9, v4, v11;
	v12 =	vperm.xlane v8, v3;
	v7 =	vadd.f32 v9, v7  }
0x17a: {  	v11 =	vadd.f32 v22, v20;
	v9 =	vperm.xlane v5, v3;
	v6 =	vadd.f32 v10, v6  }
0x17b: {  	v8 =	vadd.f32 v12, v8;
	v10 =	vperm.xlane v7, v3  }
0x17c: {  	v4 =	vsel vm10, v4, v11;
	v5 =	vadd.f32 v9, v5;
	v9 =	vperm.xlane v6, v3  }
0x17d: {  	v4 =	vsel vm11, v4, v8;
	v7 =	vadd.f32 v10, v7  }
0x17e: {  	v4 =	vsel vm12, v4, v5;
	v5 =	vadd.f32 v9, v6  }
0x17f: {  	v4 =	vsel vm13, v4, v7  }
0x180: {  	v4 =	vsel vm14, v4, v5  }
0x181: {  	v4 =	vmax.f32 v4, $9.999999970e-07  }
0x182: {  	[tilespmem:$0x12000] =	vst v4  }
0x183: {  	[tilespmem:s18], [sflag:$0x2] =	stream.strided.gather [hbm4b:s9+s15], $0x8000, s16, s15, $0x38;
	[tilespmem:$0x12080] =	vst v63  }
0x184: {  	_ =	swait.ge [sflag:s19], $0x8000  }
0x185: {  	[sflag:s19] =	ssyncset.done $0x0  }
0x186: {  	s23 =	simm.s32 $0x2100;
	[sflag:s19] =	ssyncadd.s32 $0xFFFF8000  }
0x187: {  	v7 =	vld [tilespmem:s23+$0xFFFFFF70]  }
0x188: {  	s24 =	simm.s32 $0x0;
	v8 =	vld [tilespmem:s23+$0xFFFFFFF0]  }
0x189: {  	v4 =	vld [tilespmem:s24+$0x70]  }
0x18a: {  	v9 =	vld [tilespmem:s23+$0xFFFFFF60]  }
0x18b: {  	v10 =	vld [tilespmem:s23+$0xFFFFFFE0]  }
0x18c: {  	v5 =	vld [tilespmem:s24+$0x60]  }
0x18d: {  	v13 =	vld [tilespmem:s23+$0xFFFFFF50]  }
0x18e: {  	v14 =	vld [tilespmem:s23+$0xFFFFFFD0]  }
0x18f: {  	v6 =	vld [tilespmem:s24+$0x50]  }
0x190: {  	v22 =	vld [tilespmem:s23+$0xFFFFFF40]  }
0x191: {  	v23 =	vld [tilespmem:s23+$0xFFFFFFC0]  }
0x192: {  	v11 =	vld [tilespmem:s24+$0x40]  }
0x193: {  	v26 =	vld [tilespmem:s23+$0xFFFFFF30]  }
0x194: {  	v27 =	vld [tilespmem:s23+$0xFFFFFFB0]  }
0x195: {  	v12 =	vld [tilespmem:s24+$0x30]  }
0x196: {  	v28 =	vld [tilespmem:s23+$0xFFFFFF20]  }
0x197: {  	v21 =	vld [tilespmem:s23+$0xFFFFFFA0]  }
0x198: {  	v15 =	vld [tilespmem:s24+$0x20]  }
0x199: {  	v25 =	vld [tilespmem:s23+$0xFFFFFF10]  }
0x19a: {  	v24 =	vld [tilespmem:s23+$0xFFFFFF90]  }
0x19b: {  	v20 =	vld [tilespmem:s24+$0x10]  }
0x19c: {  	v16 =	vimm.f32 $0.0e+00;
	v29 =	vld [tilespmem:s23+$0xFFFFFF00]  }
0x19d: {  	v19 =	vimm.f32 $0.0e+00;
	v30 =	vld [tilespmem:s23+$0xFFFFFF80];
	v7 =	vmul.f32 v7, v4;
	v8 =	vmul.f32 v8, v4  }
0x19e: {  	v18 =	vimm.f32 $0.0e+00;
	v31 =	vld [tilespmem:s23+$0x0];
	v9 =	vmul.f32 v9, v5;
	v10 =	vmul.f32 v10, v5  }
0x19f: {  	v17 =	vimm.f32 $0.0e+00;
	v32 =	vld [tilespmem:s24+$0x0];
	s24 =	simm.s32 $0x200;
	v13 =	vmul.f32 v13, v6;
	v14 =	vmul.f32 v14, v6  }
.LBB2_10:
0x1a0: {  	p0 =	sne.s32 s24, $0x7E00;
	v33 =	vld [tilespmem:s23+$0x80];
	v22 =	vmul.f32 v22, v11;
	v23 =	vmul.f32 v23, v11  }
0x1a1: {  	v26 =	vmul.f32 v26, v12;
	v27 =	vmul.f32 v27, v12;
	v34 =	vld [tilespmem:s23+$0x10]  }
0x1a2: {  	v28 =	vmul.f32 v28, v15;
	v21 =	vmul.f32 v21, v15;
	v35 =	vld [tilespmem:s23+$0x90]  }
0x1a3: {  	v25 =	vmul.f32 v25, v20;
	v24 =	vmul.f32 v24, v20;
	v36 =	vld [tilespmem:s23+$0x20]  }
0x1a4: {  	v29 =	vmul.f32 v29, v32;
	v30 =	vmul.f32 v30, v32;
	v37 =	vld [tilespmem:s23+$0xA0]  }
0x1a5: {  	v31 =	vmul.f32 v31, v32;
	v32 =	vmul.f32 v33, v32;
	v33 =	vld [tilespmem:s23+$0x30]  }
0x1a6: {  	v16 =	vadd.f32 v29, v16;
	v19 =	vadd.f32 v30, v19;
	v29 =	vmul.f32 v34, v20;
	v30 =	vld [tilespmem:s23+$0xB0]  }
0x1a7: {  	v17 =	vadd.f32 v31, v17;
	v18 =	vadd.f32 v32, v18;
	v20 =	vmul.f32 v35, v20;
	v31 =	vld [tilespmem:s23+$0x40]  }
0x1a8: {  	v16 =	vadd.f32 v25, v16;
	v19 =	vadd.f32 v24, v19;
	v24 =	vmul.f32 v36, v15;
	v25 =	vld [tilespmem:s23+$0xC0]  }
0x1a9: {  	v17 =	vadd.f32 v29, v17;
	v18 =	vadd.f32 v20, v18;
	v15 =	vmul.f32 v37, v15;
	v20 =	vld [tilespmem:s23+$0x50]  }
0x1aa: {  	v16 =	vadd.f32 v28, v16;
	v19 =	vadd.f32 v21, v19;
	v21 =	vmul.f32 v33, v12;
	v28 =	vld [tilespmem:s23+$0xD0]  }
0x1ab: {  	v17 =	vadd.f32 v24, v17;
	v15 =	vadd.f32 v15, v18;
	v12 =	vmul.f32 v30, v12;
	v18 =	vld [tilespmem:s23+$0x60]  }
0x1ac: {  	v16 =	vadd.f32 v26, v16;
	v19 =	vadd.f32 v27, v19;
	v24 =	vmul.f32 v31, v11;
	v26 =	vld [tilespmem:s23+$0xE0]  }
0x1ad: {  	v17 =	vadd.f32 v21, v17;
	v12 =	vadd.f32 v12, v15;
	v11 =	vmul.f32 v25, v11;
	v15 =	vld [tilespmem:s23+$0x70]  }
0x1ae: {  	v16 =	vadd.f32 v22, v16;
	v19 =	vadd.f32 v23, v19;
	v20 =	vmul.f32 v20, v6;
	v21 =	vld [tilespmem:s23+$0xF0];
	s23 =	sadd.s32 $0x200, s23  }
0x1af: {  	v17 =	vadd.f32 v24, v17;
	v31 =	vld [tilespmem:s23+$0xFFFFFF70];
	v11 =	vadd.f32 v11, v12;
	v6 =	vmul.f32 v28, v6  }
0x1b0: {  	s25 =	sshra.s32 s24, $0x2;
	v32 =	vld [tilespmem:s23+$0xFFFFFFF0];
	v12 =	vadd.f32 v13, v16;
	v13 =	vadd.f32 v14, v19;
	v14 =	vmul.f32 v18, v5  }
0x1b1: {  	v16 =	vadd.f32 v20, v17;
	v22 =	vld [tilespmem:s25+$0x70];
	v6 =	vadd.f32 v6, v11;
	v5 =	vmul.f32 v26, v5  }
0x1b2: {  	v33 =	vld [tilespmem:s23+$0xFFFFFF60];
	v9 =	vadd.f32 v9, v12;
	v10 =	vadd.f32 v10, v13;
	v11 =	vmul.f32 v15, v4  }
0x1b3: {  	v12 =	vadd.f32 v14, v16;
	v13 =	vld [tilespmem:s23+$0xFFFFFFE0];
	v6 =	vadd.f32 v5, v6;
	v15 =	vmul.f32 v21, v4  }
0x1b4: {  	v5 =	vld [tilespmem:s25+$0x60];
	v16 =	vadd.f32 v7, v9;
	v19 =	vadd.f32 v8, v10  }
0x1b5: {  	v17 =	vadd.f32 v11, v12;
	v14 =	vld [tilespmem:s23+$0xFFFFFF50];
	v18 =	vadd.f32 v15, v6  }
0x1b6: {  	v34 =	vld [tilespmem:s23+$0xFFFFFFD0];
	v4 =	vmov v22  }
0x1b7: {  	v6 =	vld [tilespmem:s25+$0x50]  }
0x1b8: {  	v22 =	vld [tilespmem:s23+$0xFFFFFF40]  }
0x1b9: {  	v23 =	vld [tilespmem:s23+$0xFFFFFFC0]  }
0x1ba: {  	v11 =	vld [tilespmem:s25+$0x40]  }
0x1bb: {  	v26 =	vld [tilespmem:s23+$0xFFFFFF30]  }
0x1bc: {  	v27 =	vld [tilespmem:s23+$0xFFFFFFB0]  }
0x1bd: {  	v12 =	vld [tilespmem:s25+$0x30]  }
0x1be: {  	v28 =	vld [tilespmem:s23+$0xFFFFFF20]  }
0x1bf: {  	v21 =	vld [tilespmem:s23+$0xFFFFFFA0]  }
0x1c0: {  	v15 =	vld [tilespmem:s25+$0x20]  }
0x1c1: {  	v25 =	vld [tilespmem:s23+$0xFFFFFF10]  }
0x1c2: {  	v24 =	vld [tilespmem:s23+$0xFFFFFF90]  }
.Ltmp4:
0x1c3: {  	v20 =	vld [tilespmem:s25+$0x10];
	(pc) =	sbr.rel @p0 .LBB2_10-.Ltmp4, $4  }
0x1c4: {  	v29 =	vld [tilespmem:s23+$0xFFFFFF00]  }
0x1c5: {  	v7 =	vmul.f32 v31, v4;
	v8 =	vmul.f32 v32, v4;
	v30 =	vld [tilespmem:s23+$0xFFFFFF80]  }
0x1c6: {  	v9 =	vmul.f32 v33, v5;
	v10 =	vmul.f32 v13, v5;
	v31 =	vld [tilespmem:s23+$0x0]  }
0x1c7: {  	s24 =	sadd.s32 $0x200, s24;
	v13 =	vmul.f32 v14, v6;
	v14 =	vmul.f32 v34, v6;
	v32 =	vld [tilespmem:s25+$0x0]  }
0x1c8: {  	v33 =	vld [tilespmem:s23+$0x80]  }
0x1c9: {  	v34 =	vld [tilespmem:s23+$0x10]  }
0x1ca: {  	v35 =	vld [tilespmem:s23+$0x90]  }
0x1cb: {  	v36 =	vld [tilespmem:s23+$0x20]  }
0x1cc: {  	v37 =	vld [tilespmem:s23+$0xA0]  }
0x1cd: {  	v38 =	vld [tilespmem:s23+$0x30];
	v27 =	vmul.f32 v27, v12  }
0x1ce: {  	v28 =	vmul.f32 v28, v15;
	v39 =	vld [tilespmem:s23+$0xB0];
	v21 =	vmul.f32 v21, v15  }
0x1cf: {  	v40 =	vld [tilespmem:s23+$0x40];
	v25 =	vmul.f32 v25, v20;
	v29 =	vmul.f32 v29, v32  }
0x1d0: {  	v62 =	vld [tilespmem:s23+$0xC0];
	v30 =	vmul.f32 v30, v32;
	v31 =	vmul.f32 v31, v32  }
0x1d1: {  	v24 =	vmul.f32 v24, v20;
	v63 =	vld [tilespmem:s23+$0xD0];
	v61 =	vmul.f32 v33, v32;
	v16 =	vadd.f32 v29, v16  }
0x1d2: {  	v29 =	vld [tilespmem:s23+$0x50];
	v19 =	vadd.f32 v30, v19;
	v30 =	vmul.f32 v34, v20;
	v17 =	vadd.f32 v31, v17  }
0x1d3: {  	v20 =	vmul.f32 v35, v20;
	v31 =	vld [tilespmem:s23+$0x60];
	v18 =	vadd.f32 v61, v18;
	v16 =	vadd.f32 v25, v16  }
0x1d4: {  	v19 =	vadd.f32 v24, v19;
	v24 =	vmul.f32 v36, v15;
	v25 =	vld [tilespmem:s23+$0xE0];
	v17 =	vadd.f32 v30, v17  }
0x1d5: {  	v15 =	vmul.f32 v37, v15;
	v18 =	vadd.f32 v20, v18;
	v20 =	vld [tilespmem:s23+$0x70];
	v16 =	vadd.f32 v28, v16  }
0x1d6: {  	v19 =	vadd.f32 v21, v19;
	v21 =	vmul.f32 v38, v12;
	v28 =	vld [tilespmem:s23+$0xF0];
	v17 =	vadd.f32 v24, v17;
	[tilespmem:s17], [sflag:$0x1] =	stream.strided.gather [hbm4b:s10+s15], $0x8000, s16, s15, $0x38  }
0x1d7: {  	v26 =	vmul.f32 v26, v12;
	v15 =	vadd.f32 v15, v18;
	_ =	swait.ge [sflag:s20], $0x8000  }
0x1d8: {  	v18 =	vadd.f32 v27, v19;
	v19 =	vmul.f32 v40, v11;
	v17 =	vadd.f32 v21, v17;
	[sflag:s20] =	ssyncset.done $0x0  }
0x1d9: {  	v22 =	vmul.f32 v22, v11;
	s23 =	simm.s32 $0x0;
	[sflag:s20] =	ssyncadd.s32 $0xFFFF8000  }
0x1da: {  	v12 =	vmul.f32 v39, v12;
	v16 =	vadd.f32 v26, v16;
	v17 =	vadd.f32 v19, v17;
	v19 =	vld [tilespmem:s23+$0xA060]  }
0x1db: {  	v23 =	vmul.f32 v23, v11;
	v21 =	vld [tilespmem:s23+$0xA0E0]  }
0x1dc: {  	v11 =	vmul.f32 v62, v11;
	v12 =	vadd.f32 v12, v15;
	v15 =	vadd.f32 v22, v16;
	v22 =	vld [tilespmem:s23+$0xA050]  }
0x1dd: {  	v16 =	vadd.f32 v23, v18;
	v18 =	vmul.f32 v29, v6;
	v29 =	vld [tilespmem:s23+$0xA040]  }
0x1de: {  	v6 =	vmul.f32 v63, v6;
	v30 =	vld [tilespmem:s23+$0xA0C0];
	v11 =	vadd.f32 v11, v12  }
0x1df: {  	s24 =	simm.s32 $0x40;
	v32 =	vld [tilespmem:s23+$0xA0B0];
	v13 =	vadd.f32 v13, v15;
	v14 =	vadd.f32 v14, v16;
	v15 =	vmul.f32 v31, v5  }
0x1e0: {  	v23 =	vld [tilespmem:s24+$0xFFFFFFE0];
	v17 =	vadd.f32 v18, v17;
	v5 =	vmul.f32 v25, v5;
	v6 =	vadd.f32 v6, v11  }
0x1e1: {  	v12 =	vld [tilespmem:s24+$0x30];
	v11 =	vmul.f32 v20, v4;
	v9 =	vadd.f32 v9, v13;
	v10 =	vadd.f32 v10, v14  }
0x1e2: {  	v16 =	vld [tilespmem:s23+$0xA070];
	v4 =	vmul.f32 v28, v4;
	v14 =	vadd.f32 v15, v17;
	v5 =	vadd.f32 v5, v6  }
0x1e3: {  	v18 =	vld [tilespmem:s23+$0xA0F0];
	v6 =	vadd.f32 v7, v9;
	v7 =	vadd.f32 v8, v10  }
0x1e4: {  	v34 =	vld [tilespmem:s23+$0xA020];
	v8 =	vadd.f32 v11, v14;
	v4 =	vadd.f32 v4, v5  }
0x1e5: {  	v33 =	vld [tilespmem:s23+$0xA0A0];
	v5 =	vperm.xlane v6, v0;
	v9 =	vperm.xlane v7, v0  }
0x1e6: {  	v13 =	vld [tilespmem:s24+$0x20];
	v10 =	vperm.xlane v8, v0;
	v11 =	vperm.xlane v4, v0  }
0x1e7: {  	v27 =	vld [tilespmem:s24+$0xFFFFFFD0];
	v15 =	vmul.f32 v16, v12;
	v5 =	vadd.f32 v5, v6;
	v6 =	vadd.f32 v9, v7  }
0x1e8: {  	v35 =	vld [tilespmem:s23+$0xA010];
	v16 =	vmul.f32 v18, v12;
	v7 =	vadd.f32 v10, v8;
	v4 =	vadd.f32 v11, v4  }
0x1e9: {  	v36 =	vld [tilespmem:s23+$0xA090];
	v8 =	vperm.xlane v5, v1;
	v9 =	vperm.xlane v6, v1  }
0x1ea: {  	v14 =	vld [tilespmem:s24+$0x10];
	v10 =	vperm.xlane v7, v1;
	v11 =	vperm.xlane v4, v1  }
0x1eb: {  	v25 =	vld [tilespmem:s23+$0xA0D0];
	v18 =	vmul.f32 v19, v13;
	v5 =	vadd.f32 v8, v5;
	v6 =	vadd.f32 v9, v6  }
0x1ec: {  	v37 =	vld [tilespmem:s24+$0xFFFFFFC0];
	v19 =	vmul.f32 v21, v13;
	v7 =	vadd.f32 v10, v7;
	v4 =	vadd.f32 v11, v4  }
0x1ed: {  	v24 =	vimm.f32 $0.0e+00;
	v31 =	vld [tilespmem:s23+$0xA030];
	v8 =	vperm.xlane v5, v2;
	v9 =	vperm.xlane v6, v2  }
0x1ee: {  	v26 =	vimm.f32 $0.0e+00;
	v17 =	vld [tilespmem:s24+$0x0];
	v10 =	vperm.xlane v7, v2;
	v11 =	vperm.xlane v4, v2  }
0x1ef: {  	v20 =	vld [tilespmem:s24+$0xFFFFFFF0];
	v21 =	vmul.f32 v22, v14;
	v5 =	vadd.f32 v8, v5;
	v6 =	vadd.f32 v9, v6  }
0x1f0: {  	v38 =	vld [tilespmem:s23+$0xA000];
	v22 =	vmul.f32 v25, v14;
	v7 =	vadd.f32 v10, v7;
	v4 =	vadd.f32 v11, v4  }
0x1f1: {  	v39 =	vld [tilespmem:s23+$0xA080];
	v28 =	vimm.f32 $0.0e+00;
	v9 =	vperm.xlane v5, v3;
	v10 =	vperm.xlane v6, v3  }
0x1f2: {  	s25 =	simm.s32 $0x800;
	v40 =	vld [tilespmem:s23+$0xA100];
	v25 =	vimm.f32 $0.0e+00;
	v11 =	vperm.xlane v7, v3;
	v8 =	vperm.xlane v4, v3  }
.LBB2_12:
0x1f3: {  	p0 =	sne.s32 s25, $0x1F800;
	v41 =	vld [tilespmem:s23+$0xA180];
	v29 =	vmul.f32 v29, v17;
	v30 =	vmul.f32 v30, v17  }
0x1f4: {  	v31 =	vmul.f32 v31, v20;
	v32 =	vmul.f32 v32, v20;
	v42 =	vld [tilespmem:s23+$0xA110]  }
0x1f5: {  	v34 =	vmul.f32 v34, v23;
	v33 =	vmul.f32 v33, v23;
	v43 =	vld [tilespmem:s23+$0xA190]  }
0x1f6: {  	v35 =	vmul.f32 v35, v27;
	v36 =	vmul.f32 v36, v27;
	v44 =	vld [tilespmem:s23+$0xA120]  }
0x1f7: {  	v38 =	vmul.f32 v38, v37;
	v39 =	vmul.f32 v39, v37;
	v45 =	vld [tilespmem:s23+$0xA1A0]  }
0x1f8: {  	v40 =	vmul.f32 v40, v37;
	v37 =	vmul.f32 v41, v37;
	v41 =	vld [tilespmem:s23+$0xA130]  }
0x1f9: {  	v24 =	vadd.f32 v38, v24;
	v28 =	vadd.f32 v39, v28;
	v38 =	vmul.f32 v42, v27;
	v39 =	vld [tilespmem:s23+$0xA1B0]  }
0x1fa: {  	v25 =	vadd.f32 v40, v25;
	v26 =	vadd.f32 v37, v26;
	v27 =	vmul.f32 v43, v27;
	v37 =	vld [tilespmem:s23+$0xA140]  }
0x1fb: {  	v24 =	vadd.f32 v35, v24;
	v28 =	vadd.f32 v36, v28;
	v35 =	vmul.f32 v44, v23;
	v36 =	vld [tilespmem:s23+$0xA1C0]  }
0x1fc: {  	v25 =	vadd.f32 v38, v25;
	v26 =	vadd.f32 v27, v26;
	v23 =	vmul.f32 v45, v23;
	v27 =	vld [tilespmem:s23+$0xA150]  }
0x1fd: {  	v24 =	vadd.f32 v34, v24;
	v28 =	vadd.f32 v33, v28;
	v33 =	vmul.f32 v41, v20;
	v34 =	vld [tilespmem:s23+$0xA1D0]  }
0x1fe: {  	v25 =	vadd.f32 v35, v25;
	v23 =	vadd.f32 v23, v26;
	v20 =	vmul.f32 v39, v20;
	v26 =	vld [tilespmem:s23+$0xA160]  }
0x1ff: {  	v24 =	vadd.f32 v31, v24;
	v28 =	vadd.f32 v32, v28;
	v31 =	vmul.f32 v37, v17;
	v32 =	vld [tilespmem:s23+$0xA1E0]  }
0x200: {  	v25 =	vadd.f32 v33, v25;
	v20 =	vadd.f32 v20, v23;
	v17 =	vmul.f32 v36, v17;
	v23 =	vld [tilespmem:s23+$0xA170]  }
0x201: {  	s24 =	sadd.s32 $0x80, s24;
	v24 =	vadd.f32 v29, v24;
	v28 =	vadd.f32 v30, v28;
	v27 =	vmul.f32 v27, v14;
	v29 =	vld [tilespmem:s23+$0xA1F0]  }
0x202: {  	s23 =	sshra.s32 s25, $0x2;
	v25 =	vadd.f32 v31, v25;
	v30 =	vld [tilespmem:s24+$0x30];
	v17 =	vadd.f32 v17, v20;
	v14 =	vmul.f32 v34, v14  }
0x203: {  	v20 =	vadd.f32 v21, v24;
	v21 =	vadd.f32 v22, v28;
	v39 =	vld [tilespmem:s23+$0xA070];
	v22 =	vmul.f32 v26, v13  }
0x204: {  	v24 =	vadd.f32 v27, v25;
	v40 =	vld [tilespmem:s23+$0xA0F0];
	v14 =	vadd.f32 v14, v17;
	v17 =	vmul.f32 v32, v13  }
0x205: {  	v18 =	vadd.f32 v18, v20;
	v19 =	vadd.f32 v19, v21;
	v13 =	vld [tilespmem:s24+$0x20];
	v20 =	vmul.f32 v23, v12  }
0x206: {  	v22 =	vadd.f32 v22, v24;
	v21 =	vld [tilespmem:s23+$0xA060];
	v17 =	vadd.f32 v17, v14;
	v23 =	vmul.f32 v29, v12  }
0x207: {  	v24 =	vadd.f32 v15, v18;
	v28 =	vadd.f32 v16, v19;
	v41 =	vld [tilespmem:s23+$0xA0E0];
	v12 =	vmov v30  }
0x208: {  	v25 =	vadd.f32 v20, v22;
	v14 =	vld [tilespmem:s24+$0x10];
	v26 =	vadd.f32 v23, v17  }
0x209: {  	v22 =	vld [tilespmem:s23+$0xA050]  }
0x20a: {  	v42 =	vld [tilespmem:s23+$0xA0D0]  }
0x20b: {  	v17 =	vld [tilespmem:s24+$0x0]  }
0x20c: {  	v29 =	vld [tilespmem:s23+$0xA040]  }
0x20d: {  	v30 =	vld [tilespmem:s23+$0xA0C0]  }
0x20e: {  	v20 =	vld [tilespmem:s24+$0xFFFFFFF0]  }
0x20f: {  	v31 =	vld [tilespmem:s23+$0xA030]  }
0x210: {  	v32 =	vld [tilespmem:s23+$0xA0B0]  }
0x211: {  	v23 =	vld [tilespmem:s24+$0xFFFFFFE0]  }
0x212: {  	v34 =	vld [tilespmem:s23+$0xA020]  }
0x213: {  	v33 =	vld [tilespmem:s23+$0xA0A0]  }
0x214: {  	v27 =	vld [tilespmem:s24+$0xFFFFFFD0]  }
0x215: {  	v35 =	vld [tilespmem:s23+$0xA010]  }
.Ltmp5:
0x216: {  	v36 =	vld [tilespmem:s23+$0xA090];
	(pc) =	sbr.rel @p0 .LBB2_12-.Ltmp5, $4  }
0x217: {  	v37 =	vld [tilespmem:s24+$0xFFFFFFC0]  }
0x218: {  	v15 =	vmul.f32 v39, v12;
	v16 =	vmul.f32 v40, v12;
	v38 =	vld [tilespmem:s23+$0xA000]  }
0x219: {  	v18 =	vmul.f32 v21, v13;
	v19 =	vmul.f32 v41, v13;
	v39 =	vld [tilespmem:s23+$0xA080]  }
0x21a: {  	s25 =	sadd.s32 $0x800, s25;
	v21 =	vmul.f32 v22, v14;
	v22 =	vmul.f32 v42, v14;
	v40 =	vld [tilespmem:s23+$0xA100]  }
0x21b: {  	v41 =	vld [tilespmem:s23+$0xA180]  }
0x21c: {  	v42 =	vld [tilespmem:s23+$0xA110]  }
0x21d: {  	v43 =	vld [tilespmem:s23+$0xA190]  }
0x21e: {  	v44 =	vld [tilespmem:s23+$0xA120]  }
0x21f: {  	v45 =	vld [tilespmem:s23+$0xA1A0]  }
0x220: {  	v29 =	vmul.f32 v29, v17;
	v46 =	vld [tilespmem:s23+$0xA130]  }
0x221: {  	v31 =	vmul.f32 v31, v20;
	v32 =	vmul.f32 v32, v20;
	v47 =	vld [tilespmem:s23+$0xA1B0]  }
0x222: {  	v34 =	vmul.f32 v34, v23;
	v48 =	vld [tilespmem:s23+$0xA140];
	v33 =	vmul.f32 v33, v23  }
0x223: {  	v54 =	vld [tilespmem:s23+$0xA1C0];
	v35 =	vmul.f32 v35, v27;
	v38 =	vmul.f32 v38, v37  }
0x224: {  	v55 =	vld [tilespmem:s23+$0xA150];
	v39 =	vmul.f32 v39, v37;
	v40 =	vmul.f32 v40, v37  }
0x225: {  	v36 =	vmul.f32 v36, v27;
	v57 =	vld [tilespmem:s23+$0xA1D0];
	v24 =	vadd.f32 v38, v24;
	v53 =	vmul.f32 v41, v37  }
0x226: {  	v58 =	vld [tilespmem:s23+$0xA160];
	v28 =	vadd.f32 v39, v28;
	v56 =	vmul.f32 v42, v27;
	v25 =	vadd.f32 v40, v25  }
0x227: {  	v60 =	vld [tilespmem:s23+$0xA1E0];
	v27 =	vmul.f32 v43, v27;
	v24 =	vadd.f32 v35, v24;
	v26 =	vadd.f32 v53, v26  }
0x228: {  	v62 =	vld [tilespmem:s23+$0xA1F0];
	v59 =	vmul.f32 v44, v23;
	v28 =	vadd.f32 v36, v28;
	v25 =	vadd.f32 v56, v25  }
0x229: {  	v23 =	vmul.f32 v45, v23;
	v24 =	vadd.f32 v34, v24;
	v26 =	vadd.f32 v27, v26;
	v27 =	vld [tilespmem:s23+$0xA170];
	[tilespmem:s18], [sflag:$0x2] =	stream.strided.gather [hbm4b:s11+s15], $0x8000, s16, s15, $0x38  }
0x22a: {  	v61 =	vmul.f32 v46, v20;
	v28 =	vadd.f32 v33, v28;
	v25 =	vadd.f32 v59, v25;
	_ =	swait.ge [sflag:s19], $0x8000  }
0x22b: {  	v20 =	vmul.f32 v47, v20;
	v24 =	vadd.f32 v31, v24;
	v23 =	vadd.f32 v23, v26;
	[sflag:s19] =	ssyncset.done $0x0  }
0x22c: {  	v30 =	vmul.f32 v30, v17;
	s23 =	simm.s32 $0x2100;
	v26 =	vadd.f32 v32, v28;
	v25 =	vadd.f32 v61, v25;
	[sflag:s19] =	ssyncadd.s32 $0xFFFF8000  }
0x22d: {  	v28 =	vmul.f32 v48, v17;
	v20 =	vadd.f32 v20, v23;
	v23 =	vadd.f32 v29, v24;
	v29 =	vld [tilespmem:s23+$0xFFFFFF70]  }
0x22e: {  	v17 =	vmul.f32 v54, v17;
	v24 =	vadd.f32 v30, v26;
	v30 =	vld [tilespmem:s23+$0xFFFFFF50]  }
0x22f: {  	v26 =	vmul.f32 v55, v14;
	v63 =	vld [tilespmem:s23+$0xFFFFFFD0];
	v25 =	vadd.f32 v28, v25  }
0x230: {  	v14 =	vmul.f32 v57, v14;
	v36 =	vld [tilespmem:s23+$0xFFFFFF40];
	v17 =	vadd.f32 v17, v20;
	v20 =	vadd.f32 v21, v23  }
0x231: {  	v38 =	vld [tilespmem:s23+$0xFFFFFFC0];
	v22 =	vadd.f32 v22, v24;
	v23 =	vmul.f32 v58, v13;
	v25 =	vadd.f32 v26, v25  }
0x232: {  	v39 =	vld [tilespmem:s23+$0xFFFFFF30];
	v13 =	vmul.f32 v60, v13;
	v14 =	vadd.f32 v14, v17;
	v17 =	vadd.f32 v18, v20  }
0x233: {  	v40 =	vld [tilespmem:s23+$0xFFFFFFB0];
	v18 =	vadd.f32 v19, v22;
	v19 =	vmul.f32 v27, v12;
	v20 =	vadd.f32 v23, v25  }
0x234: {  	v41 =	vld [tilespmem:s23+$0xFFFFFF20];
	v12 =	vmul.f32 v62, v12;
	v13 =	vadd.f32 v13, v14;
	v14 =	vadd.f32 v15, v17  }
0x235: {  	s24 =	simm.s32 $0x0;
	v42 =	vld [tilespmem:s23+$0xFFFFFFA0];
	v15 =	vadd.f32 v16, v18  }
0x236: {  	v31 =	vld [tilespmem:s24+$0x20];
	v16 =	vadd.f32 v19, v20;
	v12 =	vadd.f32 v12, v13;
	v13 =	vperm.xlane v14, v0  }
0x237: {  	v43 =	vld [tilespmem:s23+$0xFFFFFF10];
	v17 =	vperm.xlane v15, v0  }
0x238: {  	v44 =	vld [tilespmem:s23+$0xFFFFFF90];
	v18 =	vperm.xlane v16, v0;
	v13 =	vadd.f32 v13, v14  }
0x239: {  	v24 =	vld [tilespmem:s23+$0xFFFFFFF0];
	v19 =	vperm.xlane v12, v0;
	v14 =	vadd.f32 v17, v15  }
0x23a: {  	v21 =	vld [tilespmem:s24+$0x70];
	v15 =	vadd.f32 v18, v16;
	v16 =	vperm.xlane v13, v1  }
0x23b: {  	v26 =	vld [tilespmem:s23+$0xFFFFFF60];
	v12 =	vadd.f32 v19, v12;
	v17 =	vperm.xlane v14, v1  }
0x23c: {  	v22 =	vld [tilespmem:s24+$0x60];
	v18 =	vperm.xlane v15, v1;
	v13 =	vadd.f32 v16, v13  }
0x23d: {  	v27 =	vld [tilespmem:s23+$0xFFFFFFE0];
	v19 =	vperm.xlane v12, v1;
	v14 =	vadd.f32 v17, v14  }
0x23e: {  	v35 =	vimm.f32 $0.0e+00;
	v37 =	vld [tilespmem:s24+$0x10];
	v16 =	vadd.f32 v18, v15;
	v15 =	vperm.xlane v13, v2  }
0x23f: {  	v34 =	vimm.f32 $0.0e+00;
	v20 =	vld [tilespmem:s24+$0x50];
	v12 =	vadd.f32 v19, v12;
	v18 =	vperm.xlane v14, v2  }
0x240: {  	v45 =	vld [tilespmem:s23+$0xFFFFFF00];
	v24 =	vmul.f32 v24, v21;
	v19 =	vperm.xlane v16, v2;
	v17 =	vadd.f32 v15, v13  }
0x241: {  	v25 =	vld [tilespmem:s24+$0x40];
	v26 =	vmul.f32 v26, v22;
	v23 =	vperm.xlane v12, v2;
	v15 =	vadd.f32 v18, v14  }
0x242: {  	v28 =	vld [tilespmem:s24+$0x30];
	v27 =	vmul.f32 v27, v22;
	v13 =	vadd.f32 v19, v16;
	v19 =	vperm.xlane v17, v3  }
0x243: {  	v46 =	vld [tilespmem:s23+$0xFFFFFF80];
	v12 =	vadd.f32 v23, v12;
	v18 =	vperm.xlane v15, v3;
	v23 =	vmul.f32 v29, v21  }
0x244: {  	v33 =	vimm.f32 $0.0e+00;
	v47 =	vld [tilespmem:s23+$0x0];
	v29 =	vmul.f32 v30, v20;
	v30 =	vmul.f32 v63, v20  }
0x245: {  	v32 =	vimm.f32 $0.0e+00;
	v48 =	vld [tilespmem:s24+$0x0];
	s24 =	simm.s32 $0x200;
	v16 =	vperm.xlane v13, v3;
	v14 =	vperm.xlane v12, v3  }
.LBB2_14:
0x246: {  	p0 =	sne.s32 s24, $0x7E00;
	v49 =	vld [tilespmem:s23+$0x80];
	v36 =	vmul.f32 v36, v25;
	v38 =	vmul.f32 v38, v25  }
0x247: {  	v39 =	vmul.f32 v39, v28;
	v40 =	vmul.f32 v40, v28;
	v50 =	vld [tilespmem:s23+$0x10]  }
0x248: {  	v41 =	vmul.f32 v41, v31;
	v42 =	vmul.f32 v42, v31;
	v51 =	vld [tilespmem:s23+$0x90]  }
0x249: {  	v43 =	vmul.f32 v43, v37;
	v44 =	vmul.f32 v44, v37;
	v52 =	vld [tilespmem:s23+$0x20]  }
0x24a: {  	v45 =	vmul.f32 v45, v48;
	v46 =	vmul.f32 v46, v48;
	v53 =	vld [tilespmem:s23+$0xA0]  }
0x24b: {  	v47 =	vmul.f32 v47, v48;
	v48 =	vmul.f32 v49, v48;
	v49 =	vld [tilespmem:s23+$0x30]  }
0x24c: {  	v32 =	vadd.f32 v45, v32;
	v35 =	vadd.f32 v46, v35;
	v45 =	vmul.f32 v50, v37;
	v46 =	vld [tilespmem:s23+$0xB0]  }
0x24d: {  	v33 =	vadd.f32 v47, v33;
	v34 =	vadd.f32 v48, v34;
	v37 =	vmul.f32 v51, v37;
	v47 =	vld [tilespmem:s23+$0x40]  }
0x24e: {  	v32 =	vadd.f32 v43, v32;
	v35 =	vadd.f32 v44, v35;
	v43 =	vmul.f32 v52, v31;
	v44 =	vld [tilespmem:s23+$0xC0]  }
0x24f: {  	v33 =	vadd.f32 v45, v33;
	v34 =	vadd.f32 v37, v34;
	v31 =	vmul.f32 v53, v31;
	v37 =	vld [tilespmem:s23+$0x50]  }
0x250: {  	v32 =	vadd.f32 v41, v32;
	v35 =	vadd.f32 v42, v35;
	v41 =	vmul.f32 v49, v28;
	v42 =	vld [tilespmem:s23+$0xD0]  }
0x251: {  	v33 =	vadd.f32 v43, v33;
	v31 =	vadd.f32 v31, v34;
	v28 =	vmul.f32 v46, v28;
	v34 =	vld [tilespmem:s23+$0x60]  }
0x252: {  	v32 =	vadd.f32 v39, v32;
	v35 =	vadd.f32 v40, v35;
	v39 =	vmul.f32 v47, v25;
	v40 =	vld [tilespmem:s23+$0xE0]  }
0x253: {  	v33 =	vadd.f32 v41, v33;
	v28 =	vadd.f32 v28, v31;
	v25 =	vmul.f32 v44, v25;
	v31 =	vld [tilespmem:s23+$0x70]  }
0x254: {  	v32 =	vadd.f32 v36, v32;
	v35 =	vadd.f32 v38, v35;
	v36 =	vmul.f32 v37, v20;
	v37 =	vld [tilespmem:s23+$0xF0];
	s23 =	sadd.s32 $0x200, s23  }
0x255: {  	v33 =	vadd.f32 v39, v33;
	v47 =	vld [tilespmem:s23+$0xFFFFFF70];
	v25 =	vadd.f32 v25, v28;
	v20 =	vmul.f32 v42, v20  }
0x256: {  	s25 =	sshra.s32 s24, $0x2;
	v48 =	vld [tilespmem:s23+$0xFFFFFFF0];
	v28 =	vadd.f32 v29, v32;
	v29 =	vadd.f32 v30, v35;
	v30 =	vmul.f32 v34, v22  }
0x257: {  	v32 =	vadd.f32 v36, v33;
	v38 =	vld [tilespmem:s25+$0x70];
	v20 =	vadd.f32 v20, v25;
	v22 =	vmul.f32 v40, v22  }
0x258: {  	v49 =	vld [tilespmem:s23+$0xFFFFFF60];
	v25 =	vadd.f32 v26, v28;
	v26 =	vadd.f32 v27, v29;
	v27 =	vmul.f32 v31, v21  }
0x259: {  	v28 =	vadd.f32 v30, v32;
	v29 =	vld [tilespmem:s23+$0xFFFFFFE0];
	v20 =	vadd.f32 v22, v20;
	v31 =	vmul.f32 v37, v21  }
0x25a: {  	v22 =	vld [tilespmem:s25+$0x60];
	v32 =	vadd.f32 v23, v25;
	v35 =	vadd.f32 v24, v26  }
0x25b: {  	v33 =	vadd.f32 v27, v28;
	v30 =	vld [tilespmem:s23+$0xFFFFFF50];
	v34 =	vadd.f32 v31, v20  }
0x25c: {  	v50 =	vld [tilespmem:s23+$0xFFFFFFD0];
	v21 =	vmov v38  }
0x25d: {  	v20 =	vld [tilespmem:s25+$0x50]  }
0x25e: {  	v36 =	vld [tilespmem:s23+$0xFFFFFF40]  }
0x25f: {  	v38 =	vld [tilespmem:s23+$0xFFFFFFC0]  }
0x260: {  	v25 =	vld [tilespmem:s25+$0x40]  }
0x261: {  	v39 =	vld [tilespmem:s23+$0xFFFFFF30]  }
0x262: {  	v40 =	vld [tilespmem:s23+$0xFFFFFFB0]  }
0x263: {  	v28 =	vld [tilespmem:s25+$0x30]  }
0x264: {  	v41 =	vld [tilespmem:s23+$0xFFFFFF20]  }
0x265: {  	v42 =	vld [tilespmem:s23+$0xFFFFFFA0]  }
0x266: {  	v31 =	vld [tilespmem:s25+$0x20]  }
0x267: {  	v43 =	vld [tilespmem:s23+$0xFFFFFF10]  }
0x268: {  	v44 =	vld [tilespmem:s23+$0xFFFFFF90]  }
.Ltmp6:
0x269: {  	v37 =	vld [tilespmem:s25+$0x10];
	(pc) =	sbr.rel @p0 .LBB2_14-.Ltmp6, $4  }
0x26a: {  	v45 =	vld [tilespmem:s23+$0xFFFFFF00]  }
0x26b: {  	v23 =	vmul.f32 v47, v21;
	v24 =	vmul.f32 v48, v21;
	v46 =	vld [tilespmem:s23+$0xFFFFFF80]  }
0x26c: {  	v26 =	vmul.f32 v49, v22;
	v27 =	vmul.f32 v29, v22;
	v47 =	vld [tilespmem:s23+$0x0]  }
0x26d: {  	s24 =	sadd.s32 $0x200, s24;
	v29 =	vmul.f32 v30, v20;
	v30 =	vmul.f32 v50, v20;
	v48 =	vld [tilespmem:s25+$0x0]  }
0x26e: {  	v49 =	vld [tilespmem:s23+$0x80]  }
0x26f: {  	v50 =	vld [tilespmem:s23+$0x10]  }
0x270: {  	v51 =	vld [tilespmem:s23+$0x90]  }
0x271: {  	v52 =	vld [tilespmem:s23+$0x20]  }
0x272: {  	v53 =	vld [tilespmem:s23+$0xA0]  }
0x273: {  	v36 =	vmul.f32 v36, v25;
	v54 =	vld [tilespmem:s23+$0x30]  }
0x274: {  	v38 =	vmul.f32 v38, v25;
	v39 =	vmul.f32 v39, v28;
	v55 =	vld [tilespmem:s23+$0xB0]  }
0x275: {  	v40 =	vmul.f32 v40, v28;
	v41 =	vmul.f32 v41, v31;
	v56 =	vld [tilespmem:s23+$0x40]  }
0x276: {  	v42 =	vmul.f32 v42, v31;
	v43 =	vmul.f32 v43, v37;
	v58 =	vld [tilespmem:s23+$0xC0]  }
0x277: {  	v44 =	vmul.f32 v44, v37;
	v60 =	vld [tilespmem:s23+$0x50];
	v45 =	vmul.f32 v45, v48  }
0x278: {  	v62 =	vld [tilespmem:s23+$0xD0];
	v46 =	vmul.f32 v46, v48;
	v47 =	vmul.f32 v47, v48  }
0x279: {  	v57 =	vmul.f32 v49, v48;
	v59 =	vmul.f32 v50, v37;
	v48 =	vld [tilespmem:s23+$0x60]  }
0x27a: {  	v61 =	vmul.f32 v51, v37;
	v50 =	vld [tilespmem:s23+$0xE0];
	v32 =	vadd.f32 v45, v32;
	v35 =	vadd.f32 v46, v35  }
0x27b: {  	v63 =	vmul.f32 v52, v31;
	v52 =	vld [tilespmem:s23+$0x70];
	v33 =	vadd.f32 v47, v33;
	v34 =	vadd.f32 v57, v34  }
0x27c: {  	v31 =	vmul.f32 v53, v31;
	v53 =	vld [tilespmem:s23+$0xF0];
	_ =	swait.ge [sflag:s20], $0x8000;
	v32 =	vadd.f32 v43, v32;
	v35 =	vadd.f32 v44, v35  }
0x27d: {  	v51 =	vmul.f32 v54, v28;
	[sflag:s20] =	ssyncset.done $0x0;
	v33 =	vadd.f32 v59, v33;
	v34 =	vadd.f32 v61, v34  }
0x27e: {  	v28 =	vmul.f32 v55, v28;
	s23 =	simm.s32 $0x0;
	[sflag:s20] =	ssyncadd.s32 $0xFFFF8000;
	v32 =	vadd.f32 v41, v32;
	v35 =	vadd.f32 v42, v35  }
0x27f: {  	v54 =	vmul.f32 v56, v25;
	v57 =	vld [tilespmem:s23+$0xA070];
	v33 =	vadd.f32 v63, v33;
	v31 =	vadd.f32 v31, v34  }
0x280: {  	v25 =	vmul.f32 v58, v25;
	v58 =	vld [tilespmem:s23+$0xA0F0];
	v32 =	vadd.f32 v39, v32;
	v35 =	vadd.f32 v40, v35  }
0x281: {  	v59 =	vld [tilespmem:s23+$0xA060];
	v33 =	vadd.f32 v51, v33;
	v28 =	vadd.f32 v28, v31  }
0x282: {  	v56 =	vmul.f32 v60, v20;
	v60 =	vld [tilespmem:s23+$0xA0E0];
	v31 =	vadd.f32 v36, v32;
	v55 =	vadd.f32 v38, v35  }
0x283: {  	v45 =	vld [tilespmem:s23+$0xA040];
	v33 =	vadd.f32 v54, v33;
	v25 =	vadd.f32 v25, v28;
	v28 =	vmul.f32 v62, v20  }
0x284: {  	v46 =	vld [tilespmem:s23+$0xA0C0];
	v29 =	vadd.f32 v29, v31;
	v30 =	vadd.f32 v30, v55;
	v31 =	vmul.f32 v48, v22  }
0x285: {  	v47 =	vld [tilespmem:s23+$0xA030];
	v33 =	vadd.f32 v56, v33;
	v22 =	vmul.f32 v50, v22;
	v25 =	vadd.f32 v28, v25  }
0x286: {  	s24 =	simm.s32 $0x40;
	v49 =	vld [tilespmem:s23+$0xA020];
	v26 =	vadd.f32 v26, v29;
	v28 =	vadd.f32 v27, v30;
	v29 =	vmul.f32 v52, v21  }
0x287: {  	v20 =	vld [tilespmem:s24+$0x30];
	v30 =	vadd.f32 v31, v33;
	v21 =	vmul.f32 v53, v21;
	v22 =	vadd.f32 v22, v25  }
0x288: {  	v43 =	vld [tilespmem:s24+$0xFFFFFFD0];
	v23 =	vadd.f32 v23, v26;
	v24 =	vadd.f32 v24, v28  }
0x289: {  	v61 =	vld [tilespmem:s23+$0xA050];
	v25 =	vadd.f32 v29, v30;
	v21 =	vadd.f32 v21, v22  }
0x28a: {  	v39 =	vld [tilespmem:s24+$0xFFFFFFE0];
	v22 =	vperm.xlane v23, v0;
	v26 =	vperm.xlane v24, v0  }
0x28b: {  	v27 =	vld [tilespmem:s24+$0x20];
	v28 =	vperm.xlane v25, v0;
	v29 =	vperm.xlane v21, v0  }
0x28c: {  	v51 =	vld [tilespmem:s23+$0xA0A0];
	v32 =	vmul.f32 v57, v20;
	v22 =	vadd.f32 v22, v23;
	v23 =	vadd.f32 v26, v24  }
0x28d: {  	v36 =	vld [tilespmem:s24+$0xFFFFFFF0];
	v33 =	vmul.f32 v58, v20;
	v24 =	vadd.f32 v28, v25;
	v21 =	vadd.f32 v29, v21  }
0x28e: {  	v54 =	vld [tilespmem:s23+$0xA000];
	v25 =	vperm.xlane v22, v1;
	v26 =	vperm.xlane v23, v1  }
0x28f: {  	v30 =	vld [tilespmem:s24+$0x10];
	v28 =	vperm.xlane v24, v1;
	v29 =	vperm.xlane v21, v1  }
0x290: {  	v62 =	vld [tilespmem:s23+$0xA0D0];
	v34 =	vmul.f32 v59, v27;
	v22 =	vadd.f32 v25, v22;
	v23 =	vadd.f32 v26, v23  }
0x291: {  	v48 =	vld [tilespmem:s23+$0xA0B0];
	v35 =	vmul.f32 v60, v27;
	v24 =	vadd.f32 v28, v24;
	v21 =	vadd.f32 v29, v21  }
0x292: {  	v44 =	vimm.f32 $0.0e+00;
	v50 =	vld [tilespmem:s24+$0xFFFFFFC0];
	v25 =	vperm.xlane v22, v2;
	v28 =	vperm.xlane v23, v2  }
0x293: {  	v41 =	vimm.f32 $0.0e+00;
	v31 =	vld [tilespmem:s24+$0x0];
	v29 =	vperm.xlane v24, v2;
	v63 =	vperm.xlane v21, v2  }
0x294: {  	v55 =	vld [tilespmem:s23+$0xA080];
	v37 =	vmul.f32 v61, v30;
	v26 =	vadd.f32 v25, v22;
	v25 =	vadd.f32 v28, v23  }
0x295: {  	v52 =	vld [tilespmem:s23+$0xA010];
	v38 =	vmul.f32 v62, v30;
	v22 =	vadd.f32 v29, v24;
	v21 =	vadd.f32 v63, v21  }
0x296: {  	v42 =	vimm.f32 $0.0e+00;
	v53 =	vld [tilespmem:s23+$0xA090];
	v29 =	vperm.xlane v26, v3;
	v28 =	vperm.xlane v25, v3  }
0x297: {  	s25 =	simm.s32 $0x800;
	v40 =	vimm.f32 $0.0e+00;
	v56 =	vld [tilespmem:s23+$0xA100];
	v24 =	vperm.xlane v22, v3;
	v23 =	vperm.xlane v21, v3  }
.LBB2_16:
0x298: {  	p0 =	sne.s32 s25, $0x1F800;
	v57 =	vld [tilespmem:s23+$0xA180];
	v45 =	vmul.f32 v45, v31;
	v46 =	vmul.f32 v46, v31  }
0x299: {  	v47 =	vmul.f32 v47, v36;
	v48 =	vmul.f32 v48, v36;
	v58 =	vld [tilespmem:s23+$0xA110]  }
0x29a: {  	v49 =	vmul.f32 v49, v39;
	v51 =	vmul.f32 v51, v39;
	v59 =	vld [tilespmem:s23+$0xA190]  }
0x29b: {  	v52 =	vmul.f32 v52, v43;
	v53 =	vmul.f32 v53, v43;
	v60 =	vld [tilespmem:s23+$0xA120]  }
0x29c: {  	v54 =	vmul.f32 v54, v50;
	v55 =	vmul.f32 v55, v50;
	v61 =	vld [tilespmem:s23+$0xA1A0]  }
0x29d: {  	v56 =	vmul.f32 v56, v50;
	v50 =	vmul.f32 v57, v50;
	v57 =	vld [tilespmem:s23+$0xA130]  }
0x29e: {  	v40 =	vadd.f32 v54, v40;
	v44 =	vadd.f32 v55, v44;
	v54 =	vmul.f32 v58, v43;
	v55 =	vld [tilespmem:s23+$0xA1B0]  }
0x29f: {  	v41 =	vadd.f32 v56, v41;
	v42 =	vadd.f32 v50, v42;
	v43 =	vmul.f32 v59, v43;
	v50 =	vld [tilespmem:s23+$0xA140]  }
0x2a0: {  	v40 =	vadd.f32 v52, v40;
	v44 =	vadd.f32 v53, v44;
	v52 =	vmul.f32 v60, v39;
	v53 =	vld [tilespmem:s23+$0xA1C0]  }
0x2a1: {  	v41 =	vadd.f32 v54, v41;
	v42 =	vadd.f32 v43, v42;
	v39 =	vmul.f32 v61, v39;
	v43 =	vld [tilespmem:s23+$0xA150]  }
0x2a2: {  	v40 =	vadd.f32 v49, v40;
	v44 =	vadd.f32 v51, v44;
	v49 =	vmul.f32 v57, v36;
	v51 =	vld [tilespmem:s23+$0xA1D0]  }
0x2a3: {  	v41 =	vadd.f32 v52, v41;
	v39 =	vadd.f32 v39, v42;
	v36 =	vmul.f32 v55, v36;
	v42 =	vld [tilespmem:s23+$0xA160]  }
0x2a4: {  	v40 =	vadd.f32 v47, v40;
	v44 =	vadd.f32 v48, v44;
	v47 =	vmul.f32 v50, v31;
	v48 =	vld [tilespmem:s23+$0xA1E0]  }
0x2a5: {  	v41 =	vadd.f32 v49, v41;
	v36 =	vadd.f32 v36, v39;
	v31 =	vmul.f32 v53, v31;
	v39 =	vld [tilespmem:s23+$0xA170]  }
0x2a6: {  	s24 =	sadd.s32 $0x80, s24;
	v40 =	vadd.f32 v45, v40;
	v44 =	vadd.f32 v46, v44;
	v43 =	vmul.f32 v43, v30;
	v45 =	vld [tilespmem:s23+$0xA1F0]  }
0x2a7: {  	s23 =	sshra.s32 s25, $0x2;
	v41 =	vadd.f32 v47, v41;
	v46 =	vld [tilespmem:s24+$0x30];
	v31 =	vadd.f32 v31, v36;
	v30 =	vmul.f32 v51, v30  }
0x2a8: {  	v36 =	vadd.f32 v37, v40;
	v37 =	vadd.f32 v38, v44;
	v55 =	vld [tilespmem:s23+$0xA070];
	v38 =	vmul.f32 v42, v27  }
0x2a9: {  	v40 =	vadd.f32 v43, v41;
	v56 =	vld [tilespmem:s23+$0xA0F0];
	v30 =	vadd.f32 v30, v31;
	v31 =	vmul.f32 v48, v27  }
0x2aa: {  	v34 =	vadd.f32 v34, v36;
	v35 =	vadd.f32 v35, v37;
	v27 =	vld [tilespmem:s24+$0x20];
	v36 =	vmul.f32 v39, v20  }
0x2ab: {  	v38 =	vadd.f32 v38, v40;
	v37 =	vld [tilespmem:s23+$0xA060];
	v31 =	vadd.f32 v31, v30;
	v39 =	vmul.f32 v45, v20  }
0x2ac: {  	v40 =	vadd.f32 v32, v34;
	v44 =	vadd.f32 v33, v35;
	v57 =	vld [tilespmem:s23+$0xA0E0];
	v20 =	vmov v46  }
0x2ad: {  	v41 =	vadd.f32 v36, v38;
	v30 =	vld [tilespmem:s24+$0x10];
	v42 =	vadd.f32 v39, v31  }
0x2ae: {  	v38 =	vld [tilespmem:s23+$0xA050]  }
0x2af: {  	v58 =	vld [tilespmem:s23+$0xA0D0]  }
0x2b0: {  	v31 =	vld [tilespmem:s24+$0x0]  }
0x2b1: {  	v45 =	vld [tilespmem:s23+$0xA040]  }
0x2b2: {  	v46 =	vld [tilespmem:s23+$0xA0C0]  }
0x2b3: {  	v36 =	vld [tilespmem:s24+$0xFFFFFFF0]  }
0x2b4: {  	v47 =	vld [tilespmem:s23+$0xA030]  }
0x2b5: {  	v48 =	vld [tilespmem:s23+$0xA0B0]  }
0x2b6: {  	v39 =	vld [tilespmem:s24+$0xFFFFFFE0]  }
0x2b7: {  	v49 =	vld [tilespmem:s23+$0xA020]  }
0x2b8: {  	v51 =	vld [tilespmem:s23+$0xA0A0]  }
0x2b9: {  	v43 =	vld [tilespmem:s24+$0xFFFFFFD0]  }
0x2ba: {  	v52 =	vld [tilespmem:s23+$0xA010]  }
.Ltmp7:
0x2bb: {  	v53 =	vld [tilespmem:s23+$0xA090];
	(pc) =	sbr.rel @p0 .LBB2_16-.Ltmp7, $4  }
0x2bc: {  	v50 =	vld [tilespmem:s24+$0xFFFFFFC0]  }
0x2bd: {  	v32 =	vmul.f32 v55, v20;
	v33 =	vmul.f32 v56, v20;
	v54 =	vld [tilespmem:s23+$0xA000]  }
0x2be: {  	v34 =	vmul.f32 v37, v27;
	v35 =	vmul.f32 v57, v27;
	v55 =	vld [tilespmem:s23+$0xA080]  }
0x2bf: {  	s25 =	sadd.s32 $0x800, s25;
	v37 =	vmul.f32 v38, v30;
	v38 =	vmul.f32 v58, v30;
	v56 =	vld [tilespmem:s23+$0xA100]  }
0x2c0: {  	v45 =	vmul.f32 v45, v31;
	v46 =	vmul.f32 v46, v31  }
0x2c1: {  	v47 =	vmul.f32 v47, v36;
	v48 =	vmul.f32 v48, v36  }
0x2c2: {  	v57 =	vld [tilespmem:s23+$0xA180];
	v49 =	vmul.f32 v49, v39;
	v51 =	vmul.f32 v51, v39  }
0x2c3: {  	v58 =	vld [tilespmem:s23+$0xA110];
	v52 =	vmul.f32 v52, v43;
	v5 =	vadd.f32 v9, v5;
	v6 =	vadd.f32 v10, v6  }
0x2c4: {  	v59 =	vld [tilespmem:s23+$0xA190];
	v53 =	vmul.f32 v53, v43;
	v7 =	vadd.f32 v11, v7;
	v54 =	vmul.f32 v54, v50  }
0x2c5: {  	v60 =	vld [tilespmem:s23+$0xA120];
	v4 =	vadd.f32 v8, v4;
	v5 =	vsel vm3, v5, v6;
	v55 =	vmul.f32 v55, v50  }
0x2c6: {  	v61 =	vld [tilespmem:s23+$0xA1A0];
	v5 =	vsel vm4, v5, v7;
	v56 =	vmul.f32 v56, v50;
	v40 =	vadd.f32 v54, v40  }
0x2c7: {  	v4 =	vsel vm5, v5, v4;
	v63 =	vmul.f32 v57, v50;
	v57 =	vld [tilespmem:s23+$0xA130];
	v44 =	vadd.f32 v55, v44  }
0x2c8: {  	v58 =	vmul.f32 v58, v43;
	v55 =	vld [tilespmem:s23+$0xA1B0];
	v41 =	vadd.f32 v56, v41;
	v40 =	vadd.f32 v52, v40  }
0x2c9: {  	v62 =	vld [tilespmem:s23+$0xA140];
	v59 =	vmul.f32 v59, v43;
	v42 =	vadd.f32 v63, v42;
	v44 =	vadd.f32 v53, v44  }
0x2ca: {  	v63 =	vmul.f32 v60, v39;
	v53 =	vld [tilespmem:s23+$0xA1C0];
	v41 =	vadd.f32 v58, v41;
	v40 =	vadd.f32 v49, v40  }
0x2cb: {  	v54 =	vmul.f32 v61, v39;
	v56 =	vld [tilespmem:s23+$0xA150];
	v42 =	vadd.f32 v59, v42;
	v44 =	vadd.f32 v51, v44  }
0x2cc: {  	v59 =	vld [tilespmem:s23+$0xA1D0];
	v58 =	vmul.f32 v57, v36;
	v41 =	vadd.f32 v63, v41;
	v40 =	vadd.f32 v47, v40  }
0x2cd: {  	v61 =	vld [tilespmem:s23+$0xA160];
	v60 =	vmul.f32 v55, v36;
	v39 =	vadd.f32 v54, v42;
	v44 =	vadd.f32 v48, v44  }
0x2ce: {  	v62 =	vmul.f32 v62, v31;
	v63 =	vld [tilespmem:s23+$0xA1E0];
	v41 =	vadd.f32 v58, v41;
	v52 =	vadd.f32 v45, v40  }
0x2cf: {  	v54 =	vld [tilespmem:s23+$0xA170];
	v50 =	vmul.f32 v53, v31;
	v36 =	vadd.f32 v60, v39;
	v53 =	vadd.f32 v46, v44  }
0x2d0: {  	v43 =	vmul.f32 v56, v30;
	v56 =	vld [tilespmem:s23+$0xA1F0];
	v41 =	vadd.f32 v62, v41;
	v37 =	vadd.f32 v37, v52  }
0x2d1: {  	v55 =	vmul.f32 v59, v30;
	v31 =	vadd.f32 v50, v36;
	v38 =	vadd.f32 v38, v53  }
0x2d2: {  	v57 =	vmul.f32 v61, v27;
	v58 =	vadd.f32 v43, v41;
	v60 =	vadd.f32 v34, v37  }
0x2d3: {  	v59 =	vmul.f32 v63, v27;
	v30 =	vadd.f32 v55, v31;
	v61 =	vadd.f32 v35, v38  }
0x2d4: {  	v63 =	vmul.f32 v54, v20;
	v62 =	vadd.f32 v57, v58;
	v31 =	vadd.f32 v32, v60  }
0x2d5: {  	v38 =	vmul.f32 v56, v20;
	v27 =	vadd.f32 v59, v30;
	v37 =	vadd.f32 v33, v61  }
0x2d6: {  	v41 =	vadd.f32 v19, v17;
	v39 =	vadd.f32 v63, v62;
	v42 =	vperm.xlane v31, v0  }
0x2d7: {  	v5 =	vadd.f32 v18, v15;
	v40 =	vadd.f32 v38, v27;
	v43 =	vperm.xlane v37, v0  }
0x2d8: {  	v4 =	vsel vm6, v4, v41;
	v44 =	vadd.f32 v42, v31;
	v45 =	vperm.xlane v39, v0  }
0x2d9: {  	v4 =	vsel vm7, v4, v5;
	v5 =	vadd.f32 v43, v37;
	v46 =	vperm.xlane v40, v0  }
0x2da: {  	v49 =	vadd.f32 v14, v12;
	v48 =	vperm.xlane v44, v1;
	v7 =	vadd.f32 v45, v39  }
0x2db: {  	v47 =	vadd.f32 v16, v13;
	v50 =	vperm.xlane v5, v1;
	v8 =	vadd.f32 v46, v40  }
0x2dc: {  	v53 =	vadd.f32 v29, v26;
	v6 =	vadd.f32 v48, v44;
	v51 =	vperm.xlane v7, v1  }
0x2dd: {  	v55 =	vadd.f32 v28, v25;
	v5 =	vadd.f32 v50, v5;
	v52 =	vperm.xlane v8, v1  }
0x2de: {  	v60 =	vadd.f32 v23, v21;
	v54 =	vperm.xlane v6, v2;
	v7 =	vadd.f32 v51, v7  }
0x2df: {  	v59 =	vadd.f32 v24, v22;
	v56 =	vperm.xlane v5, v2;
	v8 =	vadd.f32 v52, v8  }
0x2e0: {  	v4 =	vsel vm0, v4, v47;
	v6 =	vadd.f32 v54, v6;
	v57 =	vperm.xlane v7, v2  }
0x2e1: {  	v4 =	vsel vm2, v4, v49;
	v5 =	vadd.f32 v56, v5;
	v58 =	vperm.xlane v8, v2  }
0x2e2: {  	v4 =	vsel vm1, v4, v53;
	v12 =	vperm.xlane v6, v3;
	v7 =	vadd.f32 v57, v7  }
0x2e3: {  	v4 =	vsel vm8, v4, v55;
	v13 =	vperm.xlane v5, v3;
	v8 =	vadd.f32 v58, v8  }
0x2e4: {  	v4 =	vsel vm9, v4, v59;
	v6 =	vadd.f32 v12, v6;
	v61 =	vperm.xlane v7, v3  }
0x2e5: {  	v4 =	vsel vm10, v4, v60;
	v5 =	vadd.f32 v13, v5;
	v62 =	vperm.xlane v8, v3  }
0x2e6: {  	v4 =	vsel vm11, v4, v6;
	v63 =	vadd.f32 v61, v7  }
0x2e7: {  	v4 =	vsel vm12, v4, v5;
	v5 =	vadd.f32 v62, v8  }
0x2e8: {  	v4 =	vsel vm13, v4, v63  }
0x2e9: {  	s22 =	sadd.s32 $0x1, s22;
	v4 =	vsel vm14, v4, v5  }
0x2ea: {  	p0 =	sne.s32 s22, s13;
	v4 =	vmax.f32 v4, $9.999999970e-07  }
.Ltmp8:
0x2eb: {  	[tilespmem:$0x12010] =	vst v4;
	(pc) =	sbr.rel @p0 .LBB2_1-.Ltmp8, $4  }
0x2ec: {  	[hbm4b:s12+s2] =	stream.linear.scatter [tilespmem:s21], [sflag:$0x3], $0x20, $0x38;
	[tilespmem:$0x12080] =	vst v63  }
0x2ed: {  	_ =	swait.ge [sflag:s14], $0x20  }
0x2ee: {  	[sflag:s14] =	ssyncset.done $0x0  }
0x2ef: {  	[sflag:s14] =	ssyncadd.s32 $0xFFFFFFE0  }
0x2f0: {  	_ =	sfence.sel $0x180000  }
0x2f1: {  	[bflag:$0x0] =	sbarrier.arrive $0xFFFF  }
0x2f2: {  	p0 =	sne.s32 s1, $0x0;
	_ =	strace $0x90000047  }
0x2f3: {  	s0 =	sadd.s32 @!p0 $0x100000, s0;
	[bflag:$0x2] =	sbarrier.arrive $0xFFFF  }
0x2f4: {  	[sflag:s0] =	ssyncadd.tile.s32 @!p0 $0x1;
	_ =	shalt  }
.Lfunc_end2:
_tile_overlayer_lowered:
.L_overlay_start_2:
0x2f5: {  	(tag) =	ssettag $0x2  }
0x2f6: {  	s0 =	rddreg [dreg:$0x0];
	s2 =	stileid.u32  }
0x2f7: {  	s1 =	rddreg [dreg:$0x1];
	p0 =	sne.s32 s2, $0x0  }
0x2f8: {  	s3 =	rddreg [dreg:$0x2];
	[bflag:$0x3] =	sbarrier.arrive $0xFFFF;
	s2 =	simm.s32 @!p0 $0x1C03  }
0x2f9: {  	[timem:s3], [sflag:s2] =	dma.local @!p0 [hbm:s0], s1  }
0x2fa: {  	s0 =	simm.s32 @!p0 $0x3  }
0x2fb: {  	_ =	swait.ge @!p0 [sflag:s0], s1  }
0x2fc: {  	s1 =	ssub.s32 @!p0 $0x0, s1;
	[sflag:s0] =	ssyncset.done @!p0 $0x0  }
0x2fd: {  	[sflag:s0] =	ssyncadd.s32 @!p0 s1  }
0x2fe: {  	[bflag:$0x3] =	sbarrier.arrive $0xFFFF  }
0x2ff: {  	_ =	shalt  }

</sc_bundles>
